<compile_context>
chip_gen: v7x
topology: tpu7x:2x2x1
jax: 0.10.2.dev20260603
libtpu: 0.0.44.dev20260713+nightly
codegen_flags: <defaults>
</compile_context>

<pallas_src>
import functools

import jax
import jax.numpy as jnp
from jax import lax
from jax.experimental import pallas as pl
from jax.experimental.pallas import tpu as pltpu
from jax.experimental.pallas import tpu_sc as plsc

_D = 64
_S = 4
_NW = 32


def _gather_rows(x, table):
    b, l = x.shape
    seqs_per_w = b // _NW
    rounds = seqs_per_w // _S
    assert seqs_per_w % _S == 0 and rounds % 2 == 0 and rounds >= 4

    mesh = plsc.VectorSubcoreMesh(core_axis_name="c", subcore_axis_name="s")

    @functools.partial(
        pl.kernel,
        mesh=mesh,
        out_type=jax.ShapeDtypeStruct((b, l, _D), jnp.float32),
        scratch_types=[
            pltpu.VMEM((seqs_per_w, l), jnp.int32),
            pltpu.VMEM((_S, l, _D), jnp.float32),
            pltpu.VMEM((_S, l, _D), jnp.float32),
            pltpu.SemaphoreType.DMA,
            pltpu.SemaphoreType.DMA,
            pltpu.SemaphoreType.DMA,
            pltpu.SemaphoreType.DMA,
        ],
        compiler_params=pltpu.CompilerParams(use_tc_tiling_on_sc=False),
    )
    def body(idx_hbm, table_hbm, out_hbm, idx_v, rows0, rows1,
             gsem0, gsem1, ssem0, ssem1):
        wid = lax.axis_index("s") * 2 + lax.axis_index("c")
        seq_base = wid * seqs_per_w
        pltpu.sync_copy(idx_hbm.at[pl.ds(seq_base, seqs_per_w)], idx_v)

        def fire_gathers(r, grp, gsem):
            for s in range(_S):
                pltpu.async_copy(table_hbm.at[idx_v.at[r * _S + s]],
                                 grp.at[s], gsem)

        def wait_gathers(r, grp, gsem):
            for s in range(_S):
                pltpu.make_async_copy(table_hbm.at[idx_v.at[r * _S + s]],
                                      grp.at[s], gsem).wait()

        def fire_scatter(r, grp, ssem):
            pltpu.async_copy(grp, out_hbm.at[pl.ds(seq_base + r * _S, _S)],
                             ssem)

        def wait_scatter(r, grp, ssem):
            pltpu.make_async_copy(grp,
                                  out_hbm.at[pl.ds(seq_base + r * _S, _S)],
                                  ssem).wait()

        fire_gathers(0, rows0, gsem0)
        fire_gathers(1, rows1, gsem1)
        wait_gathers(0, rows0, gsem0)
        fire_scatter(0, rows0, ssem0)

        @pl.loop(0, (rounds - 2) // 2)
        def _steady(i):
            r = 1 + 2 * i
            wait_scatter(r - 1, rows0, ssem0)
            fire_gathers(r + 1, rows0, gsem0)
            wait_gathers(r, rows1, gsem1)
            fire_scatter(r, rows1, ssem1)
            wait_scatter(r, rows1, ssem1)
            fire_gathers(r + 2, rows1, gsem1)
            wait_gathers(r + 1, rows0, gsem0)
            fire_scatter(r + 1, rows0, ssem0)

        r_last = rounds - 1
        wait_scatter(r_last - 1, rows0, ssem0)
        wait_gathers(r_last, rows1, gsem1)
        fire_scatter(r_last, rows1, ssem1)
        wait_scatter(r_last, rows1, ssem1)

    return body(x, table)


_BB = 128


def _xpose_block(i_ref, o_ref):
    l, d, bb = o_ref.shape
    iv = i_ref[...].reshape(bb, l // 2, 2 * d)
    for g in range(l // 2):
        a = iv[:, g, :]
        o_ref[2 * g] = a[:, :_D].T
        o_ref[2 * g + 1] = a[:, _D:].T


def _xpose_lower(packed, b, lh, l):
    return pl.pallas_call(
        _xpose_block,
        grid=(b // _BB,),
        in_specs=[pl.BlockSpec((_BB * lh // 2, 2 * _D), lambda j: (j, 0))],
        out_specs=pl.BlockSpec((lh, _D, _BB), lambda j: (0, 0, j)),
        out_shape=jax.ShapeDtypeStruct((l, _D, b), jnp.float32),
    )(packed)


def _xpose_upper(buf, packed, b, lh):
    l = buf.shape[0]
    return pl.pallas_call(
        lambda buf_ref, i_ref, o_ref: _xpose_block(i_ref, o_ref),
        grid=(b // _BB,),
        in_specs=[
            pl.BlockSpec(memory_space=pltpu.MemorySpace.HBM),
            pl.BlockSpec((_BB * lh // 2, 2 * _D), lambda j: (j, 0)),
        ],
        out_specs=pl.BlockSpec((lh, _D, _BB), lambda j: (1, 0, j)),
        out_shape=jax.ShapeDtypeStruct((l, _D, b), jnp.float32),
        input_output_aliases={0: 0},
    )(buf, packed)


def kernel(x, pe):
    b, l = x.shape
    lh = l // 2
    ga = _gather_rows(x[:, :lh], pe)
    gb = _gather_rows(x[:, lh:], pe)
    pa = ga.reshape(b * lh // 2, 2 * _D)
    pb = gb.reshape(b * lh // 2, 2 * _D)
    buf = _xpose_lower(pa, b, lh, l)
    buf = _xpose_upper(buf, pb, b, lh)
    return buf.transpose(2, 0, 1)

# --- scband reference (transcript-rebuilt; emitter-appended) ---
"""Pipeline reference for scband-return-positional-encoding-11158325035484 (READ-ONLY COPY).

The authoritative reference and input builder live on the scoring server;
editing this copy changes nothing except your own understanding.
"""

import jax, jax.numpy as jnp
import numpy as np
import math

D_MODEL = 64
MAX_LEN = 100000
OFFSET_START = 0
B = 4096
L = 200


def _build_pe():
    position = np.arange(OFFSET_START, OFFSET_START + MAX_LEN, dtype=np.float64)[:, None]
    div_term = np.exp(np.arange(0, D_MODEL, 2, dtype=np.float64) * -(math.log(10000.0) / D_MODEL))
    pe = np.zeros((MAX_LEN, D_MODEL), dtype=np.float32)
    pe[:, 0::2] = np.sin(position * div_term).astype(np.float32)
    pe[:, 1::2] = np.cos(position * div_term).astype(np.float32)
    return jnp.asarray(pe)


def setup_inputs(seed: int = 0) -> dict:
    key = jax.random.key(seed)
    x = jax.random.randint(key, (B, L), 0, MAX_LEN, dtype=jnp.int32)
    pe = _build_pe()
    return {"x": x, "pe": pe}


def reference(x, pe):
    # x = self.pe[x]  -> gather rows of the positional-encoding table
    out = jnp.take(pe, x, axis=0)
    # dropout with p=0.0 (eval/identity)
    return out

if __name__ == "__main__":
    import jax
    _d = setup_inputs()
    print(jax.jit(kernel)(*tuple(_d.values())))

</pallas_src>

<mosaic_0001>
#map = affine_map<(d0, d1) -> (0, 0)>
#map1 = affine_map<(d0, d1) -> (0, 0, 0)>
module attributes {stable_mosaic.version = 14 : i64} {
  func.func @body(%arg0: i32, %arg1: i32, %arg2: memref<4096x100xi32, #tpu.memory_space<hbm>>, %arg3: memref<100000x64xf32, #tpu.memory_space<hbm>>, %arg4: memref<4096x100x64xf32, #tpu.memory_space<hbm>>, %arg5: memref<128x100xi32, #tpu.memory_space<vmem>>, %arg6: memref<4x100x64xf32, #tpu.memory_space<vmem>>, %arg7: memref<4x100x64xf32, #tpu.memory_space<vmem>>, %arg8: memref<!tpu.dma_semaphore, #tpu.memory_space<semaphore_mem>>, %arg9: memref<!tpu.dma_semaphore, #tpu.memory_space<semaphore_mem>>, %arg10: memref<!tpu.dma_semaphore, #tpu.memory_space<semaphore_mem>>, %arg11: memref<!tpu.dma_semaphore, #tpu.memory_space<semaphore_mem>>) attributes {dimension_semantics = [#tpu.dimension_semantics<core_parallel>, #tpu.dimension_semantics<subcore_parallel>], iteration_bounds = array<i64: 2, 16>, scalar_prefetch = 0 : i64, scratch_operands = 7 : i64, tpu.core_type = #tpu.core_type<sc_vector_subcore>, window_params = [{transform_indices = #map}, {transform_indices = #map}, {transform_indices = #map1}]} {
    %mul3A = arith.constant 2 : i32
    %mul3A_0 = arith.muli %arg1, %mul3A : i32
    %add3A = arith.addi %mul3A_0, %arg0 : i32
    %mul3A_1 = arith.constant 128 : i32
    %mul3A_2 = arith.muli %add3A, %mul3A_1 : i32
    "tpu.region"() ({
      %run_scoped3A = tpu.sem_alloc : memref<!tpu.dma_semaphore, #tpu.memory_space<semaphore_mem>>
      %dma_start3A_229 = arith.constant 0 : i32
      %dma_start3A_230 = tpu.memref_slice %arg2[%mul3A_2, %dma_start3A_229] : memref<4096x100xi32, #tpu.memory_space<hbm>> -> memref<128x100xi32, #tpu.memory_space<hbm>>
      %dma_start3A_231 = arith.constant 0 : i32
      %dma_start3A_232 = tpu.memref_slice %arg2[%mul3A_2, %dma_start3A_231] : memref<4096x100xi32, #tpu.memory_space<hbm>> -> memref<128x100xi32, #tpu.memory_space<hbm>>
      tpu.enqueue_dma source(%dma_start3A_232 : memref<128x100xi32, #tpu.memory_space<hbm>>) target(%arg5 : memref<128x100xi32, #tpu.memory_space<vmem>>) target_semaphore(%run_scoped3A : memref<!tpu.dma_semaphore, #tpu.memory_space<semaphore_mem>>)
      %dma_wait3A_233 = arith.constant 0 : i32
      %dma_wait3A_234 = tpu.memref_slice %arg2[%mul3A_2, %dma_wait3A_233] : memref<4096x100xi32, #tpu.memory_space<hbm>> -> memref<128x100xi32, #tpu.memory_space<hbm>>
      %dma_wait3A_235 = arith.constant 0 : i32
      %dma_wait3A_236 = tpu.memref_slice %arg2[%mul3A_2, %dma_wait3A_235] : memref<4096x100xi32, #tpu.memory_space<hbm>> -> memref<128x100xi32, #tpu.memory_space<hbm>>
      tpu.wait_dma2 semaphore(%run_scoped3A : memref<!tpu.dma_semaphore, #tpu.memory_space<semaphore_mem>>) src(%dma_wait3A_236 : memref<128x100xi32, #tpu.memory_space<hbm>>) dst(%arg5 : memref<128x100xi32, #tpu.memory_space<vmem>>)
      tpu.yield
    }) : () -> ()
    %dma_start3A = arith.constant 0 : i32
    %dma_start3A_3 = arith.constant 0 : i32
    %dma_start3A_4 = arith.constant 0 : i32
    %dma_start3A_5 = arith.constant 0 : i32
    %dma_start3A_6 = tpu.memref_slice %arg6[%dma_start3A_3, %dma_start3A_4, %dma_start3A_5] : memref<4x100x64xf32, #tpu.memory_space<vmem>> -> memref<1x100x64xf32, #tpu.memory_space<vmem>>
    %dma_start3A_7 = tpu.memref_squeeze %dma_start3A_6 : memref<1x100x64xf32, #tpu.memory_space<vmem>> -> memref<100x64xf32, #tpu.memory_space<vmem>>
    %dma_start3A_8 = arith.constant 0 : i32
    %dma_start3A_9 = tpu.memref_slice %arg5[%dma_start3A, %dma_start3A_8] : memref<128x100xi32, #tpu.memory_space<vmem>> -> memref<1x100xi32, #tpu.memory_space<vmem>>
    %dma_start3A_10 = tpu.memref_squeeze %dma_start3A_9 : memref<1x100xi32, #tpu.memory_space<vmem>> -> memref<100xi32, #tpu.memory_space<vmem>>
    %dma_start3A_11 = arith.constant 0 : i32
    %dma_start3A_12 = arith.constant 0 : i32
    %dma_start3A_13 = tpu.memref_slice %arg3[%dma_start3A_11, %dma_start3A_12] : memref<100000x64xf32, #tpu.memory_space<hbm>> -> memref<100000x64xf32, #tpu.memory_space<hbm>>
    tpu.enqueue_indirect_dma source(%dma_start3A_13 : memref<100000x64xf32, #tpu.memory_space<hbm>>) target(%dma_start3A_7 : memref<100x64xf32, #tpu.memory_space<vmem>>) offsets(%dma_start3A_10 : memref<100xi32, #tpu.memory_space<vmem>>) semaphore(%arg8 : memref<!tpu.dma_semaphore, #tpu.memory_space<semaphore_mem>>)
    %dma_start3A_14 = arith.constant 1 : i32
    %dma_start3A_15 = arith.constant 1 : i32
    %dma_start3A_16 = arith.constant 0 : i32
    %dma_start3A_17 = arith.constant 0 : i32
    %dma_start3A_18 = tpu.memref_slice %arg6[%dma_start3A_15, %dma_start3A_16, %dma_start3A_17] : memref<4x100x64xf32, #tpu.memory_space<vmem>> -> memref<1x100x64xf32, #tpu.memory_space<vmem>>
    %dma_start3A_19 = tpu.memref_squeeze %dma_start3A_18 : memref<1x100x64xf32, #tpu.memory_space<vmem>> -> memref<100x64xf32, #tpu.memory_space<vmem>>
    %dma_start3A_20 = arith.constant 0 : i32
    %dma_start3A_21 = tpu.memref_slice %arg5[%dma_start3A_14, %dma_start3A_20] : memref<128x100xi32, #tpu.memory_space<vmem>> -> memref<1x100xi32, #tpu.memory_space<vmem>>
    %dma_start3A_22 = tpu.memref_squeeze %dma_start3A_21 : memref<1x100xi32, #tpu.memory_space<vmem>> -> memref<100xi32, #tpu.memory_space<vmem>>
    %dma_start3A_23 = arith.constant 0 : i32
    %dma_start3A_24 = arith.constant 0 : i32
    %dma_start3A_25 = tpu.memref_slice %arg3[%dma_start3A_23, %dma_start3A_24] : memref<100000x64xf32, #tpu.memory_space<hbm>> -> memref<100000x64xf32, #tpu.memory_space<hbm>>
    tpu.enqueue_indirect_dma source(%dma_start3A_25 : memref<100000x64xf32, #tpu.memory_space<hbm>>) target(%dma_start3A_19 : memref<100x64xf32, #tpu.memory_space<vmem>>) offsets(%dma_start3A_22 : memref<100xi32, #tpu.memory_space<vmem>>) semaphore(%arg8 : memref<!tpu.dma_semaphore, #tpu.memory_space<semaphore_mem>>)
    %dma_start3A_26 = arith.constant 2 : i32
    %dma_start3A_27 = arith.constant 2 : i32
    %dma_start3A_28 = arith.constant 0 : i32
    %dma_start3A_29 = arith.constant 0 : i32
    %dma_start3A_30 = tpu.memref_slice %arg6[%dma_start3A_27, %dma_start3A_28, %dma_start3A_29] : memref<4x100x64xf32, #tpu.memory_space<vmem>> -> memref<1x100x64xf32, #tpu.memory_space<vmem>>
    %dma_start3A_31 = tpu.memref_squeeze %dma_start3A_30 : memref<1x100x64xf32, #tpu.memory_space<vmem>> -> memref<100x64xf32, #tpu.memory_space<vmem>>
    %dma_start3A_32 = arith.constant 0 : i32
    %dma_start3A_33 = tpu.memref_slice %arg5[%dma_start3A_26, %dma_start3A_32] : memref<128x100xi32, #tpu.memory_space<vmem>> -> memref<1x100xi32, #tpu.memory_space<vmem>>
    %dma_start3A_34 = tpu.memref_squeeze %dma_start3A_33 : memref<1x100xi32, #tpu.memory_space<vmem>> -> memref<100xi32, #tpu.memory_space<vmem>>
    %dma_start3A_35 = arith.constant 0 : i32
    %dma_start3A_36 = arith.constant 0 : i32
    %dma_start3A_37 = tpu.memref_slice %arg3[%dma_start3A_35, %dma_start3A_36] : memref<100000x64xf32, #tpu.memory_space<hbm>> -> memref<100000x64xf32, #tpu.memory_space<hbm>>
    tpu.enqueue_indirect_dma source(%dma_start3A_37 : memref<100000x64xf32, #tpu.memory_space<hbm>>) target(%dma_start3A_31 : memref<100x64xf32, #tpu.memory_space<vmem>>) offsets(%dma_start3A_34 : memref<100xi32, #tpu.memory_space<vmem>>) semaphore(%arg8 : memref<!tpu.dma_semaphore, #tpu.memory_space<semaphore_mem>>)
    %dma_start3A_38 = arith.constant 3 : i32
    %dma_start3A_39 = arith.constant 3 : i32
    %dma_start3A_40 = arith.constant 0 : i32
    %dma_start3A_41 = arith.constant 0 : i32
    %dma_start3A_42 = tpu.memref_slice %arg6[%dma_start3A_39, %dma_start3A_40, %dma_start3A_41] : memref<4x100x64xf32, #tpu.memory_space<vmem>> -> memref<1x100x64xf32, #tpu.memory_space<vmem>>
    %dma_start3A_43 = tpu.memref_squeeze %dma_start3A_42 : memref<1x100x64xf32, #tpu.memory_space<vmem>> -> memref<100x64xf32, #tpu.memory_space<vmem>>
    %dma_start3A_44 = arith.constant 0 : i32
    %dma_start3A_45 = tpu.memref_slice %arg5[%dma_start3A_38, %dma_start3A_44] : memref<128x100xi32, #tpu.memory_space<vmem>> -> memref<1x100xi32, #tpu.memory_space<vmem>>
    %dma_start3A_46 = tpu.memref_squeeze %dma_start3A_45 : memref<1x100xi32, #tpu.memory_space<vmem>> -> memref<100xi32, #tpu.memory_space<vmem>>
    %dma_start3A_47 = arith.constant 0 : i32
    %dma_start3A_48 = arith.constant 0 : i32
    %dma_start3A_49 = tpu.memref_slice %arg3[%dma_start3A_47, %dma_start3A_48] : memref<100000x64xf32, #tpu.memory_space<hbm>> -> memref<100000x64xf32, #tpu.memory_space<hbm>>
    tpu.enqueue_indirect_dma source(%dma_start3A_49 : memref<100000x64xf32, #tpu.memory_space<hbm>>) target(%dma_start3A_43 : memref<100x64xf32, #tpu.memory_space<vmem>>) offsets(%dma_start3A_46 : memref<100xi32, #tpu.memory_space<vmem>>) semaphore(%arg8 : memref<!tpu.dma_semaphore, #tpu.memory_space<semaphore_mem>>)
    %dma_start3A_50 = arith.constant 4 : i32
    %dma_start3A_51 = arith.constant 0 : i32
    %dma_start3A_52 = arith.constant 0 : i32
    %dma_start3A_53 = arith.constant 0 : i32
    %dma_start3A_54 = tpu.memref_slice %arg7[%dma_start3A_51, %dma_start3A_52, %dma_start3A_53] : memref<4x100x64xf32, #tpu.memory_space<vmem>> -> memref<1x100x64xf32, #tpu.memory_space<vmem>>
    %dma_start3A_55 = tpu.memref_squeeze %dma_start3A_54 : memref<1x100x64xf32, #tpu.memory_space<vmem>> -> memref<100x64xf32, #tpu.memory_space<vmem>>
    %dma_start3A_56 = arith.constant 0 : i32
    %dma_start3A_57 = tpu.memref_slice %arg5[%dma_start3A_50, %dma_start3A_56] : memref<128x100xi32, #tpu.memory_space<vmem>> -> memref<1x100xi32, #tpu.memory_space<vmem>>
    %dma_start3A_58 = tpu.memref_squeeze %dma_start3A_57 : memref<1x100xi32, #tpu.memory_space<vmem>> -> memref<100xi32, #tpu.memory_space<vmem>>
    %dma_start3A_59 = arith.constant 0 : i32
    %dma_start3A_60 = arith.constant 0 : i32
    %dma_start3A_61 = tpu.memref_slice %arg3[%dma_start3A_59, %dma_start3A_60] : memref<100000x64xf32, #tpu.memory_space<hbm>> -> memref<100000x64xf32, #tpu.memory_space<hbm>>
    tpu.enqueue_indirect_dma source(%dma_start3A_61 : memref<100000x64xf32, #tpu.memory_space<hbm>>) target(%dma_start3A_55 : memref<100x64xf32, #tpu.memory_space<vmem>>) offsets(%dma_start3A_58 : memref<100xi32, #tpu.memory_space<vmem>>) semaphore(%arg9 : memref<!tpu.dma_semaphore, #tpu.memory_space<semaphore_mem>>)
    %dma_start3A_62 = arith.constant 5 : i32
    %dma_start3A_63 = arith.constant 1 : i32
    %dma_start3A_64 = arith.constant 0 : i32
    %dma_start3A_65 = arith.constant 0 : i32
    %dma_start3A_66 = tpu.memref_slice %arg7[%dma_start3A_63, %dma_start3A_64, %dma_start3A_65] : memref<4x100x64xf32, #tpu.memory_space<vmem>> -> memref<1x100x64xf32, #tpu.memory_space<vmem>>
    %dma_start3A_67 = tpu.memref_squeeze %dma_start3A_66 : memref<1x100x64xf32, #tpu.memory_space<vmem>> -> memref<100x64xf32, #tpu.memory_space<vmem>>
    %dma_start3A_68 = arith.constant 0 : i32
    %dma_start3A_69 = tpu.memref_slice %arg5[%dma_start3A_62, %dma_start3A_68] : memref<128x100xi32, #tpu.memory_space<vmem>> -> memref<1x100xi32, #tpu.memory_space<vmem>>
    %dma_start3A_70 = tpu.memref_squeeze %dma_start3A_69 : memref<1x100xi32, #tpu.memory_space<vmem>> -> memref<100xi32, #tpu.memory_space<vmem>>
    %dma_start3A_71 = arith.constant 0 : i32
    %dma_start3A_72 = arith.constant 0 : i32
    %dma_start3A_73 = tpu.memref_slice %arg3[%dma_start3A_71, %dma_start3A_72] : memref<100000x64xf32, #tpu.memory_space<hbm>> -> memref<100000x64xf32, #tpu.memory_space<hbm>>
    tpu.enqueue_indirect_dma source(%dma_start3A_73 : memref<100000x64xf32, #tpu.memory_space<hbm>>) target(%dma_start3A_67 : memref<100x64xf32, #tpu.memory_space<vmem>>) offsets(%dma_start3A_70 : memref<100xi32, #tpu.memory_space<vmem>>) semaphore(%arg9 : memref<!tpu.dma_semaphore, #tpu.memory_space<semaphore_mem>>)
    %dma_start3A_74 = arith.constant 6 : i32
    %dma_start3A_75 = arith.constant 2 : i32
    %dma_start3A_76 = arith.constant 0 : i32
    %dma_start3A_77 = arith.constant 0 : i32
    %dma_start3A_78 = tpu.memref_slice %arg7[%dma_start3A_75, %dma_start3A_76, %dma_start3A_77] : memref<4x100x64xf32, #tpu.memory_space<vmem>> -> memref<1x100x64xf32, #tpu.memory_space<vmem>>
    %dma_start3A_79 = tpu.memref_squeeze %dma_start3A_78 : memref<1x100x64xf32, #tpu.memory_space<vmem>> -> memref<100x64xf32, #tpu.memory_space<vmem>>
    %dma_start3A_80 = arith.constant 0 : i32
    %dma_start3A_81 = tpu.memref_slice %arg5[%dma_start3A_74, %dma_start3A_80] : memref<128x100xi32, #tpu.memory_space<vmem>> -> memref<1x100xi32, #tpu.memory_space<vmem>>
    %dma_start3A_82 = tpu.memref_squeeze %dma_start3A_81 : memref<1x100xi32, #tpu.memory_space<vmem>> -> memref<100xi32, #tpu.memory_space<vmem>>
    %dma_start3A_83 = arith.constant 0 : i32
    %dma_start3A_84 = arith.constant 0 : i32
    %dma_start3A_85 = tpu.memref_slice %arg3[%dma_start3A_83, %dma_start3A_84] : memref<100000x64xf32, #tpu.memory_space<hbm>> -> memref<100000x64xf32, #tpu.memory_space<hbm>>
    tpu.enqueue_indirect_dma source(%dma_start3A_85 : memref<100000x64xf32, #tpu.memory_space<hbm>>) target(%dma_start3A_79 : memref<100x64xf32, #tpu.memory_space<vmem>>) offsets(%dma_start3A_82 : memref<100xi32, #tpu.memory_space<vmem>>) semaphore(%arg9 : memref<!tpu.dma_semaphore, #tpu.memory_space<semaphore_mem>>)
    %dma_start3A_86 = arith.constant 7 : i32
    %dma_start3A_87 = arith.constant 3 : i32
    %dma_start3A_88 = arith.constant 0 : i32
    %dma_start3A_89 = arith.constant 0 : i32
    %dma_start3A_90 = tpu.memref_slice %arg7[%dma_start3A_87, %dma_start3A_88, %dma_start3A_89] : memref<4x100x64xf32, #tpu.memory_space<vmem>> -> memref<1x100x64xf32, #tpu.memory_space<vmem>>
    %dma_start3A_91 = tpu.memref_squeeze %dma_start3A_90 : memref<1x100x64xf32, #tpu.memory_space<vmem>> -> memref<100x64xf32, #tpu.memory_space<vmem>>
    %dma_start3A_92 = arith.constant 0 : i32
    %dma_start3A_93 = tpu.memref_slice %arg5[%dma_start3A_86, %dma_start3A_92] : memref<128x100xi32, #tpu.memory_space<vmem>> -> memref<1x100xi32, #tpu.memory_space<vmem>>
    %dma_start3A_94 = tpu.memref_squeeze %dma_start3A_93 : memref<1x100xi32, #tpu.memory_space<vmem>> -> memref<100xi32, #tpu.memory_space<vmem>>
    %dma_start3A_95 = arith.constant 0 : i32
    %dma_start3A_96 = arith.constant 0 : i32
    %dma_start3A_97 = tpu.memref_slice %arg3[%dma_start3A_95, %dma_start3A_96] : memref<100000x64xf32, #tpu.memory_space<hbm>> -> memref<100000x64xf32, #tpu.memory_space<hbm>>
    tpu.enqueue_indirect_dma source(%dma_start3A_97 : memref<100000x64xf32, #tpu.memory_space<hbm>>) target(%dma_start3A_91 : memref<100x64xf32, #tpu.memory_space<vmem>>) offsets(%dma_start3A_94 : memref<100xi32, #tpu.memory_space<vmem>>) semaphore(%arg9 : memref<!tpu.dma_semaphore, #tpu.memory_space<semaphore_mem>>)
    %dma_wait3A = arith.constant 0 : i32
    %dma_wait3A_98 = arith.constant 0 : i32
    %dma_wait3A_99 = arith.constant 0 : i32
    %dma_wait3A_100 = arith.constant 0 : i32
    %dma_wait3A_101 = tpu.memref_slice %arg6[%dma_wait3A_98, %dma_wait3A_99, %dma_wait3A_100] : memref<4x100x64xf32, #tpu.memory_space<vmem>> -> memref<1x100x64xf32, #tpu.memory_space<vmem>>
    %dma_wait3A_102 = tpu.memref_squeeze %dma_wait3A_101 : memref<1x100x64xf32, #tpu.memory_space<vmem>> -> memref<100x64xf32, #tpu.memory_space<vmem>>
    %dma_wait3A_103 = arith.constant 0 : i32
    %dma_wait3A_104 = tpu.memref_slice %arg5[%dma_wait3A, %dma_wait3A_103] : memref<128x100xi32, #tpu.memory_space<vmem>> -> memref<1x100xi32, #tpu.memory_space<vmem>>
    %dma_wait3A_105 = tpu.memref_squeeze %dma_wait3A_104 : memref<1x100xi32, #tpu.memory_space<vmem>> -> memref<100xi32, #tpu.memory_space<vmem>>
    %dma_wait3A_106 = arith.constant 0 : i32
    %dma_wait3A_107 = arith.constant 0 : i32
    %dma_wait3A_108 = tpu.memref_slice %arg3[%dma_wait3A_106, %dma_wait3A_107] : memref<100000x64xf32, #tpu.memory_space<hbm>> -> memref<100000x64xf32, #tpu.memory_space<hbm>>
    tpu.wait_indirect_dma semaphore(%arg8 : memref<!tpu.dma_semaphore, #tpu.memory_space<semaphore_mem>>) src(%dma_wait3A_108 : memref<100000x64xf32, #tpu.memory_space<hbm>>) dst(%dma_wait3A_102 : memref<100x64xf32, #tpu.memory_space<vmem>>)
    %dma_wait3A_109 = arith.constant 1 : i32
    %dma_wait3A_110 = arith.constant 1 : i32
    %dma_wait3A_111 = arith.constant 0 : i32
    %dma_wait3A_112 = arith.constant 0 : i32
    %dma_wait3A_113 = tpu.memref_slice %arg6[%dma_wait3A_110, %dma_wait3A_111, %dma_wait3A_112] : memref<4x100x64xf32, #tpu.memory_space<vmem>> -> memref<1x100x64xf32, #tpu.memory_space<vmem>>
    %dma_wait3A_114 = tpu.memref_squeeze %dma_wait3A_113 : memref<1x100x64xf32, #tpu.memory_space<vmem>> -> memref<100x64xf32, #tpu.memory_space<vmem>>
    %dma_wait3A_115 = arith.constant 0 : i32
    %dma_wait3A_116 = tpu.memref_slice %arg5[%dma_wait3A_109, %dma_wait3A_115] : memref<128x100xi32, #tpu.memory_space<vmem>> -> memref<1x100xi32, #tpu.memory_space<vmem>>
    %dma_wait3A_117 = tpu.memref_squeeze %dma_wait3A_116 : memref<1x100xi32, #tpu.memory_space<vmem>> -> memref<100xi32, #tpu.memory_space<vmem>>
    %dma_wait3A_118 = arith.constant 0 : i32
    %dma_wait3A_119 = arith.constant 0 : i32
    %dma_wait3A_120 = tpu.memref_slice %arg3[%dma_wait3A_118, %dma_wait3A_119] : memref<100000x64xf32, #tpu.memory_space<hbm>> -> memref<100000x64xf32, #tpu.memory_space<hbm>>
    tpu.wait_indirect_dma semaphore(%arg8 : memref<!tpu.dma_semaphore, #tpu.memory_space<semaphore_mem>>) src(%dma_wait3A_120 : memref<100000x64xf32, #tpu.memory_space<hbm>>) dst(%dma_wait3A_114 : memref<100x64xf32, #tpu.memory_space<vmem>>)
    %dma_wait3A_121 = arith.constant 2 : i32
    %dma_wait3A_122 = arith.constant 2 : i32
    %dma_wait3A_123 = arith.constant 0 : i32
    %dma_wait3A_124 = arith.constant 0 : i32
    %dma_wait3A_125 = tpu.memref_slice %arg6[%dma_wait3A_122, %dma_wait3A_123, %dma_wait3A_124] : memref<4x100x64xf32, #tpu.memory_space<vmem>> -> memref<1x100x64xf32, #tpu.memory_space<vmem>>
    %dma_wait3A_126 = tpu.memref_squeeze %dma_wait3A_125 : memref<1x100x64xf32, #tpu.memory_space<vmem>> -> memref<100x64xf32, #tpu.memory_space<vmem>>
    %dma_wait3A_127 = arith.constant 0 : i32
    %dma_wait3A_128 = tpu.memref_slice %arg5[%dma_wait3A_121, %dma_wait3A_127] : memref<128x100xi32, #tpu.memory_space<vmem>> -> memref<1x100xi32, #tpu.memory_space<vmem>>
    %dma_wait3A_129 = tpu.memref_squeeze %dma_wait3A_128 : memref<1x100xi32, #tpu.memory_space<vmem>> -> memref<100xi32, #tpu.memory_space<vmem>>
    %dma_wait3A_130 = arith.constant 0 : i32
    %dma_wait3A_131 = arith.constant 0 : i32
    %dma_wait3A_132 = tpu.memref_slice %arg3[%dma_wait3A_130, %dma_wait3A_131] : memref<100000x64xf32, #tpu.memory_space<hbm>> -> memref<100000x64xf32, #tpu.memory_space<hbm>>
    tpu.wait_indirect_dma semaphore(%arg8 : memref<!tpu.dma_semaphore, #tpu.memory_space<semaphore_mem>>) src(%dma_wait3A_132 : memref<100000x64xf32, #tpu.memory_space<hbm>>) dst(%dma_wait3A_126 : memref<100x64xf32, #tpu.memory_space<vmem>>)
    %dma_wait3A_133 = arith.constant 3 : i32
    %dma_wait3A_134 = arith.constant 3 : i32
    %dma_wait3A_135 = arith.constant 0 : i32
    %dma_wait3A_136 = arith.constant 0 : i32
    %dma_wait3A_137 = tpu.memref_slice %arg6[%dma_wait3A_134, %dma_wait3A_135, %dma_wait3A_136] : memref<4x100x64xf32, #tpu.memory_space<vmem>> -> memref<1x100x64xf32, #tpu.memory_space<vmem>>
    %dma_wait3A_138 = tpu.memref_squeeze %dma_wait3A_137 : memref<1x100x64xf32, #tpu.memory_space<vmem>> -> memref<100x64xf32, #tpu.memory_space<vmem>>
    %dma_wait3A_139 = arith.constant 0 : i32
    %dma_wait3A_140 = tpu.memref_slice %arg5[%dma_wait3A_133, %dma_wait3A_139] : memref<128x100xi32, #tpu.memory_space<vmem>> -> memref<1x100xi32, #tpu.memory_space<vmem>>
    %dma_wait3A_141 = tpu.memref_squeeze %dma_wait3A_140 : memref<1x100xi32, #tpu.memory_space<vmem>> -> memref<100xi32, #tpu.memory_space<vmem>>
    %dma_wait3A_142 = arith.constant 0 : i32
    %dma_wait3A_143 = arith.constant 0 : i32
    %dma_wait3A_144 = tpu.memref_slice %arg3[%dma_wait3A_142, %dma_wait3A_143] : memref<100000x64xf32, #tpu.memory_space<hbm>> -> memref<100000x64xf32, #tpu.memory_space<hbm>>
    tpu.wait_indirect_dma semaphore(%arg8 : memref<!tpu.dma_semaphore, #tpu.memory_space<semaphore_mem>>) src(%dma_wait3A_144 : memref<100000x64xf32, #tpu.memory_space<hbm>>) dst(%dma_wait3A_138 : memref<100x64xf32, #tpu.memory_space<vmem>>)
    %add3A_145 = arith.constant 0 : i32
    %add3A_146 = arith.addi %mul3A_2, %add3A_145 : i32
    %dma_start3A_147 = arith.constant 0 : i32
    %dma_start3A_148 = arith.constant 0 : i32
    %dma_start3A_149 = tpu.memref_slice %arg4[%add3A_146, %dma_start3A_147, %dma_start3A_148] : memref<4096x100x64xf32, #tpu.memory_space<hbm>> -> memref<4x100x64xf32, #tpu.memory_space<hbm>>
    %dma_start3A_150 = arith.constant 0 : i32
    %dma_start3A_151 = arith.constant 0 : i32
    %dma_start3A_152 = tpu.memref_slice %arg4[%add3A_146, %dma_start3A_150, %dma_start3A_151] : memref<4096x100x64xf32, #tpu.memory_space<hbm>> -> memref<4x100x64xf32, #tpu.memory_space<hbm>>
    tpu.enqueue_dma source(%arg6 : memref<4x100x64xf32, #tpu.memory_space<vmem>>) target(%dma_start3A_152 : memref<4x100x64xf32, #tpu.memory_space<hbm>>) target_semaphore(%arg10 : memref<!tpu.dma_semaphore, #tpu.memory_space<semaphore_mem>>)
    %scan3A = arith.constant 0 : i32
    %scan3A_153 = arith.constant 15 : i32
    %scan3A_154 = arith.addi %scan3A, %scan3A_153 : i32
    %scan3A_155 = arith.constant 1 : i32
    scf.for %scan3A_229 = %scan3A to %scan3A_154 step %scan3A_155  : i32 {
      %mul3A_230 = arith.constant 1 : i32
      %mul3A_231 = arith.muli %scan3A_229, %mul3A_230 : i32
      %add3A_232 = arith.constant 0 : i32
      %add3A_233 = arith.addi %add3A_232, %mul3A_231 : i32
      %mul3A_234 = arith.constant 2 : i32
      %mul3A_235 = arith.muli %mul3A_234, %add3A_233 : i32
      %add3A_236 = arith.constant 1 : i32
      %add3A_237 = arith.addi %add3A_236, %mul3A_235 : i32
      %sub3A = arith.constant 1 : i32
      %sub3A_238 = arith.subi %add3A_237, %sub3A : i32
      %mul3A_239 = arith.constant 4 : i32
      %mul3A_240 = arith.muli %sub3A_238, %mul3A_239 : i32
      %add3A_241 = arith.addi %mul3A_2, %mul3A_240 : i32
      %dma_wait3A_242 = arith.constant 0 : i32
      %dma_wait3A_243 = arith.constant 0 : i32
      %dma_wait3A_244 = tpu.memref_slice %arg4[%add3A_241, %dma_wait3A_242, %dma_wait3A_243] : memref<4096x100x64xf32, #tpu.memory_space<hbm>> -> memref<4x100x64xf32, #tpu.memory_space<hbm>>
      %dma_wait3A_245 = arith.constant 0 : i32
      %dma_wait3A_246 = arith.constant 0 : i32
      %dma_wait3A_247 = tpu.memref_slice %arg4[%add3A_241, %dma_wait3A_245, %dma_wait3A_246] : memref<4096x100x64xf32, #tpu.memory_space<hbm>> -> memref<4x100x64xf32, #tpu.memory_space<hbm>>
      tpu.wait_dma2 semaphore(%arg10 : memref<!tpu.dma_semaphore, #tpu.memory_space<semaphore_mem>>) src(%arg6 : memref<4x100x64xf32, #tpu.memory_space<vmem>>) dst(%dma_wait3A_247 : memref<4x100x64xf32, #tpu.memory_space<hbm>>)
      %add3A_248 = arith.constant 1 : i32
      %add3A_249 = arith.addi %add3A_237, %add3A_248 : i32
      %mul3A_250 = arith.constant 4 : i32
      %mul3A_251 = arith.muli %add3A_249, %mul3A_250 : i32
      %add3A_252 = arith.constant 0 : i32
      %add3A_253 = arith.addi %mul3A_251, %add3A_252 : i32
      %dma_start3A_254 = arith.constant 0 : i32
      %dma_start3A_255 = arith.constant 0 : i32
      %dma_start3A_256 = arith.constant 0 : i32
      %dma_start3A_257 = tpu.memref_slice %arg6[%dma_start3A_254, %dma_start3A_255, %dma_start3A_256] : memref<4x100x64xf32, #tpu.memory_space<vmem>> -> memref<1x100x64xf32, #tpu.memory_space<vmem>>
      %dma_start3A_258 = tpu.memref_squeeze %dma_start3A_257 : memref<1x100x64xf32, #tpu.memory_space<vmem>> -> memref<100x64xf32, #tpu.memory_space<vmem>>
      %dma_start3A_259 = arith.constant 0 : i32
      %dma_start3A_260 = tpu.memref_slice %arg5[%add3A_253, %dma_start3A_259] : memref<128x100xi32, #tpu.memory_space<vmem>> -> memref<1x100xi32, #tpu.memory_space<vmem>>
      %dma_start3A_261 = tpu.memref_squeeze %dma_start3A_260 : memref<1x100xi32, #tpu.memory_space<vmem>> -> memref<100xi32, #tpu.memory_space<vmem>>
      %dma_start3A_262 = arith.constant 0 : i32
      %dma_start3A_263 = arith.constant 0 : i32
      %dma_start3A_264 = tpu.memref_slice %arg3[%dma_start3A_262, %dma_start3A_263] : memref<100000x64xf32, #tpu.memory_space<hbm>> -> memref<100000x64xf32, #tpu.memory_space<hbm>>
      tpu.enqueue_indirect_dma source(%dma_start3A_264 : memref<100000x64xf32, #tpu.memory_space<hbm>>) target(%dma_start3A_258 : memref<100x64xf32, #tpu.memory_space<vmem>>) offsets(%dma_start3A_261 : memref<100xi32, #tpu.memory_space<vmem>>) semaphore(%arg8 : memref<!tpu.dma_semaphore, #tpu.memory_space<semaphore_mem>>)
      %mul3A_265 = arith.constant 4 : i32
      %mul3A_266 = arith.muli %add3A_249, %mul3A_265 : i32
      %add3A_267 = arith.constant 1 : i32
      %add3A_268 = arith.addi %mul3A_266, %add3A_267 : i32
      %dma_start3A_269 = arith.constant 1 : i32
      %dma_start3A_270 = arith.constant 0 : i32
      %dma_start3A_271 = arith.constant 0 : i32
      %dma_start3A_272 = tpu.memref_slice %arg6[%dma_start3A_269, %dma_start3A_270, %dma_start3A_271] : memref<4x100x64xf32, #tpu.memory_space<vmem>> -> memref<1x100x64xf32, #tpu.memory_space<vmem>>
      %dma_start3A_273 = tpu.memref_squeeze %dma_start3A_272 : memref<1x100x64xf32, #tpu.memory_space<vmem>> -> memref<100x64xf32, #tpu.memory_space<vmem>>
      %dma_start3A_274 = arith.constant 0 : i32
      %dma_start3A_275 = tpu.memref_slice %arg5[%add3A_268, %dma_start3A_274] : memref<128x100xi32, #tpu.memory_space<vmem>> -> memref<1x100xi32, #tpu.memory_space<vmem>>
      %dma_start3A_276 = tpu.memref_squeeze %dma_start3A_275 : memref<1x100xi32, #tpu.memory_space<vmem>> -> memref<100xi32, #tpu.memory_space<vmem>>
      %dma_start3A_277 = arith.constant 0 : i32
      %dma_start3A_278 = arith.constant 0 : i32
      %dma_start3A_279 = tpu.memref_slice %arg3[%dma_start3A_277, %dma_start3A_278] : memref<100000x64xf32, #tpu.memory_space<hbm>> -> memref<100000x64xf32, #tpu.memory_space<hbm>>
      tpu.enqueue_indirect_dma source(%dma_start3A_279 : memref<100000x64xf32, #tpu.memory_space<hbm>>) target(%dma_start3A_273 : memref<100x64xf32, #tpu.memory_space<vmem>>) offsets(%dma_start3A_276 : memref<100xi32, #tpu.memory_space<vmem>>) semaphore(%arg8 : memref<!tpu.dma_semaphore, #tpu.memory_space<semaphore_mem>>)
      %mul3A_280 = arith.constant 4 : i32
      %mul3A_281 = arith.muli %add3A_249, %mul3A_280 : i32
      %add3A_282 = arith.constant 2 : i32
      %add3A_283 = arith.addi %mul3A_281, %add3A_282 : i32
      %dma_start3A_284 = arith.constant 2 : i32
      %dma_start3A_285 = arith.constant 0 : i32
      %dma_start3A_286 = arith.constant 0 : i32
      %dma_start3A_287 = tpu.memref_slice %arg6[%dma_start3A_284, %dma_start3A_285, %dma_start3A_286] : memref<4x100x64xf32, #tpu.memory_space<vmem>> -> memref<1x100x64xf32, #tpu.memory_space<vmem>>
      %dma_start3A_288 = tpu.memref_squeeze %dma_start3A_287 : memref<1x100x64xf32, #tpu.memory_space<vmem>> -> memref<100x64xf32, #tpu.memory_space<vmem>>
      %dma_start3A_289 = arith.constant 0 : i32
      %dma_start3A_290 = tpu.memref_slice %arg5[%add3A_283, %dma_start3A_289] : memref<128x100xi32, #tpu.memory_space<vmem>> -> memref<1x100xi32, #tpu.memory_space<vmem>>
      %dma_start3A_291 = tpu.memref_squeeze %dma_start3A_290 : memref<1x100xi32, #tpu.memory_space<vmem>> -> memref<100xi32, #tpu.memory_space<vmem>>
      %dma_start3A_292 = arith.constant 0 : i32
      %dma_start3A_293 = arith.constant 0 : i32
      %dma_start3A_294 = tpu.memref_slice %arg3[%dma_start3A_292, %dma_start3A_293] : memref<100000x64xf32, #tpu.memory_space<hbm>> -> memref<100000x64xf32, #tpu.memory_space<hbm>>
      tpu.enqueue_indirect_dma source(%dma_start3A_294 : memref<100000x64xf32, #tpu.memory_space<hbm>>) target(%dma_start3A_288 : memref<100x64xf32, #tpu.memory_space<vmem>>) offsets(%dma_start3A_291 : memref<100xi32, #tpu.memory_space<vmem>>) semaphore(%arg8 : memref<!tpu.dma_semaphore, #tpu.memory_space<semaphore_mem>>)
      %mul3A_295 = arith.constant 4 : i32
      %mul3A_296 = arith.muli %add3A_249, %mul3A_295 : i32
      %add3A_297 = arith.constant 3 : i32
      %add3A_298 = arith.addi %mul3A_296, %add3A_297 : i32
      %dma_start3A_299 = arith.constant 3 : i32
      %dma_start3A_300 = arith.constant 0 : i32
      %dma_start3A_301 = arith.constant 0 : i32
      %dma_start3A_302 = tpu.memref_slice %arg6[%dma_start3A_299, %dma_start3A_300, %dma_start3A_301] : memref<4x100x64xf32, #tpu.memory_space<vmem>> -> memref<1x100x64xf32, #tpu.memory_space<vmem>>
      %dma_start3A_303 = tpu.memref_squeeze %dma_start3A_302 : memref<1x100x64xf32, #tpu.memory_space<vmem>> -> memref<100x64xf32, #tpu.memory_space<vmem>>
      %dma_start3A_304 = arith.constant 0 : i32
      %dma_start3A_305 = tpu.memref_slice %arg5[%add3A_298, %dma_start3A_304] : memref<128x100xi32, #tpu.memory_space<vmem>> -> memref<1x100xi32, #tpu.memory_space<vmem>>
      %dma_start3A_306 = tpu.memref_squeeze %dma_start3A_305 : memref<1x100xi32, #tpu.memory_space<vmem>> -> memref<100xi32, #tpu.memory_space<vmem>>
      %dma_start3A_307 = arith.constant 0 : i32
      %dma_start3A_308 = arith.constant 0 : i32
      %dma_start3A_309 = tpu.memref_slice %arg3[%dma_start3A_307, %dma_start3A_308] : memref<100000x64xf32, #tpu.memory_space<hbm>> -> memref<100000x64xf32, #tpu.memory_space<hbm>>
      tpu.enqueue_indirect_dma source(%dma_start3A_309 : memref<100000x64xf32, #tpu.memory_space<hbm>>) target(%dma_start3A_303 : memref<100x64xf32, #tpu.memory_space<vmem>>) offsets(%dma_start3A_306 : memref<100xi32, #tpu.memory_space<vmem>>) semaphore(%arg8 : memref<!tpu.dma_semaphore, #tpu.memory_space<semaphore_mem>>)
      %mul3A_310 = arith.constant 4 : i32
      %mul3A_311 = arith.muli %add3A_237, %mul3A_310 : i32
      %add3A_312 = arith.constant 0 : i32
      %add3A_313 = arith.addi %mul3A_311, %add3A_312 : i32
      %dma_wait3A_314 = arith.constant 0 : i32
      %dma_wait3A_315 = arith.constant 0 : i32
      %dma_wait3A_316 = arith.constant 0 : i32
      %dma_wait3A_317 = tpu.memref_slice %arg7[%dma_wait3A_314, %dma_wait3A_315, %dma_wait3A_316] : memref<4x100x64xf32, #tpu.memory_space<vmem>> -> memref<1x100x64xf32, #tpu.memory_space<vmem>>
      %dma_wait3A_318 = tpu.memref_squeeze %dma_wait3A_317 : memref<1x100x64xf32, #tpu.memory_space<vmem>> -> memref<100x64xf32, #tpu.memory_space<vmem>>
      %dma_wait3A_319 = arith.constant 0 : i32
      %dma_wait3A_320 = tpu.memref_slice %arg5[%add3A_313, %dma_wait3A_319] : memref<128x100xi32, #tpu.memory_space<vmem>> -> memref<1x100xi32, #tpu.memory_space<vmem>>
      %dma_wait3A_321 = tpu.memref_squeeze %dma_wait3A_320 : memref<1x100xi32, #tpu.memory_space<vmem>> -> memref<100xi32, #tpu.memory_space<vmem>>
      %dma_wait3A_322 = arith.constant 0 : i32
      %dma_wait3A_323 = arith.constant 0 : i32
      %dma_wait3A_324 = tpu.memref_slice %arg3[%dma_wait3A_322, %dma_wait3A_323] : memref<100000x64xf32, #tpu.memory_space<hbm>> -> memref<100000x64xf32, #tpu.memory_space<hbm>>
      tpu.wait_indirect_dma semaphore(%arg9 : memref<!tpu.dma_semaphore, #tpu.memory_space<semaphore_mem>>) src(%dma_wait3A_324 : memref<100000x64xf32, #tpu.memory_space<hbm>>) dst(%dma_wait3A_318 : memref<100x64xf32, #tpu.memory_space<vmem>>)
      %mul3A_325 = arith.constant 4 : i32
      %mul3A_326 = arith.muli %add3A_237, %mul3A_325 : i32
      %add3A_327 = arith.constant 1 : i32
      %add3A_328 = arith.addi %mul3A_326, %add3A_327 : i32
      %dma_wait3A_329 = arith.constant 1 : i32
      %dma_wait3A_330 = arith.constant 0 : i32
      %dma_wait3A_331 = arith.constant 0 : i32
      %dma_wait3A_332 = tpu.memref_slice %arg7[%dma_wait3A_329, %dma_wait3A_330, %dma_wait3A_331] : memref<4x100x64xf32, #tpu.memory_space<vmem>> -> memref<1x100x64xf32, #tpu.memory_space<vmem>>
      %dma_wait3A_333 = tpu.memref_squeeze %dma_wait3A_332 : memref<1x100x64xf32, #tpu.memory_space<vmem>> -> memref<100x64xf32, #tpu.memory_space<vmem>>
      %dma_wait3A_334 = arith.constant 0 : i32
      %dma_wait3A_335 = tpu.memref_slice %arg5[%add3A_328, %dma_wait3A_334] : memref<128x100xi32, #tpu.memory_space<vmem>> -> memref<1x100xi32, #tpu.memory_space<vmem>>
      %dma_wait3A_336 = tpu.memref_squeeze %dma_wait3A_335 : memref<1x100xi32, #tpu.memory_space<vmem>> -> memref<100xi32, #tpu.memory_space<vmem>>
      %dma_wait3A_337 = arith.constant 0 : i32
      %dma_wait3A_338 = arith.constant 0 : i32
      %dma_wait3A_339 = tpu.memref_slice %arg3[%dma_wait3A_337, %dma_wait3A_338] : memref<100000x64xf32, #tpu.memory_space<hbm>> -> memref<100000x64xf32, #tpu.memory_space<hbm>>
      tpu.wait_indirect_dma semaphore(%arg9 : memref<!tpu.dma_semaphore, #tpu.memory_space<semaphore_mem>>) src(%dma_wait3A_339 : memref<100000x64xf32, #tpu.memory_space<hbm>>) dst(%dma_wait3A_333 : memref<100x64xf32, #tpu.memory_space<vmem>>)
      %mul3A_340 = arith.constant 4 : i32
      %mul3A_341 = arith.muli %add3A_237, %mul3A_340 : i32
      %add3A_342 = arith.constant 2 : i32
      %add3A_343 = arith.addi %mul3A_341, %add3A_342 : i32
      %dma_wait3A_344 = arith.constant 2 : i32
      %dma_wait3A_345 = arith.constant 0 : i32
      %dma_wait3A_346 = arith.constant 0 : i32
      %dma_wait3A_347 = tpu.memref_slice %arg7[%dma_wait3A_344, %dma_wait3A_345, %dma_wait3A_346] : memref<4x100x64xf32, #tpu.memory_space<vmem>> -> memref<1x100x64xf32, #tpu.memory_space<vmem>>
      %dma_wait3A_348 = tpu.memref_squeeze %dma_wait3A_347 : memref<1x100x64xf32, #tpu.memory_space<vmem>> -> memref<100x64xf32, #tpu.memory_space<vmem>>
      %dma_wait3A_349 = arith.constant 0 : i32
      %dma_wait3A_350 = tpu.memref_slice %arg5[%add3A_343, %dma_wait3A_349] : memref<128x100xi32, #tpu.memory_space<vmem>> -> memref<1x100xi32, #tpu.memory_space<vmem>>
      %dma_wait3A_351 = tpu.memref_squeeze %dma_wait3A_350 : memref<1x100xi32, #tpu.memory_space<vmem>> -> memref<100xi32, #tpu.memory_space<vmem>>
      %dma_wait3A_352 = arith.constant 0 : i32
      %dma_wait3A_353 = arith.constant 0 : i32
      %dma_wait3A_354 = tpu.memref_slice %arg3[%dma_wait3A_352, %dma_wait3A_353] : memref<100000x64xf32, #tpu.memory_space<hbm>> -> memref<100000x64xf32, #tpu.memory_space<hbm>>
      tpu.wait_indirect_dma semaphore(%arg9 : memref<!tpu.dma_semaphore, #tpu.memory_space<semaphore_mem>>) src(%dma_wait3A_354 : memref<100000x64xf32, #tpu.memory_space<hbm>>) dst(%dma_wait3A_348 : memref<100x64xf32, #tpu.memory_space<vmem>>)
      %mul3A_355 = arith.constant 4 : i32
      %mul3A_356 = arith.muli %add3A_237, %mul3A_355 : i32
      %add3A_357 = arith.constant 3 : i32
      %add3A_358 = arith.addi %mul3A_356, %add3A_357 : i32
      %dma_wait3A_359 = arith.constant 3 : i32
      %dma_wait3A_360 = arith.constant 0 : i32
      %dma_wait3A_361 = arith.constant 0 : i32
      %dma_wait3A_362 = tpu.memref_slice %arg7[%dma_wait3A_359, %dma_wait3A_360, %dma_wait3A_361] : memref<4x100x64xf32, #tpu.memory_space<vmem>> -> memref<1x100x64xf32, #tpu.memory_space<vmem>>
      %dma_wait3A_363 = tpu.memref_squeeze %dma_wait3A_362 : memref<1x100x64xf32, #tpu.memory_space<vmem>> -> memref<100x64xf32, #tpu.memory_space<vmem>>
      %dma_wait3A_364 = arith.constant 0 : i32
      %dma_wait3A_365 = tpu.memref_slice %arg5[%add3A_358, %dma_wait3A_364] : memref<128x100xi32, #tpu.memory_space<vmem>> -> memref<1x100xi32, #tpu.memory_space<vmem>>
      %dma_wait3A_366 = tpu.memref_squeeze %dma_wait3A_365 : memref<1x100xi32, #tpu.memory_space<vmem>> -> memref<100xi32, #tpu.memory_space<vmem>>
      %dma_wait3A_367 = arith.constant 0 : i32
      %dma_wait3A_368 = arith.constant 0 : i32
      %dma_wait3A_369 = tpu.memref_slice %arg3[%dma_wait3A_367, %dma_wait3A_368] : memref<100000x64xf32, #tpu.memory_space<hbm>> -> memref<100000x64xf32, #tpu.memory_space<hbm>>
      tpu.wait_indirect_dma semaphore(%arg9 : memref<!tpu.dma_semaphore, #tpu.memory_space<semaphore_mem>>) src(%dma_wait3A_369 : memref<100000x64xf32, #tpu.memory_space<hbm>>) dst(%dma_wait3A_363 : memref<100x64xf32, #tpu.memory_space<vmem>>)
      %mul3A_370 = arith.constant 4 : i32
      %mul3A_371 = arith.muli %add3A_237, %mul3A_370 : i32
      %add3A_372 = arith.addi %mul3A_2, %mul3A_371 : i32
      %dma_start3A_373 = arith.constant 0 : i32
      %dma_start3A_374 = arith.constant 0 : i32
      %dma_start3A_375 = tpu.memref_slice %arg4[%add3A_372, %dma_start3A_373, %dma_start3A_374] : memref<4096x100x64xf32, #tpu.memory_space<hbm>> -> memref<4x100x64xf32, #tpu.memory_space<hbm>>
      %dma_start3A_376 = arith.constant 0 : i32
      %dma_start3A_377 = arith.constant 0 : i32
      %dma_start3A_378 = tpu.memref_slice %arg4[%add3A_372, %dma_start3A_376, %dma_start3A_377] : memref<4096x100x64xf32, #tpu.memory_space<hbm>> -> memref<4x100x64xf32, #tpu.memory_space<hbm>>
      tpu.enqueue_dma source(%arg7 : memref<4x100x64xf32, #tpu.memory_space<vmem>>) target(%dma_start3A_378 : memref<4x100x64xf32, #tpu.memory_space<hbm>>) target_semaphore(%arg11 : memref<!tpu.dma_semaphore, #tpu.memory_space<semaphore_mem>>)
      %mul3A_379 = arith.constant 4 : i32
      %mul3A_380 = arith.muli %add3A_237, %mul3A_379 : i32
      %add3A_381 = arith.addi %mul3A_2, %mul3A_380 : i32
      %dma_wait3A_382 = arith.constant 0 : i32
      %dma_wait3A_383 = arith.constant 0 : i32
      %dma_wait3A_384 = tpu.memref_slice %arg4[%add3A_381, %dma_wait3A_382, %dma_wait3A_383] : memref<4096x100x64xf32, #tpu.memory_space<hbm>> -> memref<4x100x64xf32, #tpu.memory_space<hbm>>
      %dma_wait3A_385 = arith.constant 0 : i32
      %dma_wait3A_386 = arith.constant 0 : i32
      %dma_wait3A_387 = tpu.memref_slice %arg4[%add3A_381, %dma_wait3A_385, %dma_wait3A_386] : memref<4096x100x64xf32, #tpu.memory_space<hbm>> -> memref<4x100x64xf32, #tpu.memory_space<hbm>>
      tpu.wait_dma2 semaphore(%arg11 : memref<!tpu.dma_semaphore, #tpu.memory_space<semaphore_mem>>) src(%arg7 : memref<4x100x64xf32, #tpu.memory_space<vmem>>) dst(%dma_wait3A_387 : memref<4x100x64xf32, #tpu.memory_space<hbm>>)
      %add3A_388 = arith.constant 2 : i32
      %add3A_389 = arith.addi %add3A_237, %add3A_388 : i32
      %mul3A_390 = arith.constant 4 : i32
      %mul3A_391 = arith.muli %add3A_389, %mul3A_390 : i32
      %add3A_392 = arith.constant 0 : i32
      %add3A_393 = arith.addi %mul3A_391, %add3A_392 : i32
      %dma_start3A_394 = arith.constant 0 : i32
      %dma_start3A_395 = arith.constant 0 : i32
      %dma_start3A_396 = arith.constant 0 : i32
      %dma_start3A_397 = tpu.memref_slice %arg7[%dma_start3A_394, %dma_start3A_395, %dma_start3A_396] : memref<4x100x64xf32, #tpu.memory_space<vmem>> -> memref<1x100x64xf32, #tpu.memory_space<vmem>>
      %dma_start3A_398 = tpu.memref_squeeze %dma_start3A_397 : memref<1x100x64xf32, #tpu.memory_space<vmem>> -> memref<100x64xf32, #tpu.memory_space<vmem>>
      %dma_start3A_399 = arith.constant 0 : i32
      %dma_start3A_400 = tpu.memref_slice %arg5[%add3A_393, %dma_start3A_399] : memref<128x100xi32, #tpu.memory_space<vmem>> -> memref<1x100xi32, #tpu.memory_space<vmem>>
      %dma_start3A_401 = tpu.memref_squeeze %dma_start3A_400 : memref<1x100xi32, #tpu.memory_space<vmem>> -> memref<100xi32, #tpu.memory_space<vmem>>
      %dma_start3A_402 = arith.constant 0 : i32
      %dma_start3A_403 = arith.constant 0 : i32
      %dma_start3A_404 = tpu.memref_slice %arg3[%dma_start3A_402, %dma_start3A_403] : memref<100000x64xf32, #tpu.memory_space<hbm>> -> memref<100000x64xf32, #tpu.memory_space<hbm>>
      tpu.enqueue_indirect_dma source(%dma_start3A_404 : memref<100000x64xf32, #tpu.memory_space<hbm>>) target(%dma_start3A_398 : memref<100x64xf32, #tpu.memory_space<vmem>>) offsets(%dma_start3A_401 : memref<100xi32, #tpu.memory_space<vmem>>) semaphore(%arg9 : memref<!tpu.dma_semaphore, #tpu.memory_space<semaphore_mem>>)
      %mul3A_405 = arith.constant 4 : i32
      %mul3A_406 = arith.muli %add3A_389, %mul3A_405 : i32
      %add3A_407 = arith.constant 1 : i32
      %add3A_408 = arith.addi %mul3A_406, %add3A_407 : i32
      %dma_start3A_409 = arith.constant 1 : i32
      %dma_start3A_410 = arith.constant 0 : i32
      %dma_start3A_411 = arith.constant 0 : i32
      %dma_start3A_412 = tpu.memref_slice %arg7[%dma_start3A_409, %dma_start3A_410, %dma_start3A_411] : memref<4x100x64xf32, #tpu.memory_space<vmem>> -> memref<1x100x64xf32, #tpu.memory_space<vmem>>
      %dma_start3A_413 = tpu.memref_squeeze %dma_start3A_412 : memref<1x100x64xf32, #tpu.memory_space<vmem>> -> memref<100x64xf32, #tpu.memory_space<vmem>>
      %dma_start3A_414 = arith.constant 0 : i32
      %dma_start3A_415 = tpu.memref_slice %arg5[%add3A_408, %dma_start3A_414] : memref<128x100xi32, #tpu.memory_space<vmem>> -> memref<1x100xi32, #tpu.memory_space<vmem>>
      %dma_start3A_416 = tpu.memref_squeeze %dma_start3A_415 : memref<1x100xi32, #tpu.memory_space<vmem>> -> memref<100xi32, #tpu.memory_space<vmem>>
      %dma_start3A_417 = arith.constant 0 : i32
      %dma_start3A_418 = arith.constant 0 : i32
      %dma_start3A_419 = tpu.memref_slice %arg3[%dma_start3A_417, %dma_start3A_418] : memref<100000x64xf32, #tpu.memory_space<hbm>> -> memref<100000x64xf32, #tpu.memory_space<hbm>>
      tpu.enqueue_indirect_dma source(%dma_start3A_419 : memref<100000x64xf32, #tpu.memory_space<hbm>>) target(%dma_start3A_413 : memref<100x64xf32, #tpu.memory_space<vmem>>) offsets(%dma_start3A_416 : memref<100xi32, #tpu.memory_space<vmem>>) semaphore(%arg9 : memref<!tpu.dma_semaphore, #tpu.memory_space<semaphore_mem>>)
      %mul3A_420 = arith.constant 4 : i32
      %mul3A_421 = arith.muli %add3A_389, %mul3A_420 : i32
      %add3A_422 = arith.constant 2 : i32
      %add3A_423 = arith.addi %mul3A_421, %add3A_422 : i32
      %dma_start3A_424 = arith.constant 2 : i32
      %dma_start3A_425 = arith.constant 0 : i32
      %dma_start3A_426 = arith.constant 0 : i32
      %dma_start3A_427 = tpu.memref_slice %arg7[%dma_start3A_424, %dma_start3A_425, %dma_start3A_426] : memref<4x100x64xf32, #tpu.memory_space<vmem>> -> memref<1x100x64xf32, #tpu.memory_space<vmem>>
      %dma_start3A_428 = tpu.memref_squeeze %dma_start3A_427 : memref<1x100x64xf32, #tpu.memory_space<vmem>> -> memref<100x64xf32, #tpu.memory_space<vmem>>
      %dma_start3A_429 = arith.constant 0 : i32
      %dma_start3A_430 = tpu.memref_slice %arg5[%add3A_423, %dma_start3A_429] : memref<128x100xi32, #tpu.memory_space<vmem>> -> memref<1x100xi32, #tpu.memory_space<vmem>>
      %dma_start3A_431 = tpu.memref_squeeze %dma_start3A_430 : memref<1x100xi32, #tpu.memory_space<vmem>> -> memref<100xi32, #tpu.memory_space<vmem>>
      %dma_start3A_432 = arith.constant 0 : i32
      %dma_start3A_433 = arith.constant 0 : i32
      %dma_start3A_434 = tpu.memref_slice %arg3[%dma_start3A_432, %dma_start3A_433] : memref<100000x64xf32, #tpu.memory_space<hbm>> -> memref<100000x64xf32, #tpu.memory_space<hbm>>
      tpu.enqueue_indirect_dma source(%dma_start3A_434 : memref<100000x64xf32, #tpu.memory_space<hbm>>) target(%dma_start3A_428 : memref<100x64xf32, #tpu.memory_space<vmem>>) offsets(%dma_start3A_431 : memref<100xi32, #tpu.memory_space<vmem>>) semaphore(%arg9 : memref<!tpu.dma_semaphore, #tpu.memory_space<semaphore_mem>>)
      %mul3A_435 = arith.constant 4 : i32
      %mul3A_436 = arith.muli %add3A_389, %mul3A_435 : i32
      %add3A_437 = arith.constant 3 : i32
      %add3A_438 = arith.addi %mul3A_436, %add3A_437 : i32
      %dma_start3A_439 = arith.constant 3 : i32
      %dma_start3A_440 = arith.constant 0 : i32
      %dma_start3A_441 = arith.constant 0 : i32
      %dma_start3A_442 = tpu.memref_slice %arg7[%dma_start3A_439, %dma_start3A_440, %dma_start3A_441] : memref<4x100x64xf32, #tpu.memory_space<vmem>> -> memref<1x100x64xf32, #tpu.memory_space<vmem>>
      %dma_start3A_443 = tpu.memref_squeeze %dma_start3A_442 : memref<1x100x64xf32, #tpu.memory_space<vmem>> -> memref<100x64xf32, #tpu.memory_space<vmem>>
      %dma_start3A_444 = arith.constant 0 : i32
      %dma_start3A_445 = tpu.memref_slice %arg5[%add3A_438, %dma_start3A_444] : memref<128x100xi32, #tpu.memory_space<vmem>> -> memref<1x100xi32, #tpu.memory_space<vmem>>
      %dma_start3A_446 = tpu.memref_squeeze %dma_start3A_445 : memref<1x100xi32, #tpu.memory_space<vmem>> -> memref<100xi32, #tpu.memory_space<vmem>>
      %dma_start3A_447 = arith.constant 0 : i32
      %dma_start3A_448 = arith.constant 0 : i32
      %dma_start3A_449 = tpu.memref_slice %arg3[%dma_start3A_447, %dma_start3A_448] : memref<100000x64xf32, #tpu.memory_space<hbm>> -> memref<100000x64xf32, #tpu.memory_space<hbm>>
      tpu.enqueue_indirect_dma source(%dma_start3A_449 : memref<100000x64xf32, #tpu.memory_space<hbm>>) target(%dma_start3A_443 : memref<100x64xf32, #tpu.memory_space<vmem>>) offsets(%dma_start3A_446 : memref<100xi32, #tpu.memory_space<vmem>>) semaphore(%arg9 : memref<!tpu.dma_semaphore, #tpu.memory_space<semaphore_mem>>)
      %add3A_450 = arith.constant 1 : i32
      %add3A_451 = arith.addi %add3A_237, %add3A_450 : i32
      %mul3A_452 = arith.constant 4 : i32
      %mul3A_453 = arith.muli %add3A_451, %mul3A_452 : i32
      %add3A_454 = arith.constant 0 : i32
      %add3A_455 = arith.addi %mul3A_453, %add3A_454 : i32
      %dma_wait3A_456 = arith.constant 0 : i32
      %dma_wait3A_457 = arith.constant 0 : i32
      %dma_wait3A_458 = arith.constant 0 : i32
      %dma_wait3A_459 = tpu.memref_slice %arg6[%dma_wait3A_456, %dma_wait3A_457, %dma_wait3A_458] : memref<4x100x64xf32, #tpu.memory_space<vmem>> -> memref<1x100x64xf32, #tpu.memory_space<vmem>>
      %dma_wait3A_460 = tpu.memref_squeeze %dma_wait3A_459 : memref<1x100x64xf32, #tpu.memory_space<vmem>> -> memref<100x64xf32, #tpu.memory_space<vmem>>
      %dma_wait3A_461 = arith.constant 0 : i32
      %dma_wait3A_462 = tpu.memref_slice %arg5[%add3A_455, %dma_wait3A_461] : memref<128x100xi32, #tpu.memory_space<vmem>> -> memref<1x100xi32, #tpu.memory_space<vmem>>
      %dma_wait3A_463 = tpu.memref_squeeze %dma_wait3A_462 : memref<1x100xi32, #tpu.memory_space<vmem>> -> memref<100xi32, #tpu.memory_space<vmem>>
      %dma_wait3A_464 = arith.constant 0 : i32
      %dma_wait3A_465 = arith.constant 0 : i32
      %dma_wait3A_466 = tpu.memref_slice %arg3[%dma_wait3A_464, %dma_wait3A_465] : memref<100000x64xf32, #tpu.memory_space<hbm>> -> memref<100000x64xf32, #tpu.memory_space<hbm>>
      tpu.wait_indirect_dma semaphore(%arg8 : memref<!tpu.dma_semaphore, #tpu.memory_space<semaphore_mem>>) src(%dma_wait3A_466 : memref<100000x64xf32, #tpu.memory_space<hbm>>) dst(%dma_wait3A_460 : memref<100x64xf32, #tpu.memory_space<vmem>>)
      %mul3A_467 = arith.constant 4 : i32
      %mul3A_468 = arith.muli %add3A_451, %mul3A_467 : i32
      %add3A_469 = arith.constant 1 : i32
      %add3A_470 = arith.addi %mul3A_468, %add3A_469 : i32
      %dma_wait3A_471 = arith.constant 1 : i32
      %dma_wait3A_472 = arith.constant 0 : i32
      %dma_wait3A_473 = arith.constant 0 : i32
      %dma_wait3A_474 = tpu.memref_slice %arg6[%dma_wait3A_471, %dma_wait3A_472, %dma_wait3A_473] : memref<4x100x64xf32, #tpu.memory_space<vmem>> -> memref<1x100x64xf32, #tpu.memory_space<vmem>>
      %dma_wait3A_475 = tpu.memref_squeeze %dma_wait3A_474 : memref<1x100x64xf32, #tpu.memory_space<vmem>> -> memref<100x64xf32, #tpu.memory_space<vmem>>
      %dma_wait3A_476 = arith.constant 0 : i32
      %dma_wait3A_477 = tpu.memref_slice %arg5[%add3A_470, %dma_wait3A_476] : memref<128x100xi32, #tpu.memory_space<vmem>> -> memref<1x100xi32, #tpu.memory_space<vmem>>
      %dma_wait3A_478 = tpu.memref_squeeze %dma_wait3A_477 : memref<1x100xi32, #tpu.memory_space<vmem>> -> memref<100xi32, #tpu.memory_space<vmem>>
      %dma_wait3A_479 = arith.constant 0 : i32
      %dma_wait3A_480 = arith.constant 0 : i32
      %dma_wait3A_481 = tpu.memref_slice %arg3[%dma_wait3A_479, %dma_wait3A_480] : memref<100000x64xf32, #tpu.memory_space<hbm>> -> memref<100000x64xf32, #tpu.memory_space<hbm>>
      tpu.wait_indirect_dma semaphore(%arg8 : memref<!tpu.dma_semaphore, #tpu.memory_space<semaphore_mem>>) src(%dma_wait3A_481 : memref<100000x64xf32, #tpu.memory_space<hbm>>) dst(%dma_wait3A_475 : memref<100x64xf32, #tpu.memory_space<vmem>>)
      %mul3A_482 = arith.constant 4 : i32
      %mul3A_483 = arith.muli %add3A_451, %mul3A_482 : i32
      %add3A_484 = arith.constant 2 : i32
      %add3A_485 = arith.addi %mul3A_483, %add3A_484 : i32
      %dma_wait3A_486 = arith.constant 2 : i32
      %dma_wait3A_487 = arith.constant 0 : i32
      %dma_wait3A_488 = arith.constant 0 : i32
      %dma_wait3A_489 = tpu.memref_slice %arg6[%dma_wait3A_486, %dma_wait3A_487, %dma_wait3A_488] : memref<4x100x64xf32, #tpu.memory_space<vmem>> -> memref<1x100x64xf32, #tpu.memory_space<vmem>>
      %dma_wait3A_490 = tpu.memref_squeeze %dma_wait3A_489 : memref<1x100x64xf32, #tpu.memory_space<vmem>> -> memref<100x64xf32, #tpu.memory_space<vmem>>
      %dma_wait3A_491 = arith.constant 0 : i32
      %dma_wait3A_492 = tpu.memref_slice %arg5[%add3A_485, %dma_wait3A_491] : memref<128x100xi32, #tpu.memory_space<vmem>> -> memref<1x100xi32, #tpu.memory_space<vmem>>
      %dma_wait3A_493 = tpu.memref_squeeze %dma_wait3A_492 : memref<1x100xi32, #tpu.memory_space<vmem>> -> memref<100xi32, #tpu.memory_space<vmem>>
      %dma_wait3A_494 = arith.constant 0 : i32
      %dma_wait3A_495 = arith.constant 0 : i32
      %dma_wait3A_496 = tpu.memref_slice %arg3[%dma_wait3A_494, %dma_wait3A_495] : memref<100000x64xf32, #tpu.memory_space<hbm>> -> memref<100000x64xf32, #tpu.memory_space<hbm>>
      tpu.wait_indirect_dma semaphore(%arg8 : memref<!tpu.dma_semaphore, #tpu.memory_space<semaphore_mem>>) src(%dma_wait3A_496 : memref<100000x64xf32, #tpu.memory_space<hbm>>) dst(%dma_wait3A_490 : memref<100x64xf32, #tpu.memory_space<vmem>>)
      %mul3A_497 = arith.constant 4 : i32
      %mul3A_498 = arith.muli %add3A_451, %mul3A_497 : i32
      %add3A_499 = arith.constant 3 : i32
      %add3A_500 = arith.addi %mul3A_498, %add3A_499 : i32
      %dma_wait3A_501 = arith.constant 3 : i32
      %dma_wait3A_502 = arith.constant 0 : i32
      %dma_wait3A_503 = arith.constant 0 : i32
      %dma_wait3A_504 = tpu.memref_slice %arg6[%dma_wait3A_501, %dma_wait3A_502, %dma_wait3A_503] : memref<4x100x64xf32, #tpu.memory_space<vmem>> -> memref<1x100x64xf32, #tpu.memory_space<vmem>>
      %dma_wait3A_505 = tpu.memref_squeeze %dma_wait3A_504 : memref<1x100x64xf32, #tpu.memory_space<vmem>> -> memref<100x64xf32, #tpu.memory_space<vmem>>
      %dma_wait3A_506 = arith.constant 0 : i32
      %dma_wait3A_507 = tpu.memref_slice %arg5[%add3A_500, %dma_wait3A_506] : memref<128x100xi32, #tpu.memory_space<vmem>> -> memref<1x100xi32, #tpu.memory_space<vmem>>
      %dma_wait3A_508 = tpu.memref_squeeze %dma_wait3A_507 : memref<1x100xi32, #tpu.memory_space<vmem>> -> memref<100xi32, #tpu.memory_space<vmem>>
      %dma_wait3A_509 = arith.constant 0 : i32
      %dma_wait3A_510 = arith.constant 0 : i32
      %dma_wait3A_511 = tpu.memref_slice %arg3[%dma_wait3A_509, %dma_wait3A_510] : memref<100000x64xf32, #tpu.memory_space<hbm>> -> memref<100000x64xf32, #tpu.memory_space<hbm>>
      tpu.wait_indirect_dma semaphore(%arg8 : memref<!tpu.dma_semaphore, #tpu.memory_space<semaphore_mem>>) src(%dma_wait3A_511 : memref<100000x64xf32, #tpu.memory_space<hbm>>) dst(%dma_wait3A_505 : memref<100x64xf32, #tpu.memory_space<vmem>>)
      %add3A_512 = arith.constant 1 : i32
      %add3A_513 = arith.addi %add3A_237, %add3A_512 : i32
      %mul3A_514 = arith.constant 4 : i32
      %mul3A_515 = arith.muli %add3A_513, %mul3A_514 : i32
      %add3A_516 = arith.addi %mul3A_2, %mul3A_515 : i32
      %dma_start3A_517 = arith.constant 0 : i32
      %dma_start3A_518 = arith.constant 0 : i32
      %dma_start3A_519 = tpu.memref_slice %arg4[%add3A_516, %dma_start3A_517, %dma_start3A_518] : memref<4096x100x64xf32, #tpu.memory_space<hbm>> -> memref<4x100x64xf32, #tpu.memory_space<hbm>>
      %dma_start3A_520 = arith.constant 0 : i32
      %dma_start3A_521 = arith.constant 0 : i32
      %dma_start3A_522 = tpu.memref_slice %arg4[%add3A_516, %dma_start3A_520, %dma_start3A_521] : memref<4096x100x64xf32, #tpu.memory_space<hbm>> -> memref<4x100x64xf32, #tpu.memory_space<hbm>>
      tpu.enqueue_dma source(%arg6 : memref<4x100x64xf32, #tpu.memory_space<vmem>>) target(%dma_start3A_522 : memref<4x100x64xf32, #tpu.memory_space<hbm>>) target_semaphore(%arg10 : memref<!tpu.dma_semaphore, #tpu.memory_space<semaphore_mem>>)
    }
    %scan3A_156 = arith.constant 15 : i32
    %add3A_157 = arith.constant 120 : i32
    %add3A_158 = arith.addi %mul3A_2, %add3A_157 : i32
    %dma_wait3A_159 = arith.constant 0 : i32
    %dma_wait3A_160 = arith.constant 0 : i32
    %dma_wait3A_161 = tpu.memref_slice %arg4[%add3A_158, %dma_wait3A_159, %dma_wait3A_160] : memref<4096x100x64xf32, #tpu.memory_space<hbm>> -> memref<4x100x64xf32, #tpu.memory_space<hbm>>
    %dma_wait3A_162 = arith.constant 0 : i32
    %dma_wait3A_163 = arith.constant 0 : i32
    %dma_wait3A_164 = tpu.memref_slice %arg4[%add3A_158, %dma_wait3A_162, %dma_wait3A_163] : memref<4096x100x64xf32, #tpu.memory_space<hbm>> -> memref<4x100x64xf32, #tpu.memory_space<hbm>>
    tpu.wait_dma2 semaphore(%arg10 : memref<!tpu.dma_semaphore, #tpu.memory_space<semaphore_mem>>) src(%arg6 : memref<4x100x64xf32, #tpu.memory_space<vmem>>) dst(%dma_wait3A_164 : memref<4x100x64xf32, #tpu.memory_space<hbm>>)
    %dma_wait3A_165 = arith.constant 124 : i32
    %dma_wait3A_166 = arith.constant 0 : i32
    %dma_wait3A_167 = arith.constant 0 : i32
    %dma_wait3A_168 = arith.constant 0 : i32
    %dma_wait3A_169 = tpu.memref_slice %arg7[%dma_wait3A_166, %dma_wait3A_167, %dma_wait3A_168] : memref<4x100x64xf32, #tpu.memory_space<vmem>> -> memref<1x100x64xf32, #tpu.memory_space<vmem>>
    %dma_wait3A_170 = tpu.memref_squeeze %dma_wait3A_169 : memref<1x100x64xf32, #tpu.memory_space<vmem>> -> memref<100x64xf32, #tpu.memory_space<vmem>>
    %dma_wait3A_171 = arith.constant 0 : i32
    %dma_wait3A_172 = tpu.memref_slice %arg5[%dma_wait3A_165, %dma_wait3A_171] : memref<128x100xi32, #tpu.memory_space<vmem>> -> memref<1x100xi32, #tpu.memory_space<vmem>>
    %dma_wait3A_173 = tpu.memref_squeeze %dma_wait3A_172 : memref<1x100xi32, #tpu.memory_space<vmem>> -> memref<100xi32, #tpu.memory_space<vmem>>
    %dma_wait3A_174 = arith.constant 0 : i32
    %dma_wait3A_175 = arith.constant 0 : i32
    %dma_wait3A_176 = tpu.memref_slice %arg3[%dma_wait3A_174, %dma_wait3A_175] : memref<100000x64xf32, #tpu.memory_space<hbm>> -> memref<100000x64xf32, #tpu.memory_space<hbm>>
    tpu.wait_indirect_dma semaphore(%arg9 : memref<!tpu.dma_semaphore, #tpu.memory_space<semaphore_mem>>) src(%dma_wait3A_176 : memref<100000x64xf32, #tpu.memory_space<hbm>>) dst(%dma_wait3A_170 : memref<100x64xf32, #tpu.memory_space<vmem>>)
    %dma_wait3A_177 = arith.constant 125 : i32
    %dma_wait3A_178 = arith.constant 1 : i32
    %dma_wait3A_179 = arith.constant 0 : i32
    %dma_wait3A_180 = arith.constant 0 : i32
    %dma_wait3A_181 = tpu.memref_slice %arg7[%dma_wait3A_178, %dma_wait3A_179, %dma_wait3A_180] : memref<4x100x64xf32, #tpu.memory_space<vmem>> -> memref<1x100x64xf32, #tpu.memory_space<vmem>>
    %dma_wait3A_182 = tpu.memref_squeeze %dma_wait3A_181 : memref<1x100x64xf32, #tpu.memory_space<vmem>> -> memref<100x64xf32, #tpu.memory_space<vmem>>
    %dma_wait3A_183 = arith.constant 0 : i32
    %dma_wait3A_184 = tpu.memref_slice %arg5[%dma_wait3A_177, %dma_wait3A_183] : memref<128x100xi32, #tpu.memory_space<vmem>> -> memref<1x100xi32, #tpu.memory_space<vmem>>
    %dma_wait3A_185 = tpu.memref_squeeze %dma_wait3A_184 : memref<1x100xi32, #tpu.memory_space<vmem>> -> memref<100xi32, #tpu.memory_space<vmem>>
    %dma_wait3A_186 = arith.constant 0 : i32
    %dma_wait3A_187 = arith.constant 0 : i32
    %dma_wait3A_188 = tpu.memref_slice %arg3[%dma_wait3A_186, %dma_wait3A_187] : memref<100000x64xf32, #tpu.memory_space<hbm>> -> memref<100000x64xf32, #tpu.memory_space<hbm>>
    tpu.wait_indirect_dma semaphore(%arg9 : memref<!tpu.dma_semaphore, #tpu.memory_space<semaphore_mem>>) src(%dma_wait3A_188 : memref<100000x64xf32, #tpu.memory_space<hbm>>) dst(%dma_wait3A_182 : memref<100x64xf32, #tpu.memory_space<vmem>>)
    %dma_wait3A_189 = arith.constant 126 : i32
    %dma_wait3A_190 = arith.constant 2 : i32
    %dma_wait3A_191 = arith.constant 0 : i32
    %dma_wait3A_192 = arith.constant 0 : i32
    %dma_wait3A_193 = tpu.memref_slice %arg7[%dma_wait3A_190, %dma_wait3A_191, %dma_wait3A_192] : memref<4x100x64xf32, #tpu.memory_space<vmem>> -> memref<1x100x64xf32, #tpu.memory_space<vmem>>
    %dma_wait3A_194 = tpu.memref_squeeze %dma_wait3A_193 : memref<1x100x64xf32, #tpu.memory_space<vmem>> -> memref<100x64xf32, #tpu.memory_space<vmem>>
    %dma_wait3A_195 = arith.constant 0 : i32
    %dma_wait3A_196 = tpu.memref_slice %arg5[%dma_wait3A_189, %dma_wait3A_195] : memref<128x100xi32, #tpu.memory_space<vmem>> -> memref<1x100xi32, #tpu.memory_space<vmem>>
    %dma_wait3A_197 = tpu.memref_squeeze %dma_wait3A_196 : memref<1x100xi32, #tpu.memory_space<vmem>> -> memref<100xi32, #tpu.memory_space<vmem>>
    %dma_wait3A_198 = arith.constant 0 : i32
    %dma_wait3A_199 = arith.constant 0 : i32
    %dma_wait3A_200 = tpu.memref_slice %arg3[%dma_wait3A_198, %dma_wait3A_199] : memref<100000x64xf32, #tpu.memory_space<hbm>> -> memref<100000x64xf32, #tpu.memory_space<hbm>>
    tpu.wait_indirect_dma semaphore(%arg9 : memref<!tpu.dma_semaphore, #tpu.memory_space<semaphore_mem>>) src(%dma_wait3A_200 : memref<100000x64xf32, #tpu.memory_space<hbm>>) dst(%dma_wait3A_194 : memref<100x64xf32, #tpu.memory_space<vmem>>)
    %dma_wait3A_201 = arith.constant 127 : i32
    %dma_wait3A_202 = arith.constant 3 : i32
    %dma_wait3A_203 = arith.constant 0 : i32
    %dma_wait3A_204 = arith.constant 0 : i32
    %dma_wait3A_205 = tpu.memref_slice %arg7[%dma_wait3A_202, %dma_wait3A_203, %dma_wait3A_204] : memref<4x100x64xf32, #tpu.memory_space<vmem>> -> memref<1x100x64xf32, #tpu.memory_space<vmem>>
    %dma_wait3A_206 = tpu.memref_squeeze %dma_wait3A_205 : memref<1x100x64xf32, #tpu.memory_space<vmem>> -> memref<100x64xf32, #tpu.memory_space<vmem>>
    %dma_wait3A_207 = arith.constant 0 : i32
    %dma_wait3A_208 = tpu.memref_slice %arg5[%dma_wait3A_201, %dma_wait3A_207] : memref<128x100xi32, #tpu.memory_space<vmem>> -> memref<1x100xi32, #tpu.memory_space<vmem>>
    %dma_wait3A_209 = tpu.memref_squeeze %dma_wait3A_208 : memref<1x100xi32, #tpu.memory_space<vmem>> -> memref<100xi32, #tpu.memory_space<vmem>>
    %dma_wait3A_210 = arith.constant 0 : i32
    %dma_wait3A_211 = arith.constant 0 : i32
    %dma_wait3A_212 = tpu.memref_slice %arg3[%dma_wait3A_210, %dma_wait3A_211] : memref<100000x64xf32, #tpu.memory_space<hbm>> -> memref<100000x64xf32, #tpu.memory_space<hbm>>
    tpu.wait_indirect_dma semaphore(%arg9 : memref<!tpu.dma_semaphore, #tpu.memory_space<semaphore_mem>>) src(%dma_wait3A_212 : memref<100000x64xf32, #tpu.memory_space<hbm>>) dst(%dma_wait3A_206 : memref<100x64xf32, #tpu.memory_space<vmem>>)
    %add3A_213 = arith.constant 124 : i32
    %add3A_214 = arith.addi %mul3A_2, %add3A_213 : i32
    %dma_start3A_215 = arith.constant 0 : i32
    %dma_start3A_216 = arith.constant 0 : i32
    %dma_start3A_217 = tpu.memref_slice %arg4[%add3A_214, %dma_start3A_215, %dma_start3A_216] : memref<4096x100x64xf32, #tpu.memory_space<hbm>> -> memref<4x100x64xf32, #tpu.memory_space<hbm>>
    %dma_start3A_218 = arith.constant 0 : i32
    %dma_start3A_219 = arith.constant 0 : i32
    %dma_start3A_220 = tpu.memref_slice %arg4[%add3A_214, %dma_start3A_218, %dma_start3A_219] : memref<4096x100x64xf32, #tpu.memory_space<hbm>> -> memref<4x100x64xf32, #tpu.memory_space<hbm>>
    tpu.enqueue_dma source(%arg7 : memref<4x100x64xf32, #tpu.memory_space<vmem>>) target(%dma_start3A_220 : memref<4x100x64xf32, #tpu.memory_space<hbm>>) target_semaphore(%arg11 : memref<!tpu.dma_semaphore, #tpu.memory_space<semaphore_mem>>)
    %add3A_221 = arith.constant 124 : i32
    %add3A_222 = arith.addi %mul3A_2, %add3A_221 : i32
    %dma_wait3A_223 = arith.constant 0 : i32
    %dma_wait3A_224 = arith.constant 0 : i32
    %dma_wait3A_225 = tpu.memref_slice %arg4[%add3A_222, %dma_wait3A_223, %dma_wait3A_224] : memref<4096x100x64xf32, #tpu.memory_space<hbm>> -> memref<4x100x64xf32, #tpu.memory_space<hbm>>
    %dma_wait3A_226 = arith.constant 0 : i32
    %dma_wait3A_227 = arith.constant 0 : i32
    %dma_wait3A_228 = tpu.memref_slice %arg4[%add3A_222, %dma_wait3A_226, %dma_wait3A_227] : memref<4096x100x64xf32, #tpu.memory_space<hbm>> -> memref<4x100x64xf32, #tpu.memory_space<hbm>>
    tpu.wait_dma2 semaphore(%arg11 : memref<!tpu.dma_semaphore, #tpu.memory_space<semaphore_mem>>) src(%arg7 : memref<4x100x64xf32, #tpu.memory_space<vmem>>) dst(%dma_wait3A_228 : memref<4x100x64xf32, #tpu.memory_space<hbm>>)
    return
  }
}

#map = affine_map<(d0, d1) -> (0, 0)>
#map1 = affine_map<(d0, d1) -> (0, 0, 0)>
module attributes {stable_mosaic.version = 14 : i64} {
  func.func @body(%arg0: i32, %arg1: i32, %arg2: memref<4096x100xi32, #tpu.memory_space<hbm>>, %arg3: memref<100000x64xf32, #tpu.memory_space<hbm>>, %arg4: memref<4096x100x64xf32, #tpu.memory_space<hbm>>, %arg5: memref<128x100xi32, #tpu.memory_space<vmem>>, %arg6: memref<4x100x64xf32, #tpu.memory_space<vmem>>, %arg7: memref<4x100x64xf32, #tpu.memory_space<vmem>>, %arg8: memref<!tpu.dma_semaphore, #tpu.memory_space<semaphore_mem>>, %arg9: memref<!tpu.dma_semaphore, #tpu.memory_space<semaphore_mem>>, %arg10: memref<!tpu.dma_semaphore, #tpu.memory_space<semaphore_mem>>, %arg11: memref<!tpu.dma_semaphore, #tpu.memory_space<semaphore_mem>>) attributes {dimension_semantics = [#tpu.dimension_semantics<core_parallel>, #tpu.dimension_semantics<subcore_parallel>], iteration_bounds = array<i64: 2, 16>, scalar_prefetch = 0 : i64, scratch_operands = 7 : i64, tpu.core_type = #tpu.core_type<sc_vector_subcore>, window_params = [{transform_indices = #map}, {transform_indices = #map}, {transform_indices = #map1}]} {
    %mul3A = arith.constant 2 : i32
    %mul3A_0 = arith.muli %arg1, %mul3A : i32
    %add3A = arith.addi %mul3A_0, %arg0 : i32
    %mul3A_1 = arith.constant 128 : i32
    %mul3A_2 = arith.muli %add3A, %mul3A_1 : i32
    "tpu.region"() ({
      %run_scoped3A = tpu.sem_alloc : memref<!tpu.dma_semaphore, #tpu.memory_space<semaphore_mem>>
      %dma_start3A_229 = arith.constant 0 : i32
      %dma_start3A_230 = tpu.memref_slice %arg2[%mul3A_2, %dma_start3A_229] : memref<4096x100xi32, #tpu.memory_space<hbm>> -> memref<128x100xi32, #tpu.memory_space<hbm>>
      %dma_start3A_231 = arith.constant 0 : i32
      %dma_start3A_232 = tpu.memref_slice %arg2[%mul3A_2, %dma_start3A_231] : memref<4096x100xi32, #tpu.memory_space<hbm>> -> memref<128x100xi32, #tpu.memory_space<hbm>>
      tpu.enqueue_dma source(%dma_start3A_232 : memref<128x100xi32, #tpu.memory_space<hbm>>) target(%arg5 : memref<128x100xi32, #tpu.memory_space<vmem>>) target_semaphore(%run_scoped3A : memref<!tpu.dma_semaphore, #tpu.memory_space<semaphore_mem>>)
      %dma_wait3A_233 = arith.constant 0 : i32
      %dma_wait3A_234 = tpu.memref_slice %arg2[%mul3A_2, %dma_wait3A_233] : memref<4096x100xi32, #tpu.memory_space<hbm>> -> memref<128x100xi32, #tpu.memory_space<hbm>>
      %dma_wait3A_235 = arith.constant 0 : i32
      %dma_wait3A_236 = tpu.memref_slice %arg2[%mul3A_2, %dma_wait3A_235] : memref<4096x100xi32, #tpu.memory_space<hbm>> -> memref<128x100xi32, #tpu.memory_space<hbm>>
      tpu.wait_dma2 semaphore(%run_scoped3A : memref<!tpu.dma_semaphore, #tpu.memory_space<semaphore_mem>>) src(%dma_wait3A_236 : memref<128x100xi32, #tpu.memory_space<hbm>>) dst(%arg5 : memref<128x100xi32, #tpu.memory_space<vmem>>)
      tpu.yield
    }) : () -> ()
    %dma_start3A = arith.constant 0 : i32
    %dma_start3A_3 = arith.constant 0 : i32
    %dma_start3A_4 = arith.constant 0 : i32
    %dma_start3A_5 = arith.constant 0 : i32
    %dma_start3A_6 = tpu.memref_slice %arg6[%dma_start3A_3, %dma_start3A_4, %dma_start3A_5] : memref<4x100x64xf32, #tpu.memory_space<vmem>> -> memref<1x100x64xf32, #tpu.memory_space<vmem>>
    %dma_start3A_7 = tpu.memref_squeeze %dma_start3A_6 : memref<1x100x64xf32, #tpu.memory_space<vmem>> -> memref<100x64xf32, #tpu.memory_space<vmem>>
    %dma_start3A_8 = arith.constant 0 : i32
    %dma_start3A_9 = tpu.memref_slice %arg5[%dma_start3A, %dma_start3A_8] : memref<128x100xi32, #tpu.memory_space<vmem>> -> memref<1x100xi32, #tpu.memory_space<vmem>>
    %dma_start3A_10 = tpu.memref_squeeze %dma_start3A_9 : memref<1x100xi32, #tpu.memory_space<vmem>> -> memref<100xi32, #tpu.memory_space<vmem>>
    %dma_start3A_11 = arith.constant 0 : i32
    %dma_start3A_12 = arith.constant 0 : i32
    %dma_start3A_13 = tpu.memref_slice %arg3[%dma_start3A_11, %dma_start3A_12] : memref<100000x64xf32, #tpu.memory_space<hbm>> -> memref<100000x64xf32, #tpu.memory_space<hbm>>
    tpu.enqueue_indirect_dma source(%dma_start3A_13 : memref<100000x64xf32, #tpu.memory_space<hbm>>) target(%dma_start3A_7 : memref<100x64xf32, #tpu.memory_space<vmem>>) offsets(%dma_start3A_10 : memref<100xi32, #tpu.memory_space<vmem>>) semaphore(%arg8 : memref<!tpu.dma_semaphore, #tpu.memory_space<semaphore_mem>>)
    %dma_start3A_14 = arith.constant 1 : i32
    %dma_start3A_15 = arith.constant 1 : i32
    %dma_start3A_16 = arith.constant 0 : i32
    %dma_start3A_17 = arith.constant 0 : i32
    %dma_start3A_18 = tpu.memref_slice %arg6[%dma_start3A_15, %dma_start3A_16, %dma_start3A_17] : memref<4x100x64xf32, #tpu.memory_space<vmem>> -> memref<1x100x64xf32, #tpu.memory_space<vmem>>
    %dma_start3A_19 = tpu.memref_squeeze %dma_start3A_18 : memref<1x100x64xf32, #tpu.memory_space<vmem>> -> memref<100x64xf32, #tpu.memory_space<vmem>>
    %dma_start3A_20 = arith.constant 0 : i32
    %dma_start3A_21 = tpu.memref_slice %arg5[%dma_start3A_14, %dma_start3A_20] : memref<128x100xi32, #tpu.memory_space<vmem>> -> memref<1x100xi32, #tpu.memory_space<vmem>>
    %dma_start3A_22 = tpu.memref_squeeze %dma_start3A_21 : memref<1x100xi32, #tpu.memory_space<vmem>> -> memref<100xi32, #tpu.memory_space<vmem>>
    %dma_start3A_23 = arith.constant 0 : i32
    %dma_start3A_24 = arith.constant 0 : i32
    %dma_start3A_25 = tpu.memref_slice %arg3[%dma_start3A_23, %dma_start3A_24] : memref<100000x64xf32, #tpu.memory_space<hbm>> -> memref<100000x64xf32, #tpu.memory_space<hbm>>
    tpu.enqueue_indirect_dma source(%dma_start3A_25 : memref<100000x64xf32, #tpu.memory_space<hbm>>) target(%dma_start3A_19 : memref<100x64xf32, #tpu.memory_space<vmem>>) offsets(%dma_start3A_22 : memref<100xi32, #tpu.memory_space<vmem>>) semaphore(%arg8 : memref<!tpu.dma_semaphore, #tpu.memory_space<semaphore_mem>>)
    %dma_start3A_26 = arith.constant 2 : i32
    %dma_start3A_27 = arith.constant 2 : i32
    %dma_start3A_28 = arith.constant 0 : i32
    %dma_start3A_29 = arith.constant 0 : i32
    %dma_start3A_30 = tpu.memref_slice %arg6[%dma_start3A_27, %dma_start3A_28, %dma_start3A_29] : memref<4x100x64xf32, #tpu.memory_space<vmem>> -> memref<1x100x64xf32, #tpu.memory_space<vmem>>
    %dma_start3A_31 = tpu.memref_squeeze %dma_start3A_30 : memref<1x100x64xf32, #tpu.memory_space<vmem>> -> memref<100x64xf32, #tpu.memory_space<vmem>>
    %dma_start3A_32 = arith.constant 0 : i32
    %dma_start3A_33 = tpu.memref_slice %arg5[%dma_start3A_26, %dma_start3A_32] : memref<128x100xi32, #tpu.memory_space<vmem>> -> memref<1x100xi32, #tpu.memory_space<vmem>>
    %dma_start3A_34 = tpu.memref_squeeze %dma_start3A_33 : memref<1x100xi32, #tpu.memory_space<vmem>> -> memref<100xi32, #tpu.memory_space<vmem>>
    %dma_start3A_35 = arith.constant 0 : i32
    %dma_start3A_36 = arith.constant 0 : i32
    %dma_start3A_37 = tpu.memref_slice %arg3[%dma_start3A_35, %dma_start3A_36] : memref<100000x64xf32, #tpu.memory_space<hbm>> -> memref<100000x64xf32, #tpu.memory_space<hbm>>
    tpu.enqueue_indirect_dma source(%dma_start3A_37 : memref<100000x64xf32, #tpu.memory_space<hbm>>) target(%dma_start3A_31 : memref<100x64xf32, #tpu.memory_space<vmem>>) offsets(%dma_start3A_34 : memref<100xi32, #tpu.memory_space<vmem>>) semaphore(%arg8 : memref<!tpu.dma_semaphore, #tpu.memory_space<semaphore_mem>>)
    %dma_start3A_38 = arith.constant 3 : i32
    %dma_start3A_39 = arith.constant 3 : i32
    %dma_start3A_40 = arith.constant 0 : i32
    %dma_start3A_41 = arith.constant 0 : i32
    %dma_start3A_42 = tpu.memref_slice %arg6[%dma_start3A_39, %dma_start3A_40, %dma_start3A_41] : memref<4x100x64xf32, #tpu.memory_space<vmem>> -> memref<1x100x64xf32, #tpu.memory_space<vmem>>
    %dma_start3A_43 = tpu.memref_squeeze %dma_start3A_42 : memref<1x100x64xf32, #tpu.memory_space<vmem>> -> memref<100x64xf32, #tpu.memory_space<vmem>>
    %dma_start3A_44 = arith.constant 0 : i32
    %dma_start3A_45 = tpu.memref_slice %arg5[%dma_start3A_38, %dma_start3A_44] : memref<128x100xi32, #tpu.memory_space<vmem>> -> memref<1x100xi32, #tpu.memory_space<vmem>>
    %dma_start3A_46 = tpu.memref_squeeze %dma_start3A_45 : memref<1x100xi32, #tpu.memory_space<vmem>> -> memref<100xi32, #tpu.memory_space<vmem>>
    %dma_start3A_47 = arith.constant 0 : i32
    %dma_start3A_48 = arith.constant 0 : i32
    %dma_start3A_49 = tpu.memref_slice %arg3[%dma_start3A_47, %dma_start3A_48] : memref<100000x64xf32, #tpu.memory_space<hbm>> -> memref<100000x64xf32, #tpu.memory_space<hbm>>
    tpu.enqueue_indirect_dma source(%dma_start3A_49 : memref<100000x64xf32, #tpu.memory_space<hbm>>) target(%dma_start3A_43 : memref<100x64xf32, #tpu.memory_space<vmem>>) offsets(%dma_start3A_46 : memref<100xi32, #tpu.memory_space<vmem>>) semaphore(%arg8 : memref<!tpu.dma_semaphore, #tpu.memory_space<semaphore_mem>>)
    %dma_start3A_50 = arith.constant 4 : i32
    %dma_start3A_51 = arith.constant 0 : i32
    %dma_start3A_52 = arith.constant 0 : i32
    %dma_start3A_53 = arith.constant 0 : i32
    %dma_start3A_54 = tpu.memref_slice %arg7[%dma_start3A_51, %dma_start3A_52, %dma_start3A_53] : memref<4x100x64xf32, #tpu.memory_space<vmem>> -> memref<1x100x64xf32, #tpu.memory_space<vmem>>
    %dma_start3A_55 = tpu.memref_squeeze %dma_start3A_54 : memref<1x100x64xf32, #tpu.memory_space<vmem>> -> memref<100x64xf32, #tpu.memory_space<vmem>>
    %dma_start3A_56 = arith.constant 0 : i32
    %dma_start3A_57 = tpu.memref_slice %arg5[%dma_start3A_50, %dma_start3A_56] : memref<128x100xi32, #tpu.memory_space<vmem>> -> memref<1x100xi32, #tpu.memory_space<vmem>>
    %dma_start3A_58 = tpu.memref_squeeze %dma_start3A_57 : memref<1x100xi32, #tpu.memory_space<vmem>> -> memref<100xi32, #tpu.memory_space<vmem>>
    %dma_start3A_59 = arith.constant 0 : i32
    %dma_start3A_60 = arith.constant 0 : i32
    %dma_start3A_61 = tpu.memref_slice %arg3[%dma_start3A_59, %dma_start3A_60] : memref<100000x64xf32, #tpu.memory_space<hbm>> -> memref<100000x64xf32, #tpu.memory_space<hbm>>
    tpu.enqueue_indirect_dma source(%dma_start3A_61 : memref<100000x64xf32, #tpu.memory_space<hbm>>) target(%dma_start3A_55 : memref<100x64xf32, #tpu.memory_space<vmem>>) offsets(%dma_start3A_58 : memref<100xi32, #tpu.memory_space<vmem>>) semaphore(%arg9 : memref<!tpu.dma_semaphore, #tpu.memory_space<semaphore_mem>>)
    %dma_start3A_62 = arith.constant 5 : i32
    %dma_start3A_63 = arith.constant 1 : i32
    %dma_start3A_64 = arith.constant 0 : i32
    %dma_start3A_65 = arith.constant 0 : i32
    %dma_start3A_66 = tpu.memref_slice %arg7[%dma_start3A_63, %dma_start3A_64, %dma_start3A_65] : memref<4x100x64xf32, #tpu.memory_space<vmem>> -> memref<1x100x64xf32, #tpu.memory_space<vmem>>
    %dma_start3A_67 = tpu.memref_squeeze %dma_start3A_66 : memref<1x100x64xf32, #tpu.memory_space<vmem>> -> memref<100x64xf32, #tpu.memory_space<vmem>>
    %dma_start3A_68 = arith.constant 0 : i32
    %dma_start3A_69 = tpu.memref_slice %arg5[%dma_start3A_62, %dma_start3A_68] : memref<128x100xi32, #tpu.memory_space<vmem>> -> memref<1x100xi32, #tpu.memory_space<vmem>>
    %dma_start3A_70 = tpu.memref_squeeze %dma_start3A_69 : memref<1x100xi32, #tpu.memory_space<vmem>> -> memref<100xi32, #tpu.memory_space<vmem>>
    %dma_start3A_71 = arith.constant 0 : i32
    %dma_start3A_72 = arith.constant 0 : i32
    %dma_start3A_73 = tpu.memref_slice %arg3[%dma_start3A_71, %dma_start3A_72] : memref<100000x64xf32, #tpu.memory_space<hbm>> -> memref<100000x64xf32, #tpu.memory_space<hbm>>
    tpu.enqueue_indirect_dma source(%dma_start3A_73 : memref<100000x64xf32, #tpu.memory_space<hbm>>) target(%dma_start3A_67 : memref<100x64xf32, #tpu.memory_space<vmem>>) offsets(%dma_start3A_70 : memref<100xi32, #tpu.memory_space<vmem>>) semaphore(%arg9 : memref<!tpu.dma_semaphore, #tpu.memory_space<semaphore_mem>>)
    %dma_start3A_74 = arith.constant 6 : i32
    %dma_start3A_75 = arith.constant 2 : i32
    %dma_start3A_76 = arith.constant 0 : i32
    %dma_start3A_77 = arith.constant 0 : i32
    %dma_start3A_78 = tpu.memref_slice %arg7[%dma_start3A_75, %dma_start3A_76, %dma_start3A_77] : memref<4x100x64xf32, #tpu.memory_space<vmem>> -> memref<1x100x64xf32, #tpu.memory_space<vmem>>
    %dma_start3A_79 = tpu.memref_squeeze %dma_start3A_78 : memref<1x100x64xf32, #tpu.memory_space<vmem>> -> memref<100x64xf32, #tpu.memory_space<vmem>>
    %dma_start3A_80 = arith.constant 0 : i32
    %dma_start3A_81 = tpu.memref_slice %arg5[%dma_start3A_74, %dma_start3A_80] : memref<128x100xi32, #tpu.memory_space<vmem>> -> memref<1x100xi32, #tpu.memory_space<vmem>>
    %dma_start3A_82 = tpu.memref_squeeze %dma_start3A_81 : memref<1x100xi32, #tpu.memory_space<vmem>> -> memref<100xi32, #tpu.memory_space<vmem>>
    %dma_start3A_83 = arith.constant 0 : i32
    %dma_start3A_84 = arith.constant 0 : i32
    %dma_start3A_85 = tpu.memref_slice %arg3[%dma_start3A_83, %dma_start3A_84] : memref<100000x64xf32, #tpu.memory_space<hbm>> -> memref<100000x64xf32, #tpu.memory_space<hbm>>
    tpu.enqueue_indirect_dma source(%dma_start3A_85 : memref<100000x64xf32, #tpu.memory_space<hbm>>) target(%dma_start3A_79 : memref<100x64xf32, #tpu.memory_space<vmem>>) offsets(%dma_start3A_82 : memref<100xi32, #tpu.memory_space<vmem>>) semaphore(%arg9 : memref<!tpu.dma_semaphore, #tpu.memory_space<semaphore_mem>>)
    %dma_start3A_86 = arith.constant 7 : i32
    %dma_start3A_87 = arith.constant 3 : i32
    %dma_start3A_88 = arith.constant 0 : i32
    %dma_start3A_89 = arith.constant 0 : i32
    %dma_start3A_90 = tpu.memref_slice %arg7[%dma_start3A_87, %dma_start3A_88, %dma_start3A_89] : memref<4x100x64xf32, #tpu.memory_space<vmem>> -> memref<1x100x64xf32, #tpu.memory_space<vmem>>
    %dma_start3A_91 = tpu.memref_squeeze %dma_start3A_90 : memref<1x100x64xf32, #tpu.memory_space<vmem>> -> memref<100x64xf32, #tpu.memory_space<vmem>>
    %dma_start3A_92 = arith.constant 0 : i32
    %dma_start3A_93 = tpu.memref_slice %arg5[%dma_start3A_86, %dma_start3A_92] : memref<128x100xi32, #tpu.memory_space<vmem>> -> memref<1x100xi32, #tpu.memory_space<vmem>>
    %dma_start3A_94 = tpu.memref_squeeze %dma_start3A_93 : memref<1x100xi32, #tpu.memory_space<vmem>> -> memref<100xi32, #tpu.memory_space<vmem>>
    %dma_start3A_95 = arith.constant 0 : i32
    %dma_start3A_96 = arith.constant 0 : i32
    %dma_start3A_97 = tpu.memref_slice %arg3[%dma_start3A_95, %dma_start3A_96] : memref<100000x64xf32, #tpu.memory_space<hbm>> -> memref<100000x64xf32, #tpu.memory_space<hbm>>
    tpu.enqueue_indirect_dma source(%dma_start3A_97 : memref<100000x64xf32, #tpu.memory_space<hbm>>) target(%dma_start3A_91 : memref<100x64xf32, #tpu.memory_space<vmem>>) offsets(%dma_start3A_94 : memref<100xi32, #tpu.memory_space<vmem>>) semaphore(%arg9 : memref<!tpu.dma_semaphore, #tpu.memory_space<semaphore_mem>>)
    %dma_wait3A = arith.constant 0 : i32
    %dma_wait3A_98 = arith.constant 0 : i32
    %dma_wait3A_99 = arith.constant 0 : i32
    %dma_wait3A_100 = arith.constant 0 : i32
    %dma_wait3A_101 = tpu.memref_slice %arg6[%dma_wait3A_98, %dma_wait3A_99, %dma_wait3A_100] : memref<4x100x64xf32, #tpu.memory_space<vmem>> -> memref<1x100x64xf32, #tpu.memory_space<vmem>>
    %dma_wait3A_102 = tpu.memref_squeeze %dma_wait3A_101 : memref<1x100x64xf32, #tpu.memory_space<vmem>> -> memref<100x64xf32, #tpu.memory_space<vmem>>
    %dma_wait3A_103 = arith.constant 0 : i32
    %dma_wait3A_104 = tpu.memref_slice %arg5[%dma_wait3A, %dma_wait3A_103] : memref<128x100xi32, #tpu.memory_space<vmem>> -> memref<1x100xi32, #tpu.memory_space<vmem>>
    %dma_wait3A_105 = tpu.memref_squeeze %dma_wait3A_104 : memref<1x100xi32, #tpu.memory_space<vmem>> -> memref<100xi32, #tpu.memory_space<vmem>>
    %dma_wait3A_106 = arith.constant 0 : i32
    %dma_wait3A_107 = arith.constant 0 : i32
    %dma_wait3A_108 = tpu.memref_slice %arg3[%dma_wait3A_106, %dma_wait3A_107] : memref<100000x64xf32, #tpu.memory_space<hbm>> -> memref<100000x64xf32, #tpu.memory_space<hbm>>
    tpu.wait_indirect_dma semaphore(%arg8 : memref<!tpu.dma_semaphore, #tpu.memory_space<semaphore_mem>>) src(%dma_wait3A_108 : memref<100000x64xf32, #tpu.memory_space<hbm>>) dst(%dma_wait3A_102 : memref<100x64xf32, #tpu.memory_space<vmem>>)
    %dma_wait3A_109 = arith.constant 1 : i32
    %dma_wait3A_110 = arith.constant 1 : i32
    %dma_wait3A_111 = arith.constant 0 : i32
    %dma_wait3A_112 = arith.constant 0 : i32
    %dma_wait3A_113 = tpu.memref_slice %arg6[%dma_wait3A_110, %dma_wait3A_111, %dma_wait3A_112] : memref<4x100x64xf32, #tpu.memory_space<vmem>> -> memref<1x100x64xf32, #tpu.memory_space<vmem>>
    %dma_wait3A_114 = tpu.memref_squeeze %dma_wait3A_113 : memref<1x100x64xf32, #tpu.memory_space<vmem>> -> memref<100x64xf32, #tpu.memory_space<vmem>>
    %dma_wait3A_115 = arith.constant 0 : i32
    %dma_wait3A_116 = tpu.memref_slice %arg5[%dma_wait3A_109, %dma_wait3A_115] : memref<128x100xi32, #tpu.memory_space<vmem>> -> memref<1x100xi32, #tpu.memory_space<vmem>>
    %dma_wait3A_117 = tpu.memref_squeeze %dma_wait3A_116 : memref<1x100xi32, #tpu.memory_space<vmem>> -> memref<100xi32, #tpu.memory_space<vmem>>
    %dma_wait3A_118 = arith.constant 0 : i32
    %dma_wait3A_119 = arith.constant 0 : i32
    %dma_wait3A_120 = tpu.memref_slice %arg3[%dma_wait3A_118, %dma_wait3A_119] : memref<100000x64xf32, #tpu.memory_space<hbm>> -> memref<100000x64xf32, #tpu.memory_space<hbm>>
    tpu.wait_indirect_dma semaphore(%arg8 : memref<!tpu.dma_semaphore, #tpu.memory_space<semaphore_mem>>) src(%dma_wait3A_120 : memref<100000x64xf32, #tpu.memory_space<hbm>>) dst(%dma_wait3A_114 : memref<100x64xf32, #tpu.memory_space<vmem>>)
    %dma_wait3A_121 = arith.constant 2 : i32
    %dma_wait3A_122 = arith.constant 2 : i32
    %dma_wait3A_123 = arith.constant 0 : i32
    %dma_wait3A_124 = arith.constant 0 : i32
    %dma_wait3A_125 = tpu.memref_slice %arg6[%dma_wait3A_122, %dma_wait3A_123, %dma_wait3A_124] : memref<4x100x64xf32, #tpu.memory_space<vmem>> -> memref<1x100x64xf32, #tpu.memory_space<vmem>>
    %dma_wait3A_126 = tpu.memref_squeeze %dma_wait3A_125 : memref<1x100x64xf32, #tpu.memory_space<vmem>> -> memref<100x64xf32, #tpu.memory_space<vmem>>
    %dma_wait3A_127 = arith.constant 0 : i32
    %dma_wait3A_128 = tpu.memref_slice %arg5[%dma_wait3A_121, %dma_wait3A_127] : memref<128x100xi32, #tpu.memory_space<vmem>> -> memref<1x100xi32, #tpu.memory_space<vmem>>
    %dma_wait3A_129 = tpu.memref_squeeze %dma_wait3A_128 : memref<1x100xi32, #tpu.memory_space<vmem>> -> memref<100xi32, #tpu.memory_space<vmem>>
    %dma_wait3A_130 = arith.constant 0 : i32
    %dma_wait3A_131 = arith.constant 0 : i32
    %dma_wait3A_132 = tpu.memref_slice %arg3[%dma_wait3A_130, %dma_wait3A_131] : memref<100000x64xf32, #tpu.memory_space<hbm>> -> memref<100000x64xf32, #tpu.memory_space<hbm>>
    tpu.wait_indirect_dma semaphore(%arg8 : memref<!tpu.dma_semaphore, #tpu.memory_space<semaphore_mem>>) src(%dma_wait3A_132 : memref<100000x64xf32, #tpu.memory_space<hbm>>) dst(%dma_wait3A_126 : memref<100x64xf32, #tpu.memory_space<vmem>>)
    %dma_wait3A_133 = arith.constant 3 : i32
    %dma_wait3A_134 = arith.constant 3 : i32
    %dma_wait3A_135 = arith.constant 0 : i32
    %dma_wait3A_136 = arith.constant 0 : i32
    %dma_wait3A_137 = tpu.memref_slice %arg6[%dma_wait3A_134, %dma_wait3A_135, %dma_wait3A_136] : memref<4x100x64xf32, #tpu.memory_space<vmem>> -> memref<1x100x64xf32, #tpu.memory_space<vmem>>
    %dma_wait3A_138 = tpu.memref_squeeze %dma_wait3A_137 : memref<1x100x64xf32, #tpu.memory_space<vmem>> -> memref<100x64xf32, #tpu.memory_space<vmem>>
    %dma_wait3A_139 = arith.constant 0 : i32
    %dma_wait3A_140 = tpu.memref_slice %arg5[%dma_wait3A_133, %dma_wait3A_139] : memref<128x100xi32, #tpu.memory_space<vmem>> -> memref<1x100xi32, #tpu.memory_space<vmem>>
    %dma_wait3A_141 = tpu.memref_squeeze %dma_wait3A_140 : memref<1x100xi32, #tpu.memory_space<vmem>> -> memref<100xi32, #tpu.memory_space<vmem>>
    %dma_wait3A_142 = arith.constant 0 : i32
    %dma_wait3A_143 = arith.constant 0 : i32
    %dma_wait3A_144 = tpu.memref_slice %arg3[%dma_wait3A_142, %dma_wait3A_143] : memref<100000x64xf32, #tpu.memory_space<hbm>> -> memref<100000x64xf32, #tpu.memory_space<hbm>>
    tpu.wait_indirect_dma semaphore(%arg8 : memref<!tpu.dma_semaphore, #tpu.memory_space<semaphore_mem>>) src(%dma_wait3A_144 : memref<100000x64xf32, #tpu.memory_space<hbm>>) dst(%dma_wait3A_138 : memref<100x64xf32, #tpu.memory_space<vmem>>)
    %add3A_145 = arith.constant 0 : i32
    %add3A_146 = arith.addi %mul3A_2, %add3A_145 : i32
    %dma_start3A_147 = arith.constant 0 : i32
    %dma_start3A_148 = arith.constant 0 : i32
    %dma_start3A_149 = tpu.memref_slice %arg4[%add3A_146, %dma_start3A_147, %dma_start3A_148] : memref<4096x100x64xf32, #tpu.memory_space<hbm>> -> memref<4x100x64xf32, #tpu.memory_space<hbm>>
    %dma_start3A_150 = arith.constant 0 : i32
    %dma_start3A_151 = arith.constant 0 : i32
    %dma_start3A_152 = tpu.memref_slice %arg4[%add3A_146, %dma_start3A_150, %dma_start3A_151] : memref<4096x100x64xf32, #tpu.memory_space<hbm>> -> memref<4x100x64xf32, #tpu.memory_space<hbm>>
    tpu.enqueue_dma source(%arg6 : memref<4x100x64xf32, #tpu.memory_space<vmem>>) target(%dma_start3A_152 : memref<4x100x64xf32, #tpu.memory_space<hbm>>) target_semaphore(%arg10 : memref<!tpu.dma_semaphore, #tpu.memory_space<semaphore_mem>>)
    %scan3A = arith.constant 0 : i32
    %scan3A_153 = arith.constant 15 : i32
    %scan3A_154 = arith.addi %scan3A, %scan3A_153 : i32
    %scan3A_155 = arith.constant 1 : i32
    scf.for %scan3A_229 = %scan3A to %scan3A_154 step %scan3A_155  : i32 {
      %mul3A_230 = arith.constant 1 : i32
      %mul3A_231 = arith.muli %scan3A_229, %mul3A_230 : i32
      %add3A_232 = arith.constant 0 : i32
      %add3A_233 = arith.addi %add3A_232, %mul3A_231 : i32
      %mul3A_234 = arith.constant 2 : i32
      %mul3A_235 = arith.muli %mul3A_234, %add3A_233 : i32
      %add3A_236 = arith.constant 1 : i32
      %add3A_237 = arith.addi %add3A_236, %mul3A_235 : i32
      %sub3A = arith.constant 1 : i32
      %sub3A_238 = arith.subi %add3A_237, %sub3A : i32
      %mul3A_239 = arith.constant 4 : i32
      %mul3A_240 = arith.muli %sub3A_238, %mul3A_239 : i32
      %add3A_241 = arith.addi %mul3A_2, %mul3A_240 : i32
      %dma_wait3A_242 = arith.constant 0 : i32
      %dma_wait3A_243 = arith.constant 0 : i32
      %dma_wait3A_244 = tpu.memref_slice %arg4[%add3A_241, %dma_wait3A_242, %dma_wait3A_243] : memref<4096x100x64xf32, #tpu.memory_space<hbm>> -> memref<4x100x64xf32, #tpu.memory_space<hbm>>
      %dma_wait3A_245 = arith.constant 0 : i32
      %dma_wait3A_246 = arith.constant 0 : i32
      %dma_wait3A_247 = tpu.memref_slice %arg4[%add3A_241, %dma_wait3A_245, %dma_wait3A_246] : memref<4096x100x64xf32, #tpu.memory_space<hbm>> -> memref<4x100x64xf32, #tpu.memory_space<hbm>>
      tpu.wait_dma2 semaphore(%arg10 : memref<!tpu.dma_semaphore, #tpu.memory_space<semaphore_mem>>) src(%arg6 : memref<4x100x64xf32, #tpu.memory_space<vmem>>) dst(%dma_wait3A_247 : memref<4x100x64xf32, #tpu.memory_space<hbm>>)
      %add3A_248 = arith.constant 1 : i32
      %add3A_249 = arith.addi %add3A_237, %add3A_248 : i32
      %mul3A_250 = arith.constant 4 : i32
      %mul3A_251 = arith.muli %add3A_249, %mul3A_250 : i32
      %add3A_252 = arith.constant 0 : i32
      %add3A_253 = arith.addi %mul3A_251, %add3A_252 : i32
      %dma_start3A_254 = arith.constant 0 : i32
      %dma_start3A_255 = arith.constant 0 : i32
      %dma_start3A_256 = arith.constant 0 : i32
      %dma_start3A_257 = tpu.memref_slice %arg6[%dma_start3A_254, %dma_start3A_255, %dma_start3A_256] : memref<4x100x64xf32, #tpu.memory_space<vmem>> -> memref<1x100x64xf32, #tpu.memory_space<vmem>>
      %dma_start3A_258 = tpu.memref_squeeze %dma_start3A_257 : memref<1x100x64xf32, #tpu.memory_space<vmem>> -> memref<100x64xf32, #tpu.memory_space<vmem>>
      %dma_start3A_259 = arith.constant 0 : i32
      %dma_start3A_260 = tpu.memref_slice %arg5[%add3A_253, %dma_start3A_259] : memref<128x100xi32, #tpu.memory_space<vmem>> -> memref<1x100xi32, #tpu.memory_space<vmem>>
      %dma_start3A_261 = tpu.memref_squeeze %dma_start3A_260 : memref<1x100xi32, #tpu.memory_space<vmem>> -> memref<100xi32, #tpu.memory_space<vmem>>
      %dma_start3A_262 = arith.constant 0 : i32
      %dma_start3A_263 = arith.constant 0 : i32
      %dma_start3A_264 = tpu.memref_slice %arg3[%dma_start3A_262, %dma_start3A_263] : memref<100000x64xf32, #tpu.memory_space<hbm>> -> memref<100000x64xf32, #tpu.memory_space<hbm>>
      tpu.enqueue_indirect_dma source(%dma_start3A_264 : memref<100000x64xf32, #tpu.memory_space<hbm>>) target(%dma_start3A_258 : memref<100x64xf32, #tpu.memory_space<vmem>>) offsets(%dma_start3A_261 : memref<100xi32, #tpu.memory_space<vmem>>) semaphore(%arg8 : memref<!tpu.dma_semaphore, #tpu.memory_space<semaphore_mem>>)
      %mul3A_265 = arith.constant 4 : i32
      %mul3A_266 = arith.muli %add3A_249, %mul3A_265 : i32
      %add3A_267 = arith.constant 1 : i32
      %add3A_268 = arith.addi %mul3A_266, %add3A_267 : i32
      %dma_start3A_269 = arith.constant 1 : i32
      %dma_start3A_270 = arith.constant 0 : i32
      %dma_start3A_271 = arith.constant 0 : i32
      %dma_start3A_272 = tpu.memref_slice %arg6[%dma_start3A_269, %dma_start3A_270, %dma_start3A_271] : memref<4x100x64xf32, #tpu.memory_space<vmem>> -> memref<1x100x64xf32, #tpu.memory_space<vmem>>
      %dma_start3A_273 = tpu.memref_squeeze %dma_start3A_272 : memref<1x100x64xf32, #tpu.memory_space<vmem>> -> memref<100x64xf32, #tpu.memory_space<vmem>>
      %dma_start3A_274 = arith.constant 0 : i32
      %dma_start3A_275 = tpu.memref_slice %arg5[%add3A_268, %dma_start3A_274] : memref<128x100xi32, #tpu.memory_space<vmem>> -> memref<1x100xi32, #tpu.memory_space<vmem>>
      %dma_start3A_276 = tpu.memref_squeeze %dma_start3A_275 : memref<1x100xi32, #tpu.memory_space<vmem>> -> memref<100xi32, #tpu.memory_space<vmem>>
      %dma_start3A_277 = arith.constant 0 : i32
      %dma_start3A_278 = arith.constant 0 : i32
      %dma_start3A_279 = tpu.memref_slice %arg3[%dma_start3A_277, %dma_start3A_278] : memref<100000x64xf32, #tpu.memory_space<hbm>> -> memref<100000x64xf32, #tpu.memory_space<hbm>>
      tpu.enqueue_indirect_dma source(%dma_start3A_279 : memref<100000x64xf32, #tpu.memory_space<hbm>>) target(%dma_start3A_273 : memref<100x64xf32, #tpu.memory_space<vmem>>) offsets(%dma_start3A_276 : memref<100xi32, #tpu.memory_space<vmem>>) semaphore(%arg8 : memref<!tpu.dma_semaphore, #tpu.memory_space<semaphore_mem>>)
      %mul3A_280 = arith.constant 4 : i32
      %mul3A_281 = arith.muli %add3A_249, %mul3A_280 : i32
      %add3A_282 = arith.constant 2 : i32
      %add3A_283 = arith.addi %mul3A_281, %add3A_282 : i32
      %dma_start3A_284 = arith.constant 2 : i32
      %dma_start3A_285 = arith.constant 0 : i32
      %dma_start3A_286 = arith.constant 0 : i32
      %dma_start3A_287 = tpu.memref_slice %arg6[%dma_start3A_284, %dma_start3A_285, %dma_start3A_286] : memref<4x100x64xf32, #tpu.memory_space<vmem>> -> memref<1x100x64xf32, #tpu.memory_space<vmem>>
      %dma_start3A_288 = tpu.memref_squeeze %dma_start3A_287 : memref<1x100x64xf32, #tpu.memory_space<vmem>> -> memref<100x64xf32, #tpu.memory_space<vmem>>
      %dma_start3A_289 = arith.constant 0 : i32
      %dma_start3A_290 = tpu.memref_slice %arg5[%add3A_283, %dma_start3A_289] : memref<128x100xi32, #tpu.memory_space<vmem>> -> memref<1x100xi32, #tpu.memory_space<vmem>>
      %dma_start3A_291 = tpu.memref_squeeze %dma_start3A_290 : memref<1x100xi32, #tpu.memory_space<vmem>> -> memref<100xi32, #tpu.memory_space<vmem>>
      %dma_start3A_292 = arith.constant 0 : i32
      %dma_start3A_293 = arith.constant 0 : i32
      %dma_start3A_294 = tpu.memref_slice %arg3[%dma_start3A_292, %dma_start3A_293] : memref<100000x64xf32, #tpu.memory_space<hbm>> -> memref<100000x64xf32, #tpu.memory_space<hbm>>
      tpu.enqueue_indirect_dma source(%dma_start3A_294 : memref<100000x64xf32, #tpu.memory_space<hbm>>) target(%dma_start3A_288 : memref<100x64xf32, #tpu.memory_space<vmem>>) offsets(%dma_start3A_291 : memref<100xi32, #tpu.memory_space<vmem>>) semaphore(%arg8 : memref<!tpu.dma_semaphore, #tpu.memory_space<semaphore_mem>>)
      %mul3A_295 = arith.constant 4 : i32
      %mul3A_296 = arith.muli %add3A_249, %mul3A_295 : i32
      %add3A_297 = arith.constant 3 : i32
      %add3A_298 = arith.addi %mul3A_296, %add3A_297 : i32
      %dma_start3A_299 = arith.constant 3 : i32
      %dma_start3A_300 = arith.constant 0 : i32
      %dma_start3A_301 = arith.constant 0 : i32
      %dma_start3A_302 = tpu.memref_slice %arg6[%dma_start3A_299, %dma_start3A_300, %dma_start3A_301] : memref<4x100x64xf32, #tpu.memory_space<vmem>> -> memref<1x100x64xf32, #tpu.memory_space<vmem>>
      %dma_start3A_303 = tpu.memref_squeeze %dma_start3A_302 : memref<1x100x64xf32, #tpu.memory_space<vmem>> -> memref<100x64xf32, #tpu.memory_space<vmem>>
      %dma_start3A_304 = arith.constant 0 : i32
      %dma_start3A_305 = tpu.memref_slice %arg5[%add3A_298, %dma_start3A_304] : memref<128x100xi32, #tpu.memory_space<vmem>> -> memref<1x100xi32, #tpu.memory_space<vmem>>
      %dma_start3A_306 = tpu.memref_squeeze %dma_start3A_305 : memref<1x100xi32, #tpu.memory_space<vmem>> -> memref<100xi32, #tpu.memory_space<vmem>>
      %dma_start3A_307 = arith.constant 0 : i32
      %dma_start3A_308 = arith.constant 0 : i32
      %dma_start3A_309 = tpu.memref_slice %arg3[%dma_start3A_307, %dma_start3A_308] : memref<100000x64xf32, #tpu.memory_space<hbm>> -> memref<100000x64xf32, #tpu.memory_space<hbm>>
      tpu.enqueue_indirect_dma source(%dma_start3A_309 : memref<100000x64xf32, #tpu.memory_space<hbm>>) target(%dma_start3A_303 : memref<100x64xf32, #tpu.memory_space<vmem>>) offsets(%dma_start3A_306 : memref<100xi32, #tpu.memory_space<vmem>>) semaphore(%arg8 : memref<!tpu.dma_semaphore, #tpu.memory_space<semaphore_mem>>)
      %mul3A_310 = arith.constant 4 : i32
      %mul3A_311 = arith.muli %add3A_237, %mul3A_310 : i32
      %add3A_312 = arith.constant 0 : i32
      %add3A_313 = arith.addi %mul3A_311, %add3A_312 : i32
      %dma_wait3A_314 = arith.constant 0 : i32
      %dma_wait3A_315 = arith.constant 0 : i32
      %dma_wait3A_316 = arith.constant 0 : i32
      %dma_wait3A_317 = tpu.memref_slice %arg7[%dma_wait3A_314, %dma_wait3A_315, %dma_wait3A_316] : memref<4x100x64xf32, #tpu.memory_space<vmem>> -> memref<1x100x64xf32, #tpu.memory_space<vmem>>
      %dma_wait3A_318 = tpu.memref_squeeze %dma_wait3A_317 : memref<1x100x64xf32, #tpu.memory_space<vmem>> -> memref<100x64xf32, #tpu.memory_space<vmem>>
      %dma_wait3A_319 = arith.constant 0 : i32
      %dma_wait3A_320 = tpu.memref_slice %arg5[%add3A_313, %dma_wait3A_319] : memref<128x100xi32, #tpu.memory_space<vmem>> -> memref<1x100xi32, #tpu.memory_space<vmem>>
      %dma_wait3A_321 = tpu.memref_squeeze %dma_wait3A_320 : memref<1x100xi32, #tpu.memory_space<vmem>> -> memref<100xi32, #tpu.memory_space<vmem>>
      %dma_wait3A_322 = arith.constant 0 : i32
      %dma_wait3A_323 = arith.constant 0 : i32
      %dma_wait3A_324 = tpu.memref_slice %arg3[%dma_wait3A_322, %dma_wait3A_323] : memref<100000x64xf32, #tpu.memory_space<hbm>> -> memref<100000x64xf32, #tpu.memory_space<hbm>>
      tpu.wait_indirect_dma semaphore(%arg9 : memref<!tpu.dma_semaphore, #tpu.memory_space<semaphore_mem>>) src(%dma_wait3A_324 : memref<100000x64xf32, #tpu.memory_space<hbm>>) dst(%dma_wait3A_318 : memref<100x64xf32, #tpu.memory_space<vmem>>)
      %mul3A_325 = arith.constant 4 : i32
      %mul3A_326 = arith.muli %add3A_237, %mul3A_325 : i32
      %add3A_327 = arith.constant 1 : i32
      %add3A_328 = arith.addi %mul3A_326, %add3A_327 : i32
      %dma_wait3A_329 = arith.constant 1 : i32
      %dma_wait3A_330 = arith.constant 0 : i32
      %dma_wait3A_331 = arith.constant 0 : i32
      %dma_wait3A_332 = tpu.memref_slice %arg7[%dma_wait3A_329, %dma_wait3A_330, %dma_wait3A_331] : memref<4x100x64xf32, #tpu.memory_space<vmem>> -> memref<1x100x64xf32, #tpu.memory_space<vmem>>
      %dma_wait3A_333 = tpu.memref_squeeze %dma_wait3A_332 : memref<1x100x64xf32, #tpu.memory_space<vmem>> -> memref<100x64xf32, #tpu.memory_space<vmem>>
      %dma_wait3A_334 = arith.constant 0 : i32
      %dma_wait3A_335 = tpu.memref_slice %arg5[%add3A_328, %dma_wait3A_334] : memref<128x100xi32, #tpu.memory_space<vmem>> -> memref<1x100xi32, #tpu.memory_space<vmem>>
      %dma_wait3A_336 = tpu.memref_squeeze %dma_wait3A_335 : memref<1x100xi32, #tpu.memory_space<vmem>> -> memref<100xi32, #tpu.memory_space<vmem>>
      %dma_wait3A_337 = arith.constant 0 : i32
      %dma_wait3A_338 = arith.constant 0 : i32
      %dma_wait3A_339 = tpu.memref_slice %arg3[%dma_wait3A_337, %dma_wait3A_338] : memref<100000x64xf32, #tpu.memory_space<hbm>> -> memref<100000x64xf32, #tpu.memory_space<hbm>>
      tpu.wait_indirect_dma semaphore(%arg9 : memref<!tpu.dma_semaphore, #tpu.memory_space<semaphore_mem>>) src(%dma_wait3A_339 : memref<100000x64xf32, #tpu.memory_space<hbm>>) dst(%dma_wait3A_333 : memref<100x64xf32, #tpu.memory_space<vmem>>)
      %mul3A_340 = arith.constant 4 : i32
      %mul3A_341 = arith.muli %add3A_237, %mul3A_340 : i32
      %add3A_342 = arith.constant 2 : i32
      %add3A_343 = arith.addi %mul3A_341, %add3A_342 : i32
      %dma_wait3A_344 = arith.constant 2 : i32
      %dma_wait3A_345 = arith.constant 0 : i32
      %dma_wait3A_346 = arith.constant 0 : i32
      %dma_wait3A_347 = tpu.memref_slice %arg7[%dma_wait3A_344, %dma_wait3A_345, %dma_wait3A_346] : memref<4x100x64xf32, #tpu.memory_space<vmem>> -> memref<1x100x64xf32, #tpu.memory_space<vmem>>
      %dma_wait3A_348 = tpu.memref_squeeze %dma_wait3A_347 : memref<1x100x64xf32, #tpu.memory_space<vmem>> -> memref<100x64xf32, #tpu.memory_space<vmem>>
      %dma_wait3A_349 = arith.constant 0 : i32
      %dma_wait3A_350 = tpu.memref_slice %arg5[%add3A_343, %dma_wait3A_349] : memref<128x100xi32, #tpu.memory_space<vmem>> -> memref<1x100xi32, #tpu.memory_space<vmem>>
      %dma_wait3A_351 = tpu.memref_squeeze %dma_wait3A_350 : memref<1x100xi32, #tpu.memory_space<vmem>> -> memref<100xi32, #tpu.memory_space<vmem>>
      %dma_wait3A_352 = arith.constant 0 : i32
      %dma_wait3A_353 = arith.constant 0 : i32
      %dma_wait3A_354 = tpu.memref_slice %arg3[%dma_wait3A_352, %dma_wait3A_353] : memref<100000x64xf32, #tpu.memory_space<hbm>> -> memref<100000x64xf32, #tpu.memory_space<hbm>>
      tpu.wait_indirect_dma semaphore(%arg9 : memref<!tpu.dma_semaphore, #tpu.memory_space<semaphore_mem>>) src(%dma_wait3A_354 : memref<100000x64xf32, #tpu.memory_space<hbm>>) dst(%dma_wait3A_348 : memref<100x64xf32, #tpu.memory_space<vmem>>)
      %mul3A_355 = arith.constant 4 : i32
      %mul3A_356 = arith.muli %add3A_237, %mul3A_355 : i32
      %add3A_357 = arith.constant 3 : i32
      %add3A_358 = arith.addi %mul3A_356, %add3A_357 : i32
      %dma_wait3A_359 = arith.constant 3 : i32
      %dma_wait3A_360 = arith.constant 0 : i32
      %dma_wait3A_361 = arith.constant 0 : i32
      %dma_wait3A_362 = tpu.memref_slice %arg7[%dma_wait3A_359, %dma_wait3A_360, %dma_wait3A_361] : memref<4x100x64xf32, #tpu.memory_space<vmem>> -> memref<1x100x64xf32, #tpu.memory_space<vmem>>
      %dma_wait3A_363 = tpu.memref_squeeze %dma_wait3A_362 : memref<1x100x64xf32, #tpu.memory_space<vmem>> -> memref<100x64xf32, #tpu.memory_space<vmem>>
      %dma_wait3A_364 = arith.constant 0 : i32
      %dma_wait3A_365 = tpu.memref_slice %arg5[%add3A_358, %dma_wait3A_364] : memref<128x100xi32, #tpu.memory_space<vmem>> -> memref<1x100xi32, #tpu.memory_space<vmem>>
      %dma_wait3A_366 = tpu.memref_squeeze %dma_wait3A_365 : memref<1x100xi32, #tpu.memory_space<vmem>> -> memref<100xi32, #tpu.memory_space<vmem>>
      %dma_wait3A_367 = arith.constant 0 : i32
      %dma_wait3A_368 = arith.constant 0 : i32
      %dma_wait3A_369 = tpu.memref_slice %arg3[%dma_wait3A_367, %dma_wait3A_368] : memref<100000x64xf32, #tpu.memory_space<hbm>> -> memref<100000x64xf32, #tpu.memory_space<hbm>>
      tpu.wait_indirect_dma semaphore(%arg9 : memref<!tpu.dma_semaphore, #tpu.memory_space<semaphore_mem>>) src(%dma_wait3A_369 : memref<100000x64xf32, #tpu.memory_space<hbm>>) dst(%dma_wait3A_363 : memref<100x64xf32, #tpu.memory_space<vmem>>)
      %mul3A_370 = arith.constant 4 : i32
      %mul3A_371 = arith.muli %add3A_237, %mul3A_370 : i32
      %add3A_372 = arith.addi %mul3A_2, %mul3A_371 : i32
      %dma_start3A_373 = arith.constant 0 : i32
      %dma_start3A_374 = arith.constant 0 : i32
      %dma_start3A_375 = tpu.memref_slice %arg4[%add3A_372, %dma_start3A_373, %dma_start3A_374] : memref<4096x100x64xf32, #tpu.memory_space<hbm>> -> memref<4x100x64xf32, #tpu.memory_space<hbm>>
      %dma_start3A_376 = arith.constant 0 : i32
      %dma_start3A_377 = arith.constant 0 : i32
      %dma_start3A_378 = tpu.memref_slice %arg4[%add3A_372, %dma_start3A_376, %dma_start3A_377] : memref<4096x100x64xf32, #tpu.memory_space<hbm>> -> memref<4x100x64xf32, #tpu.memory_space<hbm>>
      tpu.enqueue_dma source(%arg7 : memref<4x100x64xf32, #tpu.memory_space<vmem>>) target(%dma_start3A_378 : memref<4x100x64xf32, #tpu.memory_space<hbm>>) target_semaphore(%arg11 : memref<!tpu.dma_semaphore, #tpu.memory_space<semaphore_mem>>)
      %mul3A_379 = arith.constant 4 : i32
      %mul3A_380 = arith.muli %add3A_237, %mul3A_379 : i32
      %add3A_381 = arith.addi %mul3A_2, %mul3A_380 : i32
      %dma_wait3A_382 = arith.constant 0 : i32
      %dma_wait3A_383 = arith.constant 0 : i32
      %dma_wait3A_384 = tpu.memref_slice %arg4[%add3A_381, %dma_wait3A_382, %dma_wait3A_383] : memref<4096x100x64xf32, #tpu.memory_space<hbm>> -> memref<4x100x64xf32, #tpu.memory_space<hbm>>
      %dma_wait3A_385 = arith.constant 0 : i32
      %dma_wait3A_386 = arith.constant 0 : i32
      %dma_wait3A_387 = tpu.memref_slice %arg4[%add3A_381, %dma_wait3A_385, %dma_wait3A_386] : memref<4096x100x64xf32, #tpu.memory_space<hbm>> -> memref<4x100x64xf32, #tpu.memory_space<hbm>>
      tpu.wait_dma2 semaphore(%arg11 : memref<!tpu.dma_semaphore, #tpu.memory_space<semaphore_mem>>) src(%arg7 : memref<4x100x64xf32, #tpu.memory_space<vmem>>) dst(%dma_wait3A_387 : memref<4x100x64xf32, #tpu.memory_space<hbm>>)
      %add3A_388 = arith.constant 2 : i32
      %add3A_389 = arith.addi %add3A_237, %add3A_388 : i32
      %mul3A_390 = arith.constant 4 : i32
      %mul3A_391 = arith.muli %add3A_389, %mul3A_390 : i32
      %add3A_392 = arith.constant 0 : i32
      %add3A_393 = arith.addi %mul3A_391, %add3A_392 : i32
      %dma_start3A_394 = arith.constant 0 : i32
      %dma_start3A_395 = arith.constant 0 : i32
      %dma_start3A_396 = arith.constant 0 : i32
      %dma_start3A_397 = tpu.memref_slice %arg7[%dma_start3A_394, %dma_start3A_395, %dma_start3A_396] : memref<4x100x64xf32, #tpu.memory_space<vmem>> -> memref<1x100x64xf32, #tpu.memory_space<vmem>>
      %dma_start3A_398 = tpu.memref_squeeze %dma_start3A_397 : memref<1x100x64xf32, #tpu.memory_space<vmem>> -> memref<100x64xf32, #tpu.memory_space<vmem>>
      %dma_start3A_399 = arith.constant 0 : i32
      %dma_start3A_400 = tpu.memref_slice %arg5[%add3A_393, %dma_start3A_399] : memref<128x100xi32, #tpu.memory_space<vmem>> -> memref<1x100xi32, #tpu.memory_space<vmem>>
      %dma_start3A_401 = tpu.memref_squeeze %dma_start3A_400 : memref<1x100xi32, #tpu.memory_space<vmem>> -> memref<100xi32, #tpu.memory_space<vmem>>
      %dma_start3A_402 = arith.constant 0 : i32
      %dma_start3A_403 = arith.constant 0 : i32
      %dma_start3A_404 = tpu.memref_slice %arg3[%dma_start3A_402, %dma_start3A_403] : memref<100000x64xf32, #tpu.memory_space<hbm>> -> memref<100000x64xf32, #tpu.memory_space<hbm>>
      tpu.enqueue_indirect_dma source(%dma_start3A_404 : memref<100000x64xf32, #tpu.memory_space<hbm>>) target(%dma_start3A_398 : memref<100x64xf32, #tpu.memory_space<vmem>>) offsets(%dma_start3A_401 : memref<100xi32, #tpu.memory_space<vmem>>) semaphore(%arg9 : memref<!tpu.dma_semaphore, #tpu.memory_space<semaphore_mem>>)
      %mul3A_405 = arith.constant 4 : i32
      %mul3A_406 = arith.muli %add3A_389, %mul3A_405 : i32
      %add3A_407 = arith.constant 1 : i32
      %add3A_408 = arith.addi %mul3A_406, %add3A_407 : i32
      %dma_start3A_409 = arith.constant 1 : i32
      %dma_start3A_410 = arith.constant 0 : i32
      %dma_start3A_411 = arith.constant 0 : i32
      %dma_start3A_412 = tpu.memref_slice %arg7[%dma_start3A_409, %dma_start3A_410, %dma_start3A_411] : memref<4x100x64xf32, #tpu.memory_space<vmem>> -> memref<1x100x64xf32, #tpu.memory_space<vmem>>
      %dma_start3A_413 = tpu.memref_squeeze %dma_start3A_412 : memref<1x100x64xf32, #tpu.memory_space<vmem>> -> memref<100x64xf32, #tpu.memory_space<vmem>>
      %dma_start3A_414 = arith.constant 0 : i32
      %dma_start3A_415 = tpu.memref_slice %arg5[%add3A_408, %dma_start3A_414] : memref<128x100xi32, #tpu.memory_space<vmem>> -> memref<1x100xi32, #tpu.memory_space<vmem>>
      %dma_start3A_416 = tpu.memref_squeeze %dma_start3A_415 : memref<1x100xi32, #tpu.memory_space<vmem>> -> memref<100xi32, #tpu.memory_space<vmem>>
      %dma_start3A_417 = arith.constant 0 : i32
      %dma_start3A_418 = arith.constant 0 : i32
      %dma_start3A_419 = tpu.memref_slice %arg3[%dma_start3A_417, %dma_start3A_418] : memref<100000x64xf32, #tpu.memory_space<hbm>> -> memref<100000x64xf32, #tpu.memory_space<hbm>>
      tpu.enqueue_indirect_dma source(%dma_start3A_419 : memref<100000x64xf32, #tpu.memory_space<hbm>>) target(%dma_start3A_413 : memref<100x64xf32, #tpu.memory_space<vmem>>) offsets(%dma_start3A_416 : memref<100xi32, #tpu.memory_space<vmem>>) semaphore(%arg9 : memref<!tpu.dma_semaphore, #tpu.memory_space<semaphore_mem>>)
      %mul3A_420 = arith.constant 4 : i32
      %mul3A_421 = arith.muli %add3A_389, %mul3A_420 : i32
      %add3A_422 = arith.constant 2 : i32
      %add3A_423 = arith.addi %mul3A_421, %add3A_422 : i32
      %dma_start3A_424 = arith.constant 2 : i32
      %dma_start3A_425 = arith.constant 0 : i32
      %dma_start3A_426 = arith.constant 0 : i32
      %dma_start3A_427 = tpu.memref_slice %arg7[%dma_start3A_424, %dma_start3A_425, %dma_start3A_426] : memref<4x100x64xf32, #tpu.memory_space<vmem>> -> memref<1x100x64xf32, #tpu.memory_space<vmem>>
      %dma_start3A_428 = tpu.memref_squeeze %dma_start3A_427 : memref<1x100x64xf32, #tpu.memory_space<vmem>> -> memref<100x64xf32, #tpu.memory_space<vmem>>
      %dma_start3A_429 = arith.constant 0 : i32
      %dma_start3A_430 = tpu.memref_slice %arg5[%add3A_423, %dma_start3A_429] : memref<128x100xi32, #tpu.memory_space<vmem>> -> memref<1x100xi32, #tpu.memory_space<vmem>>
      %dma_start3A_431 = tpu.memref_squeeze %dma_start3A_430 : memref<1x100xi32, #tpu.memory_space<vmem>> -> memref<100xi32, #tpu.memory_space<vmem>>
      %dma_start3A_432 = arith.constant 0 : i32
      %dma_start3A_433 = arith.constant 0 : i32
      %dma_start3A_434 = tpu.memref_slice %arg3[%dma_start3A_432, %dma_start3A_433] : memref<100000x64xf32, #tpu.memory_space<hbm>> -> memref<100000x64xf32, #tpu.memory_space<hbm>>
      tpu.enqueue_indirect_dma source(%dma_start3A_434 : memref<100000x64xf32, #tpu.memory_space<hbm>>) target(%dma_start3A_428 : memref<100x64xf32, #tpu.memory_space<vmem>>) offsets(%dma_start3A_431 : memref<100xi32, #tpu.memory_space<vmem>>) semaphore(%arg9 : memref<!tpu.dma_semaphore, #tpu.memory_space<semaphore_mem>>)
      %mul3A_435 = arith.constant 4 : i32
      %mul3A_436 = arith.muli %add3A_389, %mul3A_435 : i32
      %add3A_437 = arith.constant 3 : i32
      %add3A_438 = arith.addi %mul3A_436, %add3A_437 : i32
      %dma_start3A_439 = arith.constant 3 : i32
      %dma_start3A_440 = arith.constant 0 : i32
      %dma_start3A_441 = arith.constant 0 : i32
      %dma_start3A_442 = tpu.memref_slice %arg7[%dma_start3A_439, %dma_start3A_440, %dma_start3A_441] : memref<4x100x64xf32, #tpu.memory_space<vmem>> -> memref<1x100x64xf32, #tpu.memory_space<vmem>>
      %dma_start3A_443 = tpu.memref_squeeze %dma_start3A_442 : memref<1x100x64xf32, #tpu.memory_space<vmem>> -> memref<100x64xf32, #tpu.memory_space<vmem>>
      %dma_start3A_444 = arith.constant 0 : i32
      %dma_start3A_445 = tpu.memref_slice %arg5[%add3A_438, %dma_start3A_444] : memref<128x100xi32, #tpu.memory_space<vmem>> -> memref<1x100xi32, #tpu.memory_space<vmem>>
      %dma_start3A_446 = tpu.memref_squeeze %dma_start3A_445 : memref<1x100xi32, #tpu.memory_space<vmem>> -> memref<100xi32, #tpu.memory_space<vmem>>
      %dma_start3A_447 = arith.constant 0 : i32
      %dma_start3A_448 = arith.constant 0 : i32
      %dma_start3A_449 = tpu.memref_slice %arg3[%dma_start3A_447, %dma_start3A_448] : memref<100000x64xf32, #tpu.memory_space<hbm>> -> memref<100000x64xf32, #tpu.memory_space<hbm>>
      tpu.enqueue_indirect_dma source(%dma_start3A_449 : memref<100000x64xf32, #tpu.memory_space<hbm>>) target(%dma_start3A_443 : memref<100x64xf32, #tpu.memory_space<vmem>>) offsets(%dma_start3A_446 : memref<100xi32, #tpu.memory_space<vmem>>) semaphore(%arg9 : memref<!tpu.dma_semaphore, #tpu.memory_space<semaphore_mem>>)
      %add3A_450 = arith.constant 1 : i32
      %add3A_451 = arith.addi %add3A_237, %add3A_450 : i32
      %mul3A_452 = arith.constant 4 : i32
      %mul3A_453 = arith.muli %add3A_451, %mul3A_452 : i32
      %add3A_454 = arith.constant 0 : i32
      %add3A_455 = arith.addi %mul3A_453, %add3A_454 : i32
      %dma_wait3A_456 = arith.constant 0 : i32
      %dma_wait3A_457 = arith.constant 0 : i32
      %dma_wait3A_458 = arith.constant 0 : i32
      %dma_wait3A_459 = tpu.memref_slice %arg6[%dma_wait3A_456, %dma_wait3A_457, %dma_wait3A_458] : memref<4x100x64xf32, #tpu.memory_space<vmem>> -> memref<1x100x64xf32, #tpu.memory_space<vmem>>
      %dma_wait3A_460 = tpu.memref_squeeze %dma_wait3A_459 : memref<1x100x64xf32, #tpu.memory_space<vmem>> -> memref<100x64xf32, #tpu.memory_space<vmem>>
      %dma_wait3A_461 = arith.constant 0 : i32
      %dma_wait3A_462 = tpu.memref_slice %arg5[%add3A_455, %dma_wait3A_461] : memref<128x100xi32, #tpu.memory_space<vmem>> -> memref<1x100xi32, #tpu.memory_space<vmem>>
      %dma_wait3A_463 = tpu.memref_squeeze %dma_wait3A_462 : memref<1x100xi32, #tpu.memory_space<vmem>> -> memref<100xi32, #tpu.memory_space<vmem>>
      %dma_wait3A_464 = arith.constant 0 : i32
      %dma_wait3A_465 = arith.constant 0 : i32
      %dma_wait3A_466 = tpu.memref_slice %arg3[%dma_wait3A_464, %dma_wait3A_465] : memref<100000x64xf32, #tpu.memory_space<hbm>> -> memref<100000x64xf32, #tpu.memory_space<hbm>>
      tpu.wait_indirect_dma semaphore(%arg8 : memref<!tpu.dma_semaphore, #tpu.memory_space<semaphore_mem>>) src(%dma_wait3A_466 : memref<100000x64xf32, #tpu.memory_space<hbm>>) dst(%dma_wait3A_460 : memref<100x64xf32, #tpu.memory_space<vmem>>)
      %mul3A_467 = arith.constant 4 : i32
      %mul3A_468 = arith.muli %add3A_451, %mul3A_467 : i32
      %add3A_469 = arith.constant 1 : i32
      %add3A_470 = arith.addi %mul3A_468, %add3A_469 : i32
      %dma_wait3A_471 = arith.constant 1 : i32
      %dma_wait3A_472 = arith.constant 0 : i32
      %dma_wait3A_473 = arith.constant 0 : i32
      %dma_wait3A_474 = tpu.memref_slice %arg6[%dma_wait3A_471, %dma_wait3A_472, %dma_wait3A_473] : memref<4x100x64xf32, #tpu.memory_space<vmem>> -> memref<1x100x64xf32, #tpu.memory_space<vmem>>
      %dma_wait3A_475 = tpu.memref_squeeze %dma_wait3A_474 : memref<1x100x64xf32, #tpu.memory_space<vmem>> -> memref<100x64xf32, #tpu.memory_space<vmem>>
      %dma_wait3A_476 = arith.constant 0 : i32
      %dma_wait3A_477 = tpu.memref_slice %arg5[%add3A_470, %dma_wait3A_476] : memref<128x100xi32, #tpu.memory_space<vmem>> -> memref<1x100xi32, #tpu.memory_space<vmem>>
      %dma_wait3A_478 = tpu.memref_squeeze %dma_wait3A_477 : memref<1x100xi32, #tpu.memory_space<vmem>> -> memref<100xi32, #tpu.memory_space<vmem>>
      %dma_wait3A_479 = arith.constant 0 : i32
      %dma_wait3A_480 = arith.constant 0 : i32
      %dma_wait3A_481 = tpu.memref_slice %arg3[%dma_wait3A_479, %dma_wait3A_480] : memref<100000x64xf32, #tpu.memory_space<hbm>> -> memref<100000x64xf32, #tpu.memory_space<hbm>>
      tpu.wait_indirect_dma semaphore(%arg8 : memref<!tpu.dma_semaphore, #tpu.memory_space<semaphore_mem>>) src(%dma_wait3A_481 : memref<100000x64xf32, #tpu.memory_space<hbm>>) dst(%dma_wait3A_475 : memref<100x64xf32, #tpu.memory_space<vmem>>)
      %mul3A_482 = arith.constant 4 : i32
      %mul3A_483 = arith.muli %add3A_451, %mul3A_482 : i32
      %add3A_484 = arith.constant 2 : i32
      %add3A_485 = arith.addi %mul3A_483, %add3A_484 : i32
      %dma_wait3A_486 = arith.constant 2 : i32
      %dma_wait3A_487 = arith.constant 0 : i32
      %dma_wait3A_488 = arith.constant 0 : i32
      %dma_wait3A_489 = tpu.memref_slice %arg6[%dma_wait3A_486, %dma_wait3A_487, %dma_wait3A_488] : memref<4x100x64xf32, #tpu.memory_space<vmem>> -> memref<1x100x64xf32, #tpu.memory_space<vmem>>
      %dma_wait3A_490 = tpu.memref_squeeze %dma_wait3A_489 : memref<1x100x64xf32, #tpu.memory_space<vmem>> -> memref<100x64xf32, #tpu.memory_space<vmem>>
      %dma_wait3A_491 = arith.constant 0 : i32
      %dma_wait3A_492 = tpu.memref_slice %arg5[%add3A_485, %dma_wait3A_491] : memref<128x100xi32, #tpu.memory_space<vmem>> -> memref<1x100xi32, #tpu.memory_space<vmem>>
      %dma_wait3A_493 = tpu.memref_squeeze %dma_wait3A_492 : memref<1x100xi32, #tpu.memory_space<vmem>> -> memref<100xi32, #tpu.memory_space<vmem>>
      %dma_wait3A_494 = arith.constant 0 : i32
      %dma_wait3A_495 = arith.constant 0 : i32
      %dma_wait3A_496 = tpu.memref_slice %arg3[%dma_wait3A_494, %dma_wait3A_495] : memref<100000x64xf32, #tpu.memory_space<hbm>> -> memref<100000x64xf32, #tpu.memory_space<hbm>>
      tpu.wait_indirect_dma semaphore(%arg8 : memref<!tpu.dma_semaphore, #tpu.memory_space<semaphore_mem>>) src(%dma_wait3A_496 : memref<100000x64xf32, #tpu.memory_space<hbm>>) dst(%dma_wait3A_490 : memref<100x64xf32, #tpu.memory_space<vmem>>)
      %mul3A_497 = arith.constant 4 : i32
      %mul3A_498 = arith.muli %add3A_451, %mul3A_497 : i32
      %add3A_499 = arith.constant 3 : i32
      %add3A_500 = arith.addi %mul3A_498, %add3A_499 : i32
      %dma_wait3A_501 = arith.constant 3 : i32
      %dma_wait3A_502 = arith.constant 0 : i32
      %dma_wait3A_503 = arith.constant 0 : i32
      %dma_wait3A_504 = tpu.memref_slice %arg6[%dma_wait3A_501, %dma_wait3A_502, %dma_wait3A_503] : memref<4x100x64xf32, #tpu.memory_space<vmem>> -> memref<1x100x64xf32, #tpu.memory_space<vmem>>
      %dma_wait3A_505 = tpu.memref_squeeze %dma_wait3A_504 : memref<1x100x64xf32, #tpu.memory_space<vmem>> -> memref<100x64xf32, #tpu.memory_space<vmem>>
      %dma_wait3A_506 = arith.constant 0 : i32
      %dma_wait3A_507 = tpu.memref_slice %arg5[%add3A_500, %dma_wait3A_506] : memref<128x100xi32, #tpu.memory_space<vmem>> -> memref<1x100xi32, #tpu.memory_space<vmem>>
      %dma_wait3A_508 = tpu.memref_squeeze %dma_wait3A_507 : memref<1x100xi32, #tpu.memory_space<vmem>> -> memref<100xi32, #tpu.memory_space<vmem>>
      %dma_wait3A_509 = arith.constant 0 : i32
      %dma_wait3A_510 = arith.constant 0 : i32
      %dma_wait3A_511 = tpu.memref_slice %arg3[%dma_wait3A_509, %dma_wait3A_510] : memref<100000x64xf32, #tpu.memory_space<hbm>> -> memref<100000x64xf32, #tpu.memory_space<hbm>>
      tpu.wait_indirect_dma semaphore(%arg8 : memref<!tpu.dma_semaphore, #tpu.memory_space<semaphore_mem>>) src(%dma_wait3A_511 : memref<100000x64xf32, #tpu.memory_space<hbm>>) dst(%dma_wait3A_505 : memref<100x64xf32, #tpu.memory_space<vmem>>)
      %add3A_512 = arith.constant 1 : i32
      %add3A_513 = arith.addi %add3A_237, %add3A_512 : i32
      %mul3A_514 = arith.constant 4 : i32
      %mul3A_515 = arith.muli %add3A_513, %mul3A_514 : i32
      %add3A_516 = arith.addi %mul3A_2, %mul3A_515 : i32
      %dma_start3A_517 = arith.constant 0 : i32
      %dma_start3A_518 = arith.constant 0 : i32
      %dma_start3A_519 = tpu.memref_slice %arg4[%add3A_516, %dma_start3A_517, %dma_start3A_518] : memref<4096x100x64xf32, #tpu.memory_space<hbm>> -> memref<4x100x64xf32, #tpu.memory_space<hbm>>
      %dma_start3A_520 = arith.constant 0 : i32
      %dma_start3A_521 = arith.constant 0 : i32
      %dma_start3A_522 = tpu.memref_slice %arg4[%add3A_516, %dma_start3A_520, %dma_start3A_521] : memref<4096x100x64xf32, #tpu.memory_space<hbm>> -> memref<4x100x64xf32, #tpu.memory_space<hbm>>
      tpu.enqueue_dma source(%arg6 : memref<4x100x64xf32, #tpu.memory_space<vmem>>) target(%dma_start3A_522 : memref<4x100x64xf32, #tpu.memory_space<hbm>>) target_semaphore(%arg10 : memref<!tpu.dma_semaphore, #tpu.memory_space<semaphore_mem>>)
    }
    %scan3A_156 = arith.constant 15 : i32
    %add3A_157 = arith.constant 120 : i32
    %add3A_158 = arith.addi %mul3A_2, %add3A_157 : i32
    %dma_wait3A_159 = arith.constant 0 : i32
    %dma_wait3A_160 = arith.constant 0 : i32
    %dma_wait3A_161 = tpu.memref_slice %arg4[%add3A_158, %dma_wait3A_159, %dma_wait3A_160] : memref<4096x100x64xf32, #tpu.memory_space<hbm>> -> memref<4x100x64xf32, #tpu.memory_space<hbm>>
    %dma_wait3A_162 = arith.constant 0 : i32
    %dma_wait3A_163 = arith.constant 0 : i32
    %dma_wait3A_164 = tpu.memref_slice %arg4[%add3A_158, %dma_wait3A_162, %dma_wait3A_163] : memref<4096x100x64xf32, #tpu.memory_space<hbm>> -> memref<4x100x64xf32, #tpu.memory_space<hbm>>
    tpu.wait_dma2 semaphore(%arg10 : memref<!tpu.dma_semaphore, #tpu.memory_space<semaphore_mem>>) src(%arg6 : memref<4x100x64xf32, #tpu.memory_space<vmem>>) dst(%dma_wait3A_164 : memref<4x100x64xf32, #tpu.memory_space<hbm>>)
    %dma_wait3A_165 = arith.constant 124 : i32
    %dma_wait3A_166 = arith.constant 0 : i32
    %dma_wait3A_167 = arith.constant 0 : i32
    %dma_wait3A_168 = arith.constant 0 : i32
    %dma_wait3A_169 = tpu.memref_slice %arg7[%dma_wait3A_166, %dma_wait3A_167, %dma_wait3A_168] : memref<4x100x64xf32, #tpu.memory_space<vmem>> -> memref<1x100x64xf32, #tpu.memory_space<vmem>>
    %dma_wait3A_170 = tpu.memref_squeeze %dma_wait3A_169 : memref<1x100x64xf32, #tpu.memory_space<vmem>> -> memref<100x64xf32, #tpu.memory_space<vmem>>
    %dma_wait3A_171 = arith.constant 0 : i32
    %dma_wait3A_172 = tpu.memref_slice %arg5[%dma_wait3A_165, %dma_wait3A_171] : memref<128x100xi32, #tpu.memory_space<vmem>> -> memref<1x100xi32, #tpu.memory_space<vmem>>
    %dma_wait3A_173 = tpu.memref_squeeze %dma_wait3A_172 : memref<1x100xi32, #tpu.memory_space<vmem>> -> memref<100xi32, #tpu.memory_space<vmem>>
    %dma_wait3A_174 = arith.constant 0 : i32
    %dma_wait3A_175 = arith.constant 0 : i32
    %dma_wait3A_176 = tpu.memref_slice %arg3[%dma_wait3A_174, %dma_wait3A_175] : memref<100000x64xf32, #tpu.memory_space<hbm>> -> memref<100000x64xf32, #tpu.memory_space<hbm>>
    tpu.wait_indirect_dma semaphore(%arg9 : memref<!tpu.dma_semaphore, #tpu.memory_space<semaphore_mem>>) src(%dma_wait3A_176 : memref<100000x64xf32, #tpu.memory_space<hbm>>) dst(%dma_wait3A_170 : memref<100x64xf32, #tpu.memory_space<vmem>>)
    %dma_wait3A_177 = arith.constant 125 : i32
    %dma_wait3A_178 = arith.constant 1 : i32
    %dma_wait3A_179 = arith.constant 0 : i32
    %dma_wait3A_180 = arith.constant 0 : i32
    %dma_wait3A_181 = tpu.memref_slice %arg7[%dma_wait3A_178, %dma_wait3A_179, %dma_wait3A_180] : memref<4x100x64xf32, #tpu.memory_space<vmem>> -> memref<1x100x64xf32, #tpu.memory_space<vmem>>
    %dma_wait3A_182 = tpu.memref_squeeze %dma_wait3A_181 : memref<1x100x64xf32, #tpu.memory_space<vmem>> -> memref<100x64xf32, #tpu.memory_space<vmem>>
    %dma_wait3A_183 = arith.constant 0 : i32
    %dma_wait3A_184 = tpu.memref_slice %arg5[%dma_wait3A_177, %dma_wait3A_183] : memref<128x100xi32, #tpu.memory_space<vmem>> -> memref<1x100xi32, #tpu.memory_space<vmem>>
    %dma_wait3A_185 = tpu.memref_squeeze %dma_wait3A_184 : memref<1x100xi32, #tpu.memory_space<vmem>> -> memref<100xi32, #tpu.memory_space<vmem>>
    %dma_wait3A_186 = arith.constant 0 : i32
    %dma_wait3A_187 = arith.constant 0 : i32
    %dma_wait3A_188 = tpu.memref_slice %arg3[%dma_wait3A_186, %dma_wait3A_187] : memref<100000x64xf32, #tpu.memory_space<hbm>> -> memref<100000x64xf32, #tpu.memory_space<hbm>>
    tpu.wait_indirect_dma semaphore(%arg9 : memref<!tpu.dma_semaphore, #tpu.memory_space<semaphore_mem>>) src(%dma_wait3A_188 : memref<100000x64xf32, #tpu.memory_space<hbm>>) dst(%dma_wait3A_182 : memref<100x64xf32, #tpu.memory_space<vmem>>)
    %dma_wait3A_189 = arith.constant 126 : i32
    %dma_wait3A_190 = arith.constant 2 : i32
    %dma_wait3A_191 = arith.constant 0 : i32
    %dma_wait3A_192 = arith.constant 0 : i32
    %dma_wait3A_193 = tpu.memref_slice %arg7[%dma_wait3A_190, %dma_wait3A_191, %dma_wait3A_192] : memref<4x100x64xf32, #tpu.memory_space<vmem>> -> memref<1x100x64xf32, #tpu.memory_space<vmem>>
    %dma_wait3A_194 = tpu.memref_squeeze %dma_wait3A_193 : memref<1x100x64xf32, #tpu.memory_space<vmem>> -> memref<100x64xf32, #tpu.memory_space<vmem>>
    %dma_wait3A_195 = arith.constant 0 : i32
    %dma_wait3A_196 = tpu.memref_slice %arg5[%dma_wait3A_189, %dma_wait3A_195] : memref<128x100xi32, #tpu.memory_space<vmem>> -> memref<1x100xi32, #tpu.memory_space<vmem>>
    %dma_wait3A_197 = tpu.memref_squeeze %dma_wait3A_196 : memref<1x100xi32, #tpu.memory_space<vmem>> -> memref<100xi32, #tpu.memory_space<vmem>>
    %dma_wait3A_198 = arith.constant 0 : i32
    %dma_wait3A_199 = arith.constant 0 : i32
    %dma_wait3A_200 = tpu.memref_slice %arg3[%dma_wait3A_198, %dma_wait3A_199] : memref<100000x64xf32, #tpu.memory_space<hbm>> -> memref<100000x64xf32, #tpu.memory_space<hbm>>
    tpu.wait_indirect_dma semaphore(%arg9 : memref<!tpu.dma_semaphore, #tpu.memory_space<semaphore_mem>>) src(%dma_wait3A_200 : memref<100000x64xf32, #tpu.memory_space<hbm>>) dst(%dma_wait3A_194 : memref<100x64xf32, #tpu.memory_space<vmem>>)
    %dma_wait3A_201 = arith.constant 127 : i32
    %dma_wait3A_202 = arith.constant 3 : i32
    %dma_wait3A_203 = arith.constant 0 : i32
    %dma_wait3A_204 = arith.constant 0 : i32
    %dma_wait3A_205 = tpu.memref_slice %arg7[%dma_wait3A_202, %dma_wait3A_203, %dma_wait3A_204] : memref<4x100x64xf32, #tpu.memory_space<vmem>> -> memref<1x100x64xf32, #tpu.memory_space<vmem>>
    %dma_wait3A_206 = tpu.memref_squeeze %dma_wait3A_205 : memref<1x100x64xf32, #tpu.memory_space<vmem>> -> memref<100x64xf32, #tpu.memory_space<vmem>>
    %dma_wait3A_207 = arith.constant 0 : i32
    %dma_wait3A_208 = tpu.memref_slice %arg5[%dma_wait3A_201, %dma_wait3A_207] : memref<128x100xi32, #tpu.memory_space<vmem>> -> memref<1x100xi32, #tpu.memory_space<vmem>>
    %dma_wait3A_209 = tpu.memref_squeeze %dma_wait3A_208 : memref<1x100xi32, #tpu.memory_space<vmem>> -> memref<100xi32, #tpu.memory_space<vmem>>
    %dma_wait3A_210 = arith.constant 0 : i32
    %dma_wait3A_211 = arith.constant 0 : i32
    %dma_wait3A_212 = tpu.memref_slice %arg3[%dma_wait3A_210, %dma_wait3A_211] : memref<100000x64xf32, #tpu.memory_space<hbm>> -> memref<100000x64xf32, #tpu.memory_space<hbm>>
    tpu.wait_indirect_dma semaphore(%arg9 : memref<!tpu.dma_semaphore, #tpu.memory_space<semaphore_mem>>) src(%dma_wait3A_212 : memref<100000x64xf32, #tpu.memory_space<hbm>>) dst(%dma_wait3A_206 : memref<100x64xf32, #tpu.memory_space<vmem>>)
    %add3A_213 = arith.constant 124 : i32
    %add3A_214 = arith.addi %mul3A_2, %add3A_213 : i32
    %dma_start3A_215 = arith.constant 0 : i32
    %dma_start3A_216 = arith.constant 0 : i32
    %dma_start3A_217 = tpu.memref_slice %arg4[%add3A_214, %dma_start3A_215, %dma_start3A_216] : memref<4096x100x64xf32, #tpu.memory_space<hbm>> -> memref<4x100x64xf32, #tpu.memory_space<hbm>>
    %dma_start3A_218 = arith.constant 0 : i32
    %dma_start3A_219 = arith.constant 0 : i32
    %dma_start3A_220 = tpu.memref_slice %arg4[%add3A_214, %dma_start3A_218, %dma_start3A_219] : memref<4096x100x64xf32, #tpu.memory_space<hbm>> -> memref<4x100x64xf32, #tpu.memory_space<hbm>>
    tpu.enqueue_dma source(%arg7 : memref<4x100x64xf32, #tpu.memory_space<vmem>>) target(%dma_start3A_220 : memref<4x100x64xf32, #tpu.memory_space<hbm>>) target_semaphore(%arg11 : memref<!tpu.dma_semaphore, #tpu.memory_space<semaphore_mem>>)
    %add3A_221 = arith.constant 124 : i32
    %add3A_222 = arith.addi %mul3A_2, %add3A_221 : i32
    %dma_wait3A_223 = arith.constant 0 : i32
    %dma_wait3A_224 = arith.constant 0 : i32
    %dma_wait3A_225 = tpu.memref_slice %arg4[%add3A_222, %dma_wait3A_223, %dma_wait3A_224] : memref<4096x100x64xf32, #tpu.memory_space<hbm>> -> memref<4x100x64xf32, #tpu.memory_space<hbm>>
    %dma_wait3A_226 = arith.constant 0 : i32
    %dma_wait3A_227 = arith.constant 0 : i32
    %dma_wait3A_228 = tpu.memref_slice %arg4[%add3A_222, %dma_wait3A_226, %dma_wait3A_227] : memref<4096x100x64xf32, #tpu.memory_space<hbm>> -> memref<4x100x64xf32, #tpu.memory_space<hbm>>
    tpu.wait_dma2 semaphore(%arg11 : memref<!tpu.dma_semaphore, #tpu.memory_space<semaphore_mem>>) src(%arg7 : memref<4x100x64xf32, #tpu.memory_space<vmem>>) dst(%dma_wait3A_228 : memref<4x100x64xf32, #tpu.memory_space<hbm>>)
    return
  }
}

module attributes {stable_mosaic.version = 14 : i64} {
  func.func @_xpose_block(%arg0: i32, %arg1: memref<6400x128xf32, #tpu.memory_space<vmem>>, %arg2: memref<100x64x128xf32, #tpu.memory_space<vmem>>) attributes {dimension_semantics = [#tpu.dimension_semantics<arbitrary>], iteration_bounds = array<i64: 32>, scalar_prefetch = 0 : i64, scratch_operands = 0 : i64, tpu.core_type = #tpu.core_type<tc>, window_params = [{transform_indices = @transform_0, window_bounds = array<i64: 6400, 128>}, {transform_indices = @transform_1, window_bounds = array<i64: 100, 64, 128>}]} {
    %get3A = arith.constant 0 : index
    %get3A_0 = arith.constant 0 : index
    %get3A_1 = vector.load %arg1[%get3A, %get3A_0] : memref<6400x128xf32, #tpu.memory_space<vmem>>, vector<6400x128xf32>
    %reshape3A = vector.shape_cast %get3A_1 : vector<6400x128xf32> to vector<128x50x128xf32>
    %slice3A = vector.extract_strided_slice %reshape3A {offsets = [0, 0, 0], sizes = [128, 1, 128], strides = [1, 1, 1]} : vector<128x50x128xf32> to vector<128x1x128xf32>
    %squeeze3A = vector.shape_cast %slice3A : vector<128x1x128xf32> to vector<128x128xf32>
    %slice3A_2 = vector.extract_strided_slice %squeeze3A {offsets = [0, 0], sizes = [128, 64], strides = [1, 1]} : vector<128x128xf32> to vector<128x64xf32>
    %transpose3A = tpu.transpose %slice3A_2, [1, 0] : vector<128x64xf32> -> vector<64x128xf32>
    %swap3A = arith.constant 0 : index
    %swap3A_3 = arith.constant 0 : index
    %swap3A_4 = arith.constant 0 : index
    %swap3A_5 = vector.load %arg2[%swap3A, %swap3A_3, %swap3A_4] : memref<100x64x128xf32, #tpu.memory_space<vmem>>, vector<1x64x128xf32>
    %swap3A_6 = vector.shape_cast %swap3A_5 : vector<1x64x128xf32> to vector<64x128xf32>
    %swap3A_7 = vector.shape_cast %transpose3A : vector<64x128xf32> to vector<1x64x128xf32>
    tpu.vector_store %arg2[%swap3A, %swap3A_3, %swap3A_4], %swap3A_7 {strides = array<i32>} : memref<100x64x128xf32, #tpu.memory_space<vmem>>, vector<1x64x128xf32>,
    %slice3A_8 = vector.extract_strided_slice %squeeze3A {offsets = [0, 64], sizes = [128, 64], strides = [1, 1]} : vector<128x128xf32> to vector<128x64xf32>
    %transpose3A_9 = tpu.transpose %slice3A_8, [1, 0] : vector<128x64xf32> -> vector<64x128xf32>
    %swap3A_10 = arith.constant 1 : index
    %swap3A_11 = arith.constant 0 : index
    %swap3A_12 = arith.constant 0 : index
    %swap3A_13 = vector.load %arg2[%swap3A_10, %swap3A_11, %swap3A_12] : memref<100x64x128xf32, #tpu.memory_space<vmem>>, vector<1x64x128xf32>
    %swap3A_14 = vector.shape_cast %swap3A_13 : vector<1x64x128xf32> to vector<64x128xf32>
    %swap3A_15 = vector.shape_cast %transpose3A_9 : vector<64x128xf32> to vector<1x64x128xf32>
    tpu.vector_store %arg2[%swap3A_10, %swap3A_11, %swap3A_12], %swap3A_15 {strides = array<i32>} : memref<100x64x128xf32, #tpu.memory_space<vmem>>, vector<1x64x128xf32>,
    %slice3A_16 = vector.extract_strided_slice %reshape3A {offsets = [0, 1, 0], sizes = [128, 1, 128], strides = [1, 1, 1]} : vector<128x50x128xf32> to vector<128x1x128xf32>
    %squeeze3A_17 = vector.shape_cast %slice3A_16 : vector<128x1x128xf32> to vector<128x128xf32>
    %slice3A_18 = vector.extract_strided_slice %squeeze3A_17 {offsets = [0, 0], sizes = [128, 64], strides = [1, 1]} : vector<128x128xf32> to vector<128x64xf32>
    %transpose3A_19 = tpu.transpose %slice3A_18, [1, 0] : vector<128x64xf32> -> vector<64x128xf32>
    %swap3A_20 = arith.constant 2 : index
    %swap3A_21 = arith.constant 0 : index
    %swap3A_22 = arith.constant 0 : index
    %swap3A_23 = vector.load %arg2[%swap3A_20, %swap3A_21, %swap3A_22] : memref<100x64x128xf32, #tpu.memory_space<vmem>>, vector<1x64x128xf32>
    %swap3A_24 = vector.shape_cast %swap3A_23 : vector<1x64x128xf32> to vector<64x128xf32>
    %swap3A_25 = vector.shape_cast %transpose3A_19 : vector<64x128xf32> to vector<1x64x128xf32>
    tpu.vector_store %arg2[%swap3A_20, %swap3A_21, %swap3A_22], %swap3A_25 {strides = array<i32>} : memref<100x64x128xf32, #tpu.memory_space<vmem>>, vector<1x64x128xf32>,
    %slice3A_26 = vector.extract_strided_slice %squeeze3A_17 {offsets = [0, 64], sizes = [128, 64], strides = [1, 1]} : vector<128x128xf32> to vector<128x64xf32>
    %transpose3A_27 = tpu.transpose %slice3A_26, [1, 0] : vector<128x64xf32> -> vector<64x128xf32>
    %swap3A_28 = arith.constant 3 : index
    %swap3A_29 = arith.constant 0 : index
    %swap3A_30 = arith.constant 0 : index
    %swap3A_31 = vector.load %arg2[%swap3A_28, %swap3A_29, %swap3A_30] : memref<100x64x128xf32, #tpu.memory_space<vmem>>, vector<1x64x128xf32>
    %swap3A_32 = vector.shape_cast %swap3A_31 : vector<1x64x128xf32> to vector<64x128xf32>
    %swap3A_33 = vector.shape_cast %transpose3A_27 : vector<64x128xf32> to vector<1x64x128xf32>
    tpu.vector_store %arg2[%swap3A_28, %swap3A_29, %swap3A_30], %swap3A_33 {strides = array<i32>} : memref<100x64x128xf32, #tpu.memory_space<vmem>>, vector<1x64x128xf32>,
    %slice3A_34 = vector.extract_strided_slice %reshape3A {offsets = [0, 2, 0], sizes = [128, 1, 128], strides = [1, 1, 1]} : vector<128x50x128xf32> to vector<128x1x128xf32>
    %squeeze3A_35 = vector.shape_cast %slice3A_34 : vector<128x1x128xf32> to vector<128x128xf32>
    %slice3A_36 = vector.extract_strided_slice %squeeze3A_35 {offsets = [0, 0], sizes = [128, 64], strides = [1, 1]} : vector<128x128xf32> to vector<128x64xf32>
    %transpose3A_37 = tpu.transpose %slice3A_36, [1, 0] : vector<128x64xf32> -> vector<64x128xf32>
    %swap3A_38 = arith.constant 4 : index
    %swap3A_39 = arith.constant 0 : index
    %swap3A_40 = arith.constant 0 : index
    %swap3A_41 = vector.load %arg2[%swap3A_38, %swap3A_39, %swap3A_40] : memref<100x64x128xf32, #tpu.memory_space<vmem>>, vector<1x64x128xf32>
    %swap3A_42 = vector.shape_cast %swap3A_41 : vector<1x64x128xf32> to vector<64x128xf32>
    %swap3A_43 = vector.shape_cast %transpose3A_37 : vector<64x128xf32> to vector<1x64x128xf32>
    tpu.vector_store %arg2[%swap3A_38, %swap3A_39, %swap3A_40], %swap3A_43 {strides = array<i32>} : memref<100x64x128xf32, #tpu.memory_space<vmem>>, vector<1x64x128xf32>,
    %slice3A_44 = vector.extract_strided_slice %squeeze3A_35 {offsets = [0, 64], sizes = [128, 64], strides = [1, 1]} : vector<128x128xf32> to vector<128x64xf32>
    %transpose3A_45 = tpu.transpose %slice3A_44, [1, 0] : vector<128x64xf32> -> vector<64x128xf32>
    %swap3A_46 = arith.constant 5 : index
    %swap3A_47 = arith.constant 0 : index
    %swap3A_48 = arith.constant 0 : index
    %swap3A_49 = vector.load %arg2[%swap3A_46, %swap3A_47, %swap3A_48] : memref<100x64x128xf32, #tpu.memory_space<vmem>>, vector<1x64x128xf32>
    %swap3A_50 = vector.shape_cast %swap3A_49 : vector<1x64x128xf32> to vector<64x128xf32>
    %swap3A_51 = vector.shape_cast %transpose3A_45 : vector<64x128xf32> to vector<1x64x128xf32>
    tpu.vector_store %arg2[%swap3A_46, %swap3A_47, %swap3A_48], %swap3A_51 {strides = array<i32>} : memref<100x64x128xf32, #tpu.memory_space<vmem>>, vector<1x64x128xf32>,
    %slice3A_52 = vector.extract_strided_slice %reshape3A {offsets = [0, 3, 0], sizes = [128, 1, 128], strides = [1, 1, 1]} : vector<128x50x128xf32> to vector<128x1x128xf32>
    %squeeze3A_53 = vector.shape_cast %slice3A_52 : vector<128x1x128xf32> to vector<128x128xf32>
    %slice3A_54 = vector.extract_strided_slice %squeeze3A_53 {offsets = [0, 0], sizes = [128, 64], strides = [1, 1]} : vector<128x128xf32> to vector<128x64xf32>
    %transpose3A_55 = tpu.transpose %slice3A_54, [1, 0] : vector<128x64xf32> -> vector<64x128xf32>
    %swap3A_56 = arith.constant 6 : index
    %swap3A_57 = arith.constant 0 : index
    %swap3A_58 = arith.constant 0 : index
    %swap3A_59 = vector.load %arg2[%swap3A_56, %swap3A_57, %swap3A_58] : memref<100x64x128xf32, #tpu.memory_space<vmem>>, vector<1x64x128xf32>
    %swap3A_60 = vector.shape_cast %swap3A_59 : vector<1x64x128xf32> to vector<64x128xf32>
    %swap3A_61 = vector.shape_cast %transpose3A_55 : vector<64x128xf32> to vector<1x64x128xf32>
    tpu.vector_store %arg2[%swap3A_56, %swap3A_57, %swap3A_58], %swap3A_61 {strides = array<i32>} : memref<100x64x128xf32, #tpu.memory_space<vmem>>, vector<1x64x128xf32>,
    %slice3A_62 = vector.extract_strided_slice %squeeze3A_53 {offsets = [0, 64], sizes = [128, 64], strides = [1, 1]} : vector<128x128xf32> to vector<128x64xf32>
    %transpose3A_63 = tpu.transpose %slice3A_62, [1, 0] : vector<128x64xf32> -> vector<64x128xf32>
    %swap3A_64 = arith.constant 7 : index
    %swap3A_65 = arith.constant 0 : index
    %swap3A_66 = arith.constant 0 : index
    %swap3A_67 = vector.load %arg2[%swap3A_64, %swap3A_65, %swap3A_66] : memref<100x64x128xf32, #tpu.memory_space<vmem>>, vector<1x64x128xf32>
    %swap3A_68 = vector.shape_cast %swap3A_67 : vector<1x64x128xf32> to vector<64x128xf32>
    %swap3A_69 = vector.shape_cast %transpose3A_63 : vector<64x128xf32> to vector<1x64x128xf32>
    tpu.vector_store %arg2[%swap3A_64, %swap3A_65, %swap3A_66], %swap3A_69 {strides = array<i32>} : memref<100x64x128xf32, #tpu.memory_space<vmem>>, vector<1x64x128xf32>,
    %slice3A_70 = vector.extract_strided_slice %reshape3A {offsets = [0, 4, 0], sizes = [128, 1, 128], strides = [1, 1, 1]} : vector<128x50x128xf32> to vector<128x1x128xf32>
    %squeeze3A_71 = vector.shape_cast %slice3A_70 : vector<128x1x128xf32> to vector<128x128xf32>
    %slice3A_72 = vector.extract_strided_slice %squeeze3A_71 {offsets = [0, 0], sizes = [128, 64], strides = [1, 1]} : vector<128x128xf32> to vector<128x64xf32>
    %transpose3A_73 = tpu.transpose %slice3A_72, [1, 0] : vector<128x64xf32> -> vector<64x128xf32>
    %swap3A_74 = arith.constant 8 : index
    %swap3A_75 = arith.constant 0 : index
    %swap3A_76 = arith.constant 0 : index
    %swap3A_77 = vector.load %arg2[%swap3A_74, %swap3A_75, %swap3A_76] : memref<100x64x128xf32, #tpu.memory_space<vmem>>, vector<1x64x128xf32>
    %swap3A_78 = vector.shape_cast %swap3A_77 : vector<1x64x128xf32> to vector<64x128xf32>
    %swap3A_79 = vector.shape_cast %transpose3A_73 : vector<64x128xf32> to vector<1x64x128xf32>
    tpu.vector_store %arg2[%swap3A_74, %swap3A_75, %swap3A_76], %swap3A_79 {strides = array<i32>} : memref<100x64x128xf32, #tpu.memory_space<vmem>>, vector<1x64x128xf32>,
    %slice3A_80 = vector.extract_strided_slice %squeeze3A_71 {offsets = [0, 64], sizes = [128, 64], strides = [1, 1]} : vector<128x128xf32> to vector<128x64xf32>
    %transpose3A_81 = tpu.transpose %slice3A_80, [1, 0] : vector<128x64xf32> -> vector<64x128xf32>
    %swap3A_82 = arith.constant 9 : index
    %swap3A_83 = arith.constant 0 : index
    %swap3A_84 = arith.constant 0 : index
    %swap3A_85 = vector.load %arg2[%swap3A_82, %swap3A_83, %swap3A_84] : memref<100x64x128xf32, #tpu.memory_space<vmem>>, vector<1x64x128xf32>
    %swap3A_86 = vector.shape_cast %swap3A_85 : vector<1x64x128xf32> to vector<64x128xf32>
    %swap3A_87 = vector.shape_cast %transpose3A_81 : vector<64x128xf32> to vector<1x64x128xf32>
    tpu.vector_store %arg2[%swap3A_82, %swap3A_83, %swap3A_84], %swap3A_87 {strides = array<i32>} : memref<100x64x128xf32, #tpu.memory_space<vmem>>, vector<1x64x128xf32>,
    %slice3A_88 = vector.extract_strided_slice %reshape3A {offsets = [0, 5, 0], sizes = [128, 1, 128], strides = [1, 1, 1]} : vector<128x50x128xf32> to vector<128x1x128xf32>
    %squeeze3A_89 = vector.shape_cast %slice3A_88 : vector<128x1x128xf32> to vector<128x128xf32>
    %slice3A_90 = vector.extract_strided_slice %squeeze3A_89 {offsets = [0, 0], sizes = [128, 64], strides = [1, 1]} : vector<128x128xf32> to vector<128x64xf32>
    %transpose3A_91 = tpu.transpose %slice3A_90, [1, 0] : vector<128x64xf32> -> vector<64x128xf32>
    %swap3A_92 = arith.constant 10 : index
    %swap3A_93 = arith.constant 0 : index
    %swap3A_94 = arith.constant 0 : index
    %swap3A_95 = vector.load %arg2[%swap3A_92, %swap3A_93, %swap3A_94] : memref<100x64x128xf32, #tpu.memory_space<vmem>>, vector<1x64x128xf32>
    %swap3A_96 = vector.shape_cast %swap3A_95 : vector<1x64x128xf32> to vector<64x128xf32>
    %swap3A_97 = vector.shape_cast %transpose3A_91 : vector<64x128xf32> to vector<1x64x128xf32>
    tpu.vector_store %arg2[%swap3A_92, %swap3A_93, %swap3A_94], %swap3A_97 {strides = array<i32>} : memref<100x64x128xf32, #tpu.memory_space<vmem>>, vector<1x64x128xf32>,
    %slice3A_98 = vector.extract_strided_slice %squeeze3A_89 {offsets = [0, 64], sizes = [128, 64], strides = [1, 1]} : vector<128x128xf32> to vector<128x64xf32>
    %transpose3A_99 = tpu.transpose %slice3A_98, [1, 0] : vector<128x64xf32> -> vector<64x128xf32>
    %swap3A_100 = arith.constant 11 : index
    %swap3A_101 = arith.constant 0 : index
    %swap3A_102 = arith.constant 0 : index
    %swap3A_103 = vector.load %arg2[%swap3A_100, %swap3A_101, %swap3A_102] : memref<100x64x128xf32, #tpu.memory_space<vmem>>, vector<1x64x128xf32>
    %swap3A_104 = vector.shape_cast %swap3A_103 : vector<1x64x128xf32> to vector<64x128xf32>
    %swap3A_105 = vector.shape_cast %transpose3A_99 : vector<64x128xf32> to vector<1x64x128xf32>
    tpu.vector_store %arg2[%swap3A_100, %swap3A_101, %swap3A_102], %swap3A_105 {strides = array<i32>} : memref<100x64x128xf32, #tpu.memory_space<vmem>>, vector<1x64x128xf32>,
    %slice3A_106 = vector.extract_strided_slice %reshape3A {offsets = [0, 6, 0], sizes = [128, 1, 128], strides = [1, 1, 1]} : vector<128x50x128xf32> to vector<128x1x128xf32>
    %squeeze3A_107 = vector.shape_cast %slice3A_106 : vector<128x1x128xf32> to vector<128x128xf32>
    %slice3A_108 = vector.extract_strided_slice %squeeze3A_107 {offsets = [0, 0], sizes = [128, 64], strides = [1, 1]} : vector<128x128xf32> to vector<128x64xf32>
    %transpose3A_109 = tpu.transpose %slice3A_108, [1, 0] : vector<128x64xf32> -> vector<64x128xf32>
    %swap3A_110 = arith.constant 12 : index
    %swap3A_111 = arith.constant 0 : index
    %swap3A_112 = arith.constant 0 : index
    %swap3A_113 = vector.load %arg2[%swap3A_110, %swap3A_111, %swap3A_112] : memref<100x64x128xf32, #tpu.memory_space<vmem>>, vector<1x64x128xf32>
    %swap3A_114 = vector.shape_cast %swap3A_113 : vector<1x64x128xf32> to vector<64x128xf32>
    %swap3A_115 = vector.shape_cast %transpose3A_109 : vector<64x128xf32> to vector<1x64x128xf32>
    tpu.vector_store %arg2[%swap3A_110, %swap3A_111, %swap3A_112], %swap3A_115 {strides = array<i32>} : memref<100x64x128xf32, #tpu.memory_space<vmem>>, vector<1x64x128xf32>,
    %slice3A_116 = vector.extract_strided_slice %squeeze3A_107 {offsets = [0, 64], sizes = [128, 64], strides = [1, 1]} : vector<128x128xf32> to vector<128x64xf32>
    %transpose3A_117 = tpu.transpose %slice3A_116, [1, 0] : vector<128x64xf32> -> vector<64x128xf32>
    %swap3A_118 = arith.constant 13 : index
    %swap3A_119 = arith.constant 0 : index
    %swap3A_120 = arith.constant 0 : index
    %swap3A_121 = vector.load %arg2[%swap3A_118, %swap3A_119, %swap3A_120] : memref<100x64x128xf32, #tpu.memory_space<vmem>>, vector<1x64x128xf32>
    %swap3A_122 = vector.shape_cast %swap3A_121 : vector<1x64x128xf32> to vector<64x128xf32>
    %swap3A_123 = vector.shape_cast %transpose3A_117 : vector<64x128xf32> to vector<1x64x128xf32>
    tpu.vector_store %arg2[%swap3A_118, %swap3A_119, %swap3A_120], %swap3A_123 {strides = array<i32>} : memref<100x64x128xf32, #tpu.memory_space<vmem>>, vector<1x64x128xf32>,
    %slice3A_124 = vector.extract_strided_slice %reshape3A {offsets = [0, 7, 0], sizes = [128, 1, 128], strides = [1, 1, 1]} : vector<128x50x128xf32> to vector<128x1x128xf32>
    %squeeze3A_125 = vector.shape_cast %slice3A_124 : vector<128x1x128xf32> to vector<128x128xf32>
    %slice3A_126 = vector.extract_strided_slice %squeeze3A_125 {offsets = [0, 0], sizes = [128, 64], strides = [1, 1]} : vector<128x128xf32> to vector<128x64xf32>
    %transpose3A_127 = tpu.transpose %slice3A_126, [1, 0] : vector<128x64xf32> -> vector<64x128xf32>
    %swap3A_128 = arith.constant 14 : index
    %swap3A_129 = arith.constant 0 : index
    %swap3A_130 = arith.constant 0 : index
    %swap3A_131 = vector.load %arg2[%swap3A_128, %swap3A_129, %swap3A_130] : memref<100x64x128xf32, #tpu.memory_space<vmem>>, vector<1x64x128xf32>
    %swap3A_132 = vector.shape_cast %swap3A_131 : vector<1x64x128xf32> to vector<64x128xf32>
    %swap3A_133 = vector.shape_cast %transpose3A_127 : vector<64x128xf32> to vector<1x64x128xf32>
    tpu.vector_store %arg2[%swap3A_128, %swap3A_129, %swap3A_130], %swap3A_133 {strides = array<i32>} : memref<100x64x128xf32, #tpu.memory_space<vmem>>, vector<1x64x128xf32>,
    %slice3A_134 = vector.extract_strided_slice %squeeze3A_125 {offsets = [0, 64], sizes = [128, 64], strides = [1, 1]} : vector<128x128xf32> to vector<128x64xf32>
    %transpose3A_135 = tpu.transpose %slice3A_134, [1, 0] : vector<128x64xf32> -> vector<64x128xf32>
    %swap3A_136 = arith.constant 15 : index
    %swap3A_137 = arith.constant 0 : index
    %swap3A_138 = arith.constant 0 : index
    %swap3A_139 = vector.load %arg2[%swap3A_136, %swap3A_137, %swap3A_138] : memref<100x64x128xf32, #tpu.memory_space<vmem>>, vector<1x64x128xf32>
    %swap3A_140 = vector.shape_cast %swap3A_139 : vector<1x64x128xf32> to vector<64x128xf32>
    %swap3A_141 = vector.shape_cast %transpose3A_135 : vector<64x128xf32> to vector<1x64x128xf32>
    tpu.vector_store %arg2[%swap3A_136, %swap3A_137, %swap3A_138], %swap3A_141 {strides = array<i32>} : memref<100x64x128xf32, #tpu.memory_space<vmem>>, vector<1x64x128xf32>,
    %slice3A_142 = vector.extract_strided_slice %reshape3A {offsets = [0, 8, 0], sizes = [128, 1, 128], strides = [1, 1, 1]} : vector<128x50x128xf32> to vector<128x1x128xf32>
    %squeeze3A_143 = vector.shape_cast %slice3A_142 : vector<128x1x128xf32> to vector<128x128xf32>
    %slice3A_144 = vector.extract_strided_slice %squeeze3A_143 {offsets = [0, 0], sizes = [128, 64], strides = [1, 1]} : vector<128x128xf32> to vector<128x64xf32>
    %transpose3A_145 = tpu.transpose %slice3A_144, [1, 0] : vector<128x64xf32> -> vector<64x128xf32>
    %swap3A_146 = arith.constant 16 : index
    %swap3A_147 = arith.constant 0 : index
    %swap3A_148 = arith.constant 0 : index
    %swap3A_149 = vector.load %arg2[%swap3A_146, %swap3A_147, %swap3A_148] : memref<100x64x128xf32, #tpu.memory_space<vmem>>, vector<1x64x128xf32>
    %swap3A_150 = vector.shape_cast %swap3A_149 : vector<1x64x128xf32> to vector<64x128xf32>
    %swap3A_151 = vector.shape_cast %transpose3A_145 : vector<64x128xf32> to vector<1x64x128xf32>
    tpu.vector_store %arg2[%swap3A_146, %swap3A_147, %swap3A_148], %swap3A_151 {strides = array<i32>} : memref<100x64x128xf32, #tpu.memory_space<vmem>>, vector<1x64x128xf32>,
    %slice3A_152 = vector.extract_strided_slice %squeeze3A_143 {offsets = [0, 64], sizes = [128, 64], strides = [1, 1]} : vector<128x128xf32> to vector<128x64xf32>
    %transpose3A_153 = tpu.transpose %slice3A_152, [1, 0] : vector<128x64xf32> -> vector<64x128xf32>
    %swap3A_154 = arith.constant 17 : index
    %swap3A_155 = arith.constant 0 : index
    %swap3A_156 = arith.constant 0 : index
    %swap3A_157 = vector.load %arg2[%swap3A_154, %swap3A_155, %swap3A_156] : memref<100x64x128xf32, #tpu.memory_space<vmem>>, vector<1x64x128xf32>
    %swap3A_158 = vector.shape_cast %swap3A_157 : vector<1x64x128xf32> to vector<64x128xf32>
    %swap3A_159 = vector.shape_cast %transpose3A_153 : vector<64x128xf32> to vector<1x64x128xf32>
    tpu.vector_store %arg2[%swap3A_154, %swap3A_155, %swap3A_156], %swap3A_159 {strides = array<i32>} : memref<100x64x128xf32, #tpu.memory_space<vmem>>, vector<1x64x128xf32>,
    %slice3A_160 = vector.extract_strided_slice %reshape3A {offsets = [0, 9, 0], sizes = [128, 1, 128], strides = [1, 1, 1]} : vector<128x50x128xf32> to vector<128x1x128xf32>
    %squeeze3A_161 = vector.shape_cast %slice3A_160 : vector<128x1x128xf32> to vector<128x128xf32>
    %slice3A_162 = vector.extract_strided_slice %squeeze3A_161 {offsets = [0, 0], sizes = [128, 64], strides = [1, 1]} : vector<128x128xf32> to vector<128x64xf32>
    %transpose3A_163 = tpu.transpose %slice3A_162, [1, 0] : vector<128x64xf32> -> vector<64x128xf32>
    %swap3A_164 = arith.constant 18 : index
    %swap3A_165 = arith.constant 0 : index
    %swap3A_166 = arith.constant 0 : index
    %swap3A_167 = vector.load %arg2[%swap3A_164, %swap3A_165, %swap3A_166] : memref<100x64x128xf32, #tpu.memory_space<vmem>>, vector<1x64x128xf32>
    %swap3A_168 = vector.shape_cast %swap3A_167 : vector<1x64x128xf32> to vector<64x128xf32>
    %swap3A_169 = vector.shape_cast %transpose3A_163 : vector<64x128xf32> to vector<1x64x128xf32>
    tpu.vector_store %arg2[%swap3A_164, %swap3A_165, %swap3A_166], %swap3A_169 {strides = array<i32>} : memref<100x64x128xf32, #tpu.memory_space<vmem>>, vector<1x64x128xf32>,
    %slice3A_170 = vector.extract_strided_slice %squeeze3A_161 {offsets = [0, 64], sizes = [128, 64], strides = [1, 1]} : vector<128x128xf32> to vector<128x64xf32>
    %transpose3A_171 = tpu.transpose %slice3A_170, [1, 0] : vector<128x64xf32> -> vector<64x128xf32>
    %swap3A_172 = arith.constant 19 : index
    %swap3A_173 = arith.constant 0 : index
    %swap3A_174 = arith.constant 0 : index
    %swap3A_175 = vector.load %arg2[%swap3A_172, %swap3A_173, %swap3A_174] : memref<100x64x128xf32, #tpu.memory_space<vmem>>, vector<1x64x128xf32>
    %swap3A_176 = vector.shape_cast %swap3A_175 : vector<1x64x128xf32> to vector<64x128xf32>
    %swap3A_177 = vector.shape_cast %transpose3A_171 : vector<64x128xf32> to vector<1x64x128xf32>
    tpu.vector_store %arg2[%swap3A_172, %swap3A_173, %swap3A_174], %swap3A_177 {strides = array<i32>} : memref<100x64x128xf32, #tpu.memory_space<vmem>>, vector<1x64x128xf32>,
    %slice3A_178 = vector.extract_strided_slice %reshape3A {offsets = [0, 10, 0], sizes = [128, 1, 128], strides = [1, 1, 1]} : vector<128x50x128xf32> to vector<128x1x128xf32>
    %squeeze3A_179 = vector.shape_cast %slice3A_178 : vector<128x1x128xf32> to vector<128x128xf32>
    %slice3A_180 = vector.extract_strided_slice %squeeze3A_179 {offsets = [0, 0], sizes = [128, 64], strides = [1, 1]} : vector<128x128xf32> to vector<128x64xf32>
    %transpose3A_181 = tpu.transpose %slice3A_180, [1, 0] : vector<128x64xf32> -> vector<64x128xf32>
    %swap3A_182 = arith.constant 20 : index
    %swap3A_183 = arith.constant 0 : index
    %swap3A_184 = arith.constant 0 : index
    %swap3A_185 = vector.load %arg2[%swap3A_182, %swap3A_183, %swap3A_184] : memref<100x64x128xf32, #tpu.memory_space<vmem>>, vector<1x64x128xf32>
    %swap3A_186 = vector.shape_cast %swap3A_185 : vector<1x64x128xf32> to vector<64x128xf32>
    %swap3A_187 = vector.shape_cast %transpose3A_181 : vector<64x128xf32> to vector<1x64x128xf32>
    tpu.vector_store %arg2[%swap3A_182, %swap3A_183, %swap3A_184], %swap3A_187 {strides = array<i32>} : memref<100x64x128xf32, #tpu.memory_space<vmem>>, vector<1x64x128xf32>,
    %slice3A_188 = vector.extract_strided_slice %squeeze3A_179 {offsets = [0, 64], sizes = [128, 64], strides = [1, 1]} : vector<128x128xf32> to vector<128x64xf32>
    %transpose3A_189 = tpu.transpose %slice3A_188, [1, 0] : vector<128x64xf32> -> vector<64x128xf32>
    %swap3A_190 = arith.constant 21 : index
    %swap3A_191 = arith.constant 0 : index
    %swap3A_192 = arith.constant 0 : index
    %swap3A_193 = vector.load %arg2[%swap3A_190, %swap3A_191, %swap3A_192] : memref<100x64x128xf32, #tpu.memory_space<vmem>>, vector<1x64x128xf32>
    %swap3A_194 = vector.shape_cast %swap3A_193 : vector<1x64x128xf32> to vector<64x128xf32>
    %swap3A_195 = vector.shape_cast %transpose3A_189 : vector<64x128xf32> to vector<1x64x128xf32>
    tpu.vector_store %arg2[%swap3A_190, %swap3A_191, %swap3A_192], %swap3A_195 {strides = array<i32>} : memref<100x64x128xf32, #tpu.memory_space<vmem>>, vector<1x64x128xf32>,
    %slice3A_196 = vector.extract_strided_slice %reshape3A {offsets = [0, 11, 0], sizes = [128, 1, 128], strides = [1, 1, 1]} : vector<128x50x128xf32> to vector<128x1x128xf32>
    %squeeze3A_197 = vector.shape_cast %slice3A_196 : vector<128x1x128xf32> to vector<128x128xf32>
    %slice3A_198 = vector.extract_strided_slice %squeeze3A_197 {offsets = [0, 0], sizes = [128, 64], strides = [1, 1]} : vector<128x128xf32> to vector<128x64xf32>
    %transpose3A_199 = tpu.transpose %slice3A_198, [1, 0] : vector<128x64xf32> -> vector<64x128xf32>
    %swap3A_200 = arith.constant 22 : index
    %swap3A_201 = arith.constant 0 : index
    %swap3A_202 = arith.constant 0 : index
    %swap3A_203 = vector.load %arg2[%swap3A_200, %swap3A_201, %swap3A_202] : memref<100x64x128xf32, #tpu.memory_space<vmem>>, vector<1x64x128xf32>
    %swap3A_204 = vector.shape_cast %swap3A_203 : vector<1x64x128xf32> to vector<64x128xf32>
    %swap3A_205 = vector.shape_cast %transpose3A_199 : vector<64x128xf32> to vector<1x64x128xf32>
    tpu.vector_store %arg2[%swap3A_200, %swap3A_201, %swap3A_202], %swap3A_205 {strides = array<i32>} : memref<100x64x128xf32, #tpu.memory_space<vmem>>, vector<1x64x128xf32>,
    %slice3A_206 = vector.extract_strided_slice %squeeze3A_197 {offsets = [0, 64], sizes = [128, 64], strides = [1, 1]} : vector<128x128xf32> to vector<128x64xf32>
    %transpose3A_207 = tpu.transpose %slice3A_206, [1, 0] : vector<128x64xf32> -> vector<64x128xf32>
    %swap3A_208 = arith.constant 23 : index
    %swap3A_209 = arith.constant 0 : index
    %swap3A_210 = arith.constant 0 : index
    %swap3A_211 = vector.load %arg2[%swap3A_208, %swap3A_209, %swap3A_210] : memref<100x64x128xf32, #tpu.memory_space<vmem>>, vector<1x64x128xf32>
    %swap3A_212 = vector.shape_cast %swap3A_211 : vector<1x64x128xf32> to vector<64x128xf32>
    %swap3A_213 = vector.shape_cast %transpose3A_207 : vector<64x128xf32> to vector<1x64x128xf32>
    tpu.vector_store %arg2[%swap3A_208, %swap3A_209, %swap3A_210], %swap3A_213 {strides = array<i32>} : memref<100x64x128xf32, #tpu.memory_space<vmem>>, vector<1x64x128xf32>,
    %slice3A_214 = vector.extract_strided_slice %reshape3A {offsets = [0, 12, 0], sizes = [128, 1, 128], strides = [1, 1, 1]} : vector<128x50x128xf32> to vector<128x1x128xf32>
    %squeeze3A_215 = vector.shape_cast %slice3A_214 : vector<128x1x128xf32> to vector<128x128xf32>
    %slice3A_216 = vector.extract_strided_slice %squeeze3A_215 {offsets = [0, 0], sizes = [128, 64], strides = [1, 1]} : vector<128x128xf32> to vector<128x64xf32>
    %transpose3A_217 = tpu.transpose %slice3A_216, [1, 0] : vector<128x64xf32> -> vector<64x128xf32>
    %swap3A_218 = arith.constant 24 : index
    %swap3A_219 = arith.constant 0 : index
    %swap3A_220 = arith.constant 0 : index
    %swap3A_221 = vector.load %arg2[%swap3A_218, %swap3A_219, %swap3A_220] : memref<100x64x128xf32, #tpu.memory_space<vmem>>, vector<1x64x128xf32>
    %swap3A_222 = vector.shape_cast %swap3A_221 : vector<1x64x128xf32> to vector<64x128xf32>
    %swap3A_223 = vector.shape_cast %transpose3A_217 : vector<64x128xf32> to vector<1x64x128xf32>
    tpu.vector_store %arg2[%swap3A_218, %swap3A_219, %swap3A_220], %swap3A_223 {strides = array<i32>} : memref<100x64x128xf32, #tpu.memory_space<vmem>>, vector<1x64x128xf32>,
    %slice3A_224 = vector.extract_strided_slice %squeeze3A_215 {offsets = [0, 64], sizes = [128, 64], strides = [1, 1]} : vector<128x128xf32> to vector<128x64xf32>
    %transpose3A_225 = tpu.transpose %slice3A_224, [1, 0] : vector<128x64xf32> -> vector<64x128xf32>
    %swap3A_226 = arith.constant 25 : index
    %swap3A_227 = arith.constant 0 : index
    %swap3A_228 = arith.constant 0 : index
    %swap3A_229 = vector.load %arg2[%swap3A_226, %swap3A_227, %swap3A_228] : memref<100x64x128xf32, #tpu.memory_space<vmem>>, vector<1x64x128xf32>
    %swap3A_230 = vector.shape_cast %swap3A_229 : vector<1x64x128xf32> to vector<64x128xf32>
    %swap3A_231 = vector.shape_cast %transpose3A_225 : vector<64x128xf32> to vector<1x64x128xf32>
    tpu.vector_store %arg2[%swap3A_226, %swap3A_227, %swap3A_228], %swap3A_231 {strides = array<i32>} : memref<100x64x128xf32, #tpu.memory_space<vmem>>, vector<1x64x128xf32>,
    %slice3A_232 = vector.extract_strided_slice %reshape3A {offsets = [0, 13, 0], sizes = [128, 1, 128], strides = [1, 1, 1]} : vector<128x50x128xf32> to vector<128x1x128xf32>
    %squeeze3A_233 = vector.shape_cast %slice3A_232 : vector<128x1x128xf32> to vector<128x128xf32>
    %slice3A_234 = vector.extract_strided_slice %squeeze3A_233 {offsets = [0, 0], sizes = [128, 64], strides = [1, 1]} : vector<128x128xf32> to vector<128x64xf32>
    %transpose3A_235 = tpu.transpose %slice3A_234, [1, 0] : vector<128x64xf32> -> vector<64x128xf32>
    %swap3A_236 = arith.constant 26 : index
    %swap3A_237 = arith.constant 0 : index
    %swap3A_238 = arith.constant 0 : index
    %swap3A_239 = vector.load %arg2[%swap3A_236, %swap3A_237, %swap3A_238] : memref<100x64x128xf32, #tpu.memory_space<vmem>>, vector<1x64x128xf32>
    %swap3A_240 = vector.shape_cast %swap3A_239 : vector<1x64x128xf32> to vector<64x128xf32>
    %swap3A_241 = vector.shape_cast %transpose3A_235 : vector<64x128xf32> to vector<1x64x128xf32>
    tpu.vector_store %arg2[%swap3A_236, %swap3A_237, %swap3A_238], %swap3A_241 {strides = array<i32>} : memref<100x64x128xf32, #tpu.memory_space<vmem>>, vector<1x64x128xf32>,
    %slice3A_242 = vector.extract_strided_slice %squeeze3A_233 {offsets = [0, 64], sizes = [128, 64], strides = [1, 1]} : vector<128x128xf32> to vector<128x64xf32>
    %transpose3A_243 = tpu.transpose %slice3A_242, [1, 0] : vector<128x64xf32> -> vector<64x128xf32>
    %swap3A_244 = arith.constant 27 : index
    %swap3A_245 = arith.constant 0 : index
    %swap3A_246 = arith.constant 0 : index
    %swap3A_247 = vector.load %arg2[%swap3A_244, %swap3A_245, %swap3A_246] : memref<100x64x128xf32, #tpu.memory_space<vmem>>, vector<1x64x128xf32>
    %swap3A_248 = vector.shape_cast %swap3A_247 : vector<1x64x128xf32> to vector<64x128xf32>
    %swap3A_249 = vector.shape_cast %transpose3A_243 : vector<64x128xf32> to vector<1x64x128xf32>
    tpu.vector_store %arg2[%swap3A_244, %swap3A_245, %swap3A_246], %swap3A_249 {strides = array<i32>} : memref<100x64x128xf32, #tpu.memory_space<vmem>>, vector<1x64x128xf32>,
    %slice3A_250 = vector.extract_strided_slice %reshape3A {offsets = [0, 14, 0], sizes = [128, 1, 128], strides = [1, 1, 1]} : vector<128x50x128xf32> to vector<128x1x128xf32>
    %squeeze3A_251 = vector.shape_cast %slice3A_250 : vector<128x1x128xf32> to vector<128x128xf32>
    %slice3A_252 = vector.extract_strided_slice %squeeze3A_251 {offsets = [0, 0], sizes = [128, 64], strides = [1, 1]} : vector<128x128xf32> to vector<128x64xf32>
    %transpose3A_253 = tpu.transpose %slice3A_252, [1, 0] : vector<128x64xf32> -> vector<64x128xf32>
    %swap3A_254 = arith.constant 28 : index
    %swap3A_255 = arith.constant 0 : index
    %swap3A_256 = arith.constant 0 : index
    %swap3A_257 = vector.load %arg2[%swap3A_254, %swap3A_255, %swap3A_256] : memref<100x64x128xf32, #tpu.memory_space<vmem>>, vector<1x64x128xf32>
    %swap3A_258 = vector.shape_cast %swap3A_257 : vector<1x64x128xf32> to vector<64x128xf32>
    %swap3A_259 = vector.shape_cast %transpose3A_253 : vector<64x128xf32> to vector<1x64x128xf32>
    tpu.vector_store %arg2[%swap3A_254, %swap3A_255, %swap3A_256], %swap3A_259 {strides = array<i32>} : memref<100x64x128xf32, #tpu.memory_space<vmem>>, vector<1x64x128xf32>,
    %slice3A_260 = vector.extract_strided_slice %squeeze3A_251 {offsets = [0, 64], sizes = [128, 64], strides = [1, 1]} : vector<128x128xf32> to vector<128x64xf32>
    %transpose3A_261 = tpu.transpose %slice3A_260, [1, 0] : vector<128x64xf32> -> vector<64x128xf32>
    %swap3A_262 = arith.constant 29 : index
    %swap3A_263 = arith.constant 0 : index
    %swap3A_264 = arith.constant 0 : index
    %swap3A_265 = vector.load %arg2[%swap3A_262, %swap3A_263, %swap3A_264] : memref<100x64x128xf32, #tpu.memory_space<vmem>>, vector<1x64x128xf32>
    %swap3A_266 = vector.shape_cast %swap3A_265 : vector<1x64x128xf32> to vector<64x128xf32>
    %swap3A_267 = vector.shape_cast %transpose3A_261 : vector<64x128xf32> to vector<1x64x128xf32>
    tpu.vector_store %arg2[%swap3A_262, %swap3A_263, %swap3A_264], %swap3A_267 {strides = array<i32>} : memref<100x64x128xf32, #tpu.memory_space<vmem>>, vector<1x64x128xf32>,
    %slice3A_268 = vector.extract_strided_slice %reshape3A {offsets = [0, 15, 0], sizes = [128, 1, 128], strides = [1, 1, 1]} : vector<128x50x128xf32> to vector<128x1x128xf32>
    %squeeze3A_269 = vector.shape_cast %slice3A_268 : vector<128x1x128xf32> to vector<128x128xf32>
    %slice3A_270 = vector.extract_strided_slice %squeeze3A_269 {offsets = [0, 0], sizes = [128, 64], strides = [1, 1]} : vector<128x128xf32> to vector<128x64xf32>
    %transpose3A_271 = tpu.transpose %slice3A_270, [1, 0] : vector<128x64xf32> -> vector<64x128xf32>
    %swap3A_272 = arith.constant 30 : index
    %swap3A_273 = arith.constant 0 : index
    %swap3A_274 = arith.constant 0 : index
    %swap3A_275 = vector.load %arg2[%swap3A_272, %swap3A_273, %swap3A_274] : memref<100x64x128xf32, #tpu.memory_space<vmem>>, vector<1x64x128xf32>
    %swap3A_276 = vector.shape_cast %swap3A_275 : vector<1x64x128xf32> to vector<64x128xf32>
    %swap3A_277 = vector.shape_cast %transpose3A_271 : vector<64x128xf32> to vector<1x64x128xf32>
    tpu.vector_store %arg2[%swap3A_272, %swap3A_273, %swap3A_274], %swap3A_277 {strides = array<i32>} : memref<100x64x128xf32, #tpu.memory_space<vmem>>, vector<1x64x128xf32>,
    %slice3A_278 = vector.extract_strided_slice %squeeze3A_269 {offsets = [0, 64], sizes = [128, 64], strides = [1, 1]} : vector<128x128xf32> to vector<128x64xf32>
    %transpose3A_279 = tpu.transpose %slice3A_278, [1, 0] : vector<128x64xf32> -> vector<64x128xf32>
    %swap3A_280 = arith.constant 31 : index
    %swap3A_281 = arith.constant 0 : index
    %swap3A_282 = arith.constant 0 : index
    %swap3A_283 = vector.load %arg2[%swap3A_280, %swap3A_281, %swap3A_282] : memref<100x64x128xf32, #tpu.memory_space<vmem>>, vector<1x64x128xf32>
    %swap3A_284 = vector.shape_cast %swap3A_283 : vector<1x64x128xf32> to vector<64x128xf32>
    %swap3A_285 = vector.shape_cast %transpose3A_279 : vector<64x128xf32> to vector<1x64x128xf32>
    tpu.vector_store %arg2[%swap3A_280, %swap3A_281, %swap3A_282], %swap3A_285 {strides = array<i32>} : memref<100x64x128xf32, #tpu.memory_space<vmem>>, vector<1x64x128xf32>,
    %slice3A_286 = vector.extract_strided_slice %reshape3A {offsets = [0, 16, 0], sizes = [128, 1, 128], strides = [1, 1, 1]} : vector<128x50x128xf32> to vector<128x1x128xf32>
    %squeeze3A_287 = vector.shape_cast %slice3A_286 : vector<128x1x128xf32> to vector<128x128xf32>
    %slice3A_288 = vector.extract_strided_slice %squeeze3A_287 {offsets = [0, 0], sizes = [128, 64], strides = [1, 1]} : vector<128x128xf32> to vector<128x64xf32>
    %transpose3A_289 = tpu.transpose %slice3A_288, [1, 0] : vector<128x64xf32> -> vector<64x128xf32>
    %swap3A_290 = arith.constant 32 : index
    %swap3A_291 = arith.constant 0 : index
    %swap3A_292 = arith.constant 0 : index
    %swap3A_293 = vector.load %arg2[%swap3A_290, %swap3A_291, %swap3A_292] : memref<100x64x128xf32, #tpu.memory_space<vmem>>, vector<1x64x128xf32>
    %swap3A_294 = vector.shape_cast %swap3A_293 : vector<1x64x128xf32> to vector<64x128xf32>
    %swap3A_295 = vector.shape_cast %transpose3A_289 : vector<64x128xf32> to vector<1x64x128xf32>
    tpu.vector_store %arg2[%swap3A_290, %swap3A_291, %swap3A_292], %swap3A_295 {strides = array<i32>} : memref<100x64x128xf32, #tpu.memory_space<vmem>>, vector<1x64x128xf32>,
    %slice3A_296 = vector.extract_strided_slice %squeeze3A_287 {offsets = [0, 64], sizes = [128, 64], strides = [1, 1]} : vector<128x128xf32> to vector<128x64xf32>
    %transpose3A_297 = tpu.transpose %slice3A_296, [1, 0] : vector<128x64xf32> -> vector<64x128xf32>
    %swap3A_298 = arith.constant 33 : index
    %swap3A_299 = arith.constant 0 : index
    %swap3A_300 = arith.constant 0 : index
    %swap3A_301 = vector.load %arg2[%swap3A_298, %swap3A_299, %swap3A_300] : memref<100x64x128xf32, #tpu.memory_space<vmem>>, vector<1x64x128xf32>
    %swap3A_302 = vector.shape_cast %swap3A_301 : vector<1x64x128xf32> to vector<64x128xf32>
    %swap3A_303 = vector.shape_cast %transpose3A_297 : vector<64x128xf32> to vector<1x64x128xf32>
    tpu.vector_store %arg2[%swap3A_298, %swap3A_299, %swap3A_300], %swap3A_303 {strides = array<i32>} : memref<100x64x128xf32, #tpu.memory_space<vmem>>, vector<1x64x128xf32>,
    %slice3A_304 = vector.extract_strided_slice %reshape3A {offsets = [0, 17, 0], sizes = [128, 1, 128], strides = [1, 1, 1]} : vector<128x50x128xf32> to vector<128x1x128xf32>
    %squeeze3A_305 = vector.shape_cast %slice3A_304 : vector<128x1x128xf32> to vector<128x128xf32>
    %slice3A_306 = vector.extract_strided_slice %squeeze3A_305 {offsets = [0, 0], sizes = [128, 64], strides = [1, 1]} : vector<128x128xf32> to vector<128x64xf32>
    %transpose3A_307 = tpu.transpose %slice3A_306, [1, 0] : vector<128x64xf32> -> vector<64x128xf32>
    %swap3A_308 = arith.constant 34 : index
    %swap3A_309 = arith.constant 0 : index
    %swap3A_310 = arith.constant 0 : index
    %swap3A_311 = vector.load %arg2[%swap3A_308, %swap3A_309, %swap3A_310] : memref<100x64x128xf32, #tpu.memory_space<vmem>>, vector<1x64x128xf32>
    %swap3A_312 = vector.shape_cast %swap3A_311 : vector<1x64x128xf32> to vector<64x128xf32>
    %swap3A_313 = vector.shape_cast %transpose3A_307 : vector<64x128xf32> to vector<1x64x128xf32>
    tpu.vector_store %arg2[%swap3A_308, %swap3A_309, %swap3A_310], %swap3A_313 {strides = array<i32>} : memref<100x64x128xf32, #tpu.memory_space<vmem>>, vector<1x64x128xf32>,
    %slice3A_314 = vector.extract_strided_slice %squeeze3A_305 {offsets = [0, 64], sizes = [128, 64], strides = [1, 1]} : vector<128x128xf32> to vector<128x64xf32>
    %transpose3A_315 = tpu.transpose %slice3A_314, [1, 0] : vector<128x64xf32> -> vector<64x128xf32>
    %swap3A_316 = arith.constant 35 : index
    %swap3A_317 = arith.constant 0 : index
    %swap3A_318 = arith.constant 0 : index
    %swap3A_319 = vector.load %arg2[%swap3A_316, %swap3A_317, %swap3A_318] : memref<100x64x128xf32, #tpu.memory_space<vmem>>, vector<1x64x128xf32>
    %swap3A_320 = vector.shape_cast %swap3A_319 : vector<1x64x128xf32> to vector<64x128xf32>
    %swap3A_321 = vector.shape_cast %transpose3A_315 : vector<64x128xf32> to vector<1x64x128xf32>
    tpu.vector_store %arg2[%swap3A_316, %swap3A_317, %swap3A_318], %swap3A_321 {strides = array<i32>} : memref<100x64x128xf32, #tpu.memory_space<vmem>>, vector<1x64x128xf32>,
    %slice3A_322 = vector.extract_strided_slice %reshape3A {offsets = [0, 18, 0], sizes = [128, 1, 128], strides = [1, 1, 1]} : vector<128x50x128xf32> to vector<128x1x128xf32>
    %squeeze3A_323 = vector.shape_cast %slice3A_322 : vector<128x1x128xf32> to vector<128x128xf32>
    %slice3A_324 = vector.extract_strided_slice %squeeze3A_323 {offsets = [0, 0], sizes = [128, 64], strides = [1, 1]} : vector<128x128xf32> to vector<128x64xf32>
    %transpose3A_325 = tpu.transpose %slice3A_324, [1, 0] : vector<128x64xf32> -> vector<64x128xf32>
    %swap3A_326 = arith.constant 36 : index
    %swap3A_327 = arith.constant 0 : index
    %swap3A_328 = arith.constant 0 : index
    %swap3A_329 = vector.load %arg2[%swap3A_326, %swap3A_327, %swap3A_328] : memref<100x64x128xf32, #tpu.memory_space<vmem>>, vector<1x64x128xf32>
    %swap3A_330 = vector.shape_cast %swap3A_329 : vector<1x64x128xf32> to vector<64x128xf32>
    %swap3A_331 = vector.shape_cast %transpose3A_325 : vector<64x128xf32> to vector<1x64x128xf32>
    tpu.vector_store %arg2[%swap3A_326, %swap3A_327, %swap3A_328], %swap3A_331 {strides = array<i32>} : memref<100x64x128xf32, #tpu.memory_space<vmem>>, vector<1x64x128xf32>,
    %slice3A_332 = vector.extract_strided_slice %squeeze3A_323 {offsets = [0, 64], sizes = [128, 64], strides = [1, 1]} : vector<128x128xf32> to vector<128x64xf32>
    %transpose3A_333 = tpu.transpose %slice3A_332, [1, 0] : vector<128x64xf32> -> vector<64x128xf32>
    %swap3A_334 = arith.constant 37 : index
    %swap3A_335 = arith.constant 0 : index
    %swap3A_336 = arith.constant 0 : index
    %swap3A_337 = vector.load %arg2[%swap3A_334, %swap3A_335, %swap3A_336] : memref<100x64x128xf32, #tpu.memory_space<vmem>>, vector<1x64x128xf32>
    %swap3A_338 = vector.shape_cast %swap3A_337 : vector<1x64x128xf32> to vector<64x128xf32>
    %swap3A_339 = vector.shape_cast %transpose3A_333 : vector<64x128xf32> to vector<1x64x128xf32>
    tpu.vector_store %arg2[%swap3A_334, %swap3A_335, %swap3A_336], %swap3A_339 {strides = array<i32>} : memref<100x64x128xf32, #tpu.memory_space<vmem>>, vector<1x64x128xf32>,
    %slice3A_340 = vector.extract_strided_slice %reshape3A {offsets = [0, 19, 0], sizes = [128, 1, 128], strides = [1, 1, 1]} : vector<128x50x128xf32> to vector<128x1x128xf32>
    %squeeze3A_341 = vector.shape_cast %slice3A_340 : vector<128x1x128xf32> to vector<128x128xf32>
    %slice3A_342 = vector.extract_strided_slice %squeeze3A_341 {offsets = [0, 0], sizes = [128, 64], strides = [1, 1]} : vector<128x128xf32> to vector<128x64xf32>
    %transpose3A_343 = tpu.transpose %slice3A_342, [1, 0] : vector<128x64xf32> -> vector<64x128xf32>
    %swap3A_344 = arith.constant 38 : index
    %swap3A_345 = arith.constant 0 : index
    %swap3A_346 = arith.constant 0 : index
    %swap3A_347 = vector.load %arg2[%swap3A_344, %swap3A_345, %swap3A_346] : memref<100x64x128xf32, #tpu.memory_space<vmem>>, vector<1x64x128xf32>
    %swap3A_348 = vector.shape_cast %swap3A_347 : vector<1x64x128xf32> to vector<64x128xf32>
    %swap3A_349 = vector.shape_cast %transpose3A_343 : vector<64x128xf32> to vector<1x64x128xf32>
    tpu.vector_store %arg2[%swap3A_344, %swap3A_345, %swap3A_346], %swap3A_349 {strides = array<i32>} : memref<100x64x128xf32, #tpu.memory_space<vmem>>, vector<1x64x128xf32>,
    %slice3A_350 = vector.extract_strided_slice %squeeze3A_341 {offsets = [0, 64], sizes = [128, 64], strides = [1, 1]} : vector<128x128xf32> to vector<128x64xf32>
    %transpose3A_351 = tpu.transpose %slice3A_350, [1, 0] : vector<128x64xf32> -> vector<64x128xf32>
    %swap3A_352 = arith.constant 39 : index
    %swap3A_353 = arith.constant 0 : index
    %swap3A_354 = arith.constant 0 : index
    %swap3A_355 = vector.load %arg2[%swap3A_352, %swap3A_353, %swap3A_354] : memref<100x64x128xf32, #tpu.memory_space<vmem>>, vector<1x64x128xf32>
    %swap3A_356 = vector.shape_cast %swap3A_355 : vector<1x64x128xf32> to vector<64x128xf32>
    %swap3A_357 = vector.shape_cast %transpose3A_351 : vector<64x128xf32> to vector<1x64x128xf32>
    tpu.vector_store %arg2[%swap3A_352, %swap3A_353, %swap3A_354], %swap3A_357 {strides = array<i32>} : memref<100x64x128xf32, #tpu.memory_space<vmem>>, vector<1x64x128xf32>,
    %slice3A_358 = vector.extract_strided_slice %reshape3A {offsets = [0, 20, 0], sizes = [128, 1, 128], strides = [1, 1, 1]} : vector<128x50x128xf32> to vector<128x1x128xf32>
    %squeeze3A_359 = vector.shape_cast %slice3A_358 : vector<128x1x128xf32> to vector<128x128xf32>
    %slice3A_360 = vector.extract_strided_slice %squeeze3A_359 {offsets = [0, 0], sizes = [128, 64], strides = [1, 1]} : vector<128x128xf32> to vector<128x64xf32>
    %transpose3A_361 = tpu.transpose %slice3A_360, [1, 0] : vector<128x64xf32> -> vector<64x128xf32>
    %swap3A_362 = arith.constant 40 : index
    %swap3A_363 = arith.constant 0 : index
    %swap3A_364 = arith.constant 0 : index
    %swap3A_365 = vector.load %arg2[%swap3A_362, %swap3A_363, %swap3A_364] : memref<100x64x128xf32, #tpu.memory_space<vmem>>, vector<1x64x128xf32>
    %swap3A_366 = vector.shape_cast %swap3A_365 : vector<1x64x128xf32> to vector<64x128xf32>
    %swap3A_367 = vector.shape_cast %transpose3A_361 : vector<64x128xf32> to vector<1x64x128xf32>
    tpu.vector_store %arg2[%swap3A_362, %swap3A_363, %swap3A_364], %swap3A_367 {strides = array<i32>} : memref<100x64x128xf32, #tpu.memory_space<vmem>>, vector<1x64x128xf32>,
    %slice3A_368 = vector.extract_strided_slice %squeeze3A_359 {offsets = [0, 64], sizes = [128, 64], strides = [1, 1]} : vector<128x128xf32> to vector<128x64xf32>
    %transpose3A_369 = tpu.transpose %slice3A_368, [1, 0] : vector<128x64xf32> -> vector<64x128xf32>
    %swap3A_370 = arith.constant 41 : index
    %swap3A_371 = arith.constant 0 : index
    %swap3A_372 = arith.constant 0 : index
    %swap3A_373 = vector.load %arg2[%swap3A_370, %swap3A_371, %swap3A_372] : memref<100x64x128xf32, #tpu.memory_space<vmem>>, vector<1x64x128xf32>
    %swap3A_374 = vector.shape_cast %swap3A_373 : vector<1x64x128xf32> to vector<64x128xf32>
    %swap3A_375 = vector.shape_cast %transpose3A_369 : vector<64x128xf32> to vector<1x64x128xf32>
    tpu.vector_store %arg2[%swap3A_370, %swap3A_371, %swap3A_372], %swap3A_375 {strides = array<i32>} : memref<100x64x128xf32, #tpu.memory_space<vmem>>, vector<1x64x128xf32>,
    %slice3A_376 = vector.extract_strided_slice %reshape3A {offsets = [0, 21, 0], sizes = [128, 1, 128], strides = [1, 1, 1]} : vector<128x50x128xf32> to vector<128x1x128xf32>
    %squeeze3A_377 = vector.shape_cast %slice3A_376 : vector<128x1x128xf32> to vector<128x128xf32>
    %slice3A_378 = vector.extract_strided_slice %squeeze3A_377 {offsets = [0, 0], sizes = [128, 64], strides = [1, 1]} : vector<128x128xf32> to vector<128x64xf32>
    %transpose3A_379 = tpu.transpose %slice3A_378, [1, 0] : vector<128x64xf32> -> vector<64x128xf32>
    %swap3A_380 = arith.constant 42 : index
    %swap3A_381 = arith.constant 0 : index
    %swap3A_382 = arith.constant 0 : index
    %swap3A_383 = vector.load %arg2[%swap3A_380, %swap3A_381, %swap3A_382] : memref<100x64x128xf32, #tpu.memory_space<vmem>>, vector<1x64x128xf32>
    %swap3A_384 = vector.shape_cast %swap3A_383 : vector<1x64x128xf32> to vector<64x128xf32>
    %swap3A_385 = vector.shape_cast %transpose3A_379 : vector<64x128xf32> to vector<1x64x128xf32>
    tpu.vector_store %arg2[%swap3A_380, %swap3A_381, %swap3A_382], %swap3A_385 {strides = array<i32>} : memref<100x64x128xf32, #tpu.memory_space<vmem>>, vector<1x64x128xf32>,
    %slice3A_386 = vector.extract_strided_slice %squeeze3A_377 {offsets = [0, 64], sizes = [128, 64], strides = [1, 1]} : vector<128x128xf32> to vector<128x64xf32>
    %transpose3A_387 = tpu.transpose %slice3A_386, [1, 0] : vector<128x64xf32> -> vector<64x128xf32>
    %swap3A_388 = arith.constant 43 : index
    %swap3A_389 = arith.constant 0 : index
    %swap3A_390 = arith.constant 0 : index
    %swap3A_391 = vector.load %arg2[%swap3A_388, %swap3A_389, %swap3A_390] : memref<100x64x128xf32, #tpu.memory_space<vmem>>, vector<1x64x128xf32>
    %swap3A_392 = vector.shape_cast %swap3A_391 : vector<1x64x128xf32> to vector<64x128xf32>
    %swap3A_393 = vector.shape_cast %transpose3A_387 : vector<64x128xf32> to vector<1x64x128xf32>
    tpu.vector_store %arg2[%swap3A_388, %swap3A_389, %swap3A_390], %swap3A_393 {strides = array<i32>} : memref<100x64x128xf32, #tpu.memory_space<vmem>>, vector<1x64x128xf32>,
    %slice3A_394 = vector.extract_strided_slice %reshape3A {offsets = [0, 22, 0], sizes = [128, 1, 128], strides = [1, 1, 1]} : vector<128x50x128xf32> to vector<128x1x128xf32>
    %squeeze3A_395 = vector.shape_cast %slice3A_394 : vector<128x1x128xf32> to vector<128x128xf32>
    %slice3A_396 = vector.extract_strided_slice %squeeze3A_395 {offsets = [0, 0], sizes = [128, 64], strides = [1, 1]} : vector<128x128xf32> to vector<128x64xf32>
    %transpose3A_397 = tpu.transpose %slice3A_396, [1, 0] : vector<128x64xf32> -> vector<64x128xf32>
    %swap3A_398 = arith.constant 44 : index
    %swap3A_399 = arith.constant 0 : index
    %swap3A_400 = arith.constant 0 : index
    %swap3A_401 = vector.load %arg2[%swap3A_398, %swap3A_399, %swap3A_400] : memref<100x64x128xf32, #tpu.memory_space<vmem>>, vector<1x64x128xf32>
    %swap3A_402 = vector.shape_cast %swap3A_401 : vector<1x64x128xf32> to vector<64x128xf32>
    %swap3A_403 = vector.shape_cast %transpose3A_397 : vector<64x128xf32> to vector<1x64x128xf32>
    tpu.vector_store %arg2[%swap3A_398, %swap3A_399, %swap3A_400], %swap3A_403 {strides = array<i32>} : memref<100x64x128xf32, #tpu.memory_space<vmem>>, vector<1x64x128xf32>,
    %slice3A_404 = vector.extract_strided_slice %squeeze3A_395 {offsets = [0, 64], sizes = [128, 64], strides = [1, 1]} : vector<128x128xf32> to vector<128x64xf32>
    %transpose3A_405 = tpu.transpose %slice3A_404, [1, 0] : vector<128x64xf32> -> vector<64x128xf32>
    %swap3A_406 = arith.constant 45 : index
    %swap3A_407 = arith.constant 0 : index
    %swap3A_408 = arith.constant 0 : index
    %swap3A_409 = vector.load %arg2[%swap3A_406, %swap3A_407, %swap3A_408] : memref<100x64x128xf32, #tpu.memory_space<vmem>>, vector<1x64x128xf32>
    %swap3A_410 = vector.shape_cast %swap3A_409 : vector<1x64x128xf32> to vector<64x128xf32>
    %swap3A_411 = vector.shape_cast %transpose3A_405 : vector<64x128xf32> to vector<1x64x128xf32>
    tpu.vector_store %arg2[%swap3A_406, %swap3A_407, %swap3A_408], %swap3A_411 {strides = array<i32>} : memref<100x64x128xf32, #tpu.memory_space<vmem>>, vector<1x64x128xf32>,
    %slice3A_412 = vector.extract_strided_slice %reshape3A {offsets = [0, 23, 0], sizes = [128, 1, 128], strides = [1, 1, 1]} : vector<128x50x128xf32> to vector<128x1x128xf32>
    %squeeze3A_413 = vector.shape_cast %slice3A_412 : vector<128x1x128xf32> to vector<128x128xf32>
    %slice3A_414 = vector.extract_strided_slice %squeeze3A_413 {offsets = [0, 0], sizes = [128, 64], strides = [1, 1]} : vector<128x128xf32> to vector<128x64xf32>
    %transpose3A_415 = tpu.transpose %slice3A_414, [1, 0] : vector<128x64xf32> -> vector<64x128xf32>
    %swap3A_416 = arith.constant 46 : index
    %swap3A_417 = arith.constant 0 : index
    %swap3A_418 = arith.constant 0 : index
    %swap3A_419 = vector.load %arg2[%swap3A_416, %swap3A_417, %swap3A_418] : memref<100x64x128xf32, #tpu.memory_space<vmem>>, vector<1x64x128xf32>
    %swap3A_420 = vector.shape_cast %swap3A_419 : vector<1x64x128xf32> to vector<64x128xf32>
    %swap3A_421 = vector.shape_cast %transpose3A_415 : vector<64x128xf32> to vector<1x64x128xf32>
    tpu.vector_store %arg2[%swap3A_416, %swap3A_417, %swap3A_418], %swap3A_421 {strides = array<i32>} : memref<100x64x128xf32, #tpu.memory_space<vmem>>, vector<1x64x128xf32>,
    %slice3A_422 = vector.extract_strided_slice %squeeze3A_413 {offsets = [0, 64], sizes = [128, 64], strides = [1, 1]} : vector<128x128xf32> to vector<128x64xf32>
    %transpose3A_423 = tpu.transpose %slice3A_422, [1, 0] : vector<128x64xf32> -> vector<64x128xf32>
    %swap3A_424 = arith.constant 47 : index
    %swap3A_425 = arith.constant 0 : index
    %swap3A_426 = arith.constant 0 : index
    %swap3A_427 = vector.load %arg2[%swap3A_424, %swap3A_425, %swap3A_426] : memref<100x64x128xf32, #tpu.memory_space<vmem>>, vector<1x64x128xf32>
    %swap3A_428 = vector.shape_cast %swap3A_427 : vector<1x64x128xf32> to vector<64x128xf32>
    %swap3A_429 = vector.shape_cast %transpose3A_423 : vector<64x128xf32> to vector<1x64x128xf32>
    tpu.vector_store %arg2[%swap3A_424, %swap3A_425, %swap3A_426], %swap3A_429 {strides = array<i32>} : memref<100x64x128xf32, #tpu.memory_space<vmem>>, vector<1x64x128xf32>,
    %slice3A_430 = vector.extract_strided_slice %reshape3A {offsets = [0, 24, 0], sizes = [128, 1, 128], strides = [1, 1, 1]} : vector<128x50x128xf32> to vector<128x1x128xf32>
    %squeeze3A_431 = vector.shape_cast %slice3A_430 : vector<128x1x128xf32> to vector<128x128xf32>
    %slice3A_432 = vector.extract_strided_slice %squeeze3A_431 {offsets = [0, 0], sizes = [128, 64], strides = [1, 1]} : vector<128x128xf32> to vector<128x64xf32>
    %transpose3A_433 = tpu.transpose %slice3A_432, [1, 0] : vector<128x64xf32> -> vector<64x128xf32>
    %swap3A_434 = arith.constant 48 : index
    %swap3A_435 = arith.constant 0 : index
    %swap3A_436 = arith.constant 0 : index
    %swap3A_437 = vector.load %arg2[%swap3A_434, %swap3A_435, %swap3A_436] : memref<100x64x128xf32, #tpu.memory_space<vmem>>, vector<1x64x128xf32>
    %swap3A_438 = vector.shape_cast %swap3A_437 : vector<1x64x128xf32> to vector<64x128xf32>
    %swap3A_439 = vector.shape_cast %transpose3A_433 : vector<64x128xf32> to vector<1x64x128xf32>
    tpu.vector_store %arg2[%swap3A_434, %swap3A_435, %swap3A_436], %swap3A_439 {strides = array<i32>} : memref<100x64x128xf32, #tpu.memory_space<vmem>>, vector<1x64x128xf32>,
    %slice3A_440 = vector.extract_strided_slice %squeeze3A_431 {offsets = [0, 64], sizes = [128, 64], strides = [1, 1]} : vector<128x128xf32> to vector<128x64xf32>
    %transpose3A_441 = tpu.transpose %slice3A_440, [1, 0] : vector<128x64xf32> -> vector<64x128xf32>
    %swap3A_442 = arith.constant 49 : index
    %swap3A_443 = arith.constant 0 : index
    %swap3A_444 = arith.constant 0 : index
    %swap3A_445 = vector.load %arg2[%swap3A_442, %swap3A_443, %swap3A_444] : memref<100x64x128xf32, #tpu.memory_space<vmem>>, vector<1x64x128xf32>
    %swap3A_446 = vector.shape_cast %swap3A_445 : vector<1x64x128xf32> to vector<64x128xf32>
    %swap3A_447 = vector.shape_cast %transpose3A_441 : vector<64x128xf32> to vector<1x64x128xf32>
    tpu.vector_store %arg2[%swap3A_442, %swap3A_443, %swap3A_444], %swap3A_447 {strides = array<i32>} : memref<100x64x128xf32, #tpu.memory_space<vmem>>, vector<1x64x128xf32>,
    %slice3A_448 = vector.extract_strided_slice %reshape3A {offsets = [0, 25, 0], sizes = [128, 1, 128], strides = [1, 1, 1]} : vector<128x50x128xf32> to vector<128x1x128xf32>
    %squeeze3A_449 = vector.shape_cast %slice3A_448 : vector<128x1x128xf32> to vector<128x128xf32>
    %slice3A_450 = vector.extract_strided_slice %squeeze3A_449 {offsets = [0, 0], sizes = [128, 64], strides = [1, 1]} : vector<128x128xf32> to vector<128x64xf32>
    %transpose3A_451 = tpu.transpose %slice3A_450, [1, 0] : vector<128x64xf32> -> vector<64x128xf32>
    %swap3A_452 = arith.constant 50 : index
    %swap3A_453 = arith.constant 0 : index
    %swap3A_454 = arith.constant 0 : index
    %swap3A_455 = vector.load %arg2[%swap3A_452, %swap3A_453, %swap3A_454] : memref<100x64x128xf32, #tpu.memory_space<vmem>>, vector<1x64x128xf32>
    %swap3A_456 = vector.shape_cast %swap3A_455 : vector<1x64x128xf32> to vector<64x128xf32>
    %swap3A_457 = vector.shape_cast %transpose3A_451 : vector<64x128xf32> to vector<1x64x128xf32>
    tpu.vector_store %arg2[%swap3A_452, %swap3A_453, %swap3A_454], %swap3A_457 {strides = array<i32>} : memref<100x64x128xf32, #tpu.memory_space<vmem>>, vector<1x64x128xf32>,
    %slice3A_458 = vector.extract_strided_slice %squeeze3A_449 {offsets = [0, 64], sizes = [128, 64], strides = [1, 1]} : vector<128x128xf32> to vector<128x64xf32>
    %transpose3A_459 = tpu.transpose %slice3A_458, [1, 0] : vector<128x64xf32> -> vector<64x128xf32>
    %swap3A_460 = arith.constant 51 : index
    %swap3A_461 = arith.constant 0 : index
    %swap3A_462 = arith.constant 0 : index
    %swap3A_463 = vector.load %arg2[%swap3A_460, %swap3A_461, %swap3A_462] : memref<100x64x128xf32, #tpu.memory_space<vmem>>, vector<1x64x128xf32>
    %swap3A_464 = vector.shape_cast %swap3A_463 : vector<1x64x128xf32> to vector<64x128xf32>
    %swap3A_465 = vector.shape_cast %transpose3A_459 : vector<64x128xf32> to vector<1x64x128xf32>
    tpu.vector_store %arg2[%swap3A_460, %swap3A_461, %swap3A_462], %swap3A_465 {strides = array<i32>} : memref<100x64x128xf32, #tpu.memory_space<vmem>>, vector<1x64x128xf32>,
    %slice3A_466 = vector.extract_strided_slice %reshape3A {offsets = [0, 26, 0], sizes = [128, 1, 128], strides = [1, 1, 1]} : vector<128x50x128xf32> to vector<128x1x128xf32>
    %squeeze3A_467 = vector.shape_cast %slice3A_466 : vector<128x1x128xf32> to vector<128x128xf32>
    %slice3A_468 = vector.extract_strided_slice %squeeze3A_467 {offsets = [0, 0], sizes = [128, 64], strides = [1, 1]} : vector<128x128xf32> to vector<128x64xf32>
    %transpose3A_469 = tpu.transpose %slice3A_468, [1, 0] : vector<128x64xf32> -> vector<64x128xf32>
    %swap3A_470 = arith.constant 52 : index
    %swap3A_471 = arith.constant 0 : index
    %swap3A_472 = arith.constant 0 : index
    %swap3A_473 = vector.load %arg2[%swap3A_470, %swap3A_471, %swap3A_472] : memref<100x64x128xf32, #tpu.memory_space<vmem>>, vector<1x64x128xf32>
    %swap3A_474 = vector.shape_cast %swap3A_473 : vector<1x64x128xf32> to vector<64x128xf32>
    %swap3A_475 = vector.shape_cast %transpose3A_469 : vector<64x128xf32> to vector<1x64x128xf32>
    tpu.vector_store %arg2[%swap3A_470, %swap3A_471, %swap3A_472], %swap3A_475 {strides = array<i32>} : memref<100x64x128xf32, #tpu.memory_space<vmem>>, vector<1x64x128xf32>,
    %slice3A_476 = vector.extract_strided_slice %squeeze3A_467 {offsets = [0, 64], sizes = [128, 64], strides = [1, 1]} : vector<128x128xf32> to vector<128x64xf32>
    %transpose3A_477 = tpu.transpose %slice3A_476, [1, 0] : vector<128x64xf32> -> vector<64x128xf32>
    %swap3A_478 = arith.constant 53 : index
    %swap3A_479 = arith.constant 0 : index
    %swap3A_480 = arith.constant 0 : index
    %swap3A_481 = vector.load %arg2[%swap3A_478, %swap3A_479, %swap3A_480] : memref<100x64x128xf32, #tpu.memory_space<vmem>>, vector<1x64x128xf32>
    %swap3A_482 = vector.shape_cast %swap3A_481 : vector<1x64x128xf32> to vector<64x128xf32>
    %swap3A_483 = vector.shape_cast %transpose3A_477 : vector<64x128xf32> to vector<1x64x128xf32>
    tpu.vector_store %arg2[%swap3A_478, %swap3A_479, %swap3A_480], %swap3A_483 {strides = array<i32>} : memref<100x64x128xf32, #tpu.memory_space<vmem>>, vector<1x64x128xf32>,
    %slice3A_484 = vector.extract_strided_slice %reshape3A {offsets = [0, 27, 0], sizes = [128, 1, 128], strides = [1, 1, 1]} : vector<128x50x128xf32> to vector<128x1x128xf32>
    %squeeze3A_485 = vector.shape_cast %slice3A_484 : vector<128x1x128xf32> to vector<128x128xf32>
    %slice3A_486 = vector.extract_strided_slice %squeeze3A_485 {offsets = [0, 0], sizes = [128, 64], strides = [1, 1]} : vector<128x128xf32> to vector<128x64xf32>
    %transpose3A_487 = tpu.transpose %slice3A_486, [1, 0] : vector<128x64xf32> -> vector<64x128xf32>
    %swap3A_488 = arith.constant 54 : index
    %swap3A_489 = arith.constant 0 : index
    %swap3A_490 = arith.constant 0 : index
    %swap3A_491 = vector.load %arg2[%swap3A_488, %swap3A_489, %swap3A_490] : memref<100x64x128xf32, #tpu.memory_space<vmem>>, vector<1x64x128xf32>
    %swap3A_492 = vector.shape_cast %swap3A_491 : vector<1x64x128xf32> to vector<64x128xf32>
    %swap3A_493 = vector.shape_cast %transpose3A_487 : vector<64x128xf32> to vector<1x64x128xf32>
    tpu.vector_store %arg2[%swap3A_488, %swap3A_489, %swap3A_490], %swap3A_493 {strides = array<i32>} : memref<100x64x128xf32, #tpu.memory_space<vmem>>, vector<1x64x128xf32>,
    %slice3A_494 = vector.extract_strided_slice %squeeze3A_485 {offsets = [0, 64], sizes = [128, 64], strides = [1, 1]} : vector<128x128xf32> to vector<128x64xf32>
    %transpose3A_495 = tpu.transpose %slice3A_494, [1, 0] : vector<128x64xf32> -> vector<64x128xf32>
    %swap3A_496 = arith.constant 55 : index
    %swap3A_497 = arith.constant 0 : index
    %swap3A_498 = arith.constant 0 : index
    %swap3A_499 = vector.load %arg2[%swap3A_496, %swap3A_497, %swap3A_498] : memref<100x64x128xf32, #tpu.memory_space<vmem>>, vector<1x64x128xf32>
    %swap3A_500 = vector.shape_cast %swap3A_499 : vector<1x64x128xf32> to vector<64x128xf32>
    %swap3A_501 = vector.shape_cast %transpose3A_495 : vector<64x128xf32> to vector<1x64x128xf32>
    tpu.vector_store %arg2[%swap3A_496, %swap3A_497, %swap3A_498], %swap3A_501 {strides = array<i32>} : memref<100x64x128xf32, #tpu.memory_space<vmem>>, vector<1x64x128xf32>,
    %slice3A_502 = vector.extract_strided_slice %reshape3A {offsets = [0, 28, 0], sizes = [128, 1, 128], strides = [1, 1, 1]} : vector<128x50x128xf32> to vector<128x1x128xf32>
    %squeeze3A_503 = vector.shape_cast %slice3A_502 : vector<128x1x128xf32> to vector<128x128xf32>
    %slice3A_504 = vector.extract_strided_slice %squeeze3A_503 {offsets = [0, 0], sizes = [128, 64], strides = [1, 1]} : vector<128x128xf32> to vector<128x64xf32>
    %transpose3A_505 = tpu.transpose %slice3A_504, [1, 0] : vector<128x64xf32> -> vector<64x128xf32>
    %swap3A_506 = arith.constant 56 : index
    %swap3A_507 = arith.constant 0 : index
    %swap3A_508 = arith.constant 0 : index
    %swap3A_509 = vector.load %arg2[%swap3A_506, %swap3A_507, %swap3A_508] : memref<100x64x128xf32, #tpu.memory_space<vmem>>, vector<1x64x128xf32>
    %swap3A_510 = vector.shape_cast %swap3A_509 : vector<1x64x128xf32> to vector<64x128xf32>
    %swap3A_511 = vector.shape_cast %transpose3A_505 : vector<64x128xf32> to vector<1x64x128xf32>
    tpu.vector_store %arg2[%swap3A_506, %swap3A_507, %swap3A_508], %swap3A_511 {strides = array<i32>} : memref<100x64x128xf32, #tpu.memory_space<vmem>>, vector<1x64x128xf32>,
    %slice3A_512 = vector.extract_strided_slice %squeeze3A_503 {offsets = [0, 64], sizes = [128, 64], strides = [1, 1]} : vector<128x128xf32> to vector<128x64xf32>
    %transpose3A_513 = tpu.transpose %slice3A_512, [1, 0] : vector<128x64xf32> -> vector<64x128xf32>
    %swap3A_514 = arith.constant 57 : index
    %swap3A_515 = arith.constant 0 : index
    %swap3A_516 = arith.constant 0 : index
    %swap3A_517 = vector.load %arg2[%swap3A_514, %swap3A_515, %swap3A_516] : memref<100x64x128xf32, #tpu.memory_space<vmem>>, vector<1x64x128xf32>
    %swap3A_518 = vector.shape_cast %swap3A_517 : vector<1x64x128xf32> to vector<64x128xf32>
    %swap3A_519 = vector.shape_cast %transpose3A_513 : vector<64x128xf32> to vector<1x64x128xf32>
    tpu.vector_store %arg2[%swap3A_514, %swap3A_515, %swap3A_516], %swap3A_519 {strides = array<i32>} : memref<100x64x128xf32, #tpu.memory_space<vmem>>, vector<1x64x128xf32>,
    %slice3A_520 = vector.extract_strided_slice %reshape3A {offsets = [0, 29, 0], sizes = [128, 1, 128], strides = [1, 1, 1]} : vector<128x50x128xf32> to vector<128x1x128xf32>
    %squeeze3A_521 = vector.shape_cast %slice3A_520 : vector<128x1x128xf32> to vector<128x128xf32>
    %slice3A_522 = vector.extract_strided_slice %squeeze3A_521 {offsets = [0, 0], sizes = [128, 64], strides = [1, 1]} : vector<128x128xf32> to vector<128x64xf32>
    %transpose3A_523 = tpu.transpose %slice3A_522, [1, 0] : vector<128x64xf32> -> vector<64x128xf32>
    %swap3A_524 = arith.constant 58 : index
    %swap3A_525 = arith.constant 0 : index
    %swap3A_526 = arith.constant 0 : index
    %swap3A_527 = vector.load %arg2[%swap3A_524, %swap3A_525, %swap3A_526] : memref<100x64x128xf32, #tpu.memory_space<vmem>>, vector<1x64x128xf32>
    %swap3A_528 = vector.shape_cast %swap3A_527 : vector<1x64x128xf32> to vector<64x128xf32>
    %swap3A_529 = vector.shape_cast %transpose3A_523 : vector<64x128xf32> to vector<1x64x128xf32>
    tpu.vector_store %arg2[%swap3A_524, %swap3A_525, %swap3A_526], %swap3A_529 {strides = array<i32>} : memref<100x64x128xf32, #tpu.memory_space<vmem>>, vector<1x64x128xf32>,
    %slice3A_530 = vector.extract_strided_slice %squeeze3A_521 {offsets = [0, 64], sizes = [128, 64], strides = [1, 1]} : vector<128x128xf32> to vector<128x64xf32>
    %transpose3A_531 = tpu.transpose %slice3A_530, [1, 0] : vector<128x64xf32> -> vector<64x128xf32>
    %swap3A_532 = arith.constant 59 : index
    %swap3A_533 = arith.constant 0 : index
    %swap3A_534 = arith.constant 0 : index
    %swap3A_535 = vector.load %arg2[%swap3A_532, %swap3A_533, %swap3A_534] : memref<100x64x128xf32, #tpu.memory_space<vmem>>, vector<1x64x128xf32>
    %swap3A_536 = vector.shape_cast %swap3A_535 : vector<1x64x128xf32> to vector<64x128xf32>
    %swap3A_537 = vector.shape_cast %transpose3A_531 : vector<64x128xf32> to vector<1x64x128xf32>
    tpu.vector_store %arg2[%swap3A_532, %swap3A_533, %swap3A_534], %swap3A_537 {strides = array<i32>} : memref<100x64x128xf32, #tpu.memory_space<vmem>>, vector<1x64x128xf32>,
    %slice3A_538 = vector.extract_strided_slice %reshape3A {offsets = [0, 30, 0], sizes = [128, 1, 128], strides = [1, 1, 1]} : vector<128x50x128xf32> to vector<128x1x128xf32>
    %squeeze3A_539 = vector.shape_cast %slice3A_538 : vector<128x1x128xf32> to vector<128x128xf32>
    %slice3A_540 = vector.extract_strided_slice %squeeze3A_539 {offsets = [0, 0], sizes = [128, 64], strides = [1, 1]} : vector<128x128xf32> to vector<128x64xf32>
    %transpose3A_541 = tpu.transpose %slice3A_540, [1, 0] : vector<128x64xf32> -> vector<64x128xf32>
    %swap3A_542 = arith.constant 60 : index
    %swap3A_543 = arith.constant 0 : index
    %swap3A_544 = arith.constant 0 : index
    %swap3A_545 = vector.load %arg2[%swap3A_542, %swap3A_543, %swap3A_544] : memref<100x64x128xf32, #tpu.memory_space<vmem>>, vector<1x64x128xf32>
    %swap3A_546 = vector.shape_cast %swap3A_545 : vector<1x64x128xf32> to vector<64x128xf32>
    %swap3A_547 = vector.shape_cast %transpose3A_541 : vector<64x128xf32> to vector<1x64x128xf32>
    tpu.vector_store %arg2[%swap3A_542, %swap3A_543, %swap3A_544], %swap3A_547 {strides = array<i32>} : memref<100x64x128xf32, #tpu.memory_space<vmem>>, vector<1x64x128xf32>,
    %slice3A_548 = vector.extract_strided_slice %squeeze3A_539 {offsets = [0, 64], sizes = [128, 64], strides = [1, 1]} : vector<128x128xf32> to vector<128x64xf32>
    %transpose3A_549 = tpu.transpose %slice3A_548, [1, 0] : vector<128x64xf32> -> vector<64x128xf32>
    %swap3A_550 = arith.constant 61 : index
    %swap3A_551 = arith.constant 0 : index
    %swap3A_552 = arith.constant 0 : index
    %swap3A_553 = vector.load %arg2[%swap3A_550, %swap3A_551, %swap3A_552] : memref<100x64x128xf32, #tpu.memory_space<vmem>>, vector<1x64x128xf32>
    %swap3A_554 = vector.shape_cast %swap3A_553 : vector<1x64x128xf32> to vector<64x128xf32>
    %swap3A_555 = vector.shape_cast %transpose3A_549 : vector<64x128xf32> to vector<1x64x128xf32>
    tpu.vector_store %arg2[%swap3A_550, %swap3A_551, %swap3A_552], %swap3A_555 {strides = array<i32>} : memref<100x64x128xf32, #tpu.memory_space<vmem>>, vector<1x64x128xf32>,
    %slice3A_556 = vector.extract_strided_slice %reshape3A {offsets = [0, 31, 0], sizes = [128, 1, 128], strides = [1, 1, 1]} : vector<128x50x128xf32> to vector<128x1x128xf32>
    %squeeze3A_557 = vector.shape_cast %slice3A_556 : vector<128x1x128xf32> to vector<128x128xf32>
    %slice3A_558 = vector.extract_strided_slice %squeeze3A_557 {offsets = [0, 0], sizes = [128, 64], strides = [1, 1]} : vector<128x128xf32> to vector<128x64xf32>
    %transpose3A_559 = tpu.transpose %slice3A_558, [1, 0] : vector<128x64xf32> -> vector<64x128xf32>
    %swap3A_560 = arith.constant 62 : index
    %swap3A_561 = arith.constant 0 : index
    %swap3A_562 = arith.constant 0 : index
    %swap3A_563 = vector.load %arg2[%swap3A_560, %swap3A_561, %swap3A_562] : memref<100x64x128xf32, #tpu.memory_space<vmem>>, vector<1x64x128xf32>
    %swap3A_564 = vector.shape_cast %swap3A_563 : vector<1x64x128xf32> to vector<64x128xf32>
    %swap3A_565 = vector.shape_cast %transpose3A_559 : vector<64x128xf32> to vector<1x64x128xf32>
    tpu.vector_store %arg2[%swap3A_560, %swap3A_561, %swap3A_562], %swap3A_565 {strides = array<i32>} : memref<100x64x128xf32, #tpu.memory_space<vmem>>, vector<1x64x128xf32>,
    %slice3A_566 = vector.extract_strided_slice %squeeze3A_557 {offsets = [0, 64], sizes = [128, 64], strides = [1, 1]} : vector<128x128xf32> to vector<128x64xf32>
    %transpose3A_567 = tpu.transpose %slice3A_566, [1, 0] : vector<128x64xf32> -> vector<64x128xf32>
    %swap3A_568 = arith.constant 63 : index
    %swap3A_569 = arith.constant 0 : index
    %swap3A_570 = arith.constant 0 : index
    %swap3A_571 = vector.load %arg2[%swap3A_568, %swap3A_569, %swap3A_570] : memref<100x64x128xf32, #tpu.memory_space<vmem>>, vector<1x64x128xf32>
    %swap3A_572 = vector.shape_cast %swap3A_571 : vector<1x64x128xf32> to vector<64x128xf32>
    %swap3A_573 = vector.shape_cast %transpose3A_567 : vector<64x128xf32> to vector<1x64x128xf32>
    tpu.vector_store %arg2[%swap3A_568, %swap3A_569, %swap3A_570], %swap3A_573 {strides = array<i32>} : memref<100x64x128xf32, #tpu.memory_space<vmem>>, vector<1x64x128xf32>,
    %slice3A_574 = vector.extract_strided_slice %reshape3A {offsets = [0, 32, 0], sizes = [128, 1, 128], strides = [1, 1, 1]} : vector<128x50x128xf32> to vector<128x1x128xf32>
    %squeeze3A_575 = vector.shape_cast %slice3A_574 : vector<128x1x128xf32> to vector<128x128xf32>
    %slice3A_576 = vector.extract_strided_slice %squeeze3A_575 {offsets = [0, 0], sizes = [128, 64], strides = [1, 1]} : vector<128x128xf32> to vector<128x64xf32>
    %transpose3A_577 = tpu.transpose %slice3A_576, [1, 0] : vector<128x64xf32> -> vector<64x128xf32>
    %swap3A_578 = arith.constant 64 : index
    %swap3A_579 = arith.constant 0 : index
    %swap3A_580 = arith.constant 0 : index
    %swap3A_581 = vector.load %arg2[%swap3A_578, %swap3A_579, %swap3A_580] : memref<100x64x128xf32, #tpu.memory_space<vmem>>, vector<1x64x128xf32>
    %swap3A_582 = vector.shape_cast %swap3A_581 : vector<1x64x128xf32> to vector<64x128xf32>
    %swap3A_583 = vector.shape_cast %transpose3A_577 : vector<64x128xf32> to vector<1x64x128xf32>
    tpu.vector_store %arg2[%swap3A_578, %swap3A_579, %swap3A_580], %swap3A_583 {strides = array<i32>} : memref<100x64x128xf32, #tpu.memory_space<vmem>>, vector<1x64x128xf32>,
    %slice3A_584 = vector.extract_strided_slice %squeeze3A_575 {offsets = [0, 64], sizes = [128, 64], strides = [1, 1]} : vector<128x128xf32> to vector<128x64xf32>
    %transpose3A_585 = tpu.transpose %slice3A_584, [1, 0] : vector<128x64xf32> -> vector<64x128xf32>
    %swap3A_586 = arith.constant 65 : index
    %swap3A_587 = arith.constant 0 : index
    %swap3A_588 = arith.constant 0 : index
    %swap3A_589 = vector.load %arg2[%swap3A_586, %swap3A_587, %swap3A_588] : memref<100x64x128xf32, #tpu.memory_space<vmem>>, vector<1x64x128xf32>
    %swap3A_590 = vector.shape_cast %swap3A_589 : vector<1x64x128xf32> to vector<64x128xf32>
    %swap3A_591 = vector.shape_cast %transpose3A_585 : vector<64x128xf32> to vector<1x64x128xf32>
    tpu.vector_store %arg2[%swap3A_586, %swap3A_587, %swap3A_588], %swap3A_591 {strides = array<i32>} : memref<100x64x128xf32, #tpu.memory_space<vmem>>, vector<1x64x128xf32>,
    %slice3A_592 = vector.extract_strided_slice %reshape3A {offsets = [0, 33, 0], sizes = [128, 1, 128], strides = [1, 1, 1]} : vector<128x50x128xf32> to vector<128x1x128xf32>
    %squeeze3A_593 = vector.shape_cast %slice3A_592 : vector<128x1x128xf32> to vector<128x128xf32>
    %slice3A_594 = vector.extract_strided_slice %squeeze3A_593 {offsets = [0, 0], sizes = [128, 64], strides = [1, 1]} : vector<128x128xf32> to vector<128x64xf32>
    %transpose3A_595 = tpu.transpose %slice3A_594, [1, 0] : vector<128x64xf32> -> vector<64x128xf32>
    %swap3A_596 = arith.constant 66 : index
    %swap3A_597 = arith.constant 0 : index
    %swap3A_598 = arith.constant 0 : index
    %swap3A_599 = vector.load %arg2[%swap3A_596, %swap3A_597, %swap3A_598] : memref<100x64x128xf32, #tpu.memory_space<vmem>>, vector<1x64x128xf32>
    %swap3A_600 = vector.shape_cast %swap3A_599 : vector<1x64x128xf32> to vector<64x128xf32>
    %swap3A_601 = vector.shape_cast %transpose3A_595 : vector<64x128xf32> to vector<1x64x128xf32>
    tpu.vector_store %arg2[%swap3A_596, %swap3A_597, %swap3A_598], %swap3A_601 {strides = array<i32>} : memref<100x64x128xf32, #tpu.memory_space<vmem>>, vector<1x64x128xf32>,
    %slice3A_602 = vector.extract_strided_slice %squeeze3A_593 {offsets = [0, 64], sizes = [128, 64], strides = [1, 1]} : vector<128x128xf32> to vector<128x64xf32>
    %transpose3A_603 = tpu.transpose %slice3A_602, [1, 0] : vector<128x64xf32> -> vector<64x128xf32>
    %swap3A_604 = arith.constant 67 : index
    %swap3A_605 = arith.constant 0 : index
    %swap3A_606 = arith.constant 0 : index
    %swap3A_607 = vector.load %arg2[%swap3A_604, %swap3A_605, %swap3A_606] : memref<100x64x128xf32, #tpu.memory_space<vmem>>, vector<1x64x128xf32>
    %swap3A_608 = vector.shape_cast %swap3A_607 : vector<1x64x128xf32> to vector<64x128xf32>
    %swap3A_609 = vector.shape_cast %transpose3A_603 : vector<64x128xf32> to vector<1x64x128xf32>
    tpu.vector_store %arg2[%swap3A_604, %swap3A_605, %swap3A_606], %swap3A_609 {strides = array<i32>} : memref<100x64x128xf32, #tpu.memory_space<vmem>>, vector<1x64x128xf32>,
    %slice3A_610 = vector.extract_strided_slice %reshape3A {offsets = [0, 34, 0], sizes = [128, 1, 128], strides = [1, 1, 1]} : vector<128x50x128xf32> to vector<128x1x128xf32>
    %squeeze3A_611 = vector.shape_cast %slice3A_610 : vector<128x1x128xf32> to vector<128x128xf32>
    %slice3A_612 = vector.extract_strided_slice %squeeze3A_611 {offsets = [0, 0], sizes = [128, 64], strides = [1, 1]} : vector<128x128xf32> to vector<128x64xf32>
    %transpose3A_613 = tpu.transpose %slice3A_612, [1, 0] : vector<128x64xf32> -> vector<64x128xf32>
    %swap3A_614 = arith.constant 68 : index
    %swap3A_615 = arith.constant 0 : index
    %swap3A_616 = arith.constant 0 : index
    %swap3A_617 = vector.load %arg2[%swap3A_614, %swap3A_615, %swap3A_616] : memref<100x64x128xf32, #tpu.memory_space<vmem>>, vector<1x64x128xf32>
    %swap3A_618 = vector.shape_cast %swap3A_617 : vector<1x64x128xf32> to vector<64x128xf32>
    %swap3A_619 = vector.shape_cast %transpose3A_613 : vector<64x128xf32> to vector<1x64x128xf32>
    tpu.vector_store %arg2[%swap3A_614, %swap3A_615, %swap3A_616], %swap3A_619 {strides = array<i32>} : memref<100x64x128xf32, #tpu.memory_space<vmem>>, vector<1x64x128xf32>,
    %slice3A_620 = vector.extract_strided_slice %squeeze3A_611 {offsets = [0, 64], sizes = [128, 64], strides = [1, 1]} : vector<128x128xf32> to vector<128x64xf32>
    %transpose3A_621 = tpu.transpose %slice3A_620, [1, 0] : vector<128x64xf32> -> vector<64x128xf32>
    %swap3A_622 = arith.constant 69 : index
    %swap3A_623 = arith.constant 0 : index
    %swap3A_624 = arith.constant 0 : index
    %swap3A_625 = vector.load %arg2[%swap3A_622, %swap3A_623, %swap3A_624] : memref<100x64x128xf32, #tpu.memory_space<vmem>>, vector<1x64x128xf32>
    %swap3A_626 = vector.shape_cast %swap3A_625 : vector<1x64x128xf32> to vector<64x128xf32>
    %swap3A_627 = vector.shape_cast %transpose3A_621 : vector<64x128xf32> to vector<1x64x128xf32>
    tpu.vector_store %arg2[%swap3A_622, %swap3A_623, %swap3A_624], %swap3A_627 {strides = array<i32>} : memref<100x64x128xf32, #tpu.memory_space<vmem>>, vector<1x64x128xf32>,
    %slice3A_628 = vector.extract_strided_slice %reshape3A {offsets = [0, 35, 0], sizes = [128, 1, 128], strides = [1, 1, 1]} : vector<128x50x128xf32> to vector<128x1x128xf32>
    %squeeze3A_629 = vector.shape_cast %slice3A_628 : vector<128x1x128xf32> to vector<128x128xf32>
    %slice3A_630 = vector.extract_strided_slice %squeeze3A_629 {offsets = [0, 0], sizes = [128, 64], strides = [1, 1]} : vector<128x128xf32> to vector<128x64xf32>
    %transpose3A_631 = tpu.transpose %slice3A_630, [1, 0] : vector<128x64xf32> -> vector<64x128xf32>
    %swap3A_632 = arith.constant 70 : index
    %swap3A_633 = arith.constant 0 : index
    %swap3A_634 = arith.constant 0 : index
    %swap3A_635 = vector.load %arg2[%swap3A_632, %swap3A_633, %swap3A_634] : memref<100x64x128xf32, #tpu.memory_space<vmem>>, vector<1x64x128xf32>
    %swap3A_636 = vector.shape_cast %swap3A_635 : vector<1x64x128xf32> to vector<64x128xf32>
    %swap3A_637 = vector.shape_cast %transpose3A_631 : vector<64x128xf32> to vector<1x64x128xf32>
    tpu.vector_store %arg2[%swap3A_632, %swap3A_633, %swap3A_634], %swap3A_637 {strides = array<i32>} : memref<100x64x128xf32, #tpu.memory_space<vmem>>, vector<1x64x128xf32>,
    %slice3A_638 = vector.extract_strided_slice %squeeze3A_629 {offsets = [0, 64], sizes = [128, 64], strides = [1, 1]} : vector<128x128xf32> to vector<128x64xf32>
    %transpose3A_639 = tpu.transpose %slice3A_638, [1, 0] : vector<128x64xf32> -> vector<64x128xf32>
    %swap3A_640 = arith.constant 71 : index
    %swap3A_641 = arith.constant 0 : index
    %swap3A_642 = arith.constant 0 : index
    %swap3A_643 = vector.load %arg2[%swap3A_640, %swap3A_641, %swap3A_642] : memref<100x64x128xf32, #tpu.memory_space<vmem>>, vector<1x64x128xf32>
    %swap3A_644 = vector.shape_cast %swap3A_643 : vector<1x64x128xf32> to vector<64x128xf32>
    %swap3A_645 = vector.shape_cast %transpose3A_639 : vector<64x128xf32> to vector<1x64x128xf32>
    tpu.vector_store %arg2[%swap3A_640, %swap3A_641, %swap3A_642], %swap3A_645 {strides = array<i32>} : memref<100x64x128xf32, #tpu.memory_space<vmem>>, vector<1x64x128xf32>,
    %slice3A_646 = vector.extract_strided_slice %reshape3A {offsets = [0, 36, 0], sizes = [128, 1, 128], strides = [1, 1, 1]} : vector<128x50x128xf32> to vector<128x1x128xf32>
    %squeeze3A_647 = vector.shape_cast %slice3A_646 : vector<128x1x128xf32> to vector<128x128xf32>
    %slice3A_648 = vector.extract_strided_slice %squeeze3A_647 {offsets = [0, 0], sizes = [128, 64], strides = [1, 1]} : vector<128x128xf32> to vector<128x64xf32>
    %transpose3A_649 = tpu.transpose %slice3A_648, [1, 0] : vector<128x64xf32> -> vector<64x128xf32>
    %swap3A_650 = arith.constant 72 : index
    %swap3A_651 = arith.constant 0 : index
    %swap3A_652 = arith.constant 0 : index
    %swap3A_653 = vector.load %arg2[%swap3A_650, %swap3A_651, %swap3A_652] : memref<100x64x128xf32, #tpu.memory_space<vmem>>, vector<1x64x128xf32>
    %swap3A_654 = vector.shape_cast %swap3A_653 : vector<1x64x128xf32> to vector<64x128xf32>
    %swap3A_655 = vector.shape_cast %transpose3A_649 : vector<64x128xf32> to vector<1x64x128xf32>
    tpu.vector_store %arg2[%swap3A_650, %swap3A_651, %swap3A_652], %swap3A_655 {strides = array<i32>} : memref<100x64x128xf32, #tpu.memory_space<vmem>>, vector<1x64x128xf32>,
    %slice3A_656 = vector.extract_strided_slice %squeeze3A_647 {offsets = [0, 64], sizes = [128, 64], strides = [1, 1]} : vector<128x128xf32> to vector<128x64xf32>
    %transpose3A_657 = tpu.transpose %slice3A_656, [1, 0] : vector<128x64xf32> -> vector<64x128xf32>
    %swap3A_658 = arith.constant 73 : index
    %swap3A_659 = arith.constant 0 : index
    %swap3A_660 = arith.constant 0 : index
    %swap3A_661 = vector.load %arg2[%swap3A_658, %swap3A_659, %swap3A_660] : memref<100x64x128xf32, #tpu.memory_space<vmem>>, vector<1x64x128xf32>
    %swap3A_662 = vector.shape_cast %swap3A_661 : vector<1x64x128xf32> to vector<64x128xf32>
    %swap3A_663 = vector.shape_cast %transpose3A_657 : vector<64x128xf32> to vector<1x64x128xf32>
    tpu.vector_store %arg2[%swap3A_658, %swap3A_659, %swap3A_660], %swap3A_663 {strides = array<i32>} : memref<100x64x128xf32, #tpu.memory_space<vmem>>, vector<1x64x128xf32>,
    %slice3A_664 = vector.extract_strided_slice %reshape3A {offsets = [0, 37, 0], sizes = [128, 1, 128], strides = [1, 1, 1]} : vector<128x50x128xf32> to vector<128x1x128xf32>
    %squeeze3A_665 = vector.shape_cast %slice3A_664 : vector<128x1x128xf32> to vector<128x128xf32>
    %slice3A_666 = vector.extract_strided_slice %squeeze3A_665 {offsets = [0, 0], sizes = [128, 64], strides = [1, 1]} : vector<128x128xf32> to vector<128x64xf32>
    %transpose3A_667 = tpu.transpose %slice3A_666, [1, 0] : vector<128x64xf32> -> vector<64x128xf32>
    %swap3A_668 = arith.constant 74 : index
    %swap3A_669 = arith.constant 0 : index
    %swap3A_670 = arith.constant 0 : index
    %swap3A_671 = vector.load %arg2[%swap3A_668, %swap3A_669, %swap3A_670] : memref<100x64x128xf32, #tpu.memory_space<vmem>>, vector<1x64x128xf32>
    %swap3A_672 = vector.shape_cast %swap3A_671 : vector<1x64x128xf32> to vector<64x128xf32>
    %swap3A_673 = vector.shape_cast %transpose3A_667 : vector<64x128xf32> to vector<1x64x128xf32>
    tpu.vector_store %arg2[%swap3A_668, %swap3A_669, %swap3A_670], %swap3A_673 {strides = array<i32>} : memref<100x64x128xf32, #tpu.memory_space<vmem>>, vector<1x64x128xf32>,
    %slice3A_674 = vector.extract_strided_slice %squeeze3A_665 {offsets = [0, 64], sizes = [128, 64], strides = [1, 1]} : vector<128x128xf32> to vector<128x64xf32>
    %transpose3A_675 = tpu.transpose %slice3A_674, [1, 0] : vector<128x64xf32> -> vector<64x128xf32>
    %swap3A_676 = arith.constant 75 : index
    %swap3A_677 = arith.constant 0 : index
    %swap3A_678 = arith.constant 0 : index
    %swap3A_679 = vector.load %arg2[%swap3A_676, %swap3A_677, %swap3A_678] : memref<100x64x128xf32, #tpu.memory_space<vmem>>, vector<1x64x128xf32>
    %swap3A_680 = vector.shape_cast %swap3A_679 : vector<1x64x128xf32> to vector<64x128xf32>
    %swap3A_681 = vector.shape_cast %transpose3A_675 : vector<64x128xf32> to vector<1x64x128xf32>
    tpu.vector_store %arg2[%swap3A_676, %swap3A_677, %swap3A_678], %swap3A_681 {strides = array<i32>} : memref<100x64x128xf32, #tpu.memory_space<vmem>>, vector<1x64x128xf32>,
    %slice3A_682 = vector.extract_strided_slice %reshape3A {offsets = [0, 38, 0], sizes = [128, 1, 128], strides = [1, 1, 1]} : vector<128x50x128xf32> to vector<128x1x128xf32>
    %squeeze3A_683 = vector.shape_cast %slice3A_682 : vector<128x1x128xf32> to vector<128x128xf32>
    %slice3A_684 = vector.extract_strided_slice %squeeze3A_683 {offsets = [0, 0], sizes = [128, 64], strides = [1, 1]} : vector<128x128xf32> to vector<128x64xf32>
    %transpose3A_685 = tpu.transpose %slice3A_684, [1, 0] : vector<128x64xf32> -> vector<64x128xf32>
    %swap3A_686 = arith.constant 76 : index
    %swap3A_687 = arith.constant 0 : index
    %swap3A_688 = arith.constant 0 : index
    %swap3A_689 = vector.load %arg2[%swap3A_686, %swap3A_687, %swap3A_688] : memref<100x64x128xf32, #tpu.memory_space<vmem>>, vector<1x64x128xf32>
    %swap3A_690 = vector.shape_cast %swap3A_689 : vector<1x64x128xf32> to vector<64x128xf32>
    %swap3A_691 = vector.shape_cast %transpose3A_685 : vector<64x128xf32> to vector<1x64x128xf32>
    tpu.vector_store %arg2[%swap3A_686, %swap3A_687, %swap3A_688], %swap3A_691 {strides = array<i32>} : memref<100x64x128xf32, #tpu.memory_space<vmem>>, vector<1x64x128xf32>,
    %slice3A_692 = vector.extract_strided_slice %squeeze3A_683 {offsets = [0, 64], sizes = [128, 64], strides = [1, 1]} : vector<128x128xf32> to vector<128x64xf32>
    %transpose3A_693 = tpu.transpose %slice3A_692, [1, 0] : vector<128x64xf32> -> vector<64x128xf32>
    %swap3A_694 = arith.constant 77 : index
    %swap3A_695 = arith.constant 0 : index
    %swap3A_696 = arith.constant 0 : index
    %swap3A_697 = vector.load %arg2[%swap3A_694, %swap3A_695, %swap3A_696] : memref<100x64x128xf32, #tpu.memory_space<vmem>>, vector<1x64x128xf32>
    %swap3A_698 = vector.shape_cast %swap3A_697 : vector<1x64x128xf32> to vector<64x128xf32>
    %swap3A_699 = vector.shape_cast %transpose3A_693 : vector<64x128xf32> to vector<1x64x128xf32>
    tpu.vector_store %arg2[%swap3A_694, %swap3A_695, %swap3A_696], %swap3A_699 {strides = array<i32>} : memref<100x64x128xf32, #tpu.memory_space<vmem>>, vector<1x64x128xf32>,
    %slice3A_700 = vector.extract_strided_slice %reshape3A {offsets = [0, 39, 0], sizes = [128, 1, 128], strides = [1, 1, 1]} : vector<128x50x128xf32> to vector<128x1x128xf32>
    %squeeze3A_701 = vector.shape_cast %slice3A_700 : vector<128x1x128xf32> to vector<128x128xf32>
    %slice3A_702 = vector.extract_strided_slice %squeeze3A_701 {offsets = [0, 0], sizes = [128, 64], strides = [1, 1]} : vector<128x128xf32> to vector<128x64xf32>
    %transpose3A_703 = tpu.transpose %slice3A_702, [1, 0] : vector<128x64xf32> -> vector<64x128xf32>
    %swap3A_704 = arith.constant 78 : index
    %swap3A_705 = arith.constant 0 : index
    %swap3A_706 = arith.constant 0 : index
    %swap3A_707 = vector.load %arg2[%swap3A_704, %swap3A_705, %swap3A_706] : memref<100x64x128xf32, #tpu.memory_space<vmem>>, vector<1x64x128xf32>
    %swap3A_708 = vector.shape_cast %swap3A_707 : vector<1x64x128xf32> to vector<64x128xf32>
    %swap3A_709 = vector.shape_cast %transpose3A_703 : vector<64x128xf32> to vector<1x64x128xf32>
    tpu.vector_store %arg2[%swap3A_704, %swap3A_705, %swap3A_706], %swap3A_709 {strides = array<i32>} : memref<100x64x128xf32, #tpu.memory_space<vmem>>, vector<1x64x128xf32>,
    %slice3A_710 = vector.extract_strided_slice %squeeze3A_701 {offsets = [0, 64], sizes = [128, 64], strides = [1, 1]} : vector<128x128xf32> to vector<128x64xf32>
    %transpose3A_711 = tpu.transpose %slice3A_710, [1, 0] : vector<128x64xf32> -> vector<64x128xf32>
    %swap3A_712 = arith.constant 79 : index
    %swap3A_713 = arith.constant 0 : index
    %swap3A_714 = arith.constant 0 : index
    %swap3A_715 = vector.load %arg2[%swap3A_712, %swap3A_713, %swap3A_714] : memref<100x64x128xf32, #tpu.memory_space<vmem>>, vector<1x64x128xf32>
    %swap3A_716 = vector.shape_cast %swap3A_715 : vector<1x64x128xf32> to vector<64x128xf32>
    %swap3A_717 = vector.shape_cast %transpose3A_711 : vector<64x128xf32> to vector<1x64x128xf32>
    tpu.vector_store %arg2[%swap3A_712, %swap3A_713, %swap3A_714], %swap3A_717 {strides = array<i32>} : memref<100x64x128xf32, #tpu.memory_space<vmem>>, vector<1x64x128xf32>,
    %slice3A_718 = vector.extract_strided_slice %reshape3A {offsets = [0, 40, 0], sizes = [128, 1, 128], strides = [1, 1, 1]} : vector<128x50x128xf32> to vector<128x1x128xf32>
    %squeeze3A_719 = vector.shape_cast %slice3A_718 : vector<128x1x128xf32> to vector<128x128xf32>
    %slice3A_720 = vector.extract_strided_slice %squeeze3A_719 {offsets = [0, 0], sizes = [128, 64], strides = [1, 1]} : vector<128x128xf32> to vector<128x64xf32>
    %transpose3A_721 = tpu.transpose %slice3A_720, [1, 0] : vector<128x64xf32> -> vector<64x128xf32>
    %swap3A_722 = arith.constant 80 : index
    %swap3A_723 = arith.constant 0 : index
    %swap3A_724 = arith.constant 0 : index
    %swap3A_725 = vector.load %arg2[%swap3A_722, %swap3A_723, %swap3A_724] : memref<100x64x128xf32, #tpu.memory_space<vmem>>, vector<1x64x128xf32>
    %swap3A_726 = vector.shape_cast %swap3A_725 : vector<1x64x128xf32> to vector<64x128xf32>
    %swap3A_727 = vector.shape_cast %transpose3A_721 : vector<64x128xf32> to vector<1x64x128xf32>
    tpu.vector_store %arg2[%swap3A_722, %swap3A_723, %swap3A_724], %swap3A_727 {strides = array<i32>} : memref<100x64x128xf32, #tpu.memory_space<vmem>>, vector<1x64x128xf32>,
    %slice3A_728 = vector.extract_strided_slice %squeeze3A_719 {offsets = [0, 64], sizes = [128, 64], strides = [1, 1]} : vector<128x128xf32> to vector<128x64xf32>
    %transpose3A_729 = tpu.transpose %slice3A_728, [1, 0] : vector<128x64xf32> -> vector<64x128xf32>
    %swap3A_730 = arith.constant 81 : index
    %swap3A_731 = arith.constant 0 : index
    %swap3A_732 = arith.constant 0 : index
    %swap3A_733 = vector.load %arg2[%swap3A_730, %swap3A_731, %swap3A_732] : memref<100x64x128xf32, #tpu.memory_space<vmem>>, vector<1x64x128xf32>
    %swap3A_734 = vector.shape_cast %swap3A_733 : vector<1x64x128xf32> to vector<64x128xf32>
    %swap3A_735 = vector.shape_cast %transpose3A_729 : vector<64x128xf32> to vector<1x64x128xf32>
    tpu.vector_store %arg2[%swap3A_730, %swap3A_731, %swap3A_732], %swap3A_735 {strides = array<i32>} : memref<100x64x128xf32, #tpu.memory_space<vmem>>, vector<1x64x128xf32>,
    %slice3A_736 = vector.extract_strided_slice %reshape3A {offsets = [0, 41, 0], sizes = [128, 1, 128], strides = [1, 1, 1]} : vector<128x50x128xf32> to vector<128x1x128xf32>
    %squeeze3A_737 = vector.shape_cast %slice3A_736 : vector<128x1x128xf32> to vector<128x128xf32>
    %slice3A_738 = vector.extract_strided_slice %squeeze3A_737 {offsets = [0, 0], sizes = [128, 64], strides = [1, 1]} : vector<128x128xf32> to vector<128x64xf32>
    %transpose3A_739 = tpu.transpose %slice3A_738, [1, 0] : vector<128x64xf32> -> vector<64x128xf32>
    %swap3A_740 = arith.constant 82 : index
    %swap3A_741 = arith.constant 0 : index
    %swap3A_742 = arith.constant 0 : index
    %swap3A_743 = vector.load %arg2[%swap3A_740, %swap3A_741, %swap3A_742] : memref<100x64x128xf32, #tpu.memory_space<vmem>>, vector<1x64x128xf32>
    %swap3A_744 = vector.shape_cast %swap3A_743 : vector<1x64x128xf32> to vector<64x128xf32>
    %swap3A_745 = vector.shape_cast %transpose3A_739 : vector<64x128xf32> to vector<1x64x128xf32>
    tpu.vector_store %arg2[%swap3A_740, %swap3A_741, %swap3A_742], %swap3A_745 {strides = array<i32>} : memref<100x64x128xf32, #tpu.memory_space<vmem>>, vector<1x64x128xf32>,
    %slice3A_746 = vector.extract_strided_slice %squeeze3A_737 {offsets = [0, 64], sizes = [128, 64], strides = [1, 1]} : vector<128x128xf32> to vector<128x64xf32>
    %transpose3A_747 = tpu.transpose %slice3A_746, [1, 0] : vector<128x64xf32> -> vector<64x128xf32>
    %swap3A_748 = arith.constant 83 : index
    %swap3A_749 = arith.constant 0 : index
    %swap3A_750 = arith.constant 0 : index
    %swap3A_751 = vector.load %arg2[%swap3A_748, %swap3A_749, %swap3A_750] : memref<100x64x128xf32, #tpu.memory_space<vmem>>, vector<1x64x128xf32>
    %swap3A_752 = vector.shape_cast %swap3A_751 : vector<1x64x128xf32> to vector<64x128xf32>
    %swap3A_753 = vector.shape_cast %transpose3A_747 : vector<64x128xf32> to vector<1x64x128xf32>
    tpu.vector_store %arg2[%swap3A_748, %swap3A_749, %swap3A_750], %swap3A_753 {strides = array<i32>} : memref<100x64x128xf32, #tpu.memory_space<vmem>>, vector<1x64x128xf32>,
    %slice3A_754 = vector.extract_strided_slice %reshape3A {offsets = [0, 42, 0], sizes = [128, 1, 128], strides = [1, 1, 1]} : vector<128x50x128xf32> to vector<128x1x128xf32>
    %squeeze3A_755 = vector.shape_cast %slice3A_754 : vector<128x1x128xf32> to vector<128x128xf32>
    %slice3A_756 = vector.extract_strided_slice %squeeze3A_755 {offsets = [0, 0], sizes = [128, 64], strides = [1, 1]} : vector<128x128xf32> to vector<128x64xf32>
    %transpose3A_757 = tpu.transpose %slice3A_756, [1, 0] : vector<128x64xf32> -> vector<64x128xf32>
    %swap3A_758 = arith.constant 84 : index
    %swap3A_759 = arith.constant 0 : index
    %swap3A_760 = arith.constant 0 : index
    %swap3A_761 = vector.load %arg2[%swap3A_758, %swap3A_759, %swap3A_760] : memref<100x64x128xf32, #tpu.memory_space<vmem>>, vector<1x64x128xf32>
    %swap3A_762 = vector.shape_cast %swap3A_761 : vector<1x64x128xf32> to vector<64x128xf32>
    %swap3A_763 = vector.shape_cast %transpose3A_757 : vector<64x128xf32> to vector<1x64x128xf32>
    tpu.vector_store %arg2[%swap3A_758, %swap3A_759, %swap3A_760], %swap3A_763 {strides = array<i32>} : memref<100x64x128xf32, #tpu.memory_space<vmem>>, vector<1x64x128xf32>,
    %slice3A_764 = vector.extract_strided_slice %squeeze3A_755 {offsets = [0, 64], sizes = [128, 64], strides = [1, 1]} : vector<128x128xf32> to vector<128x64xf32>
    %transpose3A_765 = tpu.transpose %slice3A_764, [1, 0] : vector<128x64xf32> -> vector<64x128xf32>
    %swap3A_766 = arith.constant 85 : index
    %swap3A_767 = arith.constant 0 : index
    %swap3A_768 = arith.constant 0 : index
    %swap3A_769 = vector.load %arg2[%swap3A_766, %swap3A_767, %swap3A_768] : memref<100x64x128xf32, #tpu.memory_space<vmem>>, vector<1x64x128xf32>
    %swap3A_770 = vector.shape_cast %swap3A_769 : vector<1x64x128xf32> to vector<64x128xf32>
    %swap3A_771 = vector.shape_cast %transpose3A_765 : vector<64x128xf32> to vector<1x64x128xf32>
    tpu.vector_store %arg2[%swap3A_766, %swap3A_767, %swap3A_768], %swap3A_771 {strides = array<i32>} : memref<100x64x128xf32, #tpu.memory_space<vmem>>, vector<1x64x128xf32>,
    %slice3A_772 = vector.extract_strided_slice %reshape3A {offsets = [0, 43, 0], sizes = [128, 1, 128], strides = [1, 1, 1]} : vector<128x50x128xf32> to vector<128x1x128xf32>
    %squeeze3A_773 = vector.shape_cast %slice3A_772 : vector<128x1x128xf32> to vector<128x128xf32>
    %slice3A_774 = vector.extract_strided_slice %squeeze3A_773 {offsets = [0, 0], sizes = [128, 64], strides = [1, 1]} : vector<128x128xf32> to vector<128x64xf32>
    %transpose3A_775 = tpu.transpose %slice3A_774, [1, 0] : vector<128x64xf32> -> vector<64x128xf32>
    %swap3A_776 = arith.constant 86 : index
    %swap3A_777 = arith.constant 0 : index
    %swap3A_778 = arith.constant 0 : index
    %swap3A_779 = vector.load %arg2[%swap3A_776, %swap3A_777, %swap3A_778] : memref<100x64x128xf32, #tpu.memory_space<vmem>>, vector<1x64x128xf32>
    %swap3A_780 = vector.shape_cast %swap3A_779 : vector<1x64x128xf32> to vector<64x128xf32>
    %swap3A_781 = vector.shape_cast %transpose3A_775 : vector<64x128xf32> to vector<1x64x128xf32>
    tpu.vector_store %arg2[%swap3A_776, %swap3A_777, %swap3A_778], %swap3A_781 {strides = array<i32>} : memref<100x64x128xf32, #tpu.memory_space<vmem>>, vector<1x64x128xf32>,
    %slice3A_782 = vector.extract_strided_slice %squeeze3A_773 {offsets = [0, 64], sizes = [128, 64], strides = [1, 1]} : vector<128x128xf32> to vector<128x64xf32>
    %transpose3A_783 = tpu.transpose %slice3A_782, [1, 0] : vector<128x64xf32> -> vector<64x128xf32>
    %swap3A_784 = arith.constant 87 : index
    %swap3A_785 = arith.constant 0 : index
    %swap3A_786 = arith.constant 0 : index
    %swap3A_787 = vector.load %arg2[%swap3A_784, %swap3A_785, %swap3A_786] : memref<100x64x128xf32, #tpu.memory_space<vmem>>, vector<1x64x128xf32>
    %swap3A_788 = vector.shape_cast %swap3A_787 : vector<1x64x128xf32> to vector<64x128xf32>
    %swap3A_789 = vector.shape_cast %transpose3A_783 : vector<64x128xf32> to vector<1x64x128xf32>
    tpu.vector_store %arg2[%swap3A_784, %swap3A_785, %swap3A_786], %swap3A_789 {strides = array<i32>} : memref<100x64x128xf32, #tpu.memory_space<vmem>>, vector<1x64x128xf32>,
    %slice3A_790 = vector.extract_strided_slice %reshape3A {offsets = [0, 44, 0], sizes = [128, 1, 128], strides = [1, 1, 1]} : vector<128x50x128xf32> to vector<128x1x128xf32>
    %squeeze3A_791 = vector.shape_cast %slice3A_790 : vector<128x1x128xf32> to vector<128x128xf32>
    %slice3A_792 = vector.extract_strided_slice %squeeze3A_791 {offsets = [0, 0], sizes = [128, 64], strides = [1, 1]} : vector<128x128xf32> to vector<128x64xf32>
    %transpose3A_793 = tpu.transpose %slice3A_792, [1, 0] : vector<128x64xf32> -> vector<64x128xf32>
    %swap3A_794 = arith.constant 88 : index
    %swap3A_795 = arith.constant 0 : index
    %swap3A_796 = arith.constant 0 : index
    %swap3A_797 = vector.load %arg2[%swap3A_794, %swap3A_795, %swap3A_796] : memref<100x64x128xf32, #tpu.memory_space<vmem>>, vector<1x64x128xf32>
    %swap3A_798 = vector.shape_cast %swap3A_797 : vector<1x64x128xf32> to vector<64x128xf32>
    %swap3A_799 = vector.shape_cast %transpose3A_793 : vector<64x128xf32> to vector<1x64x128xf32>
    tpu.vector_store %arg2[%swap3A_794, %swap3A_795, %swap3A_796], %swap3A_799 {strides = array<i32>} : memref<100x64x128xf32, #tpu.memory_space<vmem>>, vector<1x64x128xf32>,
    %slice3A_800 = vector.extract_strided_slice %squeeze3A_791 {offsets = [0, 64], sizes = [128, 64], strides = [1, 1]} : vector<128x128xf32> to vector<128x64xf32>
    %transpose3A_801 = tpu.transpose %slice3A_800, [1, 0] : vector<128x64xf32> -> vector<64x128xf32>
    %swap3A_802 = arith.constant 89 : index
    %swap3A_803 = arith.constant 0 : index
    %swap3A_804 = arith.constant 0 : index
    %swap3A_805 = vector.load %arg2[%swap3A_802, %swap3A_803, %swap3A_804] : memref<100x64x128xf32, #tpu.memory_space<vmem>>, vector<1x64x128xf32>
    %swap3A_806 = vector.shape_cast %swap3A_805 : vector<1x64x128xf32> to vector<64x128xf32>
    %swap3A_807 = vector.shape_cast %transpose3A_801 : vector<64x128xf32> to vector<1x64x128xf32>
    tpu.vector_store %arg2[%swap3A_802, %swap3A_803, %swap3A_804], %swap3A_807 {strides = array<i32>} : memref<100x64x128xf32, #tpu.memory_space<vmem>>, vector<1x64x128xf32>,
    %slice3A_808 = vector.extract_strided_slice %reshape3A {offsets = [0, 45, 0], sizes = [128, 1, 128], strides = [1, 1, 1]} : vector<128x50x128xf32> to vector<128x1x128xf32>
    %squeeze3A_809 = vector.shape_cast %slice3A_808 : vector<128x1x128xf32> to vector<128x128xf32>
    %slice3A_810 = vector.extract_strided_slice %squeeze3A_809 {offsets = [0, 0], sizes = [128, 64], strides = [1, 1]} : vector<128x128xf32> to vector<128x64xf32>
    %transpose3A_811 = tpu.transpose %slice3A_810, [1, 0] : vector<128x64xf32> -> vector<64x128xf32>
    %swap3A_812 = arith.constant 90 : index
    %swap3A_813 = arith.constant 0 : index
    %swap3A_814 = arith.constant 0 : index
    %swap3A_815 = vector.load %arg2[%swap3A_812, %swap3A_813, %swap3A_814] : memref<100x64x128xf32, #tpu.memory_space<vmem>>, vector<1x64x128xf32>
    %swap3A_816 = vector.shape_cast %swap3A_815 : vector<1x64x128xf32> to vector<64x128xf32>
    %swap3A_817 = vector.shape_cast %transpose3A_811 : vector<64x128xf32> to vector<1x64x128xf32>
    tpu.vector_store %arg2[%swap3A_812, %swap3A_813, %swap3A_814], %swap3A_817 {strides = array<i32>} : memref<100x64x128xf32, #tpu.memory_space<vmem>>, vector<1x64x128xf32>,
    %slice3A_818 = vector.extract_strided_slice %squeeze3A_809 {offsets = [0, 64], sizes = [128, 64], strides = [1, 1]} : vector<128x128xf32> to vector<128x64xf32>
    %transpose3A_819 = tpu.transpose %slice3A_818, [1, 0] : vector<128x64xf32> -> vector<64x128xf32>
    %swap3A_820 = arith.constant 91 : index
    %swap3A_821 = arith.constant 0 : index
    %swap3A_822 = arith.constant 0 : index
    %swap3A_823 = vector.load %arg2[%swap3A_820, %swap3A_821, %swap3A_822] : memref<100x64x128xf32, #tpu.memory_space<vmem>>, vector<1x64x128xf32>
    %swap3A_824 = vector.shape_cast %swap3A_823 : vector<1x64x128xf32> to vector<64x128xf32>
    %swap3A_825 = vector.shape_cast %transpose3A_819 : vector<64x128xf32> to vector<1x64x128xf32>
    tpu.vector_store %arg2[%swap3A_820, %swap3A_821, %swap3A_822], %swap3A_825 {strides = array<i32>} : memref<100x64x128xf32, #tpu.memory_space<vmem>>, vector<1x64x128xf32>,
    %slice3A_826 = vector.extract_strided_slice %reshape3A {offsets = [0, 46, 0], sizes = [128, 1, 128], strides = [1, 1, 1]} : vector<128x50x128xf32> to vector<128x1x128xf32>
    %squeeze3A_827 = vector.shape_cast %slice3A_826 : vector<128x1x128xf32> to vector<128x128xf32>
    %slice3A_828 = vector.extract_strided_slice %squeeze3A_827 {offsets = [0, 0], sizes = [128, 64], strides = [1, 1]} : vector<128x128xf32> to vector<128x64xf32>
    %transpose3A_829 = tpu.transpose %slice3A_828, [1, 0] : vector<128x64xf32> -> vector<64x128xf32>
    %swap3A_830 = arith.constant 92 : index
    %swap3A_831 = arith.constant 0 : index
    %swap3A_832 = arith.constant 0 : index
    %swap3A_833 = vector.load %arg2[%swap3A_830, %swap3A_831, %swap3A_832] : memref<100x64x128xf32, #tpu.memory_space<vmem>>, vector<1x64x128xf32>
    %swap3A_834 = vector.shape_cast %swap3A_833 : vector<1x64x128xf32> to vector<64x128xf32>
    %swap3A_835 = vector.shape_cast %transpose3A_829 : vector<64x128xf32> to vector<1x64x128xf32>
    tpu.vector_store %arg2[%swap3A_830, %swap3A_831, %swap3A_832], %swap3A_835 {strides = array<i32>} : memref<100x64x128xf32, #tpu.memory_space<vmem>>, vector<1x64x128xf32>,
    %slice3A_836 = vector.extract_strided_slice %squeeze3A_827 {offsets = [0, 64], sizes = [128, 64], strides = [1, 1]} : vector<128x128xf32> to vector<128x64xf32>
    %transpose3A_837 = tpu.transpose %slice3A_836, [1, 0] : vector<128x64xf32> -> vector<64x128xf32>
    %swap3A_838 = arith.constant 93 : index
    %swap3A_839 = arith.constant 0 : index
    %swap3A_840 = arith.constant 0 : index
    %swap3A_841 = vector.load %arg2[%swap3A_838, %swap3A_839, %swap3A_840] : memref<100x64x128xf32, #tpu.memory_space<vmem>>, vector<1x64x128xf32>
    %swap3A_842 = vector.shape_cast %swap3A_841 : vector<1x64x128xf32> to vector<64x128xf32>
    %swap3A_843 = vector.shape_cast %transpose3A_837 : vector<64x128xf32> to vector<1x64x128xf32>
    tpu.vector_store %arg2[%swap3A_838, %swap3A_839, %swap3A_840], %swap3A_843 {strides = array<i32>} : memref<100x64x128xf32, #tpu.memory_space<vmem>>, vector<1x64x128xf32>,
    %slice3A_844 = vector.extract_strided_slice %reshape3A {offsets = [0, 47, 0], sizes = [128, 1, 128], strides = [1, 1, 1]} : vector<128x50x128xf32> to vector<128x1x128xf32>
    %squeeze3A_845 = vector.shape_cast %slice3A_844 : vector<128x1x128xf32> to vector<128x128xf32>
    %slice3A_846 = vector.extract_strided_slice %squeeze3A_845 {offsets = [0, 0], sizes = [128, 64], strides = [1, 1]} : vector<128x128xf32> to vector<128x64xf32>
    %transpose3A_847 = tpu.transpose %slice3A_846, [1, 0] : vector<128x64xf32> -> vector<64x128xf32>
    %swap3A_848 = arith.constant 94 : index
    %swap3A_849 = arith.constant 0 : index
    %swap3A_850 = arith.constant 0 : index
    %swap3A_851 = vector.load %arg2[%swap3A_848, %swap3A_849, %swap3A_850] : memref<100x64x128xf32, #tpu.memory_space<vmem>>, vector<1x64x128xf32>
    %swap3A_852 = vector.shape_cast %swap3A_851 : vector<1x64x128xf32> to vector<64x128xf32>
    %swap3A_853 = vector.shape_cast %transpose3A_847 : vector<64x128xf32> to vector<1x64x128xf32>
    tpu.vector_store %arg2[%swap3A_848, %swap3A_849, %swap3A_850], %swap3A_853 {strides = array<i32>} : memref<100x64x128xf32, #tpu.memory_space<vmem>>, vector<1x64x128xf32>,
    %slice3A_854 = vector.extract_strided_slice %squeeze3A_845 {offsets = [0, 64], sizes = [128, 64], strides = [1, 1]} : vector<128x128xf32> to vector<128x64xf32>
    %transpose3A_855 = tpu.transpose %slice3A_854, [1, 0] : vector<128x64xf32> -> vector<64x128xf32>
    %swap3A_856 = arith.constant 95 : index
    %swap3A_857 = arith.constant 0 : index
    %swap3A_858 = arith.constant 0 : index
    %swap3A_859 = vector.load %arg2[%swap3A_856, %swap3A_857, %swap3A_858] : memref<100x64x128xf32, #tpu.memory_space<vmem>>, vector<1x64x128xf32>
    %swap3A_860 = vector.shape_cast %swap3A_859 : vector<1x64x128xf32> to vector<64x128xf32>
    %swap3A_861 = vector.shape_cast %transpose3A_855 : vector<64x128xf32> to vector<1x64x128xf32>
    tpu.vector_store %arg2[%swap3A_856, %swap3A_857, %swap3A_858], %swap3A_861 {strides = array<i32>} : memref<100x64x128xf32, #tpu.memory_space<vmem>>, vector<1x64x128xf32>,
    %slice3A_862 = vector.extract_strided_slice %reshape3A {offsets = [0, 48, 0], sizes = [128, 1, 128], strides = [1, 1, 1]} : vector<128x50x128xf32> to vector<128x1x128xf32>
    %squeeze3A_863 = vector.shape_cast %slice3A_862 : vector<128x1x128xf32> to vector<128x128xf32>
    %slice3A_864 = vector.extract_strided_slice %squeeze3A_863 {offsets = [0, 0], sizes = [128, 64], strides = [1, 1]} : vector<128x128xf32> to vector<128x64xf32>
    %transpose3A_865 = tpu.transpose %slice3A_864, [1, 0] : vector<128x64xf32> -> vector<64x128xf32>
    %swap3A_866 = arith.constant 96 : index
    %swap3A_867 = arith.constant 0 : index
    %swap3A_868 = arith.constant 0 : index
    %swap3A_869 = vector.load %arg2[%swap3A_866, %swap3A_867, %swap3A_868] : memref<100x64x128xf32, #tpu.memory_space<vmem>>, vector<1x64x128xf32>
    %swap3A_870 = vector.shape_cast %swap3A_869 : vector<1x64x128xf32> to vector<64x128xf32>
    %swap3A_871 = vector.shape_cast %transpose3A_865 : vector<64x128xf32> to vector<1x64x128xf32>
    tpu.vector_store %arg2[%swap3A_866, %swap3A_867, %swap3A_868], %swap3A_871 {strides = array<i32>} : memref<100x64x128xf32, #tpu.memory_space<vmem>>, vector<1x64x128xf32>,
    %slice3A_872 = vector.extract_strided_slice %squeeze3A_863 {offsets = [0, 64], sizes = [128, 64], strides = [1, 1]} : vector<128x128xf32> to vector<128x64xf32>
    %transpose3A_873 = tpu.transpose %slice3A_872, [1, 0] : vector<128x64xf32> -> vector<64x128xf32>
    %swap3A_874 = arith.constant 97 : index
    %swap3A_875 = arith.constant 0 : index
    %swap3A_876 = arith.constant 0 : index
    %swap3A_877 = vector.load %arg2[%swap3A_874, %swap3A_875, %swap3A_876] : memref<100x64x128xf32, #tpu.memory_space<vmem>>, vector<1x64x128xf32>
    %swap3A_878 = vector.shape_cast %swap3A_877 : vector<1x64x128xf32> to vector<64x128xf32>
    %swap3A_879 = vector.shape_cast %transpose3A_873 : vector<64x128xf32> to vector<1x64x128xf32>
    tpu.vector_store %arg2[%swap3A_874, %swap3A_875, %swap3A_876], %swap3A_879 {strides = array<i32>} : memref<100x64x128xf32, #tpu.memory_space<vmem>>, vector<1x64x128xf32>,
    %slice3A_880 = vector.extract_strided_slice %reshape3A {offsets = [0, 49, 0], sizes = [128, 1, 128], strides = [1, 1, 1]} : vector<128x50x128xf32> to vector<128x1x128xf32>
    %squeeze3A_881 = vector.shape_cast %slice3A_880 : vector<128x1x128xf32> to vector<128x128xf32>
    %slice3A_882 = vector.extract_strided_slice %squeeze3A_881 {offsets = [0, 0], sizes = [128, 64], strides = [1, 1]} : vector<128x128xf32> to vector<128x64xf32>
    %transpose3A_883 = tpu.transpose %slice3A_882, [1, 0] : vector<128x64xf32> -> vector<64x128xf32>
    %swap3A_884 = arith.constant 98 : index
    %swap3A_885 = arith.constant 0 : index
    %swap3A_886 = arith.constant 0 : index
    %swap3A_887 = vector.load %arg2[%swap3A_884, %swap3A_885, %swap3A_886] : memref<100x64x128xf32, #tpu.memory_space<vmem>>, vector<1x64x128xf32>
    %swap3A_888 = vector.shape_cast %swap3A_887 : vector<1x64x128xf32> to vector<64x128xf32>
    %swap3A_889 = vector.shape_cast %transpose3A_883 : vector<64x128xf32> to vector<1x64x128xf32>
    tpu.vector_store %arg2[%swap3A_884, %swap3A_885, %swap3A_886], %swap3A_889 {strides = array<i32>} : memref<100x64x128xf32, #tpu.memory_space<vmem>>, vector<1x64x128xf32>,
    %slice3A_890 = vector.extract_strided_slice %squeeze3A_881 {offsets = [0, 64], sizes = [128, 64], strides = [1, 1]} : vector<128x128xf32> to vector<128x64xf32>
    %transpose3A_891 = tpu.transpose %slice3A_890, [1, 0] : vector<128x64xf32> -> vector<64x128xf32>
    %swap3A_892 = arith.constant 99 : index
    %swap3A_893 = arith.constant 0 : index
    %swap3A_894 = arith.constant 0 : index
    %swap3A_895 = vector.load %arg2[%swap3A_892, %swap3A_893, %swap3A_894] : memref<100x64x128xf32, #tpu.memory_space<vmem>>, vector<1x64x128xf32>
    %swap3A_896 = vector.shape_cast %swap3A_895 : vector<1x64x128xf32> to vector<64x128xf32>
    %swap3A_897 = vector.shape_cast %transpose3A_891 : vector<64x128xf32> to vector<1x64x128xf32>
    tpu.vector_store %arg2[%swap3A_892, %swap3A_893, %swap3A_894], %swap3A_897 {strides = array<i32>} : memref<100x64x128xf32, #tpu.memory_space<vmem>>, vector<1x64x128xf32>,
    return
  }
  func.func @transform_0(%arg0: i32) -> (i32, i32) {
    %c0_i32 = arith.constant 0 : i32
    %c0_i32_0 = arith.constant 0 : i32
    return %arg0, %c0_i32 : i32, i32
  }
  func.func @transform_1(%arg0: i32) -> (i32, i32, i32) {
    %c0_i32 = arith.constant 0 : i32
    %c0_i32_0 = arith.constant 0 : i32
    %c0_i32_1 = arith.constant 0 : i32
    return %c0_i32, %c0_i32_0, %arg0 : i32, i32, i32
  }
}

module attributes {stable_mosaic.version = 14 : i64} {
  func.func @_lambda_(%arg0: i32, %arg1: memref<200x64x4096xf32, #tpu.memory_space<hbm>>, %arg2: memref<6400x128xf32, #tpu.memory_space<vmem>>, %arg3: memref<100x64x128xf32, #tpu.memory_space<vmem>>) attributes {dimension_semantics = [#tpu.dimension_semantics<arbitrary>], iteration_bounds = array<i64: 32>, scalar_prefetch = 0 : i64, scratch_operands = 0 : i64, tpu.core_type = #tpu.core_type<tc>, window_params = [{}, {transform_indices = @transform_1, window_bounds = array<i64: 6400, 128>}, {transform_indices = @transform_2, window_bounds = array<i64: 100, 64, 128>}]} {
    %get3A = arith.constant 0 : index
    %get3A_0 = arith.constant 0 : index
    %get3A_1 = vector.load %arg2[%get3A, %get3A_0] : memref<6400x128xf32, #tpu.memory_space<vmem>>, vector<6400x128xf32>
    %reshape3A = vector.shape_cast %get3A_1 : vector<6400x128xf32> to vector<128x50x128xf32>
    %slice3A = vector.extract_strided_slice %reshape3A {offsets = [0, 0, 0], sizes = [128, 1, 128], strides = [1, 1, 1]} : vector<128x50x128xf32> to vector<128x1x128xf32>
    %squeeze3A = vector.shape_cast %slice3A : vector<128x1x128xf32> to vector<128x128xf32>
    %slice3A_2 = vector.extract_strided_slice %squeeze3A {offsets = [0, 0], sizes = [128, 64], strides = [1, 1]} : vector<128x128xf32> to vector<128x64xf32>
    %transpose3A = tpu.transpose %slice3A_2, [1, 0] : vector<128x64xf32> -> vector<64x128xf32>
    %swap3A = arith.constant 0 : index
    %swap3A_3 = arith.constant 0 : index
    %swap3A_4 = arith.constant 0 : index
    %swap3A_5 = vector.load %arg3[%swap3A, %swap3A_3, %swap3A_4] : memref<100x64x128xf32, #tpu.memory_space<vmem>>, vector<1x64x128xf32>
    %swap3A_6 = vector.shape_cast %swap3A_5 : vector<1x64x128xf32> to vector<64x128xf32>
    %swap3A_7 = vector.shape_cast %transpose3A : vector<64x128xf32> to vector<1x64x128xf32>
    tpu.vector_store %arg3[%swap3A, %swap3A_3, %swap3A_4], %swap3A_7 {strides = array<i32>} : memref<100x64x128xf32, #tpu.memory_space<vmem>>, vector<1x64x128xf32>,
    %slice3A_8 = vector.extract_strided_slice %squeeze3A {offsets = [0, 64], sizes = [128, 64], strides = [1, 1]} : vector<128x128xf32> to vector<128x64xf32>
    %transpose3A_9 = tpu.transpose %slice3A_8, [1, 0] : vector<128x64xf32> -> vector<64x128xf32>
    %swap3A_10 = arith.constant 1 : index
    %swap3A_11 = arith.constant 0 : index
    %swap3A_12 = arith.constant 0 : index
    %swap3A_13 = vector.load %arg3[%swap3A_10, %swap3A_11, %swap3A_12] : memref<100x64x128xf32, #tpu.memory_space<vmem>>, vector<1x64x128xf32>
    %swap3A_14 = vector.shape_cast %swap3A_13 : vector<1x64x128xf32> to vector<64x128xf32>
    %swap3A_15 = vector.shape_cast %transpose3A_9 : vector<64x128xf32> to vector<1x64x128xf32>
    tpu.vector_store %arg3[%swap3A_10, %swap3A_11, %swap3A_12], %swap3A_15 {strides = array<i32>} : memref<100x64x128xf32, #tpu.memory_space<vmem>>, vector<1x64x128xf32>,
    %slice3A_16 = vector.extract_strided_slice %reshape3A {offsets = [0, 1, 0], sizes = [128, 1, 128], strides = [1, 1, 1]} : vector<128x50x128xf32> to vector<128x1x128xf32>
    %squeeze3A_17 = vector.shape_cast %slice3A_16 : vector<128x1x128xf32> to vector<128x128xf32>
    %slice3A_18 = vector.extract_strided_slice %squeeze3A_17 {offsets = [0, 0], sizes = [128, 64], strides = [1, 1]} : vector<128x128xf32> to vector<128x64xf32>
    %transpose3A_19 = tpu.transpose %slice3A_18, [1, 0] : vector<128x64xf32> -> vector<64x128xf32>
    %swap3A_20 = arith.constant 2 : index
    %swap3A_21 = arith.constant 0 : index
    %swap3A_22 = arith.constant 0 : index
    %swap3A_23 = vector.load %arg3[%swap3A_20, %swap3A_21, %swap3A_22] : memref<100x64x128xf32, #tpu.memory_space<vmem>>, vector<1x64x128xf32>
    %swap3A_24 = vector.shape_cast %swap3A_23 : vector<1x64x128xf32> to vector<64x128xf32>
    %swap3A_25 = vector.shape_cast %transpose3A_19 : vector<64x128xf32> to vector<1x64x128xf32>
    tpu.vector_store %arg3[%swap3A_20, %swap3A_21, %swap3A_22], %swap3A_25 {strides = array<i32>} : memref<100x64x128xf32, #tpu.memory_space<vmem>>, vector<1x64x128xf32>,
    %slice3A_26 = vector.extract_strided_slice %squeeze3A_17 {offsets = [0, 64], sizes = [128, 64], strides = [1, 1]} : vector<128x128xf32> to vector<128x64xf32>
    %transpose3A_27 = tpu.transpose %slice3A_26, [1, 0] : vector<128x64xf32> -> vector<64x128xf32>
    %swap3A_28 = arith.constant 3 : index
    %swap3A_29 = arith.constant 0 : index
    %swap3A_30 = arith.constant 0 : index
    %swap3A_31 = vector.load %arg3[%swap3A_28, %swap3A_29, %swap3A_30] : memref<100x64x128xf32, #tpu.memory_space<vmem>>, vector<1x64x128xf32>
    %swap3A_32 = vector.shape_cast %swap3A_31 : vector<1x64x128xf32> to vector<64x128xf32>
    %swap3A_33 = vector.shape_cast %transpose3A_27 : vector<64x128xf32> to vector<1x64x128xf32>
    tpu.vector_store %arg3[%swap3A_28, %swap3A_29, %swap3A_30], %swap3A_33 {strides = array<i32>} : memref<100x64x128xf32, #tpu.memory_space<vmem>>, vector<1x64x128xf32>,
    %slice3A_34 = vector.extract_strided_slice %reshape3A {offsets = [0, 2, 0], sizes = [128, 1, 128], strides = [1, 1, 1]} : vector<128x50x128xf32> to vector<128x1x128xf32>
    %squeeze3A_35 = vector.shape_cast %slice3A_34 : vector<128x1x128xf32> to vector<128x128xf32>
    %slice3A_36 = vector.extract_strided_slice %squeeze3A_35 {offsets = [0, 0], sizes = [128, 64], strides = [1, 1]} : vector<128x128xf32> to vector<128x64xf32>
    %transpose3A_37 = tpu.transpose %slice3A_36, [1, 0] : vector<128x64xf32> -> vector<64x128xf32>
    %swap3A_38 = arith.constant 4 : index
    %swap3A_39 = arith.constant 0 : index
    %swap3A_40 = arith.constant 0 : index
    %swap3A_41 = vector.load %arg3[%swap3A_38, %swap3A_39, %swap3A_40] : memref<100x64x128xf32, #tpu.memory_space<vmem>>, vector<1x64x128xf32>
    %swap3A_42 = vector.shape_cast %swap3A_41 : vector<1x64x128xf32> to vector<64x128xf32>
    %swap3A_43 = vector.shape_cast %transpose3A_37 : vector<64x128xf32> to vector<1x64x128xf32>
    tpu.vector_store %arg3[%swap3A_38, %swap3A_39, %swap3A_40], %swap3A_43 {strides = array<i32>} : memref<100x64x128xf32, #tpu.memory_space<vmem>>, vector<1x64x128xf32>,
    %slice3A_44 = vector.extract_strided_slice %squeeze3A_35 {offsets = [0, 64], sizes = [128, 64], strides = [1, 1]} : vector<128x128xf32> to vector<128x64xf32>
    %transpose3A_45 = tpu.transpose %slice3A_44, [1, 0] : vector<128x64xf32> -> vector<64x128xf32>
    %swap3A_46 = arith.constant 5 : index
    %swap3A_47 = arith.constant 0 : index
    %swap3A_48 = arith.constant 0 : index
    %swap3A_49 = vector.load %arg3[%swap3A_46, %swap3A_47, %swap3A_48] : memref<100x64x128xf32, #tpu.memory_space<vmem>>, vector<1x64x128xf32>
    %swap3A_50 = vector.shape_cast %swap3A_49 : vector<1x64x128xf32> to vector<64x128xf32>
    %swap3A_51 = vector.shape_cast %transpose3A_45 : vector<64x128xf32> to vector<1x64x128xf32>
    tpu.vector_store %arg3[%swap3A_46, %swap3A_47, %swap3A_48], %swap3A_51 {strides = array<i32>} : memref<100x64x128xf32, #tpu.memory_space<vmem>>, vector<1x64x128xf32>,
    %slice3A_52 = vector.extract_strided_slice %reshape3A {offsets = [0, 3, 0], sizes = [128, 1, 128], strides = [1, 1, 1]} : vector<128x50x128xf32> to vector<128x1x128xf32>
    %squeeze3A_53 = vector.shape_cast %slice3A_52 : vector<128x1x128xf32> to vector<128x128xf32>
    %slice3A_54 = vector.extract_strided_slice %squeeze3A_53 {offsets = [0, 0], sizes = [128, 64], strides = [1, 1]} : vector<128x128xf32> to vector<128x64xf32>
    %transpose3A_55 = tpu.transpose %slice3A_54, [1, 0] : vector<128x64xf32> -> vector<64x128xf32>
    %swap3A_56 = arith.constant 6 : index
    %swap3A_57 = arith.constant 0 : index
    %swap3A_58 = arith.constant 0 : index
    %swap3A_59 = vector.load %arg3[%swap3A_56, %swap3A_57, %swap3A_58] : memref<100x64x128xf32, #tpu.memory_space<vmem>>, vector<1x64x128xf32>
    %swap3A_60 = vector.shape_cast %swap3A_59 : vector<1x64x128xf32> to vector<64x128xf32>
    %swap3A_61 = vector.shape_cast %transpose3A_55 : vector<64x128xf32> to vector<1x64x128xf32>
    tpu.vector_store %arg3[%swap3A_56, %swap3A_57, %swap3A_58], %swap3A_61 {strides = array<i32>} : memref<100x64x128xf32, #tpu.memory_space<vmem>>, vector<1x64x128xf32>,
    %slice3A_62 = vector.extract_strided_slice %squeeze3A_53 {offsets = [0, 64], sizes = [128, 64], strides = [1, 1]} : vector<128x128xf32> to vector<128x64xf32>
    %transpose3A_63 = tpu.transpose %slice3A_62, [1, 0] : vector<128x64xf32> -> vector<64x128xf32>
    %swap3A_64 = arith.constant 7 : index
    %swap3A_65 = arith.constant 0 : index
    %swap3A_66 = arith.constant 0 : index
    %swap3A_67 = vector.load %arg3[%swap3A_64, %swap3A_65, %swap3A_66] : memref<100x64x128xf32, #tpu.memory_space<vmem>>, vector<1x64x128xf32>
    %swap3A_68 = vector.shape_cast %swap3A_67 : vector<1x64x128xf32> to vector<64x128xf32>
    %swap3A_69 = vector.shape_cast %transpose3A_63 : vector<64x128xf32> to vector<1x64x128xf32>
    tpu.vector_store %arg3[%swap3A_64, %swap3A_65, %swap3A_66], %swap3A_69 {strides = array<i32>} : memref<100x64x128xf32, #tpu.memory_space<vmem>>, vector<1x64x128xf32>,
    %slice3A_70 = vector.extract_strided_slice %reshape3A {offsets = [0, 4, 0], sizes = [128, 1, 128], strides = [1, 1, 1]} : vector<128x50x128xf32> to vector<128x1x128xf32>
    %squeeze3A_71 = vector.shape_cast %slice3A_70 : vector<128x1x128xf32> to vector<128x128xf32>
    %slice3A_72 = vector.extract_strided_slice %squeeze3A_71 {offsets = [0, 0], sizes = [128, 64], strides = [1, 1]} : vector<128x128xf32> to vector<128x64xf32>
    %transpose3A_73 = tpu.transpose %slice3A_72, [1, 0] : vector<128x64xf32> -> vector<64x128xf32>
    %swap3A_74 = arith.constant 8 : index
    %swap3A_75 = arith.constant 0 : index
    %swap3A_76 = arith.constant 0 : index
    %swap3A_77 = vector.load %arg3[%swap3A_74, %swap3A_75, %swap3A_76] : memref<100x64x128xf32, #tpu.memory_space<vmem>>, vector<1x64x128xf32>
    %swap3A_78 = vector.shape_cast %swap3A_77 : vector<1x64x128xf32> to vector<64x128xf32>
    %swap3A_79 = vector.shape_cast %transpose3A_73 : vector<64x128xf32> to vector<1x64x128xf32>
    tpu.vector_store %arg3[%swap3A_74, %swap3A_75, %swap3A_76], %swap3A_79 {strides = array<i32>} : memref<100x64x128xf32, #tpu.memory_space<vmem>>, vector<1x64x128xf32>,
    %slice3A_80 = vector.extract_strided_slice %squeeze3A_71 {offsets = [0, 64], sizes = [128, 64], strides = [1, 1]} : vector<128x128xf32> to vector<128x64xf32>
    %transpose3A_81 = tpu.transpose %slice3A_80, [1, 0] : vector<128x64xf32> -> vector<64x128xf32>
    %swap3A_82 = arith.constant 9 : index
    %swap3A_83 = arith.constant 0 : index
    %swap3A_84 = arith.constant 0 : index
    %swap3A_85 = vector.load %arg3[%swap3A_82, %swap3A_83, %swap3A_84] : memref<100x64x128xf32, #tpu.memory_space<vmem>>, vector<1x64x128xf32>
    %swap3A_86 = vector.shape_cast %swap3A_85 : vector<1x64x128xf32> to vector<64x128xf32>
    %swap3A_87 = vector.shape_cast %transpose3A_81 : vector<64x128xf32> to vector<1x64x128xf32>
    tpu.vector_store %arg3[%swap3A_82, %swap3A_83, %swap3A_84], %swap3A_87 {strides = array<i32>} : memref<100x64x128xf32, #tpu.memory_space<vmem>>, vector<1x64x128xf32>,
    %slice3A_88 = vector.extract_strided_slice %reshape3A {offsets = [0, 5, 0], sizes = [128, 1, 128], strides = [1, 1, 1]} : vector<128x50x128xf32> to vector<128x1x128xf32>
    %squeeze3A_89 = vector.shape_cast %slice3A_88 : vector<128x1x128xf32> to vector<128x128xf32>
    %slice3A_90 = vector.extract_strided_slice %squeeze3A_89 {offsets = [0, 0], sizes = [128, 64], strides = [1, 1]} : vector<128x128xf32> to vector<128x64xf32>
    %transpose3A_91 = tpu.transpose %slice3A_90, [1, 0] : vector<128x64xf32> -> vector<64x128xf32>
    %swap3A_92 = arith.constant 10 : index
    %swap3A_93 = arith.constant 0 : index
    %swap3A_94 = arith.constant 0 : index
    %swap3A_95 = vector.load %arg3[%swap3A_92, %swap3A_93, %swap3A_94] : memref<100x64x128xf32, #tpu.memory_space<vmem>>, vector<1x64x128xf32>
    %swap3A_96 = vector.shape_cast %swap3A_95 : vector<1x64x128xf32> to vector<64x128xf32>
    %swap3A_97 = vector.shape_cast %transpose3A_91 : vector<64x128xf32> to vector<1x64x128xf32>
    tpu.vector_store %arg3[%swap3A_92, %swap3A_93, %swap3A_94], %swap3A_97 {strides = array<i32>} : memref<100x64x128xf32, #tpu.memory_space<vmem>>, vector<1x64x128xf32>,
    %slice3A_98 = vector.extract_strided_slice %squeeze3A_89 {offsets = [0, 64], sizes = [128, 64], strides = [1, 1]} : vector<128x128xf32> to vector<128x64xf32>
    %transpose3A_99 = tpu.transpose %slice3A_98, [1, 0] : vector<128x64xf32> -> vector<64x128xf32>
    %swap3A_100 = arith.constant 11 : index
    %swap3A_101 = arith.constant 0 : index
    %swap3A_102 = arith.constant 0 : index
    %swap3A_103 = vector.load %arg3[%swap3A_100, %swap3A_101, %swap3A_102] : memref<100x64x128xf32, #tpu.memory_space<vmem>>, vector<1x64x128xf32>
    %swap3A_104 = vector.shape_cast %swap3A_103 : vector<1x64x128xf32> to vector<64x128xf32>
    %swap3A_105 = vector.shape_cast %transpose3A_99 : vector<64x128xf32> to vector<1x64x128xf32>
    tpu.vector_store %arg3[%swap3A_100, %swap3A_101, %swap3A_102], %swap3A_105 {strides = array<i32>} : memref<100x64x128xf32, #tpu.memory_space<vmem>>, vector<1x64x128xf32>,
    %slice3A_106 = vector.extract_strided_slice %reshape3A {offsets = [0, 6, 0], sizes = [128, 1, 128], strides = [1, 1, 1]} : vector<128x50x128xf32> to vector<128x1x128xf32>
    %squeeze3A_107 = vector.shape_cast %slice3A_106 : vector<128x1x128xf32> to vector<128x128xf32>
    %slice3A_108 = vector.extract_strided_slice %squeeze3A_107 {offsets = [0, 0], sizes = [128, 64], strides = [1, 1]} : vector<128x128xf32> to vector<128x64xf32>
    %transpose3A_109 = tpu.transpose %slice3A_108, [1, 0] : vector<128x64xf32> -> vector<64x128xf32>
    %swap3A_110 = arith.constant 12 : index
    %swap3A_111 = arith.constant 0 : index
    %swap3A_112 = arith.constant 0 : index
    %swap3A_113 = vector.load %arg3[%swap3A_110, %swap3A_111, %swap3A_112] : memref<100x64x128xf32, #tpu.memory_space<vmem>>, vector<1x64x128xf32>
    %swap3A_114 = vector.shape_cast %swap3A_113 : vector<1x64x128xf32> to vector<64x128xf32>
    %swap3A_115 = vector.shape_cast %transpose3A_109 : vector<64x128xf32> to vector<1x64x128xf32>
    tpu.vector_store %arg3[%swap3A_110, %swap3A_111, %swap3A_112], %swap3A_115 {strides = array<i32>} : memref<100x64x128xf32, #tpu.memory_space<vmem>>, vector<1x64x128xf32>,
    %slice3A_116 = vector.extract_strided_slice %squeeze3A_107 {offsets = [0, 64], sizes = [128, 64], strides = [1, 1]} : vector<128x128xf32> to vector<128x64xf32>
    %transpose3A_117 = tpu.transpose %slice3A_116, [1, 0] : vector<128x64xf32> -> vector<64x128xf32>
    %swap3A_118 = arith.constant 13 : index
    %swap3A_119 = arith.constant 0 : index
    %swap3A_120 = arith.constant 0 : index
    %swap3A_121 = vector.load %arg3[%swap3A_118, %swap3A_119, %swap3A_120] : memref<100x64x128xf32, #tpu.memory_space<vmem>>, vector<1x64x128xf32>
    %swap3A_122 = vector.shape_cast %swap3A_121 : vector<1x64x128xf32> to vector<64x128xf32>
    %swap3A_123 = vector.shape_cast %transpose3A_117 : vector<64x128xf32> to vector<1x64x128xf32>
    tpu.vector_store %arg3[%swap3A_118, %swap3A_119, %swap3A_120], %swap3A_123 {strides = array<i32>} : memref<100x64x128xf32, #tpu.memory_space<vmem>>, vector<1x64x128xf32>,
    %slice3A_124 = vector.extract_strided_slice %reshape3A {offsets = [0, 7, 0], sizes = [128, 1, 128], strides = [1, 1, 1]} : vector<128x50x128xf32> to vector<128x1x128xf32>
    %squeeze3A_125 = vector.shape_cast %slice3A_124 : vector<128x1x128xf32> to vector<128x128xf32>
    %slice3A_126 = vector.extract_strided_slice %squeeze3A_125 {offsets = [0, 0], sizes = [128, 64], strides = [1, 1]} : vector<128x128xf32> to vector<128x64xf32>
    %transpose3A_127 = tpu.transpose %slice3A_126, [1, 0] : vector<128x64xf32> -> vector<64x128xf32>
    %swap3A_128 = arith.constant 14 : index
    %swap3A_129 = arith.constant 0 : index
    %swap3A_130 = arith.constant 0 : index
    %swap3A_131 = vector.load %arg3[%swap3A_128, %swap3A_129, %swap3A_130] : memref<100x64x128xf32, #tpu.memory_space<vmem>>, vector<1x64x128xf32>
    %swap3A_132 = vector.shape_cast %swap3A_131 : vector<1x64x128xf32> to vector<64x128xf32>
    %swap3A_133 = vector.shape_cast %transpose3A_127 : vector<64x128xf32> to vector<1x64x128xf32>
    tpu.vector_store %arg3[%swap3A_128, %swap3A_129, %swap3A_130], %swap3A_133 {strides = array<i32>} : memref<100x64x128xf32, #tpu.memory_space<vmem>>, vector<1x64x128xf32>,
    %slice3A_134 = vector.extract_strided_slice %squeeze3A_125 {offsets = [0, 64], sizes = [128, 64], strides = [1, 1]} : vector<128x128xf32> to vector<128x64xf32>
    %transpose3A_135 = tpu.transpose %slice3A_134, [1, 0] : vector<128x64xf32> -> vector<64x128xf32>
    %swap3A_136 = arith.constant 15 : index
    %swap3A_137 = arith.constant 0 : index
    %swap3A_138 = arith.constant 0 : index
    %swap3A_139 = vector.load %arg3[%swap3A_136, %swap3A_137, %swap3A_138] : memref<100x64x128xf32, #tpu.memory_space<vmem>>, vector<1x64x128xf32>
    %swap3A_140 = vector.shape_cast %swap3A_139 : vector<1x64x128xf32> to vector<64x128xf32>
    %swap3A_141 = vector.shape_cast %transpose3A_135 : vector<64x128xf32> to vector<1x64x128xf32>
    tpu.vector_store %arg3[%swap3A_136, %swap3A_137, %swap3A_138], %swap3A_141 {strides = array<i32>} : memref<100x64x128xf32, #tpu.memory_space<vmem>>, vector<1x64x128xf32>,
    %slice3A_142 = vector.extract_strided_slice %reshape3A {offsets = [0, 8, 0], sizes = [128, 1, 128], strides = [1, 1, 1]} : vector<128x50x128xf32> to vector<128x1x128xf32>
    %squeeze3A_143 = vector.shape_cast %slice3A_142 : vector<128x1x128xf32> to vector<128x128xf32>
    %slice3A_144 = vector.extract_strided_slice %squeeze3A_143 {offsets = [0, 0], sizes = [128, 64], strides = [1, 1]} : vector<128x128xf32> to vector<128x64xf32>
    %transpose3A_145 = tpu.transpose %slice3A_144, [1, 0] : vector<128x64xf32> -> vector<64x128xf32>
    %swap3A_146 = arith.constant 16 : index
    %swap3A_147 = arith.constant 0 : index
    %swap3A_148 = arith.constant 0 : index
    %swap3A_149 = vector.load %arg3[%swap3A_146, %swap3A_147, %swap3A_148] : memref<100x64x128xf32, #tpu.memory_space<vmem>>, vector<1x64x128xf32>
    %swap3A_150 = vector.shape_cast %swap3A_149 : vector<1x64x128xf32> to vector<64x128xf32>
    %swap3A_151 = vector.shape_cast %transpose3A_145 : vector<64x128xf32> to vector<1x64x128xf32>
    tpu.vector_store %arg3[%swap3A_146, %swap3A_147, %swap3A_148], %swap3A_151 {strides = array<i32>} : memref<100x64x128xf32, #tpu.memory_space<vmem>>, vector<1x64x128xf32>,
    %slice3A_152 = vector.extract_strided_slice %squeeze3A_143 {offsets = [0, 64], sizes = [128, 64], strides = [1, 1]} : vector<128x128xf32> to vector<128x64xf32>
    %transpose3A_153 = tpu.transpose %slice3A_152, [1, 0] : vector<128x64xf32> -> vector<64x128xf32>
    %swap3A_154 = arith.constant 17 : index
    %swap3A_155 = arith.constant 0 : index
    %swap3A_156 = arith.constant 0 : index
    %swap3A_157 = vector.load %arg3[%swap3A_154, %swap3A_155, %swap3A_156] : memref<100x64x128xf32, #tpu.memory_space<vmem>>, vector<1x64x128xf32>
    %swap3A_158 = vector.shape_cast %swap3A_157 : vector<1x64x128xf32> to vector<64x128xf32>
    %swap3A_159 = vector.shape_cast %transpose3A_153 : vector<64x128xf32> to vector<1x64x128xf32>
    tpu.vector_store %arg3[%swap3A_154, %swap3A_155, %swap3A_156], %swap3A_159 {strides = array<i32>} : memref<100x64x128xf32, #tpu.memory_space<vmem>>, vector<1x64x128xf32>,
    %slice3A_160 = vector.extract_strided_slice %reshape3A {offsets = [0, 9, 0], sizes = [128, 1, 128], strides = [1, 1, 1]} : vector<128x50x128xf32> to vector<128x1x128xf32>
    %squeeze3A_161 = vector.shape_cast %slice3A_160 : vector<128x1x128xf32> to vector<128x128xf32>
    %slice3A_162 = vector.extract_strided_slice %squeeze3A_161 {offsets = [0, 0], sizes = [128, 64], strides = [1, 1]} : vector<128x128xf32> to vector<128x64xf32>
    %transpose3A_163 = tpu.transpose %slice3A_162, [1, 0] : vector<128x64xf32> -> vector<64x128xf32>
    %swap3A_164 = arith.constant 18 : index
    %swap3A_165 = arith.constant 0 : index
    %swap3A_166 = arith.constant 0 : index
    %swap3A_167 = vector.load %arg3[%swap3A_164, %swap3A_165, %swap3A_166] : memref<100x64x128xf32, #tpu.memory_space<vmem>>, vector<1x64x128xf32>
    %swap3A_168 = vector.shape_cast %swap3A_167 : vector<1x64x128xf32> to vector<64x128xf32>
    %swap3A_169 = vector.shape_cast %transpose3A_163 : vector<64x128xf32> to vector<1x64x128xf32>
    tpu.vector_store %arg3[%swap3A_164, %swap3A_165, %swap3A_166], %swap3A_169 {strides = array<i32>} : memref<100x64x128xf32, #tpu.memory_space<vmem>>, vector<1x64x128xf32>,
    %slice3A_170 = vector.extract_strided_slice %squeeze3A_161 {offsets = [0, 64], sizes = [128, 64], strides = [1, 1]} : vector<128x128xf32> to vector<128x64xf32>
    %transpose3A_171 = tpu.transpose %slice3A_170, [1, 0] : vector<128x64xf32> -> vector<64x128xf32>
    %swap3A_172 = arith.constant 19 : index
    %swap3A_173 = arith.constant 0 : index
    %swap3A_174 = arith.constant 0 : index
    %swap3A_175 = vector.load %arg3[%swap3A_172, %swap3A_173, %swap3A_174] : memref<100x64x128xf32, #tpu.memory_space<vmem>>, vector<1x64x128xf32>
    %swap3A_176 = vector.shape_cast %swap3A_175 : vector<1x64x128xf32> to vector<64x128xf32>
    %swap3A_177 = vector.shape_cast %transpose3A_171 : vector<64x128xf32> to vector<1x64x128xf32>
    tpu.vector_store %arg3[%swap3A_172, %swap3A_173, %swap3A_174], %swap3A_177 {strides = array<i32>} : memref<100x64x128xf32, #tpu.memory_space<vmem>>, vector<1x64x128xf32>,
    %slice3A_178 = vector.extract_strided_slice %reshape3A {offsets = [0, 10, 0], sizes = [128, 1, 128], strides = [1, 1, 1]} : vector<128x50x128xf32> to vector<128x1x128xf32>
    %squeeze3A_179 = vector.shape_cast %slice3A_178 : vector<128x1x128xf32> to vector<128x128xf32>
    %slice3A_180 = vector.extract_strided_slice %squeeze3A_179 {offsets = [0, 0], sizes = [128, 64], strides = [1, 1]} : vector<128x128xf32> to vector<128x64xf32>
    %transpose3A_181 = tpu.transpose %slice3A_180, [1, 0] : vector<128x64xf32> -> vector<64x128xf32>
    %swap3A_182 = arith.constant 20 : index
    %swap3A_183 = arith.constant 0 : index
    %swap3A_184 = arith.constant 0 : index
    %swap3A_185 = vector.load %arg3[%swap3A_182, %swap3A_183, %swap3A_184] : memref<100x64x128xf32, #tpu.memory_space<vmem>>, vector<1x64x128xf32>
    %swap3A_186 = vector.shape_cast %swap3A_185 : vector<1x64x128xf32> to vector<64x128xf32>
    %swap3A_187 = vector.shape_cast %transpose3A_181 : vector<64x128xf32> to vector<1x64x128xf32>
    tpu.vector_store %arg3[%swap3A_182, %swap3A_183, %swap3A_184], %swap3A_187 {strides = array<i32>} : memref<100x64x128xf32, #tpu.memory_space<vmem>>, vector<1x64x128xf32>,
    %slice3A_188 = vector.extract_strided_slice %squeeze3A_179 {offsets = [0, 64], sizes = [128, 64], strides = [1, 1]} : vector<128x128xf32> to vector<128x64xf32>
    %transpose3A_189 = tpu.transpose %slice3A_188, [1, 0] : vector<128x64xf32> -> vector<64x128xf32>
    %swap3A_190 = arith.constant 21 : index
    %swap3A_191 = arith.constant 0 : index
    %swap3A_192 = arith.constant 0 : index
    %swap3A_193 = vector.load %arg3[%swap3A_190, %swap3A_191, %swap3A_192] : memref<100x64x128xf32, #tpu.memory_space<vmem>>, vector<1x64x128xf32>
    %swap3A_194 = vector.shape_cast %swap3A_193 : vector<1x64x128xf32> to vector<64x128xf32>
    %swap3A_195 = vector.shape_cast %transpose3A_189 : vector<64x128xf32> to vector<1x64x128xf32>
    tpu.vector_store %arg3[%swap3A_190, %swap3A_191, %swap3A_192], %swap3A_195 {strides = array<i32>} : memref<100x64x128xf32, #tpu.memory_space<vmem>>, vector<1x64x128xf32>,
    %slice3A_196 = vector.extract_strided_slice %reshape3A {offsets = [0, 11, 0], sizes = [128, 1, 128], strides = [1, 1, 1]} : vector<128x50x128xf32> to vector<128x1x128xf32>
    %squeeze3A_197 = vector.shape_cast %slice3A_196 : vector<128x1x128xf32> to vector<128x128xf32>
    %slice3A_198 = vector.extract_strided_slice %squeeze3A_197 {offsets = [0, 0], sizes = [128, 64], strides = [1, 1]} : vector<128x128xf32> to vector<128x64xf32>
    %transpose3A_199 = tpu.transpose %slice3A_198, [1, 0] : vector<128x64xf32> -> vector<64x128xf32>
    %swap3A_200 = arith.constant 22 : index
    %swap3A_201 = arith.constant 0 : index
    %swap3A_202 = arith.constant 0 : index
    %swap3A_203 = vector.load %arg3[%swap3A_200, %swap3A_201, %swap3A_202] : memref<100x64x128xf32, #tpu.memory_space<vmem>>, vector<1x64x128xf32>
    %swap3A_204 = vector.shape_cast %swap3A_203 : vector<1x64x128xf32> to vector<64x128xf32>
    %swap3A_205 = vector.shape_cast %transpose3A_199 : vector<64x128xf32> to vector<1x64x128xf32>
    tpu.vector_store %arg3[%swap3A_200, %swap3A_201, %swap3A_202], %swap3A_205 {strides = array<i32>} : memref<100x64x128xf32, #tpu.memory_space<vmem>>, vector<1x64x128xf32>,
    %slice3A_206 = vector.extract_strided_slice %squeeze3A_197 {offsets = [0, 64], sizes = [128, 64], strides = [1, 1]} : vector<128x128xf32> to vector<128x64xf32>
    %transpose3A_207 = tpu.transpose %slice3A_206, [1, 0] : vector<128x64xf32> -> vector<64x128xf32>
    %swap3A_208 = arith.constant 23 : index
    %swap3A_209 = arith.constant 0 : index
    %swap3A_210 = arith.constant 0 : index
    %swap3A_211 = vector.load %arg3[%swap3A_208, %swap3A_209, %swap3A_210] : memref<100x64x128xf32, #tpu.memory_space<vmem>>, vector<1x64x128xf32>
    %swap3A_212 = vector.shape_cast %swap3A_211 : vector<1x64x128xf32> to vector<64x128xf32>
    %swap3A_213 = vector.shape_cast %transpose3A_207 : vector<64x128xf32> to vector<1x64x128xf32>
    tpu.vector_store %arg3[%swap3A_208, %swap3A_209, %swap3A_210], %swap3A_213 {strides = array<i32>} : memref<100x64x128xf32, #tpu.memory_space<vmem>>, vector<1x64x128xf32>,
    %slice3A_214 = vector.extract_strided_slice %reshape3A {offsets = [0, 12, 0], sizes = [128, 1, 128], strides = [1, 1, 1]} : vector<128x50x128xf32> to vector<128x1x128xf32>
    %squeeze3A_215 = vector.shape_cast %slice3A_214 : vector<128x1x128xf32> to vector<128x128xf32>
    %slice3A_216 = vector.extract_strided_slice %squeeze3A_215 {offsets = [0, 0], sizes = [128, 64], strides = [1, 1]} : vector<128x128xf32> to vector<128x64xf32>
    %transpose3A_217 = tpu.transpose %slice3A_216, [1, 0] : vector<128x64xf32> -> vector<64x128xf32>
    %swap3A_218 = arith.constant 24 : index
    %swap3A_219 = arith.constant 0 : index
    %swap3A_220 = arith.constant 0 : index
    %swap3A_221 = vector.load %arg3[%swap3A_218, %swap3A_219, %swap3A_220] : memref<100x64x128xf32, #tpu.memory_space<vmem>>, vector<1x64x128xf32>
    %swap3A_222 = vector.shape_cast %swap3A_221 : vector<1x64x128xf32> to vector<64x128xf32>
    %swap3A_223 = vector.shape_cast %transpose3A_217 : vector<64x128xf32> to vector<1x64x128xf32>
    tpu.vector_store %arg3[%swap3A_218, %swap3A_219, %swap3A_220], %swap3A_223 {strides = array<i32>} : memref<100x64x128xf32, #tpu.memory_space<vmem>>, vector<1x64x128xf32>,
    %slice3A_224 = vector.extract_strided_slice %squeeze3A_215 {offsets = [0, 64], sizes = [128, 64], strides = [1, 1]} : vector<128x128xf32> to vector<128x64xf32>
    %transpose3A_225 = tpu.transpose %slice3A_224, [1, 0] : vector<128x64xf32> -> vector<64x128xf32>
    %swap3A_226 = arith.constant 25 : index
    %swap3A_227 = arith.constant 0 : index
    %swap3A_228 = arith.constant 0 : index
    %swap3A_229 = vector.load %arg3[%swap3A_226, %swap3A_227, %swap3A_228] : memref<100x64x128xf32, #tpu.memory_space<vmem>>, vector<1x64x128xf32>
    %swap3A_230 = vector.shape_cast %swap3A_229 : vector<1x64x128xf32> to vector<64x128xf32>
    %swap3A_231 = vector.shape_cast %transpose3A_225 : vector<64x128xf32> to vector<1x64x128xf32>
    tpu.vector_store %arg3[%swap3A_226, %swap3A_227, %swap3A_228], %swap3A_231 {strides = array<i32>} : memref<100x64x128xf32, #tpu.memory_space<vmem>>, vector<1x64x128xf32>,
    %slice3A_232 = vector.extract_strided_slice %reshape3A {offsets = [0, 13, 0], sizes = [128, 1, 128], strides = [1, 1, 1]} : vector<128x50x128xf32> to vector<128x1x128xf32>
    %squeeze3A_233 = vector.shape_cast %slice3A_232 : vector<128x1x128xf32> to vector<128x128xf32>
    %slice3A_234 = vector.extract_strided_slice %squeeze3A_233 {offsets = [0, 0], sizes = [128, 64], strides = [1, 1]} : vector<128x128xf32> to vector<128x64xf32>
    %transpose3A_235 = tpu.transpose %slice3A_234, [1, 0] : vector<128x64xf32> -> vector<64x128xf32>
    %swap3A_236 = arith.constant 26 : index
    %swap3A_237 = arith.constant 0 : index
    %swap3A_238 = arith.constant 0 : index
    %swap3A_239 = vector.load %arg3[%swap3A_236, %swap3A_237, %swap3A_238] : memref<100x64x128xf32, #tpu.memory_space<vmem>>, vector<1x64x128xf32>
    %swap3A_240 = vector.shape_cast %swap3A_239 : vector<1x64x128xf32> to vector<64x128xf32>
    %swap3A_241 = vector.shape_cast %transpose3A_235 : vector<64x128xf32> to vector<1x64x128xf32>
    tpu.vector_store %arg3[%swap3A_236, %swap3A_237, %swap3A_238], %swap3A_241 {strides = array<i32>} : memref<100x64x128xf32, #tpu.memory_space<vmem>>, vector<1x64x128xf32>,
    %slice3A_242 = vector.extract_strided_slice %squeeze3A_233 {offsets = [0, 64], sizes = [128, 64], strides = [1, 1]} : vector<128x128xf32> to vector<128x64xf32>
    %transpose3A_243 = tpu.transpose %slice3A_242, [1, 0] : vector<128x64xf32> -> vector<64x128xf32>
    %swap3A_244 = arith.constant 27 : index
    %swap3A_245 = arith.constant 0 : index
    %swap3A_246 = arith.constant 0 : index
    %swap3A_247 = vector.load %arg3[%swap3A_244, %swap3A_245, %swap3A_246] : memref<100x64x128xf32, #tpu.memory_space<vmem>>, vector<1x64x128xf32>
    %swap3A_248 = vector.shape_cast %swap3A_247 : vector<1x64x128xf32> to vector<64x128xf32>
    %swap3A_249 = vector.shape_cast %transpose3A_243 : vector<64x128xf32> to vector<1x64x128xf32>
    tpu.vector_store %arg3[%swap3A_244, %swap3A_245, %swap3A_246], %swap3A_249 {strides = array<i32>} : memref<100x64x128xf32, #tpu.memory_space<vmem>>, vector<1x64x128xf32>,
    %slice3A_250 = vector.extract_strided_slice %reshape3A {offsets = [0, 14, 0], sizes = [128, 1, 128], strides = [1, 1, 1]} : vector<128x50x128xf32> to vector<128x1x128xf32>
    %squeeze3A_251 = vector.shape_cast %slice3A_250 : vector<128x1x128xf32> to vector<128x128xf32>
    %slice3A_252 = vector.extract_strided_slice %squeeze3A_251 {offsets = [0, 0], sizes = [128, 64], strides = [1, 1]} : vector<128x128xf32> to vector<128x64xf32>
    %transpose3A_253 = tpu.transpose %slice3A_252, [1, 0] : vector<128x64xf32> -> vector<64x128xf32>
    %swap3A_254 = arith.constant 28 : index
    %swap3A_255 = arith.constant 0 : index
    %swap3A_256 = arith.constant 0 : index
    %swap3A_257 = vector.load %arg3[%swap3A_254, %swap3A_255, %swap3A_256] : memref<100x64x128xf32, #tpu.memory_space<vmem>>, vector<1x64x128xf32>
    %swap3A_258 = vector.shape_cast %swap3A_257 : vector<1x64x128xf32> to vector<64x128xf32>
    %swap3A_259 = vector.shape_cast %transpose3A_253 : vector<64x128xf32> to vector<1x64x128xf32>
    tpu.vector_store %arg3[%swap3A_254, %swap3A_255, %swap3A_256], %swap3A_259 {strides = array<i32>} : memref<100x64x128xf32, #tpu.memory_space<vmem>>, vector<1x64x128xf32>,
    %slice3A_260 = vector.extract_strided_slice %squeeze3A_251 {offsets = [0, 64], sizes = [128, 64], strides = [1, 1]} : vector<128x128xf32> to vector<128x64xf32>
    %transpose3A_261 = tpu.transpose %slice3A_260, [1, 0] : vector<128x64xf32> -> vector<64x128xf32>
    %swap3A_262 = arith.constant 29 : index
    %swap3A_263 = arith.constant 0 : index
    %swap3A_264 = arith.constant 0 : index
    %swap3A_265 = vector.load %arg3[%swap3A_262, %swap3A_263, %swap3A_264] : memref<100x64x128xf32, #tpu.memory_space<vmem>>, vector<1x64x128xf32>
    %swap3A_266 = vector.shape_cast %swap3A_265 : vector<1x64x128xf32> to vector<64x128xf32>
    %swap3A_267 = vector.shape_cast %transpose3A_261 : vector<64x128xf32> to vector<1x64x128xf32>
    tpu.vector_store %arg3[%swap3A_262, %swap3A_263, %swap3A_264], %swap3A_267 {strides = array<i32>} : memref<100x64x128xf32, #tpu.memory_space<vmem>>, vector<1x64x128xf32>,
    %slice3A_268 = vector.extract_strided_slice %reshape3A {offsets = [0, 15, 0], sizes = [128, 1, 128], strides = [1, 1, 1]} : vector<128x50x128xf32> to vector<128x1x128xf32>
    %squeeze3A_269 = vector.shape_cast %slice3A_268 : vector<128x1x128xf32> to vector<128x128xf32>
    %slice3A_270 = vector.extract_strided_slice %squeeze3A_269 {offsets = [0, 0], sizes = [128, 64], strides = [1, 1]} : vector<128x128xf32> to vector<128x64xf32>
    %transpose3A_271 = tpu.transpose %slice3A_270, [1, 0] : vector<128x64xf32> -> vector<64x128xf32>
    %swap3A_272 = arith.constant 30 : index
    %swap3A_273 = arith.constant 0 : index
    %swap3A_274 = arith.constant 0 : index
    %swap3A_275 = vector.load %arg3[%swap3A_272, %swap3A_273, %swap3A_274] : memref<100x64x128xf32, #tpu.memory_space<vmem>>, vector<1x64x128xf32>
    %swap3A_276 = vector.shape_cast %swap3A_275 : vector<1x64x128xf32> to vector<64x128xf32>
    %swap3A_277 = vector.shape_cast %transpose3A_271 : vector<64x128xf32> to vector<1x64x128xf32>
    tpu.vector_store %arg3[%swap3A_272, %swap3A_273, %swap3A_274], %swap3A_277 {strides = array<i32>} : memref<100x64x128xf32, #tpu.memory_space<vmem>>, vector<1x64x128xf32>,
    %slice3A_278 = vector.extract_strided_slice %squeeze3A_269 {offsets = [0, 64], sizes = [128, 64], strides = [1, 1]} : vector<128x128xf32> to vector<128x64xf32>
    %transpose3A_279 = tpu.transpose %slice3A_278, [1, 0] : vector<128x64xf32> -> vector<64x128xf32>
    %swap3A_280 = arith.constant 31 : index
    %swap3A_281 = arith.constant 0 : index
    %swap3A_282 = arith.constant 0 : index
    %swap3A_283 = vector.load %arg3[%swap3A_280, %swap3A_281, %swap3A_282] : memref<100x64x128xf32, #tpu.memory_space<vmem>>, vector<1x64x128xf32>
    %swap3A_284 = vector.shape_cast %swap3A_283 : vector<1x64x128xf32> to vector<64x128xf32>
    %swap3A_285 = vector.shape_cast %transpose3A_279 : vector<64x128xf32> to vector<1x64x128xf32>
    tpu.vector_store %arg3[%swap3A_280, %swap3A_281, %swap3A_282], %swap3A_285 {strides = array<i32>} : memref<100x64x128xf32, #tpu.memory_space<vmem>>, vector<1x64x128xf32>,
    %slice3A_286 = vector.extract_strided_slice %reshape3A {offsets = [0, 16, 0], sizes = [128, 1, 128], strides = [1, 1, 1]} : vector<128x50x128xf32> to vector<128x1x128xf32>
    %squeeze3A_287 = vector.shape_cast %slice3A_286 : vector<128x1x128xf32> to vector<128x128xf32>
    %slice3A_288 = vector.extract_strided_slice %squeeze3A_287 {offsets = [0, 0], sizes = [128, 64], strides = [1, 1]} : vector<128x128xf32> to vector<128x64xf32>
    %transpose3A_289 = tpu.transpose %slice3A_288, [1, 0] : vector<128x64xf32> -> vector<64x128xf32>
    %swap3A_290 = arith.constant 32 : index
    %swap3A_291 = arith.constant 0 : index
    %swap3A_292 = arith.constant 0 : index
    %swap3A_293 = vector.load %arg3[%swap3A_290, %swap3A_291, %swap3A_292] : memref<100x64x128xf32, #tpu.memory_space<vmem>>, vector<1x64x128xf32>
    %swap3A_294 = vector.shape_cast %swap3A_293 : vector<1x64x128xf32> to vector<64x128xf32>
    %swap3A_295 = vector.shape_cast %transpose3A_289 : vector<64x128xf32> to vector<1x64x128xf32>
    tpu.vector_store %arg3[%swap3A_290, %swap3A_291, %swap3A_292], %swap3A_295 {strides = array<i32>} : memref<100x64x128xf32, #tpu.memory_space<vmem>>, vector<1x64x128xf32>,
    %slice3A_296 = vector.extract_strided_slice %squeeze3A_287 {offsets = [0, 64], sizes = [128, 64], strides = [1, 1]} : vector<128x128xf32> to vector<128x64xf32>
    %transpose3A_297 = tpu.transpose %slice3A_296, [1, 0] : vector<128x64xf32> -> vector<64x128xf32>
    %swap3A_298 = arith.constant 33 : index
    %swap3A_299 = arith.constant 0 : index
    %swap3A_300 = arith.constant 0 : index
    %swap3A_301 = vector.load %arg3[%swap3A_298, %swap3A_299, %swap3A_300] : memref<100x64x128xf32, #tpu.memory_space<vmem>>, vector<1x64x128xf32>
    %swap3A_302 = vector.shape_cast %swap3A_301 : vector<1x64x128xf32> to vector<64x128xf32>
    %swap3A_303 = vector.shape_cast %transpose3A_297 : vector<64x128xf32> to vector<1x64x128xf32>
    tpu.vector_store %arg3[%swap3A_298, %swap3A_299, %swap3A_300], %swap3A_303 {strides = array<i32>} : memref<100x64x128xf32, #tpu.memory_space<vmem>>, vector<1x64x128xf32>,
    %slice3A_304 = vector.extract_strided_slice %reshape3A {offsets = [0, 17, 0], sizes = [128, 1, 128], strides = [1, 1, 1]} : vector<128x50x128xf32> to vector<128x1x128xf32>
    %squeeze3A_305 = vector.shape_cast %slice3A_304 : vector<128x1x128xf32> to vector<128x128xf32>
    %slice3A_306 = vector.extract_strided_slice %squeeze3A_305 {offsets = [0, 0], sizes = [128, 64], strides = [1, 1]} : vector<128x128xf32> to vector<128x64xf32>
    %transpose3A_307 = tpu.transpose %slice3A_306, [1, 0] : vector<128x64xf32> -> vector<64x128xf32>
    %swap3A_308 = arith.constant 34 : index
    %swap3A_309 = arith.constant 0 : index
    %swap3A_310 = arith.constant 0 : index
    %swap3A_311 = vector.load %arg3[%swap3A_308, %swap3A_309, %swap3A_310] : memref<100x64x128xf32, #tpu.memory_space<vmem>>, vector<1x64x128xf32>
    %swap3A_312 = vector.shape_cast %swap3A_311 : vector<1x64x128xf32> to vector<64x128xf32>
    %swap3A_313 = vector.shape_cast %transpose3A_307 : vector<64x128xf32> to vector<1x64x128xf32>
    tpu.vector_store %arg3[%swap3A_308, %swap3A_309, %swap3A_310], %swap3A_313 {strides = array<i32>} : memref<100x64x128xf32, #tpu.memory_space<vmem>>, vector<1x64x128xf32>,
    %slice3A_314 = vector.extract_strided_slice %squeeze3A_305 {offsets = [0, 64], sizes = [128, 64], strides = [1, 1]} : vector<128x128xf32> to vector<128x64xf32>
    %transpose3A_315 = tpu.transpose %slice3A_314, [1, 0] : vector<128x64xf32> -> vector<64x128xf32>
    %swap3A_316 = arith.constant 35 : index
    %swap3A_317 = arith.constant 0 : index
    %swap3A_318 = arith.constant 0 : index
    %swap3A_319 = vector.load %arg3[%swap3A_316, %swap3A_317, %swap3A_318] : memref<100x64x128xf32, #tpu.memory_space<vmem>>, vector<1x64x128xf32>
    %swap3A_320 = vector.shape_cast %swap3A_319 : vector<1x64x128xf32> to vector<64x128xf32>
    %swap3A_321 = vector.shape_cast %transpose3A_315 : vector<64x128xf32> to vector<1x64x128xf32>
    tpu.vector_store %arg3[%swap3A_316, %swap3A_317, %swap3A_318], %swap3A_321 {strides = array<i32>} : memref<100x64x128xf32, #tpu.memory_space<vmem>>, vector<1x64x128xf32>,
    %slice3A_322 = vector.extract_strided_slice %reshape3A {offsets = [0, 18, 0], sizes = [128, 1, 128], strides = [1, 1, 1]} : vector<128x50x128xf32> to vector<128x1x128xf32>
    %squeeze3A_323 = vector.shape_cast %slice3A_322 : vector<128x1x128xf32> to vector<128x128xf32>
    %slice3A_324 = vector.extract_strided_slice %squeeze3A_323 {offsets = [0, 0], sizes = [128, 64], strides = [1, 1]} : vector<128x128xf32> to vector<128x64xf32>
    %transpose3A_325 = tpu.transpose %slice3A_324, [1, 0] : vector<128x64xf32> -> vector<64x128xf32>
    %swap3A_326 = arith.constant 36 : index
    %swap3A_327 = arith.constant 0 : index
    %swap3A_328 = arith.constant 0 : index
    %swap3A_329 = vector.load %arg3[%swap3A_326, %swap3A_327, %swap3A_328] : memref<100x64x128xf32, #tpu.memory_space<vmem>>, vector<1x64x128xf32>
    %swap3A_330 = vector.shape_cast %swap3A_329 : vector<1x64x128xf32> to vector<64x128xf32>
    %swap3A_331 = vector.shape_cast %transpose3A_325 : vector<64x128xf32> to vector<1x64x128xf32>
    tpu.vector_store %arg3[%swap3A_326, %swap3A_327, %swap3A_328], %swap3A_331 {strides = array<i32>} : memref<100x64x128xf32, #tpu.memory_space<vmem>>, vector<1x64x128xf32>,
    %slice3A_332 = vector.extract_strided_slice %squeeze3A_323 {offsets = [0, 64], sizes = [128, 64], strides = [1, 1]} : vector<128x128xf32> to vector<128x64xf32>
    %transpose3A_333 = tpu.transpose %slice3A_332, [1, 0] : vector<128x64xf32> -> vector<64x128xf32>
    %swap3A_334 = arith.constant 37 : index
    %swap3A_335 = arith.constant 0 : index
    %swap3A_336 = arith.constant 0 : index
    %swap3A_337 = vector.load %arg3[%swap3A_334, %swap3A_335, %swap3A_336] : memref<100x64x128xf32, #tpu.memory_space<vmem>>, vector<1x64x128xf32>
    %swap3A_338 = vector.shape_cast %swap3A_337 : vector<1x64x128xf32> to vector<64x128xf32>
    %swap3A_339 = vector.shape_cast %transpose3A_333 : vector<64x128xf32> to vector<1x64x128xf32>
    tpu.vector_store %arg3[%swap3A_334, %swap3A_335, %swap3A_336], %swap3A_339 {strides = array<i32>} : memref<100x64x128xf32, #tpu.memory_space<vmem>>, vector<1x64x128xf32>,
    %slice3A_340 = vector.extract_strided_slice %reshape3A {offsets = [0, 19, 0], sizes = [128, 1, 128], strides = [1, 1, 1]} : vector<128x50x128xf32> to vector<128x1x128xf32>
    %squeeze3A_341 = vector.shape_cast %slice3A_340 : vector<128x1x128xf32> to vector<128x128xf32>
    %slice3A_342 = vector.extract_strided_slice %squeeze3A_341 {offsets = [0, 0], sizes = [128, 64], strides = [1, 1]} : vector<128x128xf32> to vector<128x64xf32>
    %transpose3A_343 = tpu.transpose %slice3A_342, [1, 0] : vector<128x64xf32> -> vector<64x128xf32>
    %swap3A_344 = arith.constant 38 : index
    %swap3A_345 = arith.constant 0 : index
    %swap3A_346 = arith.constant 0 : index
    %swap3A_347 = vector.load %arg3[%swap3A_344, %swap3A_345, %swap3A_346] : memref<100x64x128xf32, #tpu.memory_space<vmem>>, vector<1x64x128xf32>
    %swap3A_348 = vector.shape_cast %swap3A_347 : vector<1x64x128xf32> to vector<64x128xf32>
    %swap3A_349 = vector.shape_cast %transpose3A_343 : vector<64x128xf32> to vector<1x64x128xf32>
    tpu.vector_store %arg3[%swap3A_344, %swap3A_345, %swap3A_346], %swap3A_349 {strides = array<i32>} : memref<100x64x128xf32, #tpu.memory_space<vmem>>, vector<1x64x128xf32>,
    %slice3A_350 = vector.extract_strided_slice %squeeze3A_341 {offsets = [0, 64], sizes = [128, 64], strides = [1, 1]} : vector<128x128xf32> to vector<128x64xf32>
    %transpose3A_351 = tpu.transpose %slice3A_350, [1, 0] : vector<128x64xf32> -> vector<64x128xf32>
    %swap3A_352 = arith.constant 39 : index
    %swap3A_353 = arith.constant 0 : index
    %swap3A_354 = arith.constant 0 : index
    %swap3A_355 = vector.load %arg3[%swap3A_352, %swap3A_353, %swap3A_354] : memref<100x64x128xf32, #tpu.memory_space<vmem>>, vector<1x64x128xf32>
    %swap3A_356 = vector.shape_cast %swap3A_355 : vector<1x64x128xf32> to vector<64x128xf32>
    %swap3A_357 = vector.shape_cast %transpose3A_351 : vector<64x128xf32> to vector<1x64x128xf32>
    tpu.vector_store %arg3[%swap3A_352, %swap3A_353, %swap3A_354], %swap3A_357 {strides = array<i32>} : memref<100x64x128xf32, #tpu.memory_space<vmem>>, vector<1x64x128xf32>,
    %slice3A_358 = vector.extract_strided_slice %reshape3A {offsets = [0, 20, 0], sizes = [128, 1, 128], strides = [1, 1, 1]} : vector<128x50x128xf32> to vector<128x1x128xf32>
    %squeeze3A_359 = vector.shape_cast %slice3A_358 : vector<128x1x128xf32> to vector<128x128xf32>
    %slice3A_360 = vector.extract_strided_slice %squeeze3A_359 {offsets = [0, 0], sizes = [128, 64], strides = [1, 1]} : vector<128x128xf32> to vector<128x64xf32>
    %transpose3A_361 = tpu.transpose %slice3A_360, [1, 0] : vector<128x64xf32> -> vector<64x128xf32>
    %swap3A_362 = arith.constant 40 : index
    %swap3A_363 = arith.constant 0 : index
    %swap3A_364 = arith.constant 0 : index
    %swap3A_365 = vector.load %arg3[%swap3A_362, %swap3A_363, %swap3A_364] : memref<100x64x128xf32, #tpu.memory_space<vmem>>, vector<1x64x128xf32>
    %swap3A_366 = vector.shape_cast %swap3A_365 : vector<1x64x128xf32> to vector<64x128xf32>
    %swap3A_367 = vector.shape_cast %transpose3A_361 : vector<64x128xf32> to vector<1x64x128xf32>
    tpu.vector_store %arg3[%swap3A_362, %swap3A_363, %swap3A_364], %swap3A_367 {strides = array<i32>} : memref<100x64x128xf32, #tpu.memory_space<vmem>>, vector<1x64x128xf32>,
    %slice3A_368 = vector.extract_strided_slice %squeeze3A_359 {offsets = [0, 64], sizes = [128, 64], strides = [1, 1]} : vector<128x128xf32> to vector<128x64xf32>
    %transpose3A_369 = tpu.transpose %slice3A_368, [1, 0] : vector<128x64xf32> -> vector<64x128xf32>
    %swap3A_370 = arith.constant 41 : index
    %swap3A_371 = arith.constant 0 : index
    %swap3A_372 = arith.constant 0 : index
    %swap3A_373 = vector.load %arg3[%swap3A_370, %swap3A_371, %swap3A_372] : memref<100x64x128xf32, #tpu.memory_space<vmem>>, vector<1x64x128xf32>
    %swap3A_374 = vector.shape_cast %swap3A_373 : vector<1x64x128xf32> to vector<64x128xf32>
    %swap3A_375 = vector.shape_cast %transpose3A_369 : vector<64x128xf32> to vector<1x64x128xf32>
    tpu.vector_store %arg3[%swap3A_370, %swap3A_371, %swap3A_372], %swap3A_375 {strides = array<i32>} : memref<100x64x128xf32, #tpu.memory_space<vmem>>, vector<1x64x128xf32>,
    %slice3A_376 = vector.extract_strided_slice %reshape3A {offsets = [0, 21, 0], sizes = [128, 1, 128], strides = [1, 1, 1]} : vector<128x50x128xf32> to vector<128x1x128xf32>
    %squeeze3A_377 = vector.shape_cast %slice3A_376 : vector<128x1x128xf32> to vector<128x128xf32>
    %slice3A_378 = vector.extract_strided_slice %squeeze3A_377 {offsets = [0, 0], sizes = [128, 64], strides = [1, 1]} : vector<128x128xf32> to vector<128x64xf32>
    %transpose3A_379 = tpu.transpose %slice3A_378, [1, 0] : vector<128x64xf32> -> vector<64x128xf32>
    %swap3A_380 = arith.constant 42 : index
    %swap3A_381 = arith.constant 0 : index
    %swap3A_382 = arith.constant 0 : index
    %swap3A_383 = vector.load %arg3[%swap3A_380, %swap3A_381, %swap3A_382] : memref<100x64x128xf32, #tpu.memory_space<vmem>>, vector<1x64x128xf32>
    %swap3A_384 = vector.shape_cast %swap3A_383 : vector<1x64x128xf32> to vector<64x128xf32>
    %swap3A_385 = vector.shape_cast %transpose3A_379 : vector<64x128xf32> to vector<1x64x128xf32>
    tpu.vector_store %arg3[%swap3A_380, %swap3A_381, %swap3A_382], %swap3A_385 {strides = array<i32>} : memref<100x64x128xf32, #tpu.memory_space<vmem>>, vector<1x64x128xf32>,
    %slice3A_386 = vector.extract_strided_slice %squeeze3A_377 {offsets = [0, 64], sizes = [128, 64], strides = [1, 1]} : vector<128x128xf32> to vector<128x64xf32>
    %transpose3A_387 = tpu.transpose %slice3A_386, [1, 0] : vector<128x64xf32> -> vector<64x128xf32>
    %swap3A_388 = arith.constant 43 : index
    %swap3A_389 = arith.constant 0 : index
    %swap3A_390 = arith.constant 0 : index
    %swap3A_391 = vector.load %arg3[%swap3A_388, %swap3A_389, %swap3A_390] : memref<100x64x128xf32, #tpu.memory_space<vmem>>, vector<1x64x128xf32>
    %swap3A_392 = vector.shape_cast %swap3A_391 : vector<1x64x128xf32> to vector<64x128xf32>
    %swap3A_393 = vector.shape_cast %transpose3A_387 : vector<64x128xf32> to vector<1x64x128xf32>
    tpu.vector_store %arg3[%swap3A_388, %swap3A_389, %swap3A_390], %swap3A_393 {strides = array<i32>} : memref<100x64x128xf32, #tpu.memory_space<vmem>>, vector<1x64x128xf32>,
    %slice3A_394 = vector.extract_strided_slice %reshape3A {offsets = [0, 22, 0], sizes = [128, 1, 128], strides = [1, 1, 1]} : vector<128x50x128xf32> to vector<128x1x128xf32>
    %squeeze3A_395 = vector.shape_cast %slice3A_394 : vector<128x1x128xf32> to vector<128x128xf32>
    %slice3A_396 = vector.extract_strided_slice %squeeze3A_395 {offsets = [0, 0], sizes = [128, 64], strides = [1, 1]} : vector<128x128xf32> to vector<128x64xf32>
    %transpose3A_397 = tpu.transpose %slice3A_396, [1, 0] : vector<128x64xf32> -> vector<64x128xf32>
    %swap3A_398 = arith.constant 44 : index
    %swap3A_399 = arith.constant 0 : index
    %swap3A_400 = arith.constant 0 : index
    %swap3A_401 = vector.load %arg3[%swap3A_398, %swap3A_399, %swap3A_400] : memref<100x64x128xf32, #tpu.memory_space<vmem>>, vector<1x64x128xf32>
    %swap3A_402 = vector.shape_cast %swap3A_401 : vector<1x64x128xf32> to vector<64x128xf32>
    %swap3A_403 = vector.shape_cast %transpose3A_397 : vector<64x128xf32> to vector<1x64x128xf32>
    tpu.vector_store %arg3[%swap3A_398, %swap3A_399, %swap3A_400], %swap3A_403 {strides = array<i32>} : memref<100x64x128xf32, #tpu.memory_space<vmem>>, vector<1x64x128xf32>,
    %slice3A_404 = vector.extract_strided_slice %squeeze3A_395 {offsets = [0, 64], sizes = [128, 64], strides = [1, 1]} : vector<128x128xf32> to vector<128x64xf32>
    %transpose3A_405 = tpu.transpose %slice3A_404, [1, 0] : vector<128x64xf32> -> vector<64x128xf32>
    %swap3A_406 = arith.constant 45 : index
    %swap3A_407 = arith.constant 0 : index
    %swap3A_408 = arith.constant 0 : index
    %swap3A_409 = vector.load %arg3[%swap3A_406, %swap3A_407, %swap3A_408] : memref<100x64x128xf32, #tpu.memory_space<vmem>>, vector<1x64x128xf32>
    %swap3A_410 = vector.shape_cast %swap3A_409 : vector<1x64x128xf32> to vector<64x128xf32>
    %swap3A_411 = vector.shape_cast %transpose3A_405 : vector<64x128xf32> to vector<1x64x128xf32>
    tpu.vector_store %arg3[%swap3A_406, %swap3A_407, %swap3A_408], %swap3A_411 {strides = array<i32>} : memref<100x64x128xf32, #tpu.memory_space<vmem>>, vector<1x64x128xf32>,
    %slice3A_412 = vector.extract_strided_slice %reshape3A {offsets = [0, 23, 0], sizes = [128, 1, 128], strides = [1, 1, 1]} : vector<128x50x128xf32> to vector<128x1x128xf32>
    %squeeze3A_413 = vector.shape_cast %slice3A_412 : vector<128x1x128xf32> to vector<128x128xf32>
    %slice3A_414 = vector.extract_strided_slice %squeeze3A_413 {offsets = [0, 0], sizes = [128, 64], strides = [1, 1]} : vector<128x128xf32> to vector<128x64xf32>
    %transpose3A_415 = tpu.transpose %slice3A_414, [1, 0] : vector<128x64xf32> -> vector<64x128xf32>
    %swap3A_416 = arith.constant 46 : index
    %swap3A_417 = arith.constant 0 : index
    %swap3A_418 = arith.constant 0 : index
    %swap3A_419 = vector.load %arg3[%swap3A_416, %swap3A_417, %swap3A_418] : memref<100x64x128xf32, #tpu.memory_space<vmem>>, vector<1x64x128xf32>
    %swap3A_420 = vector.shape_cast %swap3A_419 : vector<1x64x128xf32> to vector<64x128xf32>
    %swap3A_421 = vector.shape_cast %transpose3A_415 : vector<64x128xf32> to vector<1x64x128xf32>
    tpu.vector_store %arg3[%swap3A_416, %swap3A_417, %swap3A_418], %swap3A_421 {strides = array<i32>} : memref<100x64x128xf32, #tpu.memory_space<vmem>>, vector<1x64x128xf32>,
    %slice3A_422 = vector.extract_strided_slice %squeeze3A_413 {offsets = [0, 64], sizes = [128, 64], strides = [1, 1]} : vector<128x128xf32> to vector<128x64xf32>
    %transpose3A_423 = tpu.transpose %slice3A_422, [1, 0] : vector<128x64xf32> -> vector<64x128xf32>
    %swap3A_424 = arith.constant 47 : index
    %swap3A_425 = arith.constant 0 : index
    %swap3A_426 = arith.constant 0 : index
    %swap3A_427 = vector.load %arg3[%swap3A_424, %swap3A_425, %swap3A_426] : memref<100x64x128xf32, #tpu.memory_space<vmem>>, vector<1x64x128xf32>
    %swap3A_428 = vector.shape_cast %swap3A_427 : vector<1x64x128xf32> to vector<64x128xf32>
    %swap3A_429 = vector.shape_cast %transpose3A_423 : vector<64x128xf32> to vector<1x64x128xf32>
    tpu.vector_store %arg3[%swap3A_424, %swap3A_425, %swap3A_426], %swap3A_429 {strides = array<i32>} : memref<100x64x128xf32, #tpu.memory_space<vmem>>, vector<1x64x128xf32>,
    %slice3A_430 = vector.extract_strided_slice %reshape3A {offsets = [0, 24, 0], sizes = [128, 1, 128], strides = [1, 1, 1]} : vector<128x50x128xf32> to vector<128x1x128xf32>
    %squeeze3A_431 = vector.shape_cast %slice3A_430 : vector<128x1x128xf32> to vector<128x128xf32>
    %slice3A_432 = vector.extract_strided_slice %squeeze3A_431 {offsets = [0, 0], sizes = [128, 64], strides = [1, 1]} : vector<128x128xf32> to vector<128x64xf32>
    %transpose3A_433 = tpu.transpose %slice3A_432, [1, 0] : vector<128x64xf32> -> vector<64x128xf32>
    %swap3A_434 = arith.constant 48 : index
    %swap3A_435 = arith.constant 0 : index
    %swap3A_436 = arith.constant 0 : index
    %swap3A_437 = vector.load %arg3[%swap3A_434, %swap3A_435, %swap3A_436] : memref<100x64x128xf32, #tpu.memory_space<vmem>>, vector<1x64x128xf32>
    %swap3A_438 = vector.shape_cast %swap3A_437 : vector<1x64x128xf32> to vector<64x128xf32>
    %swap3A_439 = vector.shape_cast %transpose3A_433 : vector<64x128xf32> to vector<1x64x128xf32>
    tpu.vector_store %arg3[%swap3A_434, %swap3A_435, %swap3A_436], %swap3A_439 {strides = array<i32>} : memref<100x64x128xf32, #tpu.memory_space<vmem>>, vector<1x64x128xf32>,
    %slice3A_440 = vector.extract_strided_slice %squeeze3A_431 {offsets = [0, 64], sizes = [128, 64], strides = [1, 1]} : vector<128x128xf32> to vector<128x64xf32>
    %transpose3A_441 = tpu.transpose %slice3A_440, [1, 0] : vector<128x64xf32> -> vector<64x128xf32>
    %swap3A_442 = arith.constant 49 : index
    %swap3A_443 = arith.constant 0 : index
    %swap3A_444 = arith.constant 0 : index
    %swap3A_445 = vector.load %arg3[%swap3A_442, %swap3A_443, %swap3A_444] : memref<100x64x128xf32, #tpu.memory_space<vmem>>, vector<1x64x128xf32>
    %swap3A_446 = vector.shape_cast %swap3A_445 : vector<1x64x128xf32> to vector<64x128xf32>
    %swap3A_447 = vector.shape_cast %transpose3A_441 : vector<64x128xf32> to vector<1x64x128xf32>
    tpu.vector_store %arg3[%swap3A_442, %swap3A_443, %swap3A_444], %swap3A_447 {strides = array<i32>} : memref<100x64x128xf32, #tpu.memory_space<vmem>>, vector<1x64x128xf32>,
    %slice3A_448 = vector.extract_strided_slice %reshape3A {offsets = [0, 25, 0], sizes = [128, 1, 128], strides = [1, 1, 1]} : vector<128x50x128xf32> to vector<128x1x128xf32>
    %squeeze3A_449 = vector.shape_cast %slice3A_448 : vector<128x1x128xf32> to vector<128x128xf32>
    %slice3A_450 = vector.extract_strided_slice %squeeze3A_449 {offsets = [0, 0], sizes = [128, 64], strides = [1, 1]} : vector<128x128xf32> to vector<128x64xf32>
    %transpose3A_451 = tpu.transpose %slice3A_450, [1, 0] : vector<128x64xf32> -> vector<64x128xf32>
    %swap3A_452 = arith.constant 50 : index
    %swap3A_453 = arith.constant 0 : index
    %swap3A_454 = arith.constant 0 : index
    %swap3A_455 = vector.load %arg3[%swap3A_452, %swap3A_453, %swap3A_454] : memref<100x64x128xf32, #tpu.memory_space<vmem>>, vector<1x64x128xf32>
    %swap3A_456 = vector.shape_cast %swap3A_455 : vector<1x64x128xf32> to vector<64x128xf32>
    %swap3A_457 = vector.shape_cast %transpose3A_451 : vector<64x128xf32> to vector<1x64x128xf32>
    tpu.vector_store %arg3[%swap3A_452, %swap3A_453, %swap3A_454], %swap3A_457 {strides = array<i32>} : memref<100x64x128xf32, #tpu.memory_space<vmem>>, vector<1x64x128xf32>,
    %slice3A_458 = vector.extract_strided_slice %squeeze3A_449 {offsets = [0, 64], sizes = [128, 64], strides = [1, 1]} : vector<128x128xf32> to vector<128x64xf32>
    %transpose3A_459 = tpu.transpose %slice3A_458, [1, 0] : vector<128x64xf32> -> vector<64x128xf32>
    %swap3A_460 = arith.constant 51 : index
    %swap3A_461 = arith.constant 0 : index
    %swap3A_462 = arith.constant 0 : index
    %swap3A_463 = vector.load %arg3[%swap3A_460, %swap3A_461, %swap3A_462] : memref<100x64x128xf32, #tpu.memory_space<vmem>>, vector<1x64x128xf32>
    %swap3A_464 = vector.shape_cast %swap3A_463 : vector<1x64x128xf32> to vector<64x128xf32>
    %swap3A_465 = vector.shape_cast %transpose3A_459 : vector<64x128xf32> to vector<1x64x128xf32>
    tpu.vector_store %arg3[%swap3A_460, %swap3A_461, %swap3A_462], %swap3A_465 {strides = array<i32>} : memref<100x64x128xf32, #tpu.memory_space<vmem>>, vector<1x64x128xf32>,
    %slice3A_466 = vector.extract_strided_slice %reshape3A {offsets = [0, 26, 0], sizes = [128, 1, 128], strides = [1, 1, 1]} : vector<128x50x128xf32> to vector<128x1x128xf32>
    %squeeze3A_467 = vector.shape_cast %slice3A_466 : vector<128x1x128xf32> to vector<128x128xf32>
    %slice3A_468 = vector.extract_strided_slice %squeeze3A_467 {offsets = [0, 0], sizes = [128, 64], strides = [1, 1]} : vector<128x128xf32> to vector<128x64xf32>
    %transpose3A_469 = tpu.transpose %slice3A_468, [1, 0] : vector<128x64xf32> -> vector<64x128xf32>
    %swap3A_470 = arith.constant 52 : index
    %swap3A_471 = arith.constant 0 : index
    %swap3A_472 = arith.constant 0 : index
    %swap3A_473 = vector.load %arg3[%swap3A_470, %swap3A_471, %swap3A_472] : memref<100x64x128xf32, #tpu.memory_space<vmem>>, vector<1x64x128xf32>
    %swap3A_474 = vector.shape_cast %swap3A_473 : vector<1x64x128xf32> to vector<64x128xf32>
    %swap3A_475 = vector.shape_cast %transpose3A_469 : vector<64x128xf32> to vector<1x64x128xf32>
    tpu.vector_store %arg3[%swap3A_470, %swap3A_471, %swap3A_472], %swap3A_475 {strides = array<i32>} : memref<100x64x128xf32, #tpu.memory_space<vmem>>, vector<1x64x128xf32>,
    %slice3A_476 = vector.extract_strided_slice %squeeze3A_467 {offsets = [0, 64], sizes = [128, 64], strides = [1, 1]} : vector<128x128xf32> to vector<128x64xf32>
    %transpose3A_477 = tpu.transpose %slice3A_476, [1, 0] : vector<128x64xf32> -> vector<64x128xf32>
    %swap3A_478 = arith.constant 53 : index
    %swap3A_479 = arith.constant 0 : index
    %swap3A_480 = arith.constant 0 : index
    %swap3A_481 = vector.load %arg3[%swap3A_478, %swap3A_479, %swap3A_480] : memref<100x64x128xf32, #tpu.memory_space<vmem>>, vector<1x64x128xf32>
    %swap3A_482 = vector.shape_cast %swap3A_481 : vector<1x64x128xf32> to vector<64x128xf32>
    %swap3A_483 = vector.shape_cast %transpose3A_477 : vector<64x128xf32> to vector<1x64x128xf32>
    tpu.vector_store %arg3[%swap3A_478, %swap3A_479, %swap3A_480], %swap3A_483 {strides = array<i32>} : memref<100x64x128xf32, #tpu.memory_space<vmem>>, vector<1x64x128xf32>,
    %slice3A_484 = vector.extract_strided_slice %reshape3A {offsets = [0, 27, 0], sizes = [128, 1, 128], strides = [1, 1, 1]} : vector<128x50x128xf32> to vector<128x1x128xf32>
    %squeeze3A_485 = vector.shape_cast %slice3A_484 : vector<128x1x128xf32> to vector<128x128xf32>
    %slice3A_486 = vector.extract_strided_slice %squeeze3A_485 {offsets = [0, 0], sizes = [128, 64], strides = [1, 1]} : vector<128x128xf32> to vector<128x64xf32>
    %transpose3A_487 = tpu.transpose %slice3A_486, [1, 0] : vector<128x64xf32> -> vector<64x128xf32>
    %swap3A_488 = arith.constant 54 : index
    %swap3A_489 = arith.constant 0 : index
    %swap3A_490 = arith.constant 0 : index
    %swap3A_491 = vector.load %arg3[%swap3A_488, %swap3A_489, %swap3A_490] : memref<100x64x128xf32, #tpu.memory_space<vmem>>, vector<1x64x128xf32>
    %swap3A_492 = vector.shape_cast %swap3A_491 : vector<1x64x128xf32> to vector<64x128xf32>
    %swap3A_493 = vector.shape_cast %transpose3A_487 : vector<64x128xf32> to vector<1x64x128xf32>
    tpu.vector_store %arg3[%swap3A_488, %swap3A_489, %swap3A_490], %swap3A_493 {strides = array<i32>} : memref<100x64x128xf32, #tpu.memory_space<vmem>>, vector<1x64x128xf32>,
    %slice3A_494 = vector.extract_strided_slice %squeeze3A_485 {offsets = [0, 64], sizes = [128, 64], strides = [1, 1]} : vector<128x128xf32> to vector<128x64xf32>
    %transpose3A_495 = tpu.transpose %slice3A_494, [1, 0] : vector<128x64xf32> -> vector<64x128xf32>
    %swap3A_496 = arith.constant 55 : index
    %swap3A_497 = arith.constant 0 : index
    %swap3A_498 = arith.constant 0 : index
    %swap3A_499 = vector.load %arg3[%swap3A_496, %swap3A_497, %swap3A_498] : memref<100x64x128xf32, #tpu.memory_space<vmem>>, vector<1x64x128xf32>
    %swap3A_500 = vector.shape_cast %swap3A_499 : vector<1x64x128xf32> to vector<64x128xf32>
    %swap3A_501 = vector.shape_cast %transpose3A_495 : vector<64x128xf32> to vector<1x64x128xf32>
    tpu.vector_store %arg3[%swap3A_496, %swap3A_497, %swap3A_498], %swap3A_501 {strides = array<i32>} : memref<100x64x128xf32, #tpu.memory_space<vmem>>, vector<1x64x128xf32>,
    %slice3A_502 = vector.extract_strided_slice %reshape3A {offsets = [0, 28, 0], sizes = [128, 1, 128], strides = [1, 1, 1]} : vector<128x50x128xf32> to vector<128x1x128xf32>
    %squeeze3A_503 = vector.shape_cast %slice3A_502 : vector<128x1x128xf32> to vector<128x128xf32>
    %slice3A_504 = vector.extract_strided_slice %squeeze3A_503 {offsets = [0, 0], sizes = [128, 64], strides = [1, 1]} : vector<128x128xf32> to vector<128x64xf32>
    %transpose3A_505 = tpu.transpose %slice3A_504, [1, 0] : vector<128x64xf32> -> vector<64x128xf32>
    %swap3A_506 = arith.constant 56 : index
    %swap3A_507 = arith.constant 0 : index
    %swap3A_508 = arith.constant 0 : index
    %swap3A_509 = vector.load %arg3[%swap3A_506, %swap3A_507, %swap3A_508] : memref<100x64x128xf32, #tpu.memory_space<vmem>>, vector<1x64x128xf32>
    %swap3A_510 = vector.shape_cast %swap3A_509 : vector<1x64x128xf32> to vector<64x128xf32>
    %swap3A_511 = vector.shape_cast %transpose3A_505 : vector<64x128xf32> to vector<1x64x128xf32>
    tpu.vector_store %arg3[%swap3A_506, %swap3A_507, %swap3A_508], %swap3A_511 {strides = array<i32>} : memref<100x64x128xf32, #tpu.memory_space<vmem>>, vector<1x64x128xf32>,
    %slice3A_512 = vector.extract_strided_slice %squeeze3A_503 {offsets = [0, 64], sizes = [128, 64], strides = [1, 1]} : vector<128x128xf32> to vector<128x64xf32>
    %transpose3A_513 = tpu.transpose %slice3A_512, [1, 0] : vector<128x64xf32> -> vector<64x128xf32>
    %swap3A_514 = arith.constant 57 : index
    %swap3A_515 = arith.constant 0 : index
    %swap3A_516 = arith.constant 0 : index
    %swap3A_517 = vector.load %arg3[%swap3A_514, %swap3A_515, %swap3A_516] : memref<100x64x128xf32, #tpu.memory_space<vmem>>, vector<1x64x128xf32>
    %swap3A_518 = vector.shape_cast %swap3A_517 : vector<1x64x128xf32> to vector<64x128xf32>
    %swap3A_519 = vector.shape_cast %transpose3A_513 : vector<64x128xf32> to vector<1x64x128xf32>
    tpu.vector_store %arg3[%swap3A_514, %swap3A_515, %swap3A_516], %swap3A_519 {strides = array<i32>} : memref<100x64x128xf32, #tpu.memory_space<vmem>>, vector<1x64x128xf32>,
    %slice3A_520 = vector.extract_strided_slice %reshape3A {offsets = [0, 29, 0], sizes = [128, 1, 128], strides = [1, 1, 1]} : vector<128x50x128xf32> to vector<128x1x128xf32>
    %squeeze3A_521 = vector.shape_cast %slice3A_520 : vector<128x1x128xf32> to vector<128x128xf32>
    %slice3A_522 = vector.extract_strided_slice %squeeze3A_521 {offsets = [0, 0], sizes = [128, 64], strides = [1, 1]} : vector<128x128xf32> to vector<128x64xf32>
    %transpose3A_523 = tpu.transpose %slice3A_522, [1, 0] : vector<128x64xf32> -> vector<64x128xf32>
    %swap3A_524 = arith.constant 58 : index
    %swap3A_525 = arith.constant 0 : index
    %swap3A_526 = arith.constant 0 : index
    %swap3A_527 = vector.load %arg3[%swap3A_524, %swap3A_525, %swap3A_526] : memref<100x64x128xf32, #tpu.memory_space<vmem>>, vector<1x64x128xf32>
    %swap3A_528 = vector.shape_cast %swap3A_527 : vector<1x64x128xf32> to vector<64x128xf32>
    %swap3A_529 = vector.shape_cast %transpose3A_523 : vector<64x128xf32> to vector<1x64x128xf32>
    tpu.vector_store %arg3[%swap3A_524, %swap3A_525, %swap3A_526], %swap3A_529 {strides = array<i32>} : memref<100x64x128xf32, #tpu.memory_space<vmem>>, vector<1x64x128xf32>,
    %slice3A_530 = vector.extract_strided_slice %squeeze3A_521 {offsets = [0, 64], sizes = [128, 64], strides = [1, 1]} : vector<128x128xf32> to vector<128x64xf32>
    %transpose3A_531 = tpu.transpose %slice3A_530, [1, 0] : vector<128x64xf32> -> vector<64x128xf32>
    %swap3A_532 = arith.constant 59 : index
    %swap3A_533 = arith.constant 0 : index
    %swap3A_534 = arith.constant 0 : index
    %swap3A_535 = vector.load %arg3[%swap3A_532, %swap3A_533, %swap3A_534] : memref<100x64x128xf32, #tpu.memory_space<vmem>>, vector<1x64x128xf32>
    %swap3A_536 = vector.shape_cast %swap3A_535 : vector<1x64x128xf32> to vector<64x128xf32>
    %swap3A_537 = vector.shape_cast %transpose3A_531 : vector<64x128xf32> to vector<1x64x128xf32>
    tpu.vector_store %arg3[%swap3A_532, %swap3A_533, %swap3A_534], %swap3A_537 {strides = array<i32>} : memref<100x64x128xf32, #tpu.memory_space<vmem>>, vector<1x64x128xf32>,
    %slice3A_538 = vector.extract_strided_slice %reshape3A {offsets = [0, 30, 0], sizes = [128, 1, 128], strides = [1, 1, 1]} : vector<128x50x128xf32> to vector<128x1x128xf32>
    %squeeze3A_539 = vector.shape_cast %slice3A_538 : vector<128x1x128xf32> to vector<128x128xf32>
    %slice3A_540 = vector.extract_strided_slice %squeeze3A_539 {offsets = [0, 0], sizes = [128, 64], strides = [1, 1]} : vector<128x128xf32> to vector<128x64xf32>
    %transpose3A_541 = tpu.transpose %slice3A_540, [1, 0] : vector<128x64xf32> -> vector<64x128xf32>
    %swap3A_542 = arith.constant 60 : index
    %swap3A_543 = arith.constant 0 : index
    %swap3A_544 = arith.constant 0 : index
    %swap3A_545 = vector.load %arg3[%swap3A_542, %swap3A_543, %swap3A_544] : memref<100x64x128xf32, #tpu.memory_space<vmem>>, vector<1x64x128xf32>
    %swap3A_546 = vector.shape_cast %swap3A_545 : vector<1x64x128xf32> to vector<64x128xf32>
    %swap3A_547 = vector.shape_cast %transpose3A_541 : vector<64x128xf32> to vector<1x64x128xf32>
    tpu.vector_store %arg3[%swap3A_542, %swap3A_543, %swap3A_544], %swap3A_547 {strides = array<i32>} : memref<100x64x128xf32, #tpu.memory_space<vmem>>, vector<1x64x128xf32>,
    %slice3A_548 = vector.extract_strided_slice %squeeze3A_539 {offsets = [0, 64], sizes = [128, 64], strides = [1, 1]} : vector<128x128xf32> to vector<128x64xf32>
    %transpose3A_549 = tpu.transpose %slice3A_548, [1, 0] : vector<128x64xf32> -> vector<64x128xf32>
    %swap3A_550 = arith.constant 61 : index
    %swap3A_551 = arith.constant 0 : index
    %swap3A_552 = arith.constant 0 : index
    %swap3A_553 = vector.load %arg3[%swap3A_550, %swap3A_551, %swap3A_552] : memref<100x64x128xf32, #tpu.memory_space<vmem>>, vector<1x64x128xf32>
    %swap3A_554 = vector.shape_cast %swap3A_553 : vector<1x64x128xf32> to vector<64x128xf32>
    %swap3A_555 = vector.shape_cast %transpose3A_549 : vector<64x128xf32> to vector<1x64x128xf32>
    tpu.vector_store %arg3[%swap3A_550, %swap3A_551, %swap3A_552], %swap3A_555 {strides = array<i32>} : memref<100x64x128xf32, #tpu.memory_space<vmem>>, vector<1x64x128xf32>,
    %slice3A_556 = vector.extract_strided_slice %reshape3A {offsets = [0, 31, 0], sizes = [128, 1, 128], strides = [1, 1, 1]} : vector<128x50x128xf32> to vector<128x1x128xf32>
    %squeeze3A_557 = vector.shape_cast %slice3A_556 : vector<128x1x128xf32> to vector<128x128xf32>
    %slice3A_558 = vector.extract_strided_slice %squeeze3A_557 {offsets = [0, 0], sizes = [128, 64], strides = [1, 1]} : vector<128x128xf32> to vector<128x64xf32>
    %transpose3A_559 = tpu.transpose %slice3A_558, [1, 0] : vector<128x64xf32> -> vector<64x128xf32>
    %swap3A_560 = arith.constant 62 : index
    %swap3A_561 = arith.constant 0 : index
    %swap3A_562 = arith.constant 0 : index
    %swap3A_563 = vector.load %arg3[%swap3A_560, %swap3A_561, %swap3A_562] : memref<100x64x128xf32, #tpu.memory_space<vmem>>, vector<1x64x128xf32>
    %swap3A_564 = vector.shape_cast %swap3A_563 : vector<1x64x128xf32> to vector<64x128xf32>
    %swap3A_565 = vector.shape_cast %transpose3A_559 : vector<64x128xf32> to vector<1x64x128xf32>
    tpu.vector_store %arg3[%swap3A_560, %swap3A_561, %swap3A_562], %swap3A_565 {strides = array<i32>} : memref<100x64x128xf32, #tpu.memory_space<vmem>>, vector<1x64x128xf32>,
    %slice3A_566 = vector.extract_strided_slice %squeeze3A_557 {offsets = [0, 64], sizes = [128, 64], strides = [1, 1]} : vector<128x128xf32> to vector<128x64xf32>
    %transpose3A_567 = tpu.transpose %slice3A_566, [1, 0] : vector<128x64xf32> -> vector<64x128xf32>
    %swap3A_568 = arith.constant 63 : index
    %swap3A_569 = arith.constant 0 : index
    %swap3A_570 = arith.constant 0 : index
    %swap3A_571 = vector.load %arg3[%swap3A_568, %swap3A_569, %swap3A_570] : memref<100x64x128xf32, #tpu.memory_space<vmem>>, vector<1x64x128xf32>
    %swap3A_572 = vector.shape_cast %swap3A_571 : vector<1x64x128xf32> to vector<64x128xf32>
    %swap3A_573 = vector.shape_cast %transpose3A_567 : vector<64x128xf32> to vector<1x64x128xf32>
    tpu.vector_store %arg3[%swap3A_568, %swap3A_569, %swap3A_570], %swap3A_573 {strides = array<i32>} : memref<100x64x128xf32, #tpu.memory_space<vmem>>, vector<1x64x128xf32>,
    %slice3A_574 = vector.extract_strided_slice %reshape3A {offsets = [0, 32, 0], sizes = [128, 1, 128], strides = [1, 1, 1]} : vector<128x50x128xf32> to vector<128x1x128xf32>
    %squeeze3A_575 = vector.shape_cast %slice3A_574 : vector<128x1x128xf32> to vector<128x128xf32>
    %slice3A_576 = vector.extract_strided_slice %squeeze3A_575 {offsets = [0, 0], sizes = [128, 64], strides = [1, 1]} : vector<128x128xf32> to vector<128x64xf32>
    %transpose3A_577 = tpu.transpose %slice3A_576, [1, 0] : vector<128x64xf32> -> vector<64x128xf32>
    %swap3A_578 = arith.constant 64 : index
    %swap3A_579 = arith.constant 0 : index
    %swap3A_580 = arith.constant 0 : index
    %swap3A_581 = vector.load %arg3[%swap3A_578, %swap3A_579, %swap3A_580] : memref<100x64x128xf32, #tpu.memory_space<vmem>>, vector<1x64x128xf32>
    %swap3A_582 = vector.shape_cast %swap3A_581 : vector<1x64x128xf32> to vector<64x128xf32>
    %swap3A_583 = vector.shape_cast %transpose3A_577 : vector<64x128xf32> to vector<1x64x128xf32>
    tpu.vector_store %arg3[%swap3A_578, %swap3A_579, %swap3A_580], %swap3A_583 {strides = array<i32>} : memref<100x64x128xf32, #tpu.memory_space<vmem>>, vector<1x64x128xf32>,
    %slice3A_584 = vector.extract_strided_slice %squeeze3A_575 {offsets = [0, 64], sizes = [128, 64], strides = [1, 1]} : vector<128x128xf32> to vector<128x64xf32>
    %transpose3A_585 = tpu.transpose %slice3A_584, [1, 0] : vector<128x64xf32> -> vector<64x128xf32>
    %swap3A_586 = arith.constant 65 : index
    %swap3A_587 = arith.constant 0 : index
    %swap3A_588 = arith.constant 0 : index
    %swap3A_589 = vector.load %arg3[%swap3A_586, %swap3A_587, %swap3A_588] : memref<100x64x128xf32, #tpu.memory_space<vmem>>, vector<1x64x128xf32>
    %swap3A_590 = vector.shape_cast %swap3A_589 : vector<1x64x128xf32> to vector<64x128xf32>
    %swap3A_591 = vector.shape_cast %transpose3A_585 : vector<64x128xf32> to vector<1x64x128xf32>
    tpu.vector_store %arg3[%swap3A_586, %swap3A_587, %swap3A_588], %swap3A_591 {strides = array<i32>} : memref<100x64x128xf32, #tpu.memory_space<vmem>>, vector<1x64x128xf32>,
    %slice3A_592 = vector.extract_strided_slice %reshape3A {offsets = [0, 33, 0], sizes = [128, 1, 128], strides = [1, 1, 1]} : vector<128x50x128xf32> to vector<128x1x128xf32>
    %squeeze3A_593 = vector.shape_cast %slice3A_592 : vector<128x1x128xf32> to vector<128x128xf32>
    %slice3A_594 = vector.extract_strided_slice %squeeze3A_593 {offsets = [0, 0], sizes = [128, 64], strides = [1, 1]} : vector<128x128xf32> to vector<128x64xf32>
    %transpose3A_595 = tpu.transpose %slice3A_594, [1, 0] : vector<128x64xf32> -> vector<64x128xf32>
    %swap3A_596 = arith.constant 66 : index
    %swap3A_597 = arith.constant 0 : index
    %swap3A_598 = arith.constant 0 : index
    %swap3A_599 = vector.load %arg3[%swap3A_596, %swap3A_597, %swap3A_598] : memref<100x64x128xf32, #tpu.memory_space<vmem>>, vector<1x64x128xf32>
    %swap3A_600 = vector.shape_cast %swap3A_599 : vector<1x64x128xf32> to vector<64x128xf32>
    %swap3A_601 = vector.shape_cast %transpose3A_595 : vector<64x128xf32> to vector<1x64x128xf32>
    tpu.vector_store %arg3[%swap3A_596, %swap3A_597, %swap3A_598], %swap3A_601 {strides = array<i32>} : memref<100x64x128xf32, #tpu.memory_space<vmem>>, vector<1x64x128xf32>,
    %slice3A_602 = vector.extract_strided_slice %squeeze3A_593 {offsets = [0, 64], sizes = [128, 64], strides = [1, 1]} : vector<128x128xf32> to vector<128x64xf32>
    %transpose3A_603 = tpu.transpose %slice3A_602, [1, 0] : vector<128x64xf32> -> vector<64x128xf32>
    %swap3A_604 = arith.constant 67 : index
    %swap3A_605 = arith.constant 0 : index
    %swap3A_606 = arith.constant 0 : index
    %swap3A_607 = vector.load %arg3[%swap3A_604, %swap3A_605, %swap3A_606] : memref<100x64x128xf32, #tpu.memory_space<vmem>>, vector<1x64x128xf32>
    %swap3A_608 = vector.shape_cast %swap3A_607 : vector<1x64x128xf32> to vector<64x128xf32>
    %swap3A_609 = vector.shape_cast %transpose3A_603 : vector<64x128xf32> to vector<1x64x128xf32>
    tpu.vector_store %arg3[%swap3A_604, %swap3A_605, %swap3A_606], %swap3A_609 {strides = array<i32>} : memref<100x64x128xf32, #tpu.memory_space<vmem>>, vector<1x64x128xf32>,
    %slice3A_610 = vector.extract_strided_slice %reshape3A {offsets = [0, 34, 0], sizes = [128, 1, 128], strides = [1, 1, 1]} : vector<128x50x128xf32> to vector<128x1x128xf32>
    %squeeze3A_611 = vector.shape_cast %slice3A_610 : vector<128x1x128xf32> to vector<128x128xf32>
    %slice3A_612 = vector.extract_strided_slice %squeeze3A_611 {offsets = [0, 0], sizes = [128, 64], strides = [1, 1]} : vector<128x128xf32> to vector<128x64xf32>
    %transpose3A_613 = tpu.transpose %slice3A_612, [1, 0] : vector<128x64xf32> -> vector<64x128xf32>
    %swap3A_614 = arith.constant 68 : index
    %swap3A_615 = arith.constant 0 : index
    %swap3A_616 = arith.constant 0 : index
    %swap3A_617 = vector.load %arg3[%swap3A_614, %swap3A_615, %swap3A_616] : memref<100x64x128xf32, #tpu.memory_space<vmem>>, vector<1x64x128xf32>
    %swap3A_618 = vector.shape_cast %swap3A_617 : vector<1x64x128xf32> to vector<64x128xf32>
    %swap3A_619 = vector.shape_cast %transpose3A_613 : vector<64x128xf32> to vector<1x64x128xf32>
    tpu.vector_store %arg3[%swap3A_614, %swap3A_615, %swap3A_616], %swap3A_619 {strides = array<i32>} : memref<100x64x128xf32, #tpu.memory_space<vmem>>, vector<1x64x128xf32>,
    %slice3A_620 = vector.extract_strided_slice %squeeze3A_611 {offsets = [0, 64], sizes = [128, 64], strides = [1, 1]} : vector<128x128xf32> to vector<128x64xf32>
    %transpose3A_621 = tpu.transpose %slice3A_620, [1, 0] : vector<128x64xf32> -> vector<64x128xf32>
    %swap3A_622 = arith.constant 69 : index
    %swap3A_623 = arith.constant 0 : index
    %swap3A_624 = arith.constant 0 : index
    %swap3A_625 = vector.load %arg3[%swap3A_622, %swap3A_623, %swap3A_624] : memref<100x64x128xf32, #tpu.memory_space<vmem>>, vector<1x64x128xf32>
    %swap3A_626 = vector.shape_cast %swap3A_625 : vector<1x64x128xf32> to vector<64x128xf32>
    %swap3A_627 = vector.shape_cast %transpose3A_621 : vector<64x128xf32> to vector<1x64x128xf32>
    tpu.vector_store %arg3[%swap3A_622, %swap3A_623, %swap3A_624], %swap3A_627 {strides = array<i32>} : memref<100x64x128xf32, #tpu.memory_space<vmem>>, vector<1x64x128xf32>,
    %slice3A_628 = vector.extract_strided_slice %reshape3A {offsets = [0, 35, 0], sizes = [128, 1, 128], strides = [1, 1, 1]} : vector<128x50x128xf32> to vector<128x1x128xf32>
    %squeeze3A_629 = vector.shape_cast %slice3A_628 : vector<128x1x128xf32> to vector<128x128xf32>
    %slice3A_630 = vector.extract_strided_slice %squeeze3A_629 {offsets = [0, 0], sizes = [128, 64], strides = [1, 1]} : vector<128x128xf32> to vector<128x64xf32>
    %transpose3A_631 = tpu.transpose %slice3A_630, [1, 0] : vector<128x64xf32> -> vector<64x128xf32>
    %swap3A_632 = arith.constant 70 : index
    %swap3A_633 = arith.constant 0 : index
    %swap3A_634 = arith.constant 0 : index
    %swap3A_635 = vector.load %arg3[%swap3A_632, %swap3A_633, %swap3A_634] : memref<100x64x128xf32, #tpu.memory_space<vmem>>, vector<1x64x128xf32>
    %swap3A_636 = vector.shape_cast %swap3A_635 : vector<1x64x128xf32> to vector<64x128xf32>
    %swap3A_637 = vector.shape_cast %transpose3A_631 : vector<64x128xf32> to vector<1x64x128xf32>
    tpu.vector_store %arg3[%swap3A_632, %swap3A_633, %swap3A_634], %swap3A_637 {strides = array<i32>} : memref<100x64x128xf32, #tpu.memory_space<vmem>>, vector<1x64x128xf32>,
    %slice3A_638 = vector.extract_strided_slice %squeeze3A_629 {offsets = [0, 64], sizes = [128, 64], strides = [1, 1]} : vector<128x128xf32> to vector<128x64xf32>
    %transpose3A_639 = tpu.transpose %slice3A_638, [1, 0] : vector<128x64xf32> -> vector<64x128xf32>
    %swap3A_640 = arith.constant 71 : index
    %swap3A_641 = arith.constant 0 : index
    %swap3A_642 = arith.constant 0 : index
    %swap3A_643 = vector.load %arg3[%swap3A_640, %swap3A_641, %swap3A_642] : memref<100x64x128xf32, #tpu.memory_space<vmem>>, vector<1x64x128xf32>
    %swap3A_644 = vector.shape_cast %swap3A_643 : vector<1x64x128xf32> to vector<64x128xf32>
    %swap3A_645 = vector.shape_cast %transpose3A_639 : vector<64x128xf32> to vector<1x64x128xf32>
    tpu.vector_store %arg3[%swap3A_640, %swap3A_641, %swap3A_642], %swap3A_645 {strides = array<i32>} : memref<100x64x128xf32, #tpu.memory_space<vmem>>, vector<1x64x128xf32>,
    %slice3A_646 = vector.extract_strided_slice %reshape3A {offsets = [0, 36, 0], sizes = [128, 1, 128], strides = [1, 1, 1]} : vector<128x50x128xf32> to vector<128x1x128xf32>
    %squeeze3A_647 = vector.shape_cast %slice3A_646 : vector<128x1x128xf32> to vector<128x128xf32>
    %slice3A_648 = vector.extract_strided_slice %squeeze3A_647 {offsets = [0, 0], sizes = [128, 64], strides = [1, 1]} : vector<128x128xf32> to vector<128x64xf32>
    %transpose3A_649 = tpu.transpose %slice3A_648, [1, 0] : vector<128x64xf32> -> vector<64x128xf32>
    %swap3A_650 = arith.constant 72 : index
    %swap3A_651 = arith.constant 0 : index
    %swap3A_652 = arith.constant 0 : index
    %swap3A_653 = vector.load %arg3[%swap3A_650, %swap3A_651, %swap3A_652] : memref<100x64x128xf32, #tpu.memory_space<vmem>>, vector<1x64x128xf32>
    %swap3A_654 = vector.shape_cast %swap3A_653 : vector<1x64x128xf32> to vector<64x128xf32>
    %swap3A_655 = vector.shape_cast %transpose3A_649 : vector<64x128xf32> to vector<1x64x128xf32>
    tpu.vector_store %arg3[%swap3A_650, %swap3A_651, %swap3A_652], %swap3A_655 {strides = array<i32>} : memref<100x64x128xf32, #tpu.memory_space<vmem>>, vector<1x64x128xf32>,
    %slice3A_656 = vector.extract_strided_slice %squeeze3A_647 {offsets = [0, 64], sizes = [128, 64], strides = [1, 1]} : vector<128x128xf32> to vector<128x64xf32>
    %transpose3A_657 = tpu.transpose %slice3A_656, [1, 0] : vector<128x64xf32> -> vector<64x128xf32>
    %swap3A_658 = arith.constant 73 : index
    %swap3A_659 = arith.constant 0 : index
    %swap3A_660 = arith.constant 0 : index
    %swap3A_661 = vector.load %arg3[%swap3A_658, %swap3A_659, %swap3A_660] : memref<100x64x128xf32, #tpu.memory_space<vmem>>, vector<1x64x128xf32>
    %swap3A_662 = vector.shape_cast %swap3A_661 : vector<1x64x128xf32> to vector<64x128xf32>
    %swap3A_663 = vector.shape_cast %transpose3A_657 : vector<64x128xf32> to vector<1x64x128xf32>
    tpu.vector_store %arg3[%swap3A_658, %swap3A_659, %swap3A_660], %swap3A_663 {strides = array<i32>} : memref<100x64x128xf32, #tpu.memory_space<vmem>>, vector<1x64x128xf32>,
    %slice3A_664 = vector.extract_strided_slice %reshape3A {offsets = [0, 37, 0], sizes = [128, 1, 128], strides = [1, 1, 1]} : vector<128x50x128xf32> to vector<128x1x128xf32>
    %squeeze3A_665 = vector.shape_cast %slice3A_664 : vector<128x1x128xf32> to vector<128x128xf32>
    %slice3A_666 = vector.extract_strided_slice %squeeze3A_665 {offsets = [0, 0], sizes = [128, 64], strides = [1, 1]} : vector<128x128xf32> to vector<128x64xf32>
    %transpose3A_667 = tpu.transpose %slice3A_666, [1, 0] : vector<128x64xf32> -> vector<64x128xf32>
    %swap3A_668 = arith.constant 74 : index
    %swap3A_669 = arith.constant 0 : index
    %swap3A_670 = arith.constant 0 : index
    %swap3A_671 = vector.load %arg3[%swap3A_668, %swap3A_669, %swap3A_670] : memref<100x64x128xf32, #tpu.memory_space<vmem>>, vector<1x64x128xf32>
    %swap3A_672 = vector.shape_cast %swap3A_671 : vector<1x64x128xf32> to vector<64x128xf32>
    %swap3A_673 = vector.shape_cast %transpose3A_667 : vector<64x128xf32> to vector<1x64x128xf32>
    tpu.vector_store %arg3[%swap3A_668, %swap3A_669, %swap3A_670], %swap3A_673 {strides = array<i32>} : memref<100x64x128xf32, #tpu.memory_space<vmem>>, vector<1x64x128xf32>,
    %slice3A_674 = vector.extract_strided_slice %squeeze3A_665 {offsets = [0, 64], sizes = [128, 64], strides = [1, 1]} : vector<128x128xf32> to vector<128x64xf32>
    %transpose3A_675 = tpu.transpose %slice3A_674, [1, 0] : vector<128x64xf32> -> vector<64x128xf32>
    %swap3A_676 = arith.constant 75 : index
    %swap3A_677 = arith.constant 0 : index
    %swap3A_678 = arith.constant 0 : index
    %swap3A_679 = vector.load %arg3[%swap3A_676, %swap3A_677, %swap3A_678] : memref<100x64x128xf32, #tpu.memory_space<vmem>>, vector<1x64x128xf32>
    %swap3A_680 = vector.shape_cast %swap3A_679 : vector<1x64x128xf32> to vector<64x128xf32>
    %swap3A_681 = vector.shape_cast %transpose3A_675 : vector<64x128xf32> to vector<1x64x128xf32>
    tpu.vector_store %arg3[%swap3A_676, %swap3A_677, %swap3A_678], %swap3A_681 {strides = array<i32>} : memref<100x64x128xf32, #tpu.memory_space<vmem>>, vector<1x64x128xf32>,
    %slice3A_682 = vector.extract_strided_slice %reshape3A {offsets = [0, 38, 0], sizes = [128, 1, 128], strides = [1, 1, 1]} : vector<128x50x128xf32> to vector<128x1x128xf32>
    %squeeze3A_683 = vector.shape_cast %slice3A_682 : vector<128x1x128xf32> to vector<128x128xf32>
    %slice3A_684 = vector.extract_strided_slice %squeeze3A_683 {offsets = [0, 0], sizes = [128, 64], strides = [1, 1]} : vector<128x128xf32> to vector<128x64xf32>
    %transpose3A_685 = tpu.transpose %slice3A_684, [1, 0] : vector<128x64xf32> -> vector<64x128xf32>
    %swap3A_686 = arith.constant 76 : index
    %swap3A_687 = arith.constant 0 : index
    %swap3A_688 = arith.constant 0 : index
    %swap3A_689 = vector.load %arg3[%swap3A_686, %swap3A_687, %swap3A_688] : memref<100x64x128xf32, #tpu.memory_space<vmem>>, vector<1x64x128xf32>
    %swap3A_690 = vector.shape_cast %swap3A_689 : vector<1x64x128xf32> to vector<64x128xf32>
    %swap3A_691 = vector.shape_cast %transpose3A_685 : vector<64x128xf32> to vector<1x64x128xf32>
    tpu.vector_store %arg3[%swap3A_686, %swap3A_687, %swap3A_688], %swap3A_691 {strides = array<i32>} : memref<100x64x128xf32, #tpu.memory_space<vmem>>, vector<1x64x128xf32>,
    %slice3A_692 = vector.extract_strided_slice %squeeze3A_683 {offsets = [0, 64], sizes = [128, 64], strides = [1, 1]} : vector<128x128xf32> to vector<128x64xf32>
    %transpose3A_693 = tpu.transpose %slice3A_692, [1, 0] : vector<128x64xf32> -> vector<64x128xf32>
    %swap3A_694 = arith.constant 77 : index
    %swap3A_695 = arith.constant 0 : index
    %swap3A_696 = arith.constant 0 : index
    %swap3A_697 = vector.load %arg3[%swap3A_694, %swap3A_695, %swap3A_696] : memref<100x64x128xf32, #tpu.memory_space<vmem>>, vector<1x64x128xf32>
    %swap3A_698 = vector.shape_cast %swap3A_697 : vector<1x64x128xf32> to vector<64x128xf32>
    %swap3A_699 = vector.shape_cast %transpose3A_693 : vector<64x128xf32> to vector<1x64x128xf32>
    tpu.vector_store %arg3[%swap3A_694, %swap3A_695, %swap3A_696], %swap3A_699 {strides = array<i32>} : memref<100x64x128xf32, #tpu.memory_space<vmem>>, vector<1x64x128xf32>,
    %slice3A_700 = vector.extract_strided_slice %reshape3A {offsets = [0, 39, 0], sizes = [128, 1, 128], strides = [1, 1, 1]} : vector<128x50x128xf32> to vector<128x1x128xf32>
    %squeeze3A_701 = vector.shape_cast %slice3A_700 : vector<128x1x128xf32> to vector<128x128xf32>
    %slice3A_702 = vector.extract_strided_slice %squeeze3A_701 {offsets = [0, 0], sizes = [128, 64], strides = [1, 1]} : vector<128x128xf32> to vector<128x64xf32>
    %transpose3A_703 = tpu.transpose %slice3A_702, [1, 0] : vector<128x64xf32> -> vector<64x128xf32>
    %swap3A_704 = arith.constant 78 : index
    %swap3A_705 = arith.constant 0 : index
    %swap3A_706 = arith.constant 0 : index
    %swap3A_707 = vector.load %arg3[%swap3A_704, %swap3A_705, %swap3A_706] : memref<100x64x128xf32, #tpu.memory_space<vmem>>, vector<1x64x128xf32>
    %swap3A_708 = vector.shape_cast %swap3A_707 : vector<1x64x128xf32> to vector<64x128xf32>
    %swap3A_709 = vector.shape_cast %transpose3A_703 : vector<64x128xf32> to vector<1x64x128xf32>
    tpu.vector_store %arg3[%swap3A_704, %swap3A_705, %swap3A_706], %swap3A_709 {strides = array<i32>} : memref<100x64x128xf32, #tpu.memory_space<vmem>>, vector<1x64x128xf32>,
    %slice3A_710 = vector.extract_strided_slice %squeeze3A_701 {offsets = [0, 64], sizes = [128, 64], strides = [1, 1]} : vector<128x128xf32> to vector<128x64xf32>
    %transpose3A_711 = tpu.transpose %slice3A_710, [1, 0] : vector<128x64xf32> -> vector<64x128xf32>
    %swap3A_712 = arith.constant 79 : index
    %swap3A_713 = arith.constant 0 : index
    %swap3A_714 = arith.constant 0 : index
    %swap3A_715 = vector.load %arg3[%swap3A_712, %swap3A_713, %swap3A_714] : memref<100x64x128xf32, #tpu.memory_space<vmem>>, vector<1x64x128xf32>
    %swap3A_716 = vector.shape_cast %swap3A_715 : vector<1x64x128xf32> to vector<64x128xf32>
    %swap3A_717 = vector.shape_cast %transpose3A_711 : vector<64x128xf32> to vector<1x64x128xf32>
    tpu.vector_store %arg3[%swap3A_712, %swap3A_713, %swap3A_714], %swap3A_717 {strides = array<i32>} : memref<100x64x128xf32, #tpu.memory_space<vmem>>, vector<1x64x128xf32>,
    %slice3A_718 = vector.extract_strided_slice %reshape3A {offsets = [0, 40, 0], sizes = [128, 1, 128], strides = [1, 1, 1]} : vector<128x50x128xf32> to vector<128x1x128xf32>
    %squeeze3A_719 = vector.shape_cast %slice3A_718 : vector<128x1x128xf32> to vector<128x128xf32>
    %slice3A_720 = vector.extract_strided_slice %squeeze3A_719 {offsets = [0, 0], sizes = [128, 64], strides = [1, 1]} : vector<128x128xf32> to vector<128x64xf32>
    %transpose3A_721 = tpu.transpose %slice3A_720, [1, 0] : vector<128x64xf32> -> vector<64x128xf32>
    %swap3A_722 = arith.constant 80 : index
    %swap3A_723 = arith.constant 0 : index
    %swap3A_724 = arith.constant 0 : index
    %swap3A_725 = vector.load %arg3[%swap3A_722, %swap3A_723, %swap3A_724] : memref<100x64x128xf32, #tpu.memory_space<vmem>>, vector<1x64x128xf32>
    %swap3A_726 = vector.shape_cast %swap3A_725 : vector<1x64x128xf32> to vector<64x128xf32>
    %swap3A_727 = vector.shape_cast %transpose3A_721 : vector<64x128xf32> to vector<1x64x128xf32>
    tpu.vector_store %arg3[%swap3A_722, %swap3A_723, %swap3A_724], %swap3A_727 {strides = array<i32>} : memref<100x64x128xf32, #tpu.memory_space<vmem>>, vector<1x64x128xf32>,
    %slice3A_728 = vector.extract_strided_slice %squeeze3A_719 {offsets = [0, 64], sizes = [128, 64], strides = [1, 1]} : vector<128x128xf32> to vector<128x64xf32>
    %transpose3A_729 = tpu.transpose %slice3A_728, [1, 0] : vector<128x64xf32> -> vector<64x128xf32>
    %swap3A_730 = arith.constant 81 : index
    %swap3A_731 = arith.constant 0 : index
    %swap3A_732 = arith.constant 0 : index
    %swap3A_733 = vector.load %arg3[%swap3A_730, %swap3A_731, %swap3A_732] : memref<100x64x128xf32, #tpu.memory_space<vmem>>, vector<1x64x128xf32>
    %swap3A_734 = vector.shape_cast %swap3A_733 : vector<1x64x128xf32> to vector<64x128xf32>
    %swap3A_735 = vector.shape_cast %transpose3A_729 : vector<64x128xf32> to vector<1x64x128xf32>
    tpu.vector_store %arg3[%swap3A_730, %swap3A_731, %swap3A_732], %swap3A_735 {strides = array<i32>} : memref<100x64x128xf32, #tpu.memory_space<vmem>>, vector<1x64x128xf32>,
    %slice3A_736 = vector.extract_strided_slice %reshape3A {offsets = [0, 41, 0], sizes = [128, 1, 128], strides = [1, 1, 1]} : vector<128x50x128xf32> to vector<128x1x128xf32>
    %squeeze3A_737 = vector.shape_cast %slice3A_736 : vector<128x1x128xf32> to vector<128x128xf32>
    %slice3A_738 = vector.extract_strided_slice %squeeze3A_737 {offsets = [0, 0], sizes = [128, 64], strides = [1, 1]} : vector<128x128xf32> to vector<128x64xf32>
    %transpose3A_739 = tpu.transpose %slice3A_738, [1, 0] : vector<128x64xf32> -> vector<64x128xf32>
    %swap3A_740 = arith.constant 82 : index
    %swap3A_741 = arith.constant 0 : index
    %swap3A_742 = arith.constant 0 : index
    %swap3A_743 = vector.load %arg3[%swap3A_740, %swap3A_741, %swap3A_742] : memref<100x64x128xf32, #tpu.memory_space<vmem>>, vector<1x64x128xf32>
    %swap3A_744 = vector.shape_cast %swap3A_743 : vector<1x64x128xf32> to vector<64x128xf32>
    %swap3A_745 = vector.shape_cast %transpose3A_739 : vector<64x128xf32> to vector<1x64x128xf32>
    tpu.vector_store %arg3[%swap3A_740, %swap3A_741, %swap3A_742], %swap3A_745 {strides = array<i32>} : memref<100x64x128xf32, #tpu.memory_space<vmem>>, vector<1x64x128xf32>,
    %slice3A_746 = vector.extract_strided_slice %squeeze3A_737 {offsets = [0, 64], sizes = [128, 64], strides = [1, 1]} : vector<128x128xf32> to vector<128x64xf32>
    %transpose3A_747 = tpu.transpose %slice3A_746, [1, 0] : vector<128x64xf32> -> vector<64x128xf32>
    %swap3A_748 = arith.constant 83 : index
    %swap3A_749 = arith.constant 0 : index
    %swap3A_750 = arith.constant 0 : index
    %swap3A_751 = vector.load %arg3[%swap3A_748, %swap3A_749, %swap3A_750] : memref<100x64x128xf32, #tpu.memory_space<vmem>>, vector<1x64x128xf32>
    %swap3A_752 = vector.shape_cast %swap3A_751 : vector<1x64x128xf32> to vector<64x128xf32>
    %swap3A_753 = vector.shape_cast %transpose3A_747 : vector<64x128xf32> to vector<1x64x128xf32>
    tpu.vector_store %arg3[%swap3A_748, %swap3A_749, %swap3A_750], %swap3A_753 {strides = array<i32>} : memref<100x64x128xf32, #tpu.memory_space<vmem>>, vector<1x64x128xf32>,
    %slice3A_754 = vector.extract_strided_slice %reshape3A {offsets = [0, 42, 0], sizes = [128, 1, 128], strides = [1, 1, 1]} : vector<128x50x128xf32> to vector<128x1x128xf32>
    %squeeze3A_755 = vector.shape_cast %slice3A_754 : vector<128x1x128xf32> to vector<128x128xf32>
    %slice3A_756 = vector.extract_strided_slice %squeeze3A_755 {offsets = [0, 0], sizes = [128, 64], strides = [1, 1]} : vector<128x128xf32> to vector<128x64xf32>
    %transpose3A_757 = tpu.transpose %slice3A_756, [1, 0] : vector<128x64xf32> -> vector<64x128xf32>
    %swap3A_758 = arith.constant 84 : index
    %swap3A_759 = arith.constant 0 : index
    %swap3A_760 = arith.constant 0 : index
    %swap3A_761 = vector.load %arg3[%swap3A_758, %swap3A_759, %swap3A_760] : memref<100x64x128xf32, #tpu.memory_space<vmem>>, vector<1x64x128xf32>
    %swap3A_762 = vector.shape_cast %swap3A_761 : vector<1x64x128xf32> to vector<64x128xf32>
    %swap3A_763 = vector.shape_cast %transpose3A_757 : vector<64x128xf32> to vector<1x64x128xf32>
    tpu.vector_store %arg3[%swap3A_758, %swap3A_759, %swap3A_760], %swap3A_763 {strides = array<i32>} : memref<100x64x128xf32, #tpu.memory_space<vmem>>, vector<1x64x128xf32>,
    %slice3A_764 = vector.extract_strided_slice %squeeze3A_755 {offsets = [0, 64], sizes = [128, 64], strides = [1, 1]} : vector<128x128xf32> to vector<128x64xf32>
    %transpose3A_765 = tpu.transpose %slice3A_764, [1, 0] : vector<128x64xf32> -> vector<64x128xf32>
    %swap3A_766 = arith.constant 85 : index
    %swap3A_767 = arith.constant 0 : index
    %swap3A_768 = arith.constant 0 : index
    %swap3A_769 = vector.load %arg3[%swap3A_766, %swap3A_767, %swap3A_768] : memref<100x64x128xf32, #tpu.memory_space<vmem>>, vector<1x64x128xf32>
    %swap3A_770 = vector.shape_cast %swap3A_769 : vector<1x64x128xf32> to vector<64x128xf32>
    %swap3A_771 = vector.shape_cast %transpose3A_765 : vector<64x128xf32> to vector<1x64x128xf32>
    tpu.vector_store %arg3[%swap3A_766, %swap3A_767, %swap3A_768], %swap3A_771 {strides = array<i32>} : memref<100x64x128xf32, #tpu.memory_space<vmem>>, vector<1x64x128xf32>,
    %slice3A_772 = vector.extract_strided_slice %reshape3A {offsets = [0, 43, 0], sizes = [128, 1, 128], strides = [1, 1, 1]} : vector<128x50x128xf32> to vector<128x1x128xf32>
    %squeeze3A_773 = vector.shape_cast %slice3A_772 : vector<128x1x128xf32> to vector<128x128xf32>
    %slice3A_774 = vector.extract_strided_slice %squeeze3A_773 {offsets = [0, 0], sizes = [128, 64], strides = [1, 1]} : vector<128x128xf32> to vector<128x64xf32>
    %transpose3A_775 = tpu.transpose %slice3A_774, [1, 0] : vector<128x64xf32> -> vector<64x128xf32>
    %swap3A_776 = arith.constant 86 : index
    %swap3A_777 = arith.constant 0 : index
    %swap3A_778 = arith.constant 0 : index
    %swap3A_779 = vector.load %arg3[%swap3A_776, %swap3A_777, %swap3A_778] : memref<100x64x128xf32, #tpu.memory_space<vmem>>, vector<1x64x128xf32>
    %swap3A_780 = vector.shape_cast %swap3A_779 : vector<1x64x128xf32> to vector<64x128xf32>
    %swap3A_781 = vector.shape_cast %transpose3A_775 : vector<64x128xf32> to vector<1x64x128xf32>
    tpu.vector_store %arg3[%swap3A_776, %swap3A_777, %swap3A_778], %swap3A_781 {strides = array<i32>} : memref<100x64x128xf32, #tpu.memory_space<vmem>>, vector<1x64x128xf32>,
    %slice3A_782 = vector.extract_strided_slice %squeeze3A_773 {offsets = [0, 64], sizes = [128, 64], strides = [1, 1]} : vector<128x128xf32> to vector<128x64xf32>
    %transpose3A_783 = tpu.transpose %slice3A_782, [1, 0] : vector<128x64xf32> -> vector<64x128xf32>
    %swap3A_784 = arith.constant 87 : index
    %swap3A_785 = arith.constant 0 : index
    %swap3A_786 = arith.constant 0 : index
    %swap3A_787 = vector.load %arg3[%swap3A_784, %swap3A_785, %swap3A_786] : memref<100x64x128xf32, #tpu.memory_space<vmem>>, vector<1x64x128xf32>
    %swap3A_788 = vector.shape_cast %swap3A_787 : vector<1x64x128xf32> to vector<64x128xf32>
    %swap3A_789 = vector.shape_cast %transpose3A_783 : vector<64x128xf32> to vector<1x64x128xf32>
    tpu.vector_store %arg3[%swap3A_784, %swap3A_785, %swap3A_786], %swap3A_789 {strides = array<i32>} : memref<100x64x128xf32, #tpu.memory_space<vmem>>, vector<1x64x128xf32>,
    %slice3A_790 = vector.extract_strided_slice %reshape3A {offsets = [0, 44, 0], sizes = [128, 1, 128], strides = [1, 1, 1]} : vector<128x50x128xf32> to vector<128x1x128xf32>
    %squeeze3A_791 = vector.shape_cast %slice3A_790 : vector<128x1x128xf32> to vector<128x128xf32>
    %slice3A_792 = vector.extract_strided_slice %squeeze3A_791 {offsets = [0, 0], sizes = [128, 64], strides = [1, 1]} : vector<128x128xf32> to vector<128x64xf32>
    %transpose3A_793 = tpu.transpose %slice3A_792, [1, 0] : vector<128x64xf32> -> vector<64x128xf32>
    %swap3A_794 = arith.constant 88 : index
    %swap3A_795 = arith.constant 0 : index
    %swap3A_796 = arith.constant 0 : index
    %swap3A_797 = vector.load %arg3[%swap3A_794, %swap3A_795, %swap3A_796] : memref<100x64x128xf32, #tpu.memory_space<vmem>>, vector<1x64x128xf32>
    %swap3A_798 = vector.shape_cast %swap3A_797 : vector<1x64x128xf32> to vector<64x128xf32>
    %swap3A_799 = vector.shape_cast %transpose3A_793 : vector<64x128xf32> to vector<1x64x128xf32>
    tpu.vector_store %arg3[%swap3A_794, %swap3A_795, %swap3A_796], %swap3A_799 {strides = array<i32>} : memref<100x64x128xf32, #tpu.memory_space<vmem>>, vector<1x64x128xf32>,
    %slice3A_800 = vector.extract_strided_slice %squeeze3A_791 {offsets = [0, 64], sizes = [128, 64], strides = [1, 1]} : vector<128x128xf32> to vector<128x64xf32>
    %transpose3A_801 = tpu.transpose %slice3A_800, [1, 0] : vector<128x64xf32> -> vector<64x128xf32>
    %swap3A_802 = arith.constant 89 : index
    %swap3A_803 = arith.constant 0 : index
    %swap3A_804 = arith.constant 0 : index
    %swap3A_805 = vector.load %arg3[%swap3A_802, %swap3A_803, %swap3A_804] : memref<100x64x128xf32, #tpu.memory_space<vmem>>, vector<1x64x128xf32>
    %swap3A_806 = vector.shape_cast %swap3A_805 : vector<1x64x128xf32> to vector<64x128xf32>
    %swap3A_807 = vector.shape_cast %transpose3A_801 : vector<64x128xf32> to vector<1x64x128xf32>
    tpu.vector_store %arg3[%swap3A_802, %swap3A_803, %swap3A_804], %swap3A_807 {strides = array<i32>} : memref<100x64x128xf32, #tpu.memory_space<vmem>>, vector<1x64x128xf32>,
    %slice3A_808 = vector.extract_strided_slice %reshape3A {offsets = [0, 45, 0], sizes = [128, 1, 128], strides = [1, 1, 1]} : vector<128x50x128xf32> to vector<128x1x128xf32>
    %squeeze3A_809 = vector.shape_cast %slice3A_808 : vector<128x1x128xf32> to vector<128x128xf32>
    %slice3A_810 = vector.extract_strided_slice %squeeze3A_809 {offsets = [0, 0], sizes = [128, 64], strides = [1, 1]} : vector<128x128xf32> to vector<128x64xf32>
    %transpose3A_811 = tpu.transpose %slice3A_810, [1, 0] : vector<128x64xf32> -> vector<64x128xf32>
    %swap3A_812 = arith.constant 90 : index
    %swap3A_813 = arith.constant 0 : index
    %swap3A_814 = arith.constant 0 : index
    %swap3A_815 = vector.load %arg3[%swap3A_812, %swap3A_813, %swap3A_814] : memref<100x64x128xf32, #tpu.memory_space<vmem>>, vector<1x64x128xf32>
    %swap3A_816 = vector.shape_cast %swap3A_815 : vector<1x64x128xf32> to vector<64x128xf32>
    %swap3A_817 = vector.shape_cast %transpose3A_811 : vector<64x128xf32> to vector<1x64x128xf32>
    tpu.vector_store %arg3[%swap3A_812, %swap3A_813, %swap3A_814], %swap3A_817 {strides = array<i32>} : memref<100x64x128xf32, #tpu.memory_space<vmem>>, vector<1x64x128xf32>,
    %slice3A_818 = vector.extract_strided_slice %squeeze3A_809 {offsets = [0, 64], sizes = [128, 64], strides = [1, 1]} : vector<128x128xf32> to vector<128x64xf32>
    %transpose3A_819 = tpu.transpose %slice3A_818, [1, 0] : vector<128x64xf32> -> vector<64x128xf32>
    %swap3A_820 = arith.constant 91 : index
    %swap3A_821 = arith.constant 0 : index
    %swap3A_822 = arith.constant 0 : index
    %swap3A_823 = vector.load %arg3[%swap3A_820, %swap3A_821, %swap3A_822] : memref<100x64x128xf32, #tpu.memory_space<vmem>>, vector<1x64x128xf32>
    %swap3A_824 = vector.shape_cast %swap3A_823 : vector<1x64x128xf32> to vector<64x128xf32>
    %swap3A_825 = vector.shape_cast %transpose3A_819 : vector<64x128xf32> to vector<1x64x128xf32>
    tpu.vector_store %arg3[%swap3A_820, %swap3A_821, %swap3A_822], %swap3A_825 {strides = array<i32>} : memref<100x64x128xf32, #tpu.memory_space<vmem>>, vector<1x64x128xf32>,
    %slice3A_826 = vector.extract_strided_slice %reshape3A {offsets = [0, 46, 0], sizes = [128, 1, 128], strides = [1, 1, 1]} : vector<128x50x128xf32> to vector<128x1x128xf32>
    %squeeze3A_827 = vector.shape_cast %slice3A_826 : vector<128x1x128xf32> to vector<128x128xf32>
    %slice3A_828 = vector.extract_strided_slice %squeeze3A_827 {offsets = [0, 0], sizes = [128, 64], strides = [1, 1]} : vector<128x128xf32> to vector<128x64xf32>
    %transpose3A_829 = tpu.transpose %slice3A_828, [1, 0] : vector<128x64xf32> -> vector<64x128xf32>
    %swap3A_830 = arith.constant 92 : index
    %swap3A_831 = arith.constant 0 : index
    %swap3A_832 = arith.constant 0 : index
    %swap3A_833 = vector.load %arg3[%swap3A_830, %swap3A_831, %swap3A_832] : memref<100x64x128xf32, #tpu.memory_space<vmem>>, vector<1x64x128xf32>
    %swap3A_834 = vector.shape_cast %swap3A_833 : vector<1x64x128xf32> to vector<64x128xf32>
    %swap3A_835 = vector.shape_cast %transpose3A_829 : vector<64x128xf32> to vector<1x64x128xf32>
    tpu.vector_store %arg3[%swap3A_830, %swap3A_831, %swap3A_832], %swap3A_835 {strides = array<i32>} : memref<100x64x128xf32, #tpu.memory_space<vmem>>, vector<1x64x128xf32>,
    %slice3A_836 = vector.extract_strided_slice %squeeze3A_827 {offsets = [0, 64], sizes = [128, 64], strides = [1, 1]} : vector<128x128xf32> to vector<128x64xf32>
    %transpose3A_837 = tpu.transpose %slice3A_836, [1, 0] : vector<128x64xf32> -> vector<64x128xf32>
    %swap3A_838 = arith.constant 93 : index
    %swap3A_839 = arith.constant 0 : index
    %swap3A_840 = arith.constant 0 : index
    %swap3A_841 = vector.load %arg3[%swap3A_838, %swap3A_839, %swap3A_840] : memref<100x64x128xf32, #tpu.memory_space<vmem>>, vector<1x64x128xf32>
    %swap3A_842 = vector.shape_cast %swap3A_841 : vector<1x64x128xf32> to vector<64x128xf32>
    %swap3A_843 = vector.shape_cast %transpose3A_837 : vector<64x128xf32> to vector<1x64x128xf32>
    tpu.vector_store %arg3[%swap3A_838, %swap3A_839, %swap3A_840], %swap3A_843 {strides = array<i32>} : memref<100x64x128xf32, #tpu.memory_space<vmem>>, vector<1x64x128xf32>,
    %slice3A_844 = vector.extract_strided_slice %reshape3A {offsets = [0, 47, 0], sizes = [128, 1, 128], strides = [1, 1, 1]} : vector<128x50x128xf32> to vector<128x1x128xf32>
    %squeeze3A_845 = vector.shape_cast %slice3A_844 : vector<128x1x128xf32> to vector<128x128xf32>
    %slice3A_846 = vector.extract_strided_slice %squeeze3A_845 {offsets = [0, 0], sizes = [128, 64], strides = [1, 1]} : vector<128x128xf32> to vector<128x64xf32>
    %transpose3A_847 = tpu.transpose %slice3A_846, [1, 0] : vector<128x64xf32> -> vector<64x128xf32>
    %swap3A_848 = arith.constant 94 : index
    %swap3A_849 = arith.constant 0 : index
    %swap3A_850 = arith.constant 0 : index
    %swap3A_851 = vector.load %arg3[%swap3A_848, %swap3A_849, %swap3A_850] : memref<100x64x128xf32, #tpu.memory_space<vmem>>, vector<1x64x128xf32>
    %swap3A_852 = vector.shape_cast %swap3A_851 : vector<1x64x128xf32> to vector<64x128xf32>
    %swap3A_853 = vector.shape_cast %transpose3A_847 : vector<64x128xf32> to vector<1x64x128xf32>
    tpu.vector_store %arg3[%swap3A_848, %swap3A_849, %swap3A_850], %swap3A_853 {strides = array<i32>} : memref<100x64x128xf32, #tpu.memory_space<vmem>>, vector<1x64x128xf32>,
    %slice3A_854 = vector.extract_strided_slice %squeeze3A_845 {offsets = [0, 64], sizes = [128, 64], strides = [1, 1]} : vector<128x128xf32> to vector<128x64xf32>
    %transpose3A_855 = tpu.transpose %slice3A_854, [1, 0] : vector<128x64xf32> -> vector<64x128xf32>
    %swap3A_856 = arith.constant 95 : index
    %swap3A_857 = arith.constant 0 : index
    %swap3A_858 = arith.constant 0 : index
    %swap3A_859 = vector.load %arg3[%swap3A_856, %swap3A_857, %swap3A_858] : memref<100x64x128xf32, #tpu.memory_space<vmem>>, vector<1x64x128xf32>
    %swap3A_860 = vector.shape_cast %swap3A_859 : vector<1x64x128xf32> to vector<64x128xf32>
    %swap3A_861 = vector.shape_cast %transpose3A_855 : vector<64x128xf32> to vector<1x64x128xf32>
    tpu.vector_store %arg3[%swap3A_856, %swap3A_857, %swap3A_858], %swap3A_861 {strides = array<i32>} : memref<100x64x128xf32, #tpu.memory_space<vmem>>, vector<1x64x128xf32>,
    %slice3A_862 = vector.extract_strided_slice %reshape3A {offsets = [0, 48, 0], sizes = [128, 1, 128], strides = [1, 1, 1]} : vector<128x50x128xf32> to vector<128x1x128xf32>
    %squeeze3A_863 = vector.shape_cast %slice3A_862 : vector<128x1x128xf32> to vector<128x128xf32>
    %slice3A_864 = vector.extract_strided_slice %squeeze3A_863 {offsets = [0, 0], sizes = [128, 64], strides = [1, 1]} : vector<128x128xf32> to vector<128x64xf32>
    %transpose3A_865 = tpu.transpose %slice3A_864, [1, 0] : vector<128x64xf32> -> vector<64x128xf32>
    %swap3A_866 = arith.constant 96 : index
    %swap3A_867 = arith.constant 0 : index
    %swap3A_868 = arith.constant 0 : index
    %swap3A_869 = vector.load %arg3[%swap3A_866, %swap3A_867, %swap3A_868] : memref<100x64x128xf32, #tpu.memory_space<vmem>>, vector<1x64x128xf32>
    %swap3A_870 = vector.shape_cast %swap3A_869 : vector<1x64x128xf32> to vector<64x128xf32>
    %swap3A_871 = vector.shape_cast %transpose3A_865 : vector<64x128xf32> to vector<1x64x128xf32>
    tpu.vector_store %arg3[%swap3A_866, %swap3A_867, %swap3A_868], %swap3A_871 {strides = array<i32>} : memref<100x64x128xf32, #tpu.memory_space<vmem>>, vector<1x64x128xf32>,
    %slice3A_872 = vector.extract_strided_slice %squeeze3A_863 {offsets = [0, 64], sizes = [128, 64], strides = [1, 1]} : vector<128x128xf32> to vector<128x64xf32>
    %transpose3A_873 = tpu.transpose %slice3A_872, [1, 0] : vector<128x64xf32> -> vector<64x128xf32>
    %swap3A_874 = arith.constant 97 : index
    %swap3A_875 = arith.constant 0 : index
    %swap3A_876 = arith.constant 0 : index
    %swap3A_877 = vector.load %arg3[%swap3A_874, %swap3A_875, %swap3A_876] : memref<100x64x128xf32, #tpu.memory_space<vmem>>, vector<1x64x128xf32>
    %swap3A_878 = vector.shape_cast %swap3A_877 : vector<1x64x128xf32> to vector<64x128xf32>
    %swap3A_879 = vector.shape_cast %transpose3A_873 : vector<64x128xf32> to vector<1x64x128xf32>
    tpu.vector_store %arg3[%swap3A_874, %swap3A_875, %swap3A_876], %swap3A_879 {strides = array<i32>} : memref<100x64x128xf32, #tpu.memory_space<vmem>>, vector<1x64x128xf32>,
    %slice3A_880 = vector.extract_strided_slice %reshape3A {offsets = [0, 49, 0], sizes = [128, 1, 128], strides = [1, 1, 1]} : vector<128x50x128xf32> to vector<128x1x128xf32>
    %squeeze3A_881 = vector.shape_cast %slice3A_880 : vector<128x1x128xf32> to vector<128x128xf32>
    %slice3A_882 = vector.extract_strided_slice %squeeze3A_881 {offsets = [0, 0], sizes = [128, 64], strides = [1, 1]} : vector<128x128xf32> to vector<128x64xf32>
    %transpose3A_883 = tpu.transpose %slice3A_882, [1, 0] : vector<128x64xf32> -> vector<64x128xf32>
    %swap3A_884 = arith.constant 98 : index
    %swap3A_885 = arith.constant 0 : index
    %swap3A_886 = arith.constant 0 : index
    %swap3A_887 = vector.load %arg3[%swap3A_884, %swap3A_885, %swap3A_886] : memref<100x64x128xf32, #tpu.memory_space<vmem>>, vector<1x64x128xf32>
    %swap3A_888 = vector.shape_cast %swap3A_887 : vector<1x64x128xf32> to vector<64x128xf32>
    %swap3A_889 = vector.shape_cast %transpose3A_883 : vector<64x128xf32> to vector<1x64x128xf32>
    tpu.vector_store %arg3[%swap3A_884, %swap3A_885, %swap3A_886], %swap3A_889 {strides = array<i32>} : memref<100x64x128xf32, #tpu.memory_space<vmem>>, vector<1x64x128xf32>,
    %slice3A_890 = vector.extract_strided_slice %squeeze3A_881 {offsets = [0, 64], sizes = [128, 64], strides = [1, 1]} : vector<128x128xf32> to vector<128x64xf32>
    %transpose3A_891 = tpu.transpose %slice3A_890, [1, 0] : vector<128x64xf32> -> vector<64x128xf32>
    %swap3A_892 = arith.constant 99 : index
    %swap3A_893 = arith.constant 0 : index
    %swap3A_894 = arith.constant 0 : index
    %swap3A_895 = vector.load %arg3[%swap3A_892, %swap3A_893, %swap3A_894] : memref<100x64x128xf32, #tpu.memory_space<vmem>>, vector<1x64x128xf32>
    %swap3A_896 = vector.shape_cast %swap3A_895 : vector<1x64x128xf32> to vector<64x128xf32>
    %swap3A_897 = vector.shape_cast %transpose3A_891 : vector<64x128xf32> to vector<1x64x128xf32>
    tpu.vector_store %arg3[%swap3A_892, %swap3A_893, %swap3A_894], %swap3A_897 {strides = array<i32>} : memref<100x64x128xf32, #tpu.memory_space<vmem>>, vector<1x64x128xf32>,
    return
  }
  func.func @transform_1(%arg0: i32) -> (i32, i32) {
    %c0_i32 = arith.constant 0 : i32
    %c0_i32_0 = arith.constant 0 : i32
    return %arg0, %c0_i32 : i32, i32
  }
  func.func @transform_2(%arg0: i32) -> (i32, i32, i32) {
    %c1_i32 = arith.constant 1 : i32
    %c0_i32 = arith.constant 0 : i32
    %c0_i32_0 = arith.constant 0 : i32
    return %c1_i32, %c0_i32, %arg0 : i32, i32, i32
  }
}

</mosaic_0001>

<sc_bundles>
// kernel: kernel.6.cloned.1.call-start
scs
__scs_entry_jumppad:
0x0: {  	(pc) =	sbr.rel $0x88, $3  }
0x1: {  	(tag) =	ssettag $0x0;
	lr =	simm.s32 $0x1  }
0x2: {  	[smem:$0x3F9F] =	sst lr;
	_ =	strace $0xD0000000  }
0x3: {  	_ = 	snop  }
0x4: {  	_ = 	snop  }
0x5: {  	_ = 	snop  }
0x6: {  	_ = 	snop  }
0x7: {  	_ = 	snop  }
__scs_overlays_trampoline_lowered:
0x8: {  	[smem:$0x3FAE] =	sst s0  }
0x9: {  	[smem:$0x3FAF] =	sst s1  }
0xa: {  	[smem:$0x3FB0] =	sst s2  }
0xb: {  	[smem:$0x3FB1] =	sst s3  }
0xc: {  	[smem:$0x3FB2] =	sst s4  }
0xd: {  	[smem:$0x3FB3] =	sst s5  }
0xe: {  	[smem:$0x3FB4] =	sst s6  }
0xf: {  	[smem:$0x3FB5] =	sst s7  }
0x10: {  	[smem:$0x3FB6] =	sst s8  }
0x11: {  	[smem:$0x3FB7] =	sst s9;
	s0 =	simm.s32 @!p0 $0x0  }
0x12: {  	s1 =	sld [smem:$0x3F9D];
	s0 =	simm.s32 @p0 $0x1  }
0x13: {  	[smem:$0x3FB8] =	sst s0;
	s0 =	simm.s32 @!p1 $0x0  }
0x14: {  	s2 =	sld [smem:$0x3F9C];
	s0 =	simm.s32 @p1 $0x1  }
0x15: {  	[smem:$0x3FB9] =	sst s0;
	s0 =	simm.s32 @!p2 $0x0  }
0x16: {  	s3 =	sld [smem:$0x3FDB];
	s0 =	simm.s32 @p2 $0x1  }
0x17: {  	s4 =	simm.s32 $0x1BF5;
	[smem:$0x3FBB] =	sst s0  }
0x18: {  	s0 =	sld [smem:$0x3F9E];
	_ =	swait.ge [sflag:s4], $0x0  }
0x19: {  	s7 =	sld [smem:$0x3F9F]  }
0x1a: {  	s8 =	sadd.s32 $0xFFFFE003, lr  }
0x1b: {  	s9 =	sadd.s32 $0xFFFFFEF7, lr;
	s5 =	simm.s32 $0xFFFFFFFF;
	p2 =	slt.u32 s8, $0xFFFFF086  }
0x1c: {  	p1 =	slt.u32 s9, $0xF7A;
	s5 =	simm.s32 @!p2 $0x0  }
0x1d: {  	s5 =	simm.s32 @p1 $0x1;
	p0 =	seq.s32 s7, s2  }
0x1e: {  	s7 =	smul.u32 @!p0 $0xF7A, s2;
	p2 =	seq.s32 @!p0 s5, $0x0  }
0x1f: {  	s9 =	smul.u32 $0xF7A, s1;
	s8 =	simm.s32 @!p0 $0x1BF5;
	p2 =	por !p2, p0  }
0x20: {  	[sflag:s8] =	ssyncset.s32 @!p0 $0xFFFFF086;
	s6 =	sadd.s32 @!p0 s3, s7;
	s7 =	simm.s32 @!p0 $0x108  }
0x21: {  	s3 =	sadd.s32 s3, s9;
	s6 =	sadd.s32 @!p0 $0x88, s6;
	s7 =	simm.s32 @p2 $0x1082  }
0x22: {  	[simem:s7], [sflag:s8] =	dma.local @!p0 [hbm:s6], $0xF7A  }
0x23: {  	s9 =	sor.u32 $0xD0000000, s2;
	s6 =	simm.s32 $0x108;
	_ =	swait.ge @!p0 [sflag:s8], $0x0  }
0x24: {  	s3 =	sadd.s32 $0x88, s3;
	s6 =	simm.s32 @!p1 $0x1082;
	[sflag:s4] =	ssyncset.s32 $0xFFFFF086  }
0x25: {  	[simem:s6], [sflag:s4] =	dma.local [hbm:s3], $0xF7A  }
0x26: {  	[smem:$0x3F9F] =	sst s1;
	(tag) =	ssettag s2;
	_ =	strace s9  }
0x27: {  	s1 =	sld [smem:$0x3FAF]  }
0x28: {  	s2 =	sld [smem:$0x3FB0]  }
0x29: {  	s4 =	sld [smem:$0x3FB2]  }
0x2a: {  	p0 =	seq.s32 s5, $0x0;
	s5 =	sld [smem:$0x3FB3]  }
0x2b: {  	s6 =	sld [smem:$0x3FB4]  }
0x2c: {  	s7 =	sld [smem:$0x3FB5]  }
0x2d: {  	s3 =	simm.s32 $0x108;
	s8 =	sld [smem:$0x3FB6]  }
0x2e: {  	s3 =	simm.s32 @!p0 $0x1082;
	s9 =	sld [smem:$0x3FB7]  }
0x2f: {  	lr =	sadd.s32 s0, s3;
	s0 =	sld [smem:$0x3FAE]  }
0x30: {  	s3 =	sld [smem:$0x3FB1]  }
0x31: {  	[smem:$0x3FBA] =	sst s10  }
0x32: {  	s10 =	sld [smem:$0x3FB8];
	_ =	sdelay $0x3  }
0x33: {  	p0 =	seq.s32 s10, $0x1;
	s10 =	sld [smem:$0x3FBA];
	_ =	sdelay $0x3  }
0x34: {  	[smem:$0x3FBA] =	sst s10  }
0x35: {  	s10 =	sld [smem:$0x3FB9];
	_ =	sdelay $0x3  }
0x36: {  	p1 =	seq.s32 s10, $0x1;
	s10 =	sld [smem:$0x3FBA];
	_ =	sdelay $0x3  }
0x37: {  	[smem:$0x3FBA] =	sst s10  }
0x38: {  	s10 =	sld [smem:$0x3FBB]  }
0x39: {  	_ = 	snop;
	(pc) =	sbr.ind lr, $3  }
0x3a: {  	_ = 	snop  }
0x3b: {  	_ = 	snop  }
0x3c: {  	p2 =	seq.s32 s10, $0x1;
	s10 =	sld [smem:$0x3FBA]  }
0x3d: {  	_ =	shalt  }
0x3e: {  	_ =	shalt  }
0x3f: {  	_ =	shalt  }
0x40: {  	_ =	shalt  }
0x41: {  	_ =	shalt  }
0x42: {  	_ =	shalt  }
0x43: {  	_ =	shalt  }
0x44: {  	_ =	shalt  }
0x45: {  	_ =	shalt  }
0x46: {  	_ =	shalt  }
0x47: {  	_ =	shalt  }
0x48: {  	_ =	shalt  }
0x49: {  	_ =	shalt  }
0x4a: {  	_ =	shalt  }
0x4b: {  	_ =	shalt  }
0x4c: {  	_ =	shalt  }
0x4d: {  	_ =	shalt  }
0x4e: {  	_ =	shalt  }
0x4f: {  	_ =	shalt  }
0x50: {  	_ =	shalt  }
0x51: {  	_ =	shalt  }
0x52: {  	_ =	shalt  }
0x53: {  	_ =	shalt  }
0x54: {  	_ =	shalt  }
0x55: {  	_ =	shalt  }
0x56: {  	_ =	shalt  }
0x57: {  	_ =	shalt  }
0x58: {  	_ =	shalt  }
0x59: {  	_ =	shalt  }
0x5a: {  	_ =	shalt  }
0x5b: {  	_ =	shalt  }
0x5c: {  	_ =	shalt  }
0x5d: {  	_ =	shalt  }
0x5e: {  	_ =	shalt  }
0x5f: {  	_ =	shalt  }
0x60: {  	_ =	shalt  }
0x61: {  	_ =	shalt  }
0x62: {  	_ =	shalt  }
0x63: {  	_ =	shalt  }
0x64: {  	_ =	shalt  }
0x65: {  	_ =	shalt  }
0x66: {  	_ =	shalt  }
0x67: {  	_ =	shalt  }
0x68: {  	_ =	shalt  }
0x69: {  	_ =	shalt  }
0x6a: {  	_ =	shalt  }
0x6b: {  	_ =	shalt  }
0x6c: {  	_ =	shalt  }
0x6d: {  	_ =	shalt  }
0x6e: {  	_ =	shalt  }
0x6f: {  	_ =	shalt  }
0x70: {  	_ =	shalt  }
0x71: {  	_ =	shalt  }
0x72: {  	_ =	shalt  }
0x73: {  	_ =	shalt  }
0x74: {  	_ =	shalt  }
0x75: {  	_ =	shalt  }
0x76: {  	_ =	shalt  }
0x77: {  	_ =	shalt  }
0x78: {  	_ =	shalt  }
0x79: {  	_ =	shalt  }
0x7a: {  	_ =	shalt  }
0x7b: {  	_ =	shalt  }
0x7c: {  	_ =	shalt  }
0x7d: {  	_ =	shalt  }
0x7e: {  	_ =	shalt  }
0x7f: {  	_ =	shalt  }
0x80: {  	_ =	shalt  }
0x81: {  	_ =	shalt  }
0x82: {  	_ =	shalt  }
0x83: {  	_ =	shalt  }
0x84: {  	_ =	shalt  }
0x85: {  	_ =	shalt  }
0x86: {  	_ =	shalt  }
0x87: {  	_ =	shalt  }
.Lfunc_end0:
.L_simem_size_0:
called_computation_lowered:
.L_overlay_start_0:
0x88: {  	s2 =	sld [smem:$0x3FD9]  }
0x89: {  	s3 =	sld [smem:$0x3FFE];
	_ =	sdelay $0x1  }
0x8a: {  	s1 =	srdreg.scid  }
0x8b: {  	s0 =	sand.u32 $0x1, s1  }
0x8c: {  	s16 =	sshll.u32 s0, $0xA;
	s2 =	sadd.s32 s3, s2  }
0x8d: {  	s2 =	sadd.s32 s2, s16  }
0x8e: {  	[smem:$0x3FC6] =	sst s2  }
0x8f: {  	_ = 	snop  }
0x90: {  	(tm) =	ssettm $0x1  }
0x91: {  	s17 =	sld [smem:$0x3FFB];
	_ =	sdelay $0x3  }
0x92: {  	_ =	strace s17  }
0x93: {  	s2 =	sld [smem:$0x3FFC];
	_ =	sdelay $0x3  }
0x94: {  	_ =	strace s2  }
0x95: {  	s2 =	sld [smem:$0x3FFD];
	_ =	sdelay $0x3  }
0x96: {  	_ =	strace s2  }
0x97: {  	_ =	strace $0x8FFFFFFF  }
0x98: {  	s18 =	sld [smem:$0x3FDB];
	_ =	sdelay $0x1  }
0x99: {  	s19 =	simm.s32 $_scs_section_size  }
0x9a: {  	s4 =	simm.s32 $_size__tile_overlayer_lowered;
	s5 =	simm.s32 $_tile_overlayer_lowered  }
0x9b: {  	s22 =	simm.s32 $0x1BFF;
	s21 =	sshll.u32 s5, $0x1;
	s2 =	sadd.s32 s19, s18  }
0x9c: {  	s6 =	simm.s32 $0x0;
	s20 =	sshll.u32 s4, $0x1;
	s4 =	sadd.s32 s21, s2  }
0x9d: {  	[timem:s6], [sflag:s22] =	dma.local [hbm:s4], s20  }
0x9e: {  	_ =	swait.ge [sflag:s22], s20  }
0x9f: {  	s3 =	ssub.s32 $0x0, s20;
	[sflag:s22] =	ssyncset.done $0x0  }
0xa0: {  	[sflag:s22] =	ssyncadd.s32 s3;
	_ =	sdelay $0x1  }
0xa1: {  	s23 =	simm.s32 $0x1B8B  }
0xa2: {  	_ =	swait.ge [sflag:s23], $0x1  }
0xa3: {  	[sflag:s23] =	ssyncset.done $0x0  }
0xa4: {  	s25 =	simm.s32 $0x1B8E;
	s24 =	sld [smem:$0x3FFE];
	[sflag:s23] =	ssyncadd.s32 $0xFFFFFFFF  }
0xa5: {  	s26 =	simm.s32 $execute0_lowered;
	[smem:$0x3FD2] =	sst s25  }
0xa6: {  	s4 =	sshll.u32 s26, $0x1;
	_ =	strace $0x80000046;
	[dreg:$0x1] =	wrdreg $0xFFFFFFFF  }
0xa7: {  	s28 =	simm.s32 $_size_execute0_lowered;
	s2 =	sadd.s32 s2, s4;
	[dreg:$0x0] =	wrdreg $0x0  }
0xa8: {  	s4 =	sshll.u32 s28, $0x1;
	[dreg:$0x2] =	wrdreg s2  }
0xa9: {  	[dreg:$0x3] =	wrdreg s4  }
0xaa: {  	[dreg:$0x4] =	wrdreg $0xC0  }
0xab: {  	_ =	task [dreg:s6], $0x5FFFF  }
0xac: {  	[dreg:$0x1] =	wrdreg $0xFFFFFFFF  }
0xad: {  	[dreg:$0x0] =	wrdreg $0x60  }
0xae: {  	[dreg:$0x2] =	wrdreg s24  }
0xaf: {  	[dreg:$0x3] =	wrdreg $0x9  }
0xb0: {  	_ =	task.clear_ibuf [dreg:s6], $0x4FFFF;
	_ =	strace $0x90000046  }
0xb1: {  	s29 =	simm.s32 $0x9;
	_ =	strace $0x80000048  }
0xb2: {  	_ =	swait.ge [sflag:s29], $0x1  }
0xb3: {  	[sflag:s29] =	ssyncadd.s32 $0xFFFFFFFF  }
0xb4: {  	_ =	strace $0x90000048  }
0xb5: {  	_ =	sfence  }
0xb6: {  	s30 =	sld [smem:$0x0];
	_ =	sdelay $0x2  }
0xb7: {  	s31 =	sshll.u32 s1, $0xD;
	s1 =	sshrl.u32 s1, $0x2  }
0xb8: {  	s3 =	sand.u32 $0x4000, s31;
	s1 =	sadd.s32 s1, s30  }
0xb9: {  	s0 =	sor.u32 s3, s0;
	s1 =	sshll.u32 s1, $0x11  }
0xba: {  	s0 =	sor.u32 s1, s0  }
0xbb: {  	s0 =	sadd.s32 $0x8F2B, s0  }
0xbc: {  	[sflag:s0] =	ssyncadd.remote.s32 $0x1  }
0xbd: {  	_ =	sfence.sel $0xFFFF  }
0xbe: {  	[dreg:$0x0] =	wrdreg $0xFFFFFFFF;
	(pc) =	sbr.abs _section_cstart, $3  }
0xbf: {  	[dreg:$0x1] =	wrdreg $0xFFFFFFFF  }
0xc0: {  	_ =	task.clear_ibuf [dreg:s6], $0x2FFFF;
	_ =	strace $0x9FFFFFFF  }
0xc1: {  	(tm) =	ssettm $0x7FFFFFFF  }
tec
execute0_lowered:
.L_overlay_start_1:
0x0: {  	(tag) =	ssettag $0x1  }
0x1: {  	s0 =	srdreg.scid;
	s9 =	stileid.u32  }
0x2: {  	s4 =	rddreg [dreg:$0x0];
	s10 =	simm.s32 $0x64;
	s11 =	simm.s32 $0x3400  }
0x3: {  	s13 =	simm.s32 $0x4D00;
	s15 =	simm.s32 $0x6600;
	s16 =	simm.s32 $0x138  }
0x4: {  	s17 =	simm.s32 $0x7F00;
	s18 =	simm.s32 $0x1A0;
	s19 =	simm.s32 $0x9800  }
0x5: {  	s20 =	simm.s32 $0x208;
	s21 =	simm.s32 $0xB100;
	s22 =	simm.s32 $0x270  }
0x6: {  	s23 =	simm.s32 $0xCA00;
	s24 =	simm.s32 $0x2D8;
	s25 =	simm.s32 $0xE300  }
0x7: {  	s28 =	simm.s32 $0x3;
	s29 =	simm.s32 $0x2;
	s30 =	simm.s32 $0x4  }
0x8: {  	s31 =	simm.s32 $0x0;
	s0 =	sand.u32 $0x1, s0;
	s1 =	sshll.u32 s9, $0x8  }
0x9: {  	s8 =	sadd.s32 $0xDE200, s4;
	s9 =	smul.u32 $0x32000, s9;
	s2 =	sshll.u32 s0, $0x7  }
0xa: {  	s7 =	ssub.s32 $0x2, s0;
	s0 =	smul.u32 $0x19000, s0;
	s1 =	sor.u32 s2, s1  }
0xb: {  	s2 =	simm.s32 $0x0;
	s26 =	sshrl.u32 s7, $0x1;
	s3 =	smul.u32 $0xD, s1  }
0xc: {  	s9 =	sadd.s32 s9, s8;
	[smem:$0x7FF] =	sst s2;
	s6 =	smul.u32 $0x320, s1  }
0xd: {  	s1 =	smul.u32 $0x1900, s1;
	s7 =	ssub.s32 s7, s26;
	s0 =	sadd.s32 s0, s9  }
0xe: {  	s9 =	simm.s32 $0x5;
	s26 =	simm.s32 $0x1;
	_ =	strace $0x80000047  }
0xf: {  	s7 =	smax.u32 s7, $0x1;
	s5 =	sadd.s32 s3, s4;
	s1 =	sshrl.u32 s1, $0x3  }
0x10: {  	s3 =	sadd.s32 $0x1AC00, s4;
	s4 =	sadd.s32 $0xDC00, s5;
	s1 =	sadd.s32 s8, s1  }
0x11: {  	s5 =	sadd.s32 s8, s6;
	s8 =	sadd.s32 $0xC80, s0;
	s6 =	sadd.s32 $0x18380, s1  }
.LBB2_1:
0x12: {  	[tilespmem:s2], [sflag:$0x5] =	stream.linear.gather [hbm4b:s4+s2], $0x3400, $0x38;
	[tilespmem:$0xFC00] =	vst v63  }
0x13: {  	_ =	swait.ge [sflag:s9], $0x3400  }
0x14: {  	[sflag:s9] =	ssyncset.done $0x0  }
0x15: {  	[sflag:s9] =	ssyncadd.s32 $0xFFFFCC00  }
0x16: {  	[tilespmem:s11], [sflag:$0x1] =	stream.indirect.gather [hbm4b:s3+s10], $0x40, s2, s10, $0xb8;
	[tilespmem:$0xFC00] =	vst v63  }
0x17: {  	s0 =	simm.s32 $0x68  }
0x18: {  	[tilespmem:s13], [sflag:$0x1] =	stream.indirect.gather [hbm4b:s3+s10], $0x40, s0, s10, $0xb8;
	[tilespmem:$0xFC00] =	vst v63  }
0x19: {  	s1 =	simm.s32 $0xD0  }
0x1a: {  	[tilespmem:s15], [sflag:$0x1] =	stream.indirect.gather [hbm4b:s3+s10], $0x40, s1, s10, $0xb8;
	[tilespmem:$0xFC00] =	vst v63  }
0x1b: {  	_ = 	snop  }
0x1c: {  	[tilespmem:s17], [sflag:$0x1] =	stream.indirect.gather [hbm4b:s3+s10], $0x40, s16, s10, $0xb8;
	[tilespmem:$0xFC00] =	vst v63  }
0x1d: {  	_ = 	snop  }
0x1e: {  	[tilespmem:s19], [sflag:$0x2] =	stream.indirect.gather [hbm4b:s3+s10], $0x40, s18, s10, $0xb8;
	[tilespmem:$0xFC00] =	vst v63  }
0x1f: {  	_ = 	snop  }
0x20: {  	[tilespmem:s21], [sflag:$0x2] =	stream.indirect.gather [hbm4b:s3+s10], $0x40, s20, s10, $0xb8;
	[tilespmem:$0xFC00] =	vst v63  }
0x21: {  	_ = 	snop  }
0x22: {  	[tilespmem:s23], [sflag:$0x2] =	stream.indirect.gather [hbm4b:s3+s10], $0x40, s22, s10, $0xb8;
	[tilespmem:$0xFC00] =	vst v63  }
0x23: {  	_ = 	snop  }
0x24: {  	[tilespmem:s25], [sflag:$0x2] =	stream.indirect.gather [hbm4b:s3+s10], $0x40, s24, s10, $0xb8;
	[tilespmem:$0xFC00] =	vst v63  }
0x25: {  	_ =	swait.ge [sflag:s26], $0x1900  }
0x26: {  	[sflag:s26] =	ssyncset.done $0x0  }
0x27: {  	[sflag:s26] =	ssyncadd.s32 $0xFFFFE700  }
0x28: {  	_ =	swait.ge [sflag:s26], $0x1900  }
0x29: {  	[sflag:s26] =	ssyncset.done $0x0  }
0x2a: {  	[sflag:s26] =	ssyncadd.s32 $0xFFFFE700  }
0x2b: {  	_ =	swait.ge [sflag:s26], $0x1900  }
0x2c: {  	[sflag:s26] =	ssyncset.done $0x0  }
0x2d: {  	[sflag:s26] =	ssyncadd.s32 $0xFFFFE700  }
0x2e: {  	_ =	swait.ge [sflag:s26], $0x1900  }
0x2f: {  	[sflag:s26] =	ssyncset.done $0x0  }
0x30: {  	[sflag:s26] =	ssyncadd.s32 $0xFFFFE700  }
0x31: {  	[hbm4b:s5+s2] =	stream.linear.scatter [tilespmem:s11], [sflag:$0x3], $0x6400, $0x38;
	[tilespmem:$0xFC00] =	vst v63  }
0x32: {  	_ =	swait.ge [sflag:s28], $0x6400  }
0x33: {  	[sflag:s28] =	ssyncset.done $0x0  }
0x34: {  	s12 =	simm.s32 $0x340;
	[sflag:s28] =	ssyncadd.s32 $0xFFFF9C00  }
0x35: {  	[tilespmem:s11], [sflag:$0x1] =	stream.indirect.gather [hbm4b:s3+s10], $0x40, s12, s10, $0xb8;
	[tilespmem:$0xFC00] =	vst v63  }
0x36: {  	s14 =	simm.s32 $0x3A8  }
0x37: {  	[tilespmem:s13], [sflag:$0x1] =	stream.indirect.gather [hbm4b:s3+s10], $0x40, s14, s10, $0xb8;
	[tilespmem:$0xFC00] =	vst v63  }
0x38: {  	s1 =	simm.s32 $0x410  }
0x39: {  	[tilespmem:s15], [sflag:$0x1] =	stream.indirect.gather [hbm4b:s3+s10], $0x40, s1, s10, $0xb8;
	[tilespmem:$0xFC00] =	vst v63  }
0x3a: {  	s12 =	simm.s32 $0x478  }
0x3b: {  	[tilespmem:s17], [sflag:$0x1] =	stream.indirect.gather [hbm4b:s3+s10], $0x40, s12, s10, $0xb8;
	[tilespmem:$0xFC00] =	vst v63  }
0x3c: {  	_ =	swait.ge [sflag:s29], $0x1900  }
0x3d: {  	[sflag:s29] =	ssyncset.done $0x0  }
0x3e: {  	[sflag:s29] =	ssyncadd.s32 $0xFFFFE700  }
0x3f: {  	_ =	swait.ge [sflag:s29], $0x1900  }
0x40: {  	[sflag:s29] =	ssyncset.done $0x0  }
0x41: {  	[sflag:s29] =	ssyncadd.s32 $0xFFFFE700  }
0x42: {  	_ =	swait.ge [sflag:s29], $0x1900  }
0x43: {  	[sflag:s29] =	ssyncset.done $0x0  }
0x44: {  	[sflag:s29] =	ssyncadd.s32 $0xFFFFE700  }
0x45: {  	_ =	swait.ge [sflag:s29], $0x1900  }
0x46: {  	[sflag:s29] =	ssyncset.done $0x0  }
0x47: {  	[sflag:s29] =	ssyncadd.s32 $0xFFFFE700  }
0x48: {  	[hbm4b:s8+s2] =	stream.linear.scatter [tilespmem:s19], [sflag:$0x4], $0x6400, $0x38;
	[tilespmem:$0xFC00] =	vst v63  }
0x49: {  	_ =	swait.ge [sflag:s30], $0x6400  }
0x4a: {  	[sflag:s30] =	ssyncset.done $0x0  }
0x4b: {  	s14 =	simm.s32 $0x4E0;
	[sflag:s30] =	ssyncadd.s32 $0xFFFF9C00  }
0x4c: {  	[tilespmem:s19], [sflag:$0x2] =	stream.indirect.gather [hbm4b:s3+s10], $0x40, s14, s10, $0xb8;
	[tilespmem:$0xFC00] =	vst v63  }
0x4d: {  	s1 =	simm.s32 $0x548  }
0x4e: {  	[tilespmem:s21], [sflag:$0x2] =	stream.indirect.gather [hbm4b:s3+s10], $0x40, s1, s10, $0xb8;
	[tilespmem:$0xFC00] =	vst v63  }
0x4f: {  	s12 =	simm.s32 $0x5B0  }
0x50: {  	[tilespmem:s23], [sflag:$0x2] =	stream.indirect.gather [hbm4b:s3+s10], $0x40, s12, s10, $0xb8;
	[tilespmem:$0xFC00] =	vst v63  }
0x51: {  	s14 =	simm.s32 $0x618  }
0x52: {  	[tilespmem:s25], [sflag:$0x2] =	stream.indirect.gather [hbm4b:s3+s10], $0x40, s14, s10, $0xb8;
	[tilespmem:$0xFC00] =	vst v63  }
0x53: {  	_ =	swait.ge [sflag:s26], $0x1900  }
0x54: {  	[sflag:s26] =	ssyncset.done $0x0  }
0x55: {  	[sflag:s26] =	ssyncadd.s32 $0xFFFFE700  }
0x56: {  	_ =	swait.ge [sflag:s26], $0x1900  }
0x57: {  	[sflag:s26] =	ssyncset.done $0x0  }
0x58: {  	[sflag:s26] =	ssyncadd.s32 $0xFFFFE700  }
0x59: {  	_ =	swait.ge [sflag:s26], $0x1900  }
0x5a: {  	[sflag:s26] =	ssyncset.done $0x0  }
0x5b: {  	[sflag:s26] =	ssyncadd.s32 $0xFFFFE700  }
0x5c: {  	_ =	swait.ge [sflag:s26], $0x1900  }
0x5d: {  	s0 =	sadd.s32 $0x1900, s8;
	[sflag:s26] =	ssyncset.done $0x0  }
0x5e: {  	s1 =	simm.s32 $0xD00;
	s12 =	sadd.s32 $0xC80, s8;
	[sflag:s26] =	ssyncadd.s32 $0xFFFFE700  }
.LBB2_2:
0x5f: {  	[hbm4b:s12+s2] =	stream.linear.scatter [tilespmem:s11], [sflag:$0x3], $0x6400, $0x38;
	[tilespmem:$0xFC00] =	vst v63  }
0x60: {  	s12 =	smov.u32 s1  }
0x61: {  	p0 =	sne.s32 s1, $0xB600;
	s1 =	sadd.s32 $0xD00, s1;
	_ =	swait.ge [sflag:s28], $0x6400  }
0x62: {  	s12 =	sshra.s32 s12, $0x2;
	[sflag:s28] =	ssyncset.done $0x0  }
0x63: {  	s14 =	sadd.s32 $0x340, s12;
	[sflag:s28] =	ssyncadd.s32 $0xFFFF9C00  }
0x64: {  	[tilespmem:s11], [sflag:$0x1] =	stream.indirect.gather [hbm4b:s3+s10], $0x40, s14, s10, $0xb8;
	[tilespmem:$0xFC00] =	vst v63  }
0x65: {  	s14 =	sadd.s32 $0x3A8, s12  }
0x66: {  	[tilespmem:s13], [sflag:$0x1] =	stream.indirect.gather [hbm4b:s3+s10], $0x40, s14, s10, $0xb8;
	[tilespmem:$0xFC00] =	vst v63  }
0x67: {  	s14 =	sadd.s32 $0x410, s12  }
0x68: {  	[tilespmem:s15], [sflag:$0x1] =	stream.indirect.gather [hbm4b:s3+s10], $0x40, s14, s10, $0xb8;
	[tilespmem:$0xFC00] =	vst v63  }
0x69: {  	s14 =	sadd.s32 $0x478, s12  }
0x6a: {  	[tilespmem:s17], [sflag:$0x1] =	stream.indirect.gather [hbm4b:s3+s10], $0x40, s14, s10, $0xb8;
	[tilespmem:$0xFC00] =	vst v63  }
0x6b: {  	_ =	swait.ge [sflag:s29], $0x1900  }
0x6c: {  	[sflag:s29] =	ssyncset.done $0x0  }
0x6d: {  	[sflag:s29] =	ssyncadd.s32 $0xFFFFE700  }
0x6e: {  	_ =	swait.ge [sflag:s29], $0x1900  }
0x6f: {  	[sflag:s29] =	ssyncset.done $0x0  }
0x70: {  	[sflag:s29] =	ssyncadd.s32 $0xFFFFE700  }
0x71: {  	_ =	swait.ge [sflag:s29], $0x1900  }
0x72: {  	[sflag:s29] =	ssyncset.done $0x0  }
0x73: {  	[sflag:s29] =	ssyncadd.s32 $0xFFFFE700  }
0x74: {  	_ =	swait.ge [sflag:s29], $0x1900  }
0x75: {  	[sflag:s29] =	ssyncset.done $0x0  }
0x76: {  	[sflag:s29] =	ssyncadd.s32 $0xFFFFE700  }
0x77: {  	[hbm4b:s0+s2] =	stream.linear.scatter [tilespmem:s19], [sflag:$0x4], $0x6400, $0x38;
	[tilespmem:$0xFC00] =	vst v63  }
0x78: {  	_ =	swait.ge [sflag:s30], $0x6400  }
0x79: {  	[sflag:s30] =	ssyncset.done $0x0  }
0x7a: {  	s14 =	sadd.s32 $0x4E0, s12;
	[sflag:s30] =	ssyncadd.s32 $0xFFFF9C00  }
0x7b: {  	[tilespmem:s19], [sflag:$0x2] =	stream.indirect.gather [hbm4b:s3+s10], $0x40, s14, s10, $0xb8;
	[tilespmem:$0xFC00] =	vst v63  }
0x7c: {  	s14 =	sadd.s32 $0x548, s12  }
0x7d: {  	[tilespmem:s21], [sflag:$0x2] =	stream.indirect.gather [hbm4b:s3+s10], $0x40, s14, s10, $0xb8;
	[tilespmem:$0xFC00] =	vst v63  }
0x7e: {  	s14 =	sadd.s32 $0x5B0, s12  }
0x7f: {  	[tilespmem:s23], [sflag:$0x2] =	stream.indirect.gather [hbm4b:s3+s10], $0x40, s14, s10, $0xb8;
	[tilespmem:$0xFC00] =	vst v63  }
0x80: {  	s12 =	sadd.s32 $0x618, s12  }
0x81: {  	[tilespmem:s25], [sflag:$0x2] =	stream.indirect.gather [hbm4b:s3+s10], $0x40, s12, s10, $0xb8;
	[tilespmem:$0xFC00] =	vst v63  }
0x82: {  	_ =	swait.ge [sflag:s26], $0x1900  }
0x83: {  	[sflag:s26] =	ssyncset.done $0x0  }
0x84: {  	[sflag:s26] =	ssyncadd.s32 $0xFFFFE700  }
0x85: {  	_ =	swait.ge [sflag:s26], $0x1900  }
0x86: {  	[sflag:s26] =	ssyncset.done $0x0  }
0x87: {  	[sflag:s26] =	ssyncadd.s32 $0xFFFFE700  }
0x88: {  	_ =	swait.ge [sflag:s26], $0x1900  }
.Ltmp0:
0x89: {  	[sflag:s26] =	ssyncset.done $0x0;
	(pc) =	sbr.rel @p0 .LBB2_2-.Ltmp0, $4  }
0x8a: {  	[sflag:s26] =	ssyncadd.s32 $0xFFFFE700  }
0x8b: {  	_ =	swait.ge [sflag:s26], $0x1900  }
0x8c: {  	[sflag:s26] =	ssyncset.done $0x0  }
0x8d: {  	s12 =	sadd.s32 $0xC80, s0;
	s0 =	sadd.s32 $0x1900, s0;
	[sflag:s26] =	ssyncadd.s32 $0xFFFFE700  }
0x8e: {  	[hbm4b:s12+s2] =	stream.linear.scatter [tilespmem:s11], [sflag:$0x3], $0x6400, $0x38;
	[tilespmem:$0xFC00] =	vst v63  }
0x8f: {  	_ =	swait.ge [sflag:s28], $0x6400  }
0x90: {  	[sflag:s28] =	ssyncset.done $0x0  }
0x91: {  	[sflag:s28] =	ssyncadd.s32 $0xFFFF9C00  }
0x92: {  	_ =	swait.ge [sflag:s29], $0x1900  }
0x93: {  	[sflag:s29] =	ssyncset.done $0x0  }
0x94: {  	[sflag:s29] =	ssyncadd.s32 $0xFFFFE700  }
0x95: {  	_ =	swait.ge [sflag:s29], $0x1900  }
0x96: {  	[sflag:s29] =	ssyncset.done $0x0  }
0x97: {  	[sflag:s29] =	ssyncadd.s32 $0xFFFFE700  }
0x98: {  	_ =	swait.ge [sflag:s29], $0x1900  }
0x99: {  	[sflag:s29] =	ssyncset.done $0x0  }
0x9a: {  	[sflag:s29] =	ssyncadd.s32 $0xFFFFE700  }
0x9b: {  	s31 =	sadd.s32 $0x1, s31;
	_ =	swait.ge [sflag:s29], $0x1900  }
0x9c: {  	p0 =	sne.s32 s31, s7;
	[sflag:s29] =	ssyncset.done $0x0  }
.Ltmp1:
0x9d: {  	[sflag:s29] =	ssyncadd.s32 $0xFFFFE700;
	(pc) =	sbr.rel @p0 .LBB2_1-.Ltmp1, $4  }
0x9e: {  	[hbm4b:s6+s2] =	stream.linear.scatter [tilespmem:s19], [sflag:$0x4], $0x6400, $0x38;
	[tilespmem:$0xFC00] =	vst v63  }
0x9f: {  	_ =	swait.ge [sflag:s30], $0x6400  }
0xa0: {  	[sflag:s30] =	ssyncset.done $0x0  }
0xa1: {  	[sflag:s30] =	ssyncadd.s32 $0xFFFF9C00  }
0xa2: {  	_ =	sfence.sel $0x180000  }
0xa3: {  	[bflag:$0x0] =	sbarrier.arrive $0xFFFF  }
0xa4: {  	_ =	strace $0x90000047  }
0xa5: {  	s0 =	stileid.u32;
	[bflag:$0x2] =	sbarrier.arrive $0xFFFF  }
0xa6: {  	p0 =	sne.s32 s0, $0x0;
	s0 =	rddreg [dreg:$0x1]  }
0xa7: {  	s0 =	sadd.s32 @!p0 $0x100000, s0  }
0xa8: {  	[sflag:s0] =	ssyncadd.tile.s32 @!p0 $0x1;
	_ =	shalt  }
.Lfunc_end2:
_tile_overlayer_lowered:
.L_overlay_start_2:
0xa9: {  	(tag) =	ssettag $0x2  }
0xaa: {  	s0 =	rddreg [dreg:$0x0];
	s2 =	stileid.u32  }
0xab: {  	s1 =	rddreg [dreg:$0x1];
	p0 =	sne.s32 s2, $0x0  }
0xac: {  	s3 =	rddreg [dreg:$0x2];
	[bflag:$0x3] =	sbarrier.arrive $0xFFFF;
	s2 =	simm.s32 @!p0 $0x1C05  }
0xad: {  	[timem:s3], [sflag:s2] =	dma.local @!p0 [hbm:s0], s1  }
0xae: {  	s0 =	simm.s32 @!p0 $0x5  }
0xaf: {  	_ =	swait.ge @!p0 [sflag:s0], s1  }
0xb0: {  	s1 =	ssub.s32 @!p0 $0x0, s1;
	[sflag:s0] =	ssyncset.done @!p0 $0x0  }
0xb1: {  	[sflag:s0] =	ssyncadd.s32 @!p0 s1  }
0xb2: {  	[bflag:$0x3] =	sbarrier.arrive $0xFFFF  }
0xb3: {  	_ =	shalt  }

// kernel: kernel.9.cloned.1.call-start
scs
__scs_entry_jumppad:
0x0: {  	(pc) =	sbr.rel $0x88, $3  }
0x1: {  	(tag) =	ssettag $0x0;
	lr =	simm.s32 $0x1  }
0x2: {  	[smem:$0x3F9F] =	sst lr;
	_ =	strace $0xD0000000  }
0x3: {  	_ = 	snop  }
0x4: {  	_ = 	snop  }
0x5: {  	_ = 	snop  }
0x6: {  	_ = 	snop  }
0x7: {  	_ = 	snop  }
__scs_overlays_trampoline_lowered:
0x8: {  	[smem:$0x3FAE] =	sst s0  }
0x9: {  	[smem:$0x3FAF] =	sst s1  }
0xa: {  	[smem:$0x3FB0] =	sst s2  }
0xb: {  	[smem:$0x3FB1] =	sst s3  }
0xc: {  	[smem:$0x3FB2] =	sst s4  }
0xd: {  	[smem:$0x3FB3] =	sst s5  }
0xe: {  	[smem:$0x3FB4] =	sst s6  }
0xf: {  	[smem:$0x3FB5] =	sst s7  }
0x10: {  	[smem:$0x3FB6] =	sst s8  }
0x11: {  	[smem:$0x3FB7] =	sst s9;
	s0 =	simm.s32 @!p0 $0x0  }
0x12: {  	s1 =	sld [smem:$0x3F9D];
	s0 =	simm.s32 @p0 $0x1  }
0x13: {  	[smem:$0x3FB8] =	sst s0;
	s0 =	simm.s32 @!p1 $0x0  }
0x14: {  	s2 =	sld [smem:$0x3F9C];
	s0 =	simm.s32 @p1 $0x1  }
0x15: {  	[smem:$0x3FB9] =	sst s0;
	s0 =	simm.s32 @!p2 $0x0  }
0x16: {  	s3 =	sld [smem:$0x3FDB];
	s0 =	simm.s32 @p2 $0x1  }
0x17: {  	s4 =	simm.s32 $0x1BF5;
	[smem:$0x3FBB] =	sst s0  }
0x18: {  	s0 =	sld [smem:$0x3F9E];
	_ =	swait.ge [sflag:s4], $0x0  }
0x19: {  	s7 =	sld [smem:$0x3F9F]  }
0x1a: {  	s8 =	sadd.s32 $0xFFFFE003, lr  }
0x1b: {  	s9 =	sadd.s32 $0xFFFFFEF7, lr;
	s5 =	simm.s32 $0xFFFFFFFF;
	p2 =	slt.u32 s8, $0xFFFFF086  }
0x1c: {  	p1 =	slt.u32 s9, $0xF7A;
	s5 =	simm.s32 @!p2 $0x0  }
0x1d: {  	s5 =	simm.s32 @p1 $0x1;
	p0 =	seq.s32 s7, s2  }
0x1e: {  	s7 =	smul.u32 @!p0 $0xF7A, s2;
	p2 =	seq.s32 @!p0 s5, $0x0  }
0x1f: {  	s9 =	smul.u32 $0xF7A, s1;
	s8 =	simm.s32 @!p0 $0x1BF5;
	p2 =	por !p2, p0  }
0x20: {  	[sflag:s8] =	ssyncset.s32 @!p0 $0xFFFFF086;
	s6 =	sadd.s32 @!p0 s3, s7;
	s7 =	simm.s32 @!p0 $0x108  }
0x21: {  	s3 =	sadd.s32 s3, s9;
	s6 =	sadd.s32 @!p0 $0x88, s6;
	s7 =	simm.s32 @p2 $0x1082  }
0x22: {  	[simem:s7], [sflag:s8] =	dma.local @!p0 [hbm:s6], $0xF7A  }
0x23: {  	s9 =	sor.u32 $0xD0000000, s2;
	s6 =	simm.s32 $0x108;
	_ =	swait.ge @!p0 [sflag:s8], $0x0  }
0x24: {  	s3 =	sadd.s32 $0x88, s3;
	s6 =	simm.s32 @!p1 $0x1082;
	[sflag:s4] =	ssyncset.s32 $0xFFFFF086  }
0x25: {  	[simem:s6], [sflag:s4] =	dma.local [hbm:s3], $0xF7A  }
0x26: {  	[smem:$0x3F9F] =	sst s1;
	(tag) =	ssettag s2;
	_ =	strace s9  }
0x27: {  	s1 =	sld [smem:$0x3FAF]  }
0x28: {  	s2 =	sld [smem:$0x3FB0]  }
0x29: {  	s4 =	sld [smem:$0x3FB2]  }
0x2a: {  	p0 =	seq.s32 s5, $0x0;
	s5 =	sld [smem:$0x3FB3]  }
0x2b: {  	s6 =	sld [smem:$0x3FB4]  }
0x2c: {  	s7 =	sld [smem:$0x3FB5]  }
0x2d: {  	s3 =	simm.s32 $0x108;
	s8 =	sld [smem:$0x3FB6]  }
0x2e: {  	s3 =	simm.s32 @!p0 $0x1082;
	s9 =	sld [smem:$0x3FB7]  }
0x2f: {  	lr =	sadd.s32 s0, s3;
	s0 =	sld [smem:$0x3FAE]  }
0x30: {  	s3 =	sld [smem:$0x3FB1]  }
0x31: {  	[smem:$0x3FBA] =	sst s10  }
0x32: {  	s10 =	sld [smem:$0x3FB8];
	_ =	sdelay $0x3  }
0x33: {  	p0 =	seq.s32 s10, $0x1;
	s10 =	sld [smem:$0x3FBA];
	_ =	sdelay $0x3  }
0x34: {  	[smem:$0x3FBA] =	sst s10  }
0x35: {  	s10 =	sld [smem:$0x3FB9];
	_ =	sdelay $0x3  }
0x36: {  	p1 =	seq.s32 s10, $0x1;
	s10 =	sld [smem:$0x3FBA];
	_ =	sdelay $0x3  }
0x37: {  	[smem:$0x3FBA] =	sst s10  }
0x38: {  	s10 =	sld [smem:$0x3FBB]  }
0x39: {  	_ = 	snop;
	(pc) =	sbr.ind lr, $3  }
0x3a: {  	_ = 	snop  }
0x3b: {  	_ = 	snop  }
0x3c: {  	p2 =	seq.s32 s10, $0x1;
	s10 =	sld [smem:$0x3FBA]  }
0x3d: {  	_ =	shalt  }
0x3e: {  	_ =	shalt  }
0x3f: {  	_ =	shalt  }
0x40: {  	_ =	shalt  }
0x41: {  	_ =	shalt  }
0x42: {  	_ =	shalt  }
0x43: {  	_ =	shalt  }
0x44: {  	_ =	shalt  }
0x45: {  	_ =	shalt  }
0x46: {  	_ =	shalt  }
0x47: {  	_ =	shalt  }
0x48: {  	_ =	shalt  }
0x49: {  	_ =	shalt  }
0x4a: {  	_ =	shalt  }
0x4b: {  	_ =	shalt  }
0x4c: {  	_ =	shalt  }
0x4d: {  	_ =	shalt  }
0x4e: {  	_ =	shalt  }
0x4f: {  	_ =	shalt  }
0x50: {  	_ =	shalt  }
0x51: {  	_ =	shalt  }
0x52: {  	_ =	shalt  }
0x53: {  	_ =	shalt  }
0x54: {  	_ =	shalt  }
0x55: {  	_ =	shalt  }
0x56: {  	_ =	shalt  }
0x57: {  	_ =	shalt  }
0x58: {  	_ =	shalt  }
0x59: {  	_ =	shalt  }
0x5a: {  	_ =	shalt  }
0x5b: {  	_ =	shalt  }
0x5c: {  	_ =	shalt  }
0x5d: {  	_ =	shalt  }
0x5e: {  	_ =	shalt  }
0x5f: {  	_ =	shalt  }
0x60: {  	_ =	shalt  }
0x61: {  	_ =	shalt  }
0x62: {  	_ =	shalt  }
0x63: {  	_ =	shalt  }
0x64: {  	_ =	shalt  }
0x65: {  	_ =	shalt  }
0x66: {  	_ =	shalt  }
0x67: {  	_ =	shalt  }
0x68: {  	_ =	shalt  }
0x69: {  	_ =	shalt  }
0x6a: {  	_ =	shalt  }
0x6b: {  	_ =	shalt  }
0x6c: {  	_ =	shalt  }
0x6d: {  	_ =	shalt  }
0x6e: {  	_ =	shalt  }
0x6f: {  	_ =	shalt  }
0x70: {  	_ =	shalt  }
0x71: {  	_ =	shalt  }
0x72: {  	_ =	shalt  }
0x73: {  	_ =	shalt  }
0x74: {  	_ =	shalt  }
0x75: {  	_ =	shalt  }
0x76: {  	_ =	shalt  }
0x77: {  	_ =	shalt  }
0x78: {  	_ =	shalt  }
0x79: {  	_ =	shalt  }
0x7a: {  	_ =	shalt  }
0x7b: {  	_ =	shalt  }
0x7c: {  	_ =	shalt  }
0x7d: {  	_ =	shalt  }
0x7e: {  	_ =	shalt  }
0x7f: {  	_ =	shalt  }
0x80: {  	_ =	shalt  }
0x81: {  	_ =	shalt  }
0x82: {  	_ =	shalt  }
0x83: {  	_ =	shalt  }
0x84: {  	_ =	shalt  }
0x85: {  	_ =	shalt  }
0x86: {  	_ =	shalt  }
0x87: {  	_ =	shalt  }
.Lfunc_end0:
.L_simem_size_0:
called_computation.1_lowered:
.L_overlay_start_0:
0x88: {  	s2 =	sld [smem:$0x3FD9]  }
0x89: {  	s3 =	sld [smem:$0x3FFE];
	_ =	sdelay $0x1  }
0x8a: {  	s1 =	srdreg.scid  }
0x8b: {  	s0 =	sand.u32 $0x1, s1  }
0x8c: {  	s17 =	sshll.u32 s0, $0xA;
	s2 =	sadd.s32 s3, s2  }
0x8d: {  	s2 =	sadd.s32 s2, s17  }
0x8e: {  	[smem:$0x3FC6] =	sst s2  }
0x8f: {  	_ = 	snop  }
0x90: {  	(tm) =	ssettm $0x1  }
0x91: {  	s18 =	sld [smem:$0x3FFB];
	_ =	sdelay $0x3  }
0x92: {  	_ =	strace s18  }
0x93: {  	s2 =	sld [smem:$0x3FFC];
	_ =	sdelay $0x3  }
0x94: {  	_ =	strace s2  }
0x95: {  	s2 =	sld [smem:$0x3FFD];
	_ =	sdelay $0x3  }
0x96: {  	_ =	strace s2  }
0x97: {  	_ =	strace $0x8FFFFFFF  }
0x98: {  	s19 =	sld [smem:$0x3FDB];
	_ =	sdelay $0x1  }
0x99: {  	s20 =	simm.s32 $_scs_section_size  }
0x9a: {  	s4 =	simm.s32 $_size__tile_overlayer_lowered;
	s5 =	simm.s32 $_tile_overlayer_lowered  }
0x9b: {  	s6 =	simm.s32 $0x1BFF;
	s21 =	sshll.u32 s5, $0x1;
	s3 =	sadd.s32 s20, s19  }
0x9c: {  	s22 =	simm.s32 $0x0;
	s4 =	sshll.u32 s4, $0x1;
	s5 =	sadd.s32 s21, s3  }
0x9d: {  	[timem:s22], [sflag:s6] =	dma.local [hbm:s5], s4  }
0x9e: {  	_ =	swait.ge [sflag:s6], s4  }
0x9f: {  	s4 =	ssub.s32 $0x0, s4;
	[sflag:s6] =	ssyncset.done $0x0  }
0xa0: {  	[sflag:s6] =	ssyncadd.s32 s4;
	_ =	sdelay $0x1  }
0xa1: {  	s23 =	simm.s32 $0x1B8B  }
0xa2: {  	_ =	swait.ge [sflag:s23], $0x1  }
0xa3: {  	[sflag:s23] =	ssyncset.done $0x0  }
0xa4: {  	[sflag:s23] =	ssyncadd.s32 $0xFFFFFFFF  }
0xa5: {  	s4 =	sld [smem:$0x0]  }
0xa6: {  	s5 =	sand.u32 $0xFFFFFFFE, s1  }
0xa7: {  	p0 =	sne.s32 s1, s5  }
0xa8: {  	s5 =	sshll.u32 @p0 s5, $0xE  }
0xa9: {  	s5 =	sadd.s32 @p0 $0x11B8D, s5;
	s6 =	sshll.u32 @p0 s4, $0x11  }
0xaa: {  	s5 =	sor.u32 @p0 s6, s5  }
0xab: {  	[sflag:s5] =	ssyncadd.remote.s32 @p0 $0x1;
	_ =	sdelay $0x1  }
0xac: {  	s5 =	simm.s32 @p0 $0x1B8D  }
0xad: {  	_ =	swait.eq @p0 [sflag:s5], $0x1  }
0xae: {  	[sflag:s5] =	ssyncadd.s32 @p0 $0xFFFFFFFF  }
0xaf: {  	s6 =	sshll.u32 @!p0 s1, $0xE  }
0xb0: {  	s6 =	sor.u32 @!p0 $0x4000, s6;
	s5 =	simm.s32 @!p0 $0x1B8D  }
0xb1: {  	s4 =	sshll.u32 @!p0 s4, $0x11;
	s6 =	sadd.s32 @!p0 $0x11B8D, s6;
	_ =	swait.eq @!p0 [sflag:s5], $0x1  }
0xb2: {  	s4 =	sor.u32 @!p0 s4, s6;
	[sflag:s5] =	ssyncadd.s32 @!p0 $0xFFFFFFFF  }
0xb3: {  	s25 =	simm.s32 $0x1B8E;
	s24 =	sld [smem:$0x3FFE];
	[sflag:s4] =	ssyncadd.remote.s32 @!p0 $0x1  }
0xb4: {  	s26 =	simm.s32 $execute0_lowered;
	[smem:$0x3FD2] =	sst s25  }
0xb5: {  	s5 =	sshll.u32 s26, $0x1;
	_ =	strace $0x80000049;
	[dreg:$0x1] =	wrdreg $0xFFFFFFFF  }
0xb6: {  	s28 =	simm.s32 $_size_execute0_lowered;
	s3 =	sadd.s32 s3, s5;
	[dreg:$0x0] =	wrdreg $0x0  }
0xb7: {  	s5 =	sshll.u32 s28, $0x1;
	[dreg:$0x2] =	wrdreg s3  }
0xb8: {  	[dreg:$0x3] =	wrdreg s5  }
0xb9: {  	[dreg:$0x4] =	wrdreg $0xC0  }
0xba: {  	_ =	task [dreg:s22], $0x5FFFF  }
0xbb: {  	[dreg:$0x1] =	wrdreg $0xFFFFFFFF  }
0xbc: {  	[dreg:$0x0] =	wrdreg $0x60  }
0xbd: {  	[dreg:$0x2] =	wrdreg s24  }
0xbe: {  	[dreg:$0x3] =	wrdreg $0xA  }
0xbf: {  	_ =	task.clear_ibuf [dreg:s22], $0x4FFFF;
	_ =	strace $0x90000049  }
0xc0: {  	s29 =	simm.s32 $0xA;
	_ =	strace $0x8000004B  }
0xc1: {  	_ =	swait.ge [sflag:s29], $0x1  }
0xc2: {  	[sflag:s29] =	ssyncadd.s32 $0xFFFFFFFF  }
0xc3: {  	_ =	strace $0x9000004B  }
0xc4: {  	_ =	sfence  }
0xc5: {  	s30 =	sld [smem:$0x0];
	_ =	sdelay $0x2  }
0xc6: {  	s31 =	sshll.u32 s1, $0xD;
	s1 =	sshrl.u32 s1, $0x2  }
0xc7: {  	s4 =	sand.u32 $0x4000, s31;
	s1 =	sadd.s32 s1, s30  }
0xc8: {  	s0 =	sor.u32 s4, s0;
	s1 =	sshll.u32 s1, $0x11  }
0xc9: {  	s0 =	sor.u32 s1, s0  }
0xca: {  	s0 =	sadd.s32 $0x8F2B, s0  }
0xcb: {  	[sflag:s0] =	ssyncadd.remote.s32 $0x1  }
0xcc: {  	_ =	sfence.sel $0xFFFF  }
0xcd: {  	[dreg:$0x0] =	wrdreg $0xFFFFFFFF;
	(pc) =	sbr.abs _section_cstart, $3  }
0xce: {  	[dreg:$0x1] =	wrdreg $0xFFFFFFFF  }
0xcf: {  	_ =	task.clear_ibuf [dreg:s22], $0x2FFFF;
	_ =	strace $0x9FFFFFFF  }
0xd0: {  	(tm) =	ssettm $0x7FFFFFFF  }
0xd1: {  	_ =	shalt  }
tec
execute0_lowered:
.L_overlay_start_1:
0x0: {  	(tag) =	ssettag $0x1  }
0x1: {  	s0 =	srdreg.scid;
	s9 =	stileid.u32  }
0x2: {  	s4 =	rddreg [dreg:$0x0];
	s10 =	simm.s32 $0x64;
	s11 =	simm.s32 $0x3400  }
0x3: {  	s13 =	simm.s32 $0x4D00;
	s15 =	simm.s32 $0x6600;
	s16 =	simm.s32 $0x138  }
0x4: {  	s17 =	simm.s32 $0x7F00;
	s18 =	simm.s32 $0x1A0;
	s19 =	simm.s32 $0x9800  }
0x5: {  	s20 =	simm.s32 $0x208;
	s21 =	simm.s32 $0xB100;
	s22 =	simm.s32 $0x270  }
0x6: {  	s23 =	simm.s32 $0xCA00;
	s24 =	simm.s32 $0x2D8;
	s25 =	simm.s32 $0xE300  }
0x7: {  	s28 =	simm.s32 $0x3;
	s29 =	simm.s32 $0x2;
	s30 =	simm.s32 $0x4  }
0x8: {  	s31 =	simm.s32 $0x0;
	s0 =	sand.u32 $0x1, s0;
	s1 =	sshll.u32 s9, $0x8  }
0x9: {  	s8 =	sadd.s32 $0x3FE200, s4;
	s9 =	smul.u32 $0x32000, s9;
	s2 =	sshll.u32 s0, $0x7  }
0xa: {  	s7 =	ssub.s32 $0x2, s0;
	s0 =	smul.u32 $0x19000, s0;
	s1 =	sor.u32 s2, s1  }
0xb: {  	s2 =	simm.s32 $0x0;
	s26 =	sshrl.u32 s7, $0x1;
	s3 =	smul.u32 $0xD, s1  }
0xc: {  	s9 =	sadd.s32 s9, s8;
	[smem:$0x7FF] =	sst s2;
	s6 =	smul.u32 $0x320, s1  }
0xd: {  	s1 =	smul.u32 $0x1900, s1;
	s7 =	ssub.s32 s7, s26;
	s0 =	sadd.s32 s0, s9  }
0xe: {  	s9 =	simm.s32 $0x5;
	s26 =	simm.s32 $0x1;
	_ =	strace $0x8000004A  }
0xf: {  	s7 =	smax.u32 s7, $0x1;
	s5 =	sadd.s32 s3, s4;
	s1 =	sshrl.u32 s1, $0x3  }
0x10: {  	s3 =	sadd.s32 $0x1AC00, s4;
	s4 =	sadd.s32 $0xC00, s5;
	s1 =	sadd.s32 s8, s1  }
0x11: {  	s5 =	sadd.s32 s8, s6;
	s8 =	sadd.s32 $0xC80, s0;
	s6 =	sadd.s32 $0x18380, s1  }
.LBB2_1:
0x12: {  	[tilespmem:s2], [sflag:$0x5] =	stream.linear.gather [hbm4b:s4+s2], $0x3400, $0x38;
	[tilespmem:$0xFC00] =	vst v63  }
0x13: {  	_ =	swait.ge [sflag:s9], $0x3400  }
0x14: {  	[sflag:s9] =	ssyncset.done $0x0  }
0x15: {  	[sflag:s9] =	ssyncadd.s32 $0xFFFFCC00  }
0x16: {  	[tilespmem:s11], [sflag:$0x1] =	stream.indirect.gather [hbm4b:s3+s10], $0x40, s2, s10, $0xb8;
	[tilespmem:$0xFC00] =	vst v63  }
0x17: {  	s0 =	simm.s32 $0x68  }
0x18: {  	[tilespmem:s13], [sflag:$0x1] =	stream.indirect.gather [hbm4b:s3+s10], $0x40, s0, s10, $0xb8;
	[tilespmem:$0xFC00] =	vst v63  }
0x19: {  	s1 =	simm.s32 $0xD0  }
0x1a: {  	[tilespmem:s15], [sflag:$0x1] =	stream.indirect.gather [hbm4b:s3+s10], $0x40, s1, s10, $0xb8;
	[tilespmem:$0xFC00] =	vst v63  }
0x1b: {  	_ = 	snop  }
0x1c: {  	[tilespmem:s17], [sflag:$0x1] =	stream.indirect.gather [hbm4b:s3+s10], $0x40, s16, s10, $0xb8;
	[tilespmem:$0xFC00] =	vst v63  }
0x1d: {  	_ = 	snop  }
0x1e: {  	[tilespmem:s19], [sflag:$0x2] =	stream.indirect.gather [hbm4b:s3+s10], $0x40, s18, s10, $0xb8;
	[tilespmem:$0xFC00] =	vst v63  }
0x1f: {  	_ = 	snop  }
0x20: {  	[tilespmem:s21], [sflag:$0x2] =	stream.indirect.gather [hbm4b:s3+s10], $0x40, s20, s10, $0xb8;
	[tilespmem:$0xFC00] =	vst v63  }
0x21: {  	_ = 	snop  }
0x22: {  	[tilespmem:s23], [sflag:$0x2] =	stream.indirect.gather [hbm4b:s3+s10], $0x40, s22, s10, $0xb8;
	[tilespmem:$0xFC00] =	vst v63  }
0x23: {  	_ = 	snop  }
0x24: {  	[tilespmem:s25], [sflag:$0x2] =	stream.indirect.gather [hbm4b:s3+s10], $0x40, s24, s10, $0xb8;
	[tilespmem:$0xFC00] =	vst v63  }
0x25: {  	_ =	swait.ge [sflag:s26], $0x1900  }
0x26: {  	[sflag:s26] =	ssyncset.done $0x0  }
0x27: {  	[sflag:s26] =	ssyncadd.s32 $0xFFFFE700  }
0x28: {  	_ =	swait.ge [sflag:s26], $0x1900  }
0x29: {  	[sflag:s26] =	ssyncset.done $0x0  }
0x2a: {  	[sflag:s26] =	ssyncadd.s32 $0xFFFFE700  }
0x2b: {  	_ =	swait.ge [sflag:s26], $0x1900  }
0x2c: {  	[sflag:s26] =	ssyncset.done $0x0  }
0x2d: {  	[sflag:s26] =	ssyncadd.s32 $0xFFFFE700  }
0x2e: {  	_ =	swait.ge [sflag:s26], $0x1900  }
0x2f: {  	[sflag:s26] =	ssyncset.done $0x0  }
0x30: {  	[sflag:s26] =	ssyncadd.s32 $0xFFFFE700  }
0x31: {  	[hbm4b:s5+s2] =	stream.linear.scatter [tilespmem:s11], [sflag:$0x3], $0x6400, $0x38;
	[tilespmem:$0xFC00] =	vst v63  }
0x32: {  	_ =	swait.ge [sflag:s28], $0x6400  }
0x33: {  	[sflag:s28] =	ssyncset.done $0x0  }
0x34: {  	s12 =	simm.s32 $0x340;
	[sflag:s28] =	ssyncadd.s32 $0xFFFF9C00  }
0x35: {  	[tilespmem:s11], [sflag:$0x1] =	stream.indirect.gather [hbm4b:s3+s10], $0x40, s12, s10, $0xb8;
	[tilespmem:$0xFC00] =	vst v63  }
0x36: {  	s14 =	simm.s32 $0x3A8  }
0x37: {  	[tilespmem:s13], [sflag:$0x1] =	stream.indirect.gather [hbm4b:s3+s10], $0x40, s14, s10, $0xb8;
	[tilespmem:$0xFC00] =	vst v63  }
0x38: {  	s1 =	simm.s32 $0x410  }
0x39: {  	[tilespmem:s15], [sflag:$0x1] =	stream.indirect.gather [hbm4b:s3+s10], $0x40, s1, s10, $0xb8;
	[tilespmem:$0xFC00] =	vst v63  }
0x3a: {  	s12 =	simm.s32 $0x478  }
0x3b: {  	[tilespmem:s17], [sflag:$0x1] =	stream.indirect.gather [hbm4b:s3+s10], $0x40, s12, s10, $0xb8;
	[tilespmem:$0xFC00] =	vst v63  }
0x3c: {  	_ =	swait.ge [sflag:s29], $0x1900  }
0x3d: {  	[sflag:s29] =	ssyncset.done $0x0  }
0x3e: {  	[sflag:s29] =	ssyncadd.s32 $0xFFFFE700  }
0x3f: {  	_ =	swait.ge [sflag:s29], $0x1900  }
0x40: {  	[sflag:s29] =	ssyncset.done $0x0  }
0x41: {  	[sflag:s29] =	ssyncadd.s32 $0xFFFFE700  }
0x42: {  	_ =	swait.ge [sflag:s29], $0x1900  }
0x43: {  	[sflag:s29] =	ssyncset.done $0x0  }
0x44: {  	[sflag:s29] =	ssyncadd.s32 $0xFFFFE700  }
0x45: {  	_ =	swait.ge [sflag:s29], $0x1900  }
0x46: {  	[sflag:s29] =	ssyncset.done $0x0  }
0x47: {  	[sflag:s29] =	ssyncadd.s32 $0xFFFFE700  }
0x48: {  	[hbm4b:s8+s2] =	stream.linear.scatter [tilespmem:s19], [sflag:$0x4], $0x6400, $0x38;
	[tilespmem:$0xFC00] =	vst v63  }
0x49: {  	_ =	swait.ge [sflag:s30], $0x6400  }
0x4a: {  	[sflag:s30] =	ssyncset.done $0x0  }
0x4b: {  	s14 =	simm.s32 $0x4E0;
	[sflag:s30] =	ssyncadd.s32 $0xFFFF9C00  }
0x4c: {  	[tilespmem:s19], [sflag:$0x2] =	stream.indirect.gather [hbm4b:s3+s10], $0x40, s14, s10, $0xb8;
	[tilespmem:$0xFC00] =	vst v63  }
0x4d: {  	s1 =	simm.s32 $0x548  }
0x4e: {  	[tilespmem:s21], [sflag:$0x2] =	stream.indirect.gather [hbm4b:s3+s10], $0x40, s1, s10, $0xb8;
	[tilespmem:$0xFC00] =	vst v63  }
0x4f: {  	s12 =	simm.s32 $0x5B0  }
0x50: {  	[tilespmem:s23], [sflag:$0x2] =	stream.indirect.gather [hbm4b:s3+s10], $0x40, s12, s10, $0xb8;
	[tilespmem:$0xFC00] =	vst v63  }
0x51: {  	s14 =	simm.s32 $0x618  }
0x52: {  	[tilespmem:s25], [sflag:$0x2] =	stream.indirect.gather [hbm4b:s3+s10], $0x40, s14, s10, $0xb8;
	[tilespmem:$0xFC00] =	vst v63  }
0x53: {  	_ =	swait.ge [sflag:s26], $0x1900  }
0x54: {  	[sflag:s26] =	ssyncset.done $0x0  }
0x55: {  	[sflag:s26] =	ssyncadd.s32 $0xFFFFE700  }
0x56: {  	_ =	swait.ge [sflag:s26], $0x1900  }
0x57: {  	[sflag:s26] =	ssyncset.done $0x0  }
0x58: {  	[sflag:s26] =	ssyncadd.s32 $0xFFFFE700  }
0x59: {  	_ =	swait.ge [sflag:s26], $0x1900  }
0x5a: {  	[sflag:s26] =	ssyncset.done $0x0  }
0x5b: {  	[sflag:s26] =	ssyncadd.s32 $0xFFFFE700  }
0x5c: {  	_ =	swait.ge [sflag:s26], $0x1900  }
0x5d: {  	s0 =	sadd.s32 $0x1900, s8;
	[sflag:s26] =	ssyncset.done $0x0  }
0x5e: {  	s1 =	simm.s32 $0xD00;
	s12 =	sadd.s32 $0xC80, s8;
	[sflag:s26] =	ssyncadd.s32 $0xFFFFE700  }
.LBB2_2:
0x5f: {  	[hbm4b:s12+s2] =	stream.linear.scatter [tilespmem:s11], [sflag:$0x3], $0x6400, $0x38;
	[tilespmem:$0xFC00] =	vst v63  }
0x60: {  	s12 =	smov.u32 s1  }
0x61: {  	p0 =	sne.s32 s1, $0xB600;
	s1 =	sadd.s32 $0xD00, s1;
	_ =	swait.ge [sflag:s28], $0x6400  }
0x62: {  	s12 =	sshra.s32 s12, $0x2;
	[sflag:s28] =	ssyncset.done $0x0  }
0x63: {  	s14 =	sadd.s32 $0x340, s12;
	[sflag:s28] =	ssyncadd.s32 $0xFFFF9C00  }
0x64: {  	[tilespmem:s11], [sflag:$0x1] =	stream.indirect.gather [hbm4b:s3+s10], $0x40, s14, s10, $0xb8;
	[tilespmem:$0xFC00] =	vst v63  }
0x65: {  	s14 =	sadd.s32 $0x3A8, s12  }
0x66: {  	[tilespmem:s13], [sflag:$0x1] =	stream.indirect.gather [hbm4b:s3+s10], $0x40, s14, s10, $0xb8;
	[tilespmem:$0xFC00] =	vst v63  }
0x67: {  	s14 =	sadd.s32 $0x410, s12  }
0x68: {  	[tilespmem:s15], [sflag:$0x1] =	stream.indirect.gather [hbm4b:s3+s10], $0x40, s14, s10, $0xb8;
	[tilespmem:$0xFC00] =	vst v63  }
0x69: {  	s14 =	sadd.s32 $0x478, s12  }
0x6a: {  	[tilespmem:s17], [sflag:$0x1] =	stream.indirect.gather [hbm4b:s3+s10], $0x40, s14, s10, $0xb8;
	[tilespmem:$0xFC00] =	vst v63  }
0x6b: {  	_ =	swait.ge [sflag:s29], $0x1900  }
0x6c: {  	[sflag:s29] =	ssyncset.done $0x0  }
0x6d: {  	[sflag:s29] =	ssyncadd.s32 $0xFFFFE700  }
0x6e: {  	_ =	swait.ge [sflag:s29], $0x1900  }
0x6f: {  	[sflag:s29] =	ssyncset.done $0x0  }
0x70: {  	[sflag:s29] =	ssyncadd.s32 $0xFFFFE700  }
0x71: {  	_ =	swait.ge [sflag:s29], $0x1900  }
0x72: {  	[sflag:s29] =	ssyncset.done $0x0  }
0x73: {  	[sflag:s29] =	ssyncadd.s32 $0xFFFFE700  }
0x74: {  	_ =	swait.ge [sflag:s29], $0x1900  }
0x75: {  	[sflag:s29] =	ssyncset.done $0x0  }
0x76: {  	[sflag:s29] =	ssyncadd.s32 $0xFFFFE700  }
0x77: {  	[hbm4b:s0+s2] =	stream.linear.scatter [tilespmem:s19], [sflag:$0x4], $0x6400, $0x38;
	[tilespmem:$0xFC00] =	vst v63  }
0x78: {  	_ =	swait.ge [sflag:s30], $0x6400  }
0x79: {  	[sflag:s30] =	ssyncset.done $0x0  }
0x7a: {  	s14 =	sadd.s32 $0x4E0, s12;
	[sflag:s30] =	ssyncadd.s32 $0xFFFF9C00  }
0x7b: {  	[tilespmem:s19], [sflag:$0x2] =	stream.indirect.gather [hbm4b:s3+s10], $0x40, s14, s10, $0xb8;
	[tilespmem:$0xFC00] =	vst v63  }
0x7c: {  	s14 =	sadd.s32 $0x548, s12  }
0x7d: {  	[tilespmem:s21], [sflag:$0x2] =	stream.indirect.gather [hbm4b:s3+s10], $0x40, s14, s10, $0xb8;
	[tilespmem:$0xFC00] =	vst v63  }
0x7e: {  	s14 =	sadd.s32 $0x5B0, s12  }
0x7f: {  	[tilespmem:s23], [sflag:$0x2] =	stream.indirect.gather [hbm4b:s3+s10], $0x40, s14, s10, $0xb8;
	[tilespmem:$0xFC00] =	vst v63  }
0x80: {  	s12 =	sadd.s32 $0x618, s12  }
0x81: {  	[tilespmem:s25], [sflag:$0x2] =	stream.indirect.gather [hbm4b:s3+s10], $0x40, s12, s10, $0xb8;
	[tilespmem:$0xFC00] =	vst v63  }
0x82: {  	_ =	swait.ge [sflag:s26], $0x1900  }
0x83: {  	[sflag:s26] =	ssyncset.done $0x0  }
0x84: {  	[sflag:s26] =	ssyncadd.s32 $0xFFFFE700  }
0x85: {  	_ =	swait.ge [sflag:s26], $0x1900  }
0x86: {  	[sflag:s26] =	ssyncset.done $0x0  }
0x87: {  	[sflag:s26] =	ssyncadd.s32 $0xFFFFE700  }
0x88: {  	_ =	swait.ge [sflag:s26], $0x1900  }
.Ltmp0:
0x89: {  	[sflag:s26] =	ssyncset.done $0x0;
	(pc) =	sbr.rel @p0 .LBB2_2-.Ltmp0, $4  }
0x8a: {  	[sflag:s26] =	ssyncadd.s32 $0xFFFFE700  }
0x8b: {  	_ =	swait.ge [sflag:s26], $0x1900  }
0x8c: {  	[sflag:s26] =	ssyncset.done $0x0  }
0x8d: {  	s12 =	sadd.s32 $0xC80, s0;
	s0 =	sadd.s32 $0x1900, s0;
	[sflag:s26] =	ssyncadd.s32 $0xFFFFE700  }
0x8e: {  	[hbm4b:s12+s2] =	stream.linear.scatter [tilespmem:s11], [sflag:$0x3], $0x6400, $0x38;
	[tilespmem:$0xFC00] =	vst v63  }
0x8f: {  	_ =	swait.ge [sflag:s28], $0x6400  }
0x90: {  	[sflag:s28] =	ssyncset.done $0x0  }
0x91: {  	[sflag:s28] =	ssyncadd.s32 $0xFFFF9C00  }
0x92: {  	_ =	swait.ge [sflag:s29], $0x1900  }
0x93: {  	[sflag:s29] =	ssyncset.done $0x0  }
0x94: {  	[sflag:s29] =	ssyncadd.s32 $0xFFFFE700  }
0x95: {  	_ =	swait.ge [sflag:s29], $0x1900  }
0x96: {  	[sflag:s29] =	ssyncset.done $0x0  }
0x97: {  	[sflag:s29] =	ssyncadd.s32 $0xFFFFE700  }
0x98: {  	_ =	swait.ge [sflag:s29], $0x1900  }
0x99: {  	[sflag:s29] =	ssyncset.done $0x0  }
0x9a: {  	[sflag:s29] =	ssyncadd.s32 $0xFFFFE700  }
0x9b: {  	s31 =	sadd.s32 $0x1, s31;
	_ =	swait.ge [sflag:s29], $0x1900  }
0x9c: {  	p0 =	sne.s32 s31, s7;
	[sflag:s29] =	ssyncset.done $0x0  }
.Ltmp1:
0x9d: {  	[sflag:s29] =	ssyncadd.s32 $0xFFFFE700;
	(pc) =	sbr.rel @p0 .LBB2_1-.Ltmp1, $4  }
0x9e: {  	[hbm4b:s6+s2] =	stream.linear.scatter [tilespmem:s19], [sflag:$0x4], $0x6400, $0x38;
	[tilespmem:$0xFC00] =	vst v63  }
0x9f: {  	_ =	swait.ge [sflag:s30], $0x6400  }
0xa0: {  	[sflag:s30] =	ssyncset.done $0x0  }
0xa1: {  	[sflag:s30] =	ssyncadd.s32 $0xFFFF9C00  }
0xa2: {  	_ =	sfence.sel $0x180000  }
0xa3: {  	[bflag:$0x0] =	sbarrier.arrive $0xFFFF  }
0xa4: {  	_ =	strace $0x9000004A  }
0xa5: {  	s0 =	stileid.u32;
	[bflag:$0x2] =	sbarrier.arrive $0xFFFF  }
0xa6: {  	p0 =	sne.s32 s0, $0x0;
	s0 =	rddreg [dreg:$0x1]  }
0xa7: {  	s0 =	sadd.s32 @!p0 $0x100000, s0  }
0xa8: {  	[sflag:s0] =	ssyncadd.tile.s32 @!p0 $0x1;
	_ =	shalt  }
.Lfunc_end2:
_tile_overlayer_lowered:
.L_overlay_start_2:
0xa9: {  	(tag) =	ssettag $0x2  }
0xaa: {  	s0 =	rddreg [dreg:$0x0];
	s2 =	stileid.u32  }
0xab: {  	s1 =	rddreg [dreg:$0x1];
	p0 =	sne.s32 s2, $0x0  }
0xac: {  	s3 =	rddreg [dreg:$0x2];
	[bflag:$0x3] =	sbarrier.arrive $0xFFFF;
	s2 =	simm.s32 @!p0 $0x1C05  }
0xad: {  	[timem:s3], [sflag:s2] =	dma.local @!p0 [hbm:s0], s1  }
0xae: {  	s0 =	simm.s32 @!p0 $0x5  }
0xaf: {  	_ =	swait.ge @!p0 [sflag:s0], s1  }
0xb0: {  	s1 =	ssub.s32 @!p0 $0x0, s1;
	[sflag:s0] =	ssyncset.done @!p0 $0x0  }
0xb1: {  	[sflag:s0] =	ssyncadd.s32 @!p0 s1  }
0xb2: {  	[bflag:$0x3] =	sbarrier.arrive $0xFFFF  }
0xb3: {  	_ =	shalt  }

</sc_bundles>
